<compile_context>
chip_gen: v7x
topology: tpu7x:2x2x1
jax: 0.10.2.dev20260603
libtpu: 0.0.44.dev20260713+nightly
codegen_flags: <defaults>
</compile_context>

<pallas_src>
import functools

import jax
import jax.numpy as jnp
from jax import lax
from jax.experimental import pallas as pl
from jax.experimental.pallas import tpu as pltpu
from jax.experimental.pallas import tpu_sc as plsc

N = 10000
D = 128
C = 2
NPAD = 10240
CHUNK = 128
NCORES = 2
NSUB = 16
NTILES = NCORES * NSUB
ROWS_PER_TILE = NPAD // NSUB
TRASH = NPAD - 1


def _make_seg_sum(nchunk0, nchunk1):
    mesh = plsc.VectorSubcoreMesh(core_axis_name="c", subcore_axis_name="s",
                                  num_cores=NCORES, num_subcores=NSUB)

    nib = 8

    @functools.partial(
        pl.kernel,
        mesh=mesh,
        out_type=jax.ShapeDtypeStruct((2 * NPAD, D), jnp.float32),
        scratch_types=[
            pltpu.VMEM((nib, CHUNK), jnp.int32),
            pltpu.VMEM((nib, CHUNK), jnp.int32),
            pltpu.VMEM((CHUNK, D), jnp.float32),
            pltpu.VMEM((CHUNK, D), jnp.float32),
            pltpu.VMEM_SHARED((NPAD, D), jnp.float32),
            pltpu.SemaphoreType.DMA,
            pltpu.SemaphoreType.DMA,
        ],
    )
    def seg_sum(x_hbm, src_hbm, dst_hbm, zeros_hbm, out_hbm,
                src_v, dst_v, rows0_v, rows1_v, agg_sh, sem0, sem1):
        c = lax.axis_index("c")
        s = lax.axis_index("s")

        pltpu.sync_copy(zeros_hbm, agg_sh.at[pl.ds(s * ROWS_PER_TILE,
                                                   ROWS_PER_TILE)])
        plsc.subcore_barrier()


        def make_block(row0):
            def block(bi, _):
                pltpu.sync_copy(src_hbm.at[pl.ds(row0 + bi * nib, nib)],
                                src_v)
                pltpu.sync_copy(dst_hbm.at[pl.ds(row0 + bi * nib, nib)],
                                dst_v)
                bufs = (rows0_v, rows1_v)
                sems = (sem0, sem1)
                pltpu.async_copy(x_hbm.at[src_v.at[0]], rows0_v, sem0)
                for j in range(nib):
                    buf, sem = bufs[j % 2], sems[j % 2]
                    pltpu.make_async_copy(x_hbm.at[src_v.at[j]], buf,
                                          sem).wait()
                    if j + 1 < nib:
                        pltpu.async_copy(x_hbm.at[src_v.at[j + 1]],
                                         bufs[(j + 1) % 2],
                                         sems[(j + 1) % 2])
                    pltpu.sync_copy(buf, agg_sh.at[dst_v.at[j]], add=True)
                return 0
            return block

        if nchunk0 > 0:
            @pl.when(lax.axis_index("c") == 0)
            def _run0():
                lax.fori_loop(0, nchunk0 // nib,
                              make_block(s * nchunk0), 0)
        if nchunk1 > 0:
            @pl.when(lax.axis_index("c") == 1)
            def _run1():
                lax.fori_loop(0, nchunk1 // nib,
                              make_block(NSUB * nchunk0 + s * nchunk1), 0)
        plsc.subcore_barrier()

        out_base = c * NPAD + s * ROWS_PER_TILE
        for k in range(ROWS_PER_TILE // CHUNK):
            pltpu.sync_copy(agg_sh.at[pl.ds(s * ROWS_PER_TILE + k * CHUNK,
                                            CHUNK)], rows0_v)
            pltpu.sync_copy(rows0_v, out_hbm.at[pl.ds(out_base + k * CHUNK,
                                                      CHUNK)])

    return seg_sum


def _mlp_body(x_ref, a0_ref, a1_ref, w1_ref, b1_ref, w2_ref, b2_ref, o_ref):
    h = x_ref[...] + a0_ref[...] + a1_ref[...]
    t = jnp.maximum(
        jnp.dot(h, w1_ref[...], preferred_element_type=jnp.float32)
        + b1_ref[...], 0.0)
    o = jnp.dot(t, w2_ref[...], preferred_element_type=jnp.float32) \
        + b2_ref[...]
    o_ref[...] = jnp.maximum(o, 0.0)


def _mlp(x, a0, a1, w1, b1, w2, b2):
    bm = 1024
    grid = NPAD // bm
    row = lambda i: (i, 0)
    full = lambda i: (0, 0)
    return pl.pallas_call(
        _mlp_body,
        grid=(grid,),
        in_specs=[
            pl.BlockSpec((bm, D), row),
            pl.BlockSpec((bm, D), row),
            pl.BlockSpec((bm, D), row),
            pl.BlockSpec((D, D), full),
            pl.BlockSpec((1, D), full),
            pl.BlockSpec((D, D), full),
            pl.BlockSpec((1, D), full),
        ],
        out_specs=pl.BlockSpec((bm, D), row),
        out_shape=jax.ShapeDtypeStruct((NPAD, D), jnp.float32),
    )(x, a0, a1, w1, b1, w2, b2)


def _att_body(x_ref, a0_ref, a1_ref, w1_ref, b1_ref, w2_ref, b2_ref,
              wa_ref, ba_ref, wb_ref, bb_ref, wcb_ref, bc_ref,
              wr_ref, br_ref, wcls_ref, bcls_ref,
              s_out_ref, logit_ref, prob_ref):
    f32 = jnp.float32
    h = x_ref[...] + a0_ref[...] + a1_ref[...]
    t = jnp.maximum(
        jnp.dot(h, w1_ref[...], preferred_element_type=f32) + b1_ref[...],
        0.0)
    h3 = jnp.maximum(
        jnp.dot(t, w2_ref[...], preferred_element_type=f32) + b2_ref[...],
        0.0)
    a = jnp.tanh(jnp.dot(h3, wa_ref[...], preferred_element_type=f32)
                 + ba_ref[...])
    b = jax.nn.sigmoid(jnp.dot(h3, wb_ref[...], preferred_element_type=f32)
                       + bb_ref[...])
    s_mat = jnp.dot(a * b, wcb_ref[...], preferred_element_type=f32) \
        + bc_ref[...]
    s_out_ref[...] = s_mat
    rows = lax.broadcasted_iota(jnp.int32, (NPAD, D), 0)
    valid = rows < N
    m = jnp.max(jnp.where(valid, s_mat, -1e30))
    p = jnp.where(valid, jnp.exp(s_mat - m), 0.0)
    z = jnp.sum(p) * (1.0 / D)
    pooled = jnp.sum(h3 * p, axis=0, keepdims=True) / z
    h2 = jnp.maximum(
        jnp.dot(pooled, wr_ref[...], preferred_element_type=f32)
        + br_ref[...], 0.0)
    logits = jnp.dot(h2, wcls_ref[...], preferred_element_type=f32) \
        + bcls_ref[...]
    logit_ref[...] = jnp.broadcast_to(logits, (8, D))
    prob_ref[...] = jnp.broadcast_to(jax.nn.sigmoid(logits), (8, D))


def _att(x, a0, a1, w1, b1, w2, b2, wa, ba, wb, bb, wcb, bc, wr, br,
         wcls, bcls):
    full = lambda: (0, 0)
    spec = lambda shape: pl.BlockSpec(shape, lambda: (0, 0))
    return pl.pallas_call(
        _att_body,
        in_specs=[
            spec((NPAD, D)), spec((NPAD, D)), spec((NPAD, D)),
            spec((D, D)), spec((1, D)), spec((D, D)), spec((1, D)),
            spec((D, D)), spec((1, D)), spec((D, D)), spec((1, D)),
            spec((D, D)), spec((1, D)),
            spec((D, D)), spec((1, D)), spec((D, D)), spec((1, D)),
        ],
        out_specs=[spec((NPAD, D)), spec((8, D)), spec((8, D))],
        out_shape=[
            jax.ShapeDtypeStruct((NPAD, D), jnp.float32),
            jax.ShapeDtypeStruct((8, D), jnp.float32),
            jax.ShapeDtypeStruct((8, D), jnp.float32),
        ],
    )(x, a0, a1, w1, b1, w2, b2, wa, ba, wb, bb, wcb, bc, wr, br, wcls, bcls)


def kernel(x, edge_index, label, W1a, b1a, W2a, b2a, W1b, b1b, W2b, b2b,
           W1c, b1c, W2c, b2c, Wa, ba, Wb, bb, Wc, bc, Wr, br, Wcls, bcls):
    e = edge_index.shape[1]
    nch_total = -(-e // (NTILES * CHUNK * 8)) * 8 * NTILES
    epad = nch_total * CHUNK
    pad = epad - e
    nchunk0 = (nch_total * 3 // 4) // (NSUB * 8) * 8
    nchunk1 = (nch_total - NSUB * nchunk0) // NSUB

    src = jnp.concatenate(
        [edge_index[0], jnp.zeros((pad,), jnp.int32)]).reshape(-1, CHUNK)
    trash = N + jnp.arange(pad, dtype=jnp.int32) % (NPAD - N)
    dst = jnp.concatenate([edge_index[1], trash]).reshape(-1, CHUNK)
    zeros = jnp.zeros((ROWS_PER_TILE, D), jnp.float32)
    xp = jnp.zeros((NPAD, D), jnp.float32).at[:N, :].set(x)

    assert NSUB * (nchunk0 + nchunk1) == nch_total and nchunk1 % 8 == 0
    seg = _make_seg_sum(nchunk0, nchunk1)

    agg = seg(xp, src, dst, zeros)
    x1 = _mlp(xp, agg[:NPAD], agg[NPAD:], W1a, b1a[None], W2a, b2a[None])
    agg = seg(x1, src, dst, zeros)
    x2 = _mlp(x1, agg[:NPAD], agg[NPAD:], W1b, b1b[None], W2b, b2b[None])
    agg = seg(x2, src, dst, zeros)

    wcb = jnp.tile(Wc, (1, D))
    bcb = jnp.full((1, D), bc[0], jnp.float32)
    wclsp = jnp.zeros((D, D), jnp.float32).at[:, :C].set(Wcls)
    bclsp = jnp.zeros((1, D), jnp.float32).at[0, :C].set(bcls)

    scores, logit8, prob8 = _att(
        x2, agg[:NPAD], agg[NPAD:], W1c, b1c[None], W2c, b2c[None],
        Wa, ba[None], Wb, bb[None], wcb, bcb, Wr, br[None], wclsp, bclsp)

    A_path = scores[:N, 0][None, :]
    logits = logit8[0:1, :C]
    Y_prob = prob8[0:1, :C]
    return (logits, Y_prob, A_path, label)

# --- scband reference (transcript-rebuilt; emitter-appended) ---
"""Pipeline reference for scband-deep-graph-conv-13056700580489 (READ-ONLY COPY).

The authoritative reference and input builder live on the scoring server;
editing this copy changes nothing except your own understanding.
"""

import jax, jax.numpy as jnp
import numpy as np

N = 10000
E = 320000
D = 128
H = 128
C = 2


def setup_inputs(seed: int = 0) -> dict:
    key = jax.random.key(seed)
    ks = jax.random.split(key, 24)
    s = 0.05
    inp = {
        'x': jax.random.normal(ks[0], (N, D), dtype=jnp.float32),
        'edge_index': jax.random.randint(ks[1], (2, E), 0, N, dtype=jnp.int32),
        'label': jnp.array([1], dtype=jnp.int32),
        # GINConv 1 MLP (D->H->H)
        'W1a': jax.random.normal(ks[2], (D, H), dtype=jnp.float32) * s,
        'b1a': jnp.zeros((H,), dtype=jnp.float32),
        'W2a': jax.random.normal(ks[3], (H, H), dtype=jnp.float32) * s,
        'b2a': jnp.zeros((H,), dtype=jnp.float32),
        # GINConv 2 MLP (H->H->H)
        'W1b': jax.random.normal(ks[4], (H, H), dtype=jnp.float32) * s,
        'b1b': jnp.zeros((H,), dtype=jnp.float32),
        'W2b': jax.random.normal(ks[5], (H, H), dtype=jnp.float32) * s,
        'b2b': jnp.zeros((H,), dtype=jnp.float32),
        # GINConv 3 MLP (H->H->H)
        'W1c': jax.random.normal(ks[6], (H, H), dtype=jnp.float32) * s,
        'b1c': jnp.zeros((H,), dtype=jnp.float32),
        'W2c': jax.random.normal(ks[7], (H, H), dtype=jnp.float32) * s,
        'b2c': jnp.zeros((H,), dtype=jnp.float32),
        # Attn_Net_Gated params
        'Wa': jax.random.normal(ks[8], (H, H), dtype=jnp.float32) * s,
        'ba': jnp.zeros((H,), dtype=jnp.float32),
        'Wb': jax.random.normal(ks[9], (H, H), dtype=jnp.float32) * s,
        'bb': jnp.zeros((H,), dtype=jnp.float32),
        'Wc': jax.random.normal(ks[10], (H, 1), dtype=jnp.float32) * s,
        'bc': jnp.zeros((1,), dtype=jnp.float32),
        # path_rho
        'Wr': jax.random.normal(ks[11], (H, H), dtype=jnp.float32) * s,
        'br': jnp.zeros((H,), dtype=jnp.float32),
        # classifier
        'Wcls': jax.random.normal(ks[12], (H, C), dtype=jnp.float32) * s,
        'bcls': jnp.zeros((C,), dtype=jnp.float32),
    }
    return inp


def _gin_conv(x, edge_index, W1, b1, W2, b2):
    # GINConv with eps=0: mlp((1+eps)*x + sum_{j in N(i)} x_j)
    src = edge_index[0]
    dst = edge_index[1]
    msgs = jnp.take(x, src, axis=0)
    agg = jax.ops.segment_sum(msgs, dst, num_segments=x.shape[0])
    h = x + agg
    h = jnp.maximum(h @ W1 + b1, 0.0)
    h = h @ W2 + b2
    return h


def reference(x, edge_index, label, W1a, b1a, W2a, b2a, W1b, b1b, W2b, b2b, W1c, b1c, W2c, b2c, Wa, ba, Wb, bb, Wc, bc, Wr, br, Wcls, bcls):
    x1 = jnp.maximum(_gin_conv(x, edge_index, W1a, b1a, W2a, b2a), 0.0)
    x2 = jnp.maximum(_gin_conv(x1, edge_index, W1b, b1b, W2b, b2b), 0.0)
    x3 = jnp.maximum(_gin_conv(x2, edge_index, W1c, b1c, W2c, b2c), 0.0)
    h_path = x3
    # Attn_Net_Gated (dropout is identity in eval mode)
    a = jnp.tanh(h_path @ Wa + ba)
    b = jax.nn.sigmoid(h_path @ Wb + bb)
    A_path = (a * b) @ Wc + bc            # [N, 1]
    A_path = jnp.transpose(A_path)        # [1, N]
    A_soft = jax.nn.softmax(A_path, axis=1)
    h = A_soft @ h_path                   # [1, H]
    h = jnp.maximum(h @ Wr + br, 0.0)
    h = jnp.squeeze(h)                    # [H]
    logits = (h @ Wcls + bcls)[None, :]   # [1, C]
    Y_prob = jax.nn.sigmoid(logits)
    return (logits, Y_prob, A_path, label)

if __name__ == "__main__":
    import jax
    _d = setup_inputs()
    print(jax.jit(kernel)(*tuple(_d.values())))

</pallas_src>

<mosaic_0001>
#map = affine_map<(d0, d1) -> (0, 0)>
module attributes {stable_mosaic.version = 14 : i64} {
  func.func @seg_sum(%arg0: i32, %arg1: i32, %arg2: memref<10240x128xf32, #tpu.memory_space<hbm>>, %arg3: memref<2560x128xi32, #tpu.memory_space<hbm>>, %arg4: memref<2560x128xi32, #tpu.memory_space<hbm>>, %arg5: memref<640x128xf32, #tpu.memory_space<hbm>>, %arg6: memref<20480x128xf32, #tpu.memory_space<hbm>>, %arg7: memref<8x128xi32, #tpu.memory_space<vmem>>, %arg8: memref<8x128xi32, #tpu.memory_space<vmem>>, %arg9: memref<128x128xf32, #tpu.memory_space<vmem>>, %arg10: memref<128x128xf32, #tpu.memory_space<vmem>>, %arg11: memref<10240x128xf32, #tpu.memory_space<vmem_shared>>, %arg12: memref<!tpu.dma_semaphore, #tpu.memory_space<semaphore_mem>>, %arg13: memref<!tpu.dma_semaphore, #tpu.memory_space<semaphore_mem>>) attributes {dimension_semantics = [#tpu.dimension_semantics<core_parallel>, #tpu.dimension_semantics<subcore_parallel>], iteration_bounds = array<i64: 2, 16>, scalar_prefetch = 0 : i64, scratch_operands = 7 : i64, tpu.core_type = #tpu.core_type<sc_vector_subcore>, window_params = [{transform_indices = #map}, {transform_indices = #map}, {transform_indices = #map}, {transform_indices = #map}, {transform_indices = #map}]} {
    %mul3A = arith.constant 640 : i32
    %mul3A_0 = arith.muli %arg1, %mul3A : i32
    "tpu.region"() ({
      %run_scoped3A = tpu.sem_alloc : memref<!tpu.dma_semaphore, #tpu.memory_space<semaphore_mem>>
      %dma_start3A = arith.constant 0 : i32
      %dma_start3A_43 = tpu.memref_slice %arg11[%mul3A_0, %dma_start3A] : memref<10240x128xf32, #tpu.memory_space<vmem_shared>> -> memref<640x128xf32, #tpu.memory_space<vmem_shared>>
      tpu.enqueue_dma source(%arg5 : memref<640x128xf32, #tpu.memory_space<hbm>>) target(%dma_start3A_43 : memref<640x128xf32, #tpu.memory_space<vmem_shared>>) target_semaphore(%run_scoped3A : memref<!tpu.dma_semaphore, #tpu.memory_space<semaphore_mem>>)
      %dma_wait3A = arith.constant 0 : i32
      %dma_wait3A_44 = tpu.memref_slice %arg11[%mul3A_0, %dma_wait3A] : memref<10240x128xf32, #tpu.memory_space<vmem_shared>> -> memref<640x128xf32, #tpu.memory_space<vmem_shared>>
      tpu.wait_dma2 semaphore(%run_scoped3A : memref<!tpu.dma_semaphore, #tpu.memory_space<semaphore_mem>>) src(%arg5 : memref<640x128xf32, #tpu.memory_space<hbm>>) dst(%dma_wait3A_44 : memref<640x128xf32, #tpu.memory_space<vmem_shared>>)
      tpu.yield
    }) : () -> ()
    %barrier3A = arith.constant 0 : index
    tpu.barrier barrier_id(%barrier3A)
    %eq3A = arith.constant 0 : i32
    %eq3A_1 = arith.cmpi eq, %arg0, %eq3A : i32
    %convert_element_type3A = arith.extui %eq3A_1 : i1 to i32
    %cond3A = arith.constant 0 : i32
    %cond3A_2 = arith.cmpi ne, %convert_element_type3A, %cond3A : i32
    scf.if %cond3A_2 {
      %mul3A_43 = arith.constant 120 : i32
      %mul3A_44 = arith.muli %arg1, %mul3A_43 : i32
      %scan3A = arith.constant 0 : i32
      %scan3A_45 = arith.constant 0 : i32
      %scan3A_46 = arith.constant 15 : i32
      %scan3A_47 = arith.addi %scan3A_45, %scan3A_46 : i32
      %scan3A_48 = arith.constant 1 : i32
      %scan3A_49 = scf.for %scan3A_51 = %scan3A_45 to %scan3A_47 step %scan3A_48 iter_args(%scan3A_52 = %scan3A) -> (i32)  : i32 {
        %mul3A_53 = arith.constant 8 : i32
        %mul3A_54 = arith.muli %scan3A_51, %mul3A_53 : i32
        %add3A_55 = arith.addi %mul3A_44, %mul3A_54 : i32
        "tpu.region"() ({
          %run_scoped3A_177 = tpu.sem_alloc : memref<!tpu.dma_semaphore, #tpu.memory_space<semaphore_mem>>
          %dma_start3A_178 = arith.constant 0 : i32
          %dma_start3A_179 = tpu.memref_slice %arg3[%add3A_55, %dma_start3A_178] : memref<2560x128xi32, #tpu.memory_space<hbm>> -> memref<8x128xi32, #tpu.memory_space<hbm>>
          %dma_start3A_180 = arith.constant 0 : i32
          %dma_start3A_181 = tpu.memref_slice %arg3[%add3A_55, %dma_start3A_180] : memref<2560x128xi32, #tpu.memory_space<hbm>> -> memref<8x128xi32, #tpu.memory_space<hbm>>
          tpu.enqueue_dma source(%dma_start3A_181 : memref<8x128xi32, #tpu.memory_space<hbm>>) target(%arg7 : memref<8x128xi32, #tpu.memory_space<vmem>>) target_semaphore(%run_scoped3A_177 : memref<!tpu.dma_semaphore, #tpu.memory_space<semaphore_mem>>)
          %dma_wait3A_182 = arith.constant 0 : i32
          %dma_wait3A_183 = tpu.memref_slice %arg3[%add3A_55, %dma_wait3A_182] : memref<2560x128xi32, #tpu.memory_space<hbm>> -> memref<8x128xi32, #tpu.memory_space<hbm>>
          %dma_wait3A_184 = arith.constant 0 : i32
          %dma_wait3A_185 = tpu.memref_slice %arg3[%add3A_55, %dma_wait3A_184] : memref<2560x128xi32, #tpu.memory_space<hbm>> -> memref<8x128xi32, #tpu.memory_space<hbm>>
          tpu.wait_dma2 semaphore(%run_scoped3A_177 : memref<!tpu.dma_semaphore, #tpu.memory_space<semaphore_mem>>) src(%dma_wait3A_185 : memref<8x128xi32, #tpu.memory_space<hbm>>) dst(%arg7 : memref<8x128xi32, #tpu.memory_space<vmem>>)
          tpu.yield
        }) : () -> ()
        %mul3A_56 = arith.constant 8 : i32
        %mul3A_57 = arith.muli %scan3A_51, %mul3A_56 : i32
        %add3A_58 = arith.addi %mul3A_44, %mul3A_57 : i32
        "tpu.region"() ({
          %run_scoped3A_177 = tpu.sem_alloc : memref<!tpu.dma_semaphore, #tpu.memory_space<semaphore_mem>>
          %dma_start3A_178 = arith.constant 0 : i32
          %dma_start3A_179 = tpu.memref_slice %arg4[%add3A_58, %dma_start3A_178] : memref<2560x128xi32, #tpu.memory_space<hbm>> -> memref<8x128xi32, #tpu.memory_space<hbm>>
          %dma_start3A_180 = arith.constant 0 : i32
          %dma_start3A_181 = tpu.memref_slice %arg4[%add3A_58, %dma_start3A_180] : memref<2560x128xi32, #tpu.memory_space<hbm>> -> memref<8x128xi32, #tpu.memory_space<hbm>>
          tpu.enqueue_dma source(%dma_start3A_181 : memref<8x128xi32, #tpu.memory_space<hbm>>) target(%arg8 : memref<8x128xi32, #tpu.memory_space<vmem>>) target_semaphore(%run_scoped3A_177 : memref<!tpu.dma_semaphore, #tpu.memory_space<semaphore_mem>>)
          %dma_wait3A_182 = arith.constant 0 : i32
          %dma_wait3A_183 = tpu.memref_slice %arg4[%add3A_58, %dma_wait3A_182] : memref<2560x128xi32, #tpu.memory_space<hbm>> -> memref<8x128xi32, #tpu.memory_space<hbm>>
          %dma_wait3A_184 = arith.constant 0 : i32
          %dma_wait3A_185 = tpu.memref_slice %arg4[%add3A_58, %dma_wait3A_184] : memref<2560x128xi32, #tpu.memory_space<hbm>> -> memref<8x128xi32, #tpu.memory_space<hbm>>
          tpu.wait_dma2 semaphore(%run_scoped3A_177 : memref<!tpu.dma_semaphore, #tpu.memory_space<semaphore_mem>>) src(%dma_wait3A_185 : memref<8x128xi32, #tpu.memory_space<hbm>>) dst(%arg8 : memref<8x128xi32, #tpu.memory_space<vmem>>)
          tpu.yield
        }) : () -> ()
        %dma_start3A = arith.constant 0 : i32
        %dma_start3A_59 = arith.constant 0 : i32
        %dma_start3A_60 = tpu.memref_slice %arg7[%dma_start3A, %dma_start3A_59] : memref<8x128xi32, #tpu.memory_space<vmem>> -> memref<1x128xi32, #tpu.memory_space<vmem>>
        %dma_start3A_61 = tpu.memref_squeeze %dma_start3A_60 : memref<1x128xi32, #tpu.memory_space<vmem>> -> memref<128xi32, #tpu.memory_space<vmem>>
        %dma_start3A_62 = arith.constant 0 : i32
        %dma_start3A_63 = arith.constant 0 : i32
        %dma_start3A_64 = tpu.memref_slice %arg2[%dma_start3A_62, %dma_start3A_63] : memref<10240x128xf32, #tpu.memory_space<hbm>> -> memref<10240x128xf32, #tpu.memory_space<hbm>>
        tpu.enqueue_indirect_dma source(%dma_start3A_64 : memref<10240x128xf32, #tpu.memory_space<hbm>>) target(%arg9 : memref<128x128xf32, #tpu.memory_space<vmem>>) offsets(%dma_start3A_61 : memref<128xi32, #tpu.memory_space<vmem>>) semaphore(%arg12 : memref<!tpu.dma_semaphore, #tpu.memory_space<semaphore_mem>>)
        %dma_wait3A = arith.constant 0 : i32
        %dma_wait3A_65 = arith.constant 0 : i32
        %dma_wait3A_66 = tpu.memref_slice %arg7[%dma_wait3A, %dma_wait3A_65] : memref<8x128xi32, #tpu.memory_space<vmem>> -> memref<1x128xi32, #tpu.memory_space<vmem>>
        %dma_wait3A_67 = tpu.memref_squeeze %dma_wait3A_66 : memref<1x128xi32, #tpu.memory_space<vmem>> -> memref<128xi32, #tpu.memory_space<vmem>>
        %dma_wait3A_68 = arith.constant 0 : i32
        %dma_wait3A_69 = arith.constant 0 : i32
        %dma_wait3A_70 = tpu.memref_slice %arg2[%dma_wait3A_68, %dma_wait3A_69] : memref<10240x128xf32, #tpu.memory_space<hbm>> -> memref<10240x128xf32, #tpu.memory_space<hbm>>
        tpu.wait_indirect_dma semaphore(%arg12 : memref<!tpu.dma_semaphore, #tpu.memory_space<semaphore_mem>>) src(%dma_wait3A_70 : memref<10240x128xf32, #tpu.memory_space<hbm>>) dst(%arg9 : memref<128x128xf32, #tpu.memory_space<vmem>>)
        %dma_start3A_71 = arith.constant 1 : i32
        %dma_start3A_72 = arith.constant 0 : i32
        %dma_start3A_73 = tpu.memref_slice %arg7[%dma_start3A_71, %dma_start3A_72] : memref<8x128xi32, #tpu.memory_space<vmem>> -> memref<1x128xi32, #tpu.memory_space<vmem>>
        %dma_start3A_74 = tpu.memref_squeeze %dma_start3A_73 : memref<1x128xi32, #tpu.memory_space<vmem>> -> memref<128xi32, #tpu.memory_space<vmem>>
        %dma_start3A_75 = arith.constant 0 : i32
        %dma_start3A_76 = arith.constant 0 : i32
        %dma_start3A_77 = tpu.memref_slice %arg2[%dma_start3A_75, %dma_start3A_76] : memref<10240x128xf32, #tpu.memory_space<hbm>> -> memref<10240x128xf32, #tpu.memory_space<hbm>>
        tpu.enqueue_indirect_dma source(%dma_start3A_77 : memref<10240x128xf32, #tpu.memory_space<hbm>>) target(%arg10 : memref<128x128xf32, #tpu.memory_space<vmem>>) offsets(%dma_start3A_74 : memref<128xi32, #tpu.memory_space<vmem>>) semaphore(%arg13 : memref<!tpu.dma_semaphore, #tpu.memory_space<semaphore_mem>>)
        %run_scoped3A = arith.constant 0 : i32
        "tpu.region"() ({
          %run_scoped3A_177 = tpu.sem_alloc : memref<!tpu.dma_semaphore, #tpu.memory_space<semaphore_mem>>
          %dma_start3A_178 = arith.constant 0 : i32
          %dma_start3A_179 = tpu.memref_slice %arg8[%run_scoped3A, %dma_start3A_178] : memref<8x128xi32, #tpu.memory_space<vmem>> -> memref<1x128xi32, #tpu.memory_space<vmem>>
          %dma_start3A_180 = tpu.memref_squeeze %dma_start3A_179 : memref<1x128xi32, #tpu.memory_space<vmem>> -> memref<128xi32, #tpu.memory_space<vmem>>
          %dma_start3A_181 = arith.constant 0 : i32
          %dma_start3A_182 = arith.constant 0 : i32
          %dma_start3A_183 = tpu.memref_slice %arg11[%dma_start3A_181, %dma_start3A_182] : memref<10240x128xf32, #tpu.memory_space<vmem_shared>> -> memref<10240x128xf32, #tpu.memory_space<vmem_shared>>
          tpu.enqueue_indirect_dma source(%arg9 : memref<128x128xf32, #tpu.memory_space<vmem>>) target(%dma_start3A_183 : memref<10240x128xf32, #tpu.memory_space<vmem_shared>>) offsets(%dma_start3A_180 : memref<128xi32, #tpu.memory_space<vmem>>) semaphore(%run_scoped3A_177 : memref<!tpu.dma_semaphore, #tpu.memory_space<semaphore_mem>>) {add = true}
          %dma_wait3A_184 = arith.constant 0 : i32
          %dma_wait3A_185 = tpu.memref_slice %arg8[%run_scoped3A, %dma_wait3A_184] : memref<8x128xi32, #tpu.memory_space<vmem>> -> memref<1x128xi32, #tpu.memory_space<vmem>>
          %dma_wait3A_186 = tpu.memref_squeeze %dma_wait3A_185 : memref<1x128xi32, #tpu.memory_space<vmem>> -> memref<128xi32, #tpu.memory_space<vmem>>
          %dma_wait3A_187 = arith.constant 0 : i32
          %dma_wait3A_188 = arith.constant 0 : i32
          %dma_wait3A_189 = tpu.memref_slice %arg11[%dma_wait3A_187, %dma_wait3A_188] : memref<10240x128xf32, #tpu.memory_space<vmem_shared>> -> memref<10240x128xf32, #tpu.memory_space<vmem_shared>>
          tpu.wait_indirect_dma semaphore(%run_scoped3A_177 : memref<!tpu.dma_semaphore, #tpu.memory_space<semaphore_mem>>) src(%arg9 : memref<128x128xf32, #tpu.memory_space<vmem>>) dst(%dma_wait3A_189 : memref<10240x128xf32, #tpu.memory_space<vmem_shared>>)
          tpu.yield
        }) : () -> ()
        %dma_wait3A_78 = arith.constant 1 : i32
        %dma_wait3A_79 = arith.constant 0 : i32
        %dma_wait3A_80 = tpu.memref_slice %arg7[%dma_wait3A_78, %dma_wait3A_79] : memref<8x128xi32, #tpu.memory_space<vmem>> -> memref<1x128xi32, #tpu.memory_space<vmem>>
        %dma_wait3A_81 = tpu.memref_squeeze %dma_wait3A_80 : memref<1x128xi32, #tpu.memory_space<vmem>> -> memref<128xi32, #tpu.memory_space<vmem>>
        %dma_wait3A_82 = arith.constant 0 : i32
        %dma_wait3A_83 = arith.constant 0 : i32
        %dma_wait3A_84 = tpu.memref_slice %arg2[%dma_wait3A_82, %dma_wait3A_83] : memref<10240x128xf32, #tpu.memory_space<hbm>> -> memref<10240x128xf32, #tpu.memory_space<hbm>>
        tpu.wait_indirect_dma semaphore(%arg13 : memref<!tpu.dma_semaphore, #tpu.memory_space<semaphore_mem>>) src(%dma_wait3A_84 : memref<10240x128xf32, #tpu.memory_space<hbm>>) dst(%arg10 : memref<128x128xf32, #tpu.memory_space<vmem>>)
        %dma_start3A_85 = arith.constant 2 : i32
        %dma_start3A_86 = arith.constant 0 : i32
        %dma_start3A_87 = tpu.memref_slice %arg7[%dma_start3A_85, %dma_start3A_86] : memref<8x128xi32, #tpu.memory_space<vmem>> -> memref<1x128xi32, #tpu.memory_space<vmem>>
        %dma_start3A_88 = tpu.memref_squeeze %dma_start3A_87 : memref<1x128xi32, #tpu.memory_space<vmem>> -> memref<128xi32, #tpu.memory_space<vmem>>
        %dma_start3A_89 = arith.constant 0 : i32
        %dma_start3A_90 = arith.constant 0 : i32
        %dma_start3A_91 = tpu.memref_slice %arg2[%dma_start3A_89, %dma_start3A_90] : memref<10240x128xf32, #tpu.memory_space<hbm>> -> memref<10240x128xf32, #tpu.memory_space<hbm>>
        tpu.enqueue_indirect_dma source(%dma_start3A_91 : memref<10240x128xf32, #tpu.memory_space<hbm>>) target(%arg9 : memref<128x128xf32, #tpu.memory_space<vmem>>) offsets(%dma_start3A_88 : memref<128xi32, #tpu.memory_space<vmem>>) semaphore(%arg12 : memref<!tpu.dma_semaphore, #tpu.memory_space<semaphore_mem>>)
        %run_scoped3A_92 = arith.constant 1 : i32
        "tpu.region"() ({
          %run_scoped3A_177 = tpu.sem_alloc : memref<!tpu.dma_semaphore, #tpu.memory_space<semaphore_mem>>
          %dma_start3A_178 = arith.constant 0 : i32
          %dma_start3A_179 = tpu.memref_slice %arg8[%run_scoped3A_92, %dma_start3A_178] : memref<8x128xi32, #tpu.memory_space<vmem>> -> memref<1x128xi32, #tpu.memory_space<vmem>>
          %dma_start3A_180 = tpu.memref_squeeze %dma_start3A_179 : memref<1x128xi32, #tpu.memory_space<vmem>> -> memref<128xi32, #tpu.memory_space<vmem>>
          %dma_start3A_181 = arith.constant 0 : i32
          %dma_start3A_182 = arith.constant 0 : i32
          %dma_start3A_183 = tpu.memref_slice %arg11[%dma_start3A_181, %dma_start3A_182] : memref<10240x128xf32, #tpu.memory_space<vmem_shared>> -> memref<10240x128xf32, #tpu.memory_space<vmem_shared>>
          tpu.enqueue_indirect_dma source(%arg10 : memref<128x128xf32, #tpu.memory_space<vmem>>) target(%dma_start3A_183 : memref<10240x128xf32, #tpu.memory_space<vmem_shared>>) offsets(%dma_start3A_180 : memref<128xi32, #tpu.memory_space<vmem>>) semaphore(%run_scoped3A_177 : memref<!tpu.dma_semaphore, #tpu.memory_space<semaphore_mem>>) {add = true}
          %dma_wait3A_184 = arith.constant 0 : i32
          %dma_wait3A_185 = tpu.memref_slice %arg8[%run_scoped3A_92, %dma_wait3A_184] : memref<8x128xi32, #tpu.memory_space<vmem>> -> memref<1x128xi32, #tpu.memory_space<vmem>>
          %dma_wait3A_186 = tpu.memref_squeeze %dma_wait3A_185 : memref<1x128xi32, #tpu.memory_space<vmem>> -> memref<128xi32, #tpu.memory_space<vmem>>
          %dma_wait3A_187 = arith.constant 0 : i32
          %dma_wait3A_188 = arith.constant 0 : i32
          %dma_wait3A_189 = tpu.memref_slice %arg11[%dma_wait3A_187, %dma_wait3A_188] : memref<10240x128xf32, #tpu.memory_space<vmem_shared>> -> memref<10240x128xf32, #tpu.memory_space<vmem_shared>>
          tpu.wait_indirect_dma semaphore(%run_scoped3A_177 : memref<!tpu.dma_semaphore, #tpu.memory_space<semaphore_mem>>) src(%arg10 : memref<128x128xf32, #tpu.memory_space<vmem>>) dst(%dma_wait3A_189 : memref<10240x128xf32, #tpu.memory_space<vmem_shared>>)
          tpu.yield
        }) : () -> ()
        %dma_wait3A_93 = arith.constant 2 : i32
        %dma_wait3A_94 = arith.constant 0 : i32
        %dma_wait3A_95 = tpu.memref_slice %arg7[%dma_wait3A_93, %dma_wait3A_94] : memref<8x128xi32, #tpu.memory_space<vmem>> -> memref<1x128xi32, #tpu.memory_space<vmem>>
        %dma_wait3A_96 = tpu.memref_squeeze %dma_wait3A_95 : memref<1x128xi32, #tpu.memory_space<vmem>> -> memref<128xi32, #tpu.memory_space<vmem>>
        %dma_wait3A_97 = arith.constant 0 : i32
        %dma_wait3A_98 = arith.constant 0 : i32
        %dma_wait3A_99 = tpu.memref_slice %arg2[%dma_wait3A_97, %dma_wait3A_98] : memref<10240x128xf32, #tpu.memory_space<hbm>> -> memref<10240x128xf32, #tpu.memory_space<hbm>>
        tpu.wait_indirect_dma semaphore(%arg12 : memref<!tpu.dma_semaphore, #tpu.memory_space<semaphore_mem>>) src(%dma_wait3A_99 : memref<10240x128xf32, #tpu.memory_space<hbm>>) dst(%arg9 : memref<128x128xf32, #tpu.memory_space<vmem>>)
        %dma_start3A_100 = arith.constant 3 : i32
        %dma_start3A_101 = arith.constant 0 : i32
        %dma_start3A_102 = tpu.memref_slice %arg7[%dma_start3A_100, %dma_start3A_101] : memref<8x128xi32, #tpu.memory_space<vmem>> -> memref<1x128xi32, #tpu.memory_space<vmem>>
        %dma_start3A_103 = tpu.memref_squeeze %dma_start3A_102 : memref<1x128xi32, #tpu.memory_space<vmem>> -> memref<128xi32, #tpu.memory_space<vmem>>
        %dma_start3A_104 = arith.constant 0 : i32
        %dma_start3A_105 = arith.constant 0 : i32
        %dma_start3A_106 = tpu.memref_slice %arg2[%dma_start3A_104, %dma_start3A_105] : memref<10240x128xf32, #tpu.memory_space<hbm>> -> memref<10240x128xf32, #tpu.memory_space<hbm>>
        tpu.enqueue_indirect_dma source(%dma_start3A_106 : memref<10240x128xf32, #tpu.memory_space<hbm>>) target(%arg10 : memref<128x128xf32, #tpu.memory_space<vmem>>) offsets(%dma_start3A_103 : memref<128xi32, #tpu.memory_space<vmem>>) semaphore(%arg13 : memref<!tpu.dma_semaphore, #tpu.memory_space<semaphore_mem>>)
        %run_scoped3A_107 = arith.constant 2 : i32
        "tpu.region"() ({
          %run_scoped3A_177 = tpu.sem_alloc : memref<!tpu.dma_semaphore, #tpu.memory_space<semaphore_mem>>
          %dma_start3A_178 = arith.constant 0 : i32
          %dma_start3A_179 = tpu.memref_slice %arg8[%run_scoped3A_107, %dma_start3A_178] : memref<8x128xi32, #tpu.memory_space<vmem>> -> memref<1x128xi32, #tpu.memory_space<vmem>>
          %dma_start3A_180 = tpu.memref_squeeze %dma_start3A_179 : memref<1x128xi32, #tpu.memory_space<vmem>> -> memref<128xi32, #tpu.memory_space<vmem>>
          %dma_start3A_181 = arith.constant 0 : i32
          %dma_start3A_182 = arith.constant 0 : i32
          %dma_start3A_183 = tpu.memref_slice %arg11[%dma_start3A_181, %dma_start3A_182] : memref<10240x128xf32, #tpu.memory_space<vmem_shared>> -> memref<10240x128xf32, #tpu.memory_space<vmem_shared>>
          tpu.enqueue_indirect_dma source(%arg9 : memref<128x128xf32, #tpu.memory_space<vmem>>) target(%dma_start3A_183 : memref<10240x128xf32, #tpu.memory_space<vmem_shared>>) offsets(%dma_start3A_180 : memref<128xi32, #tpu.memory_space<vmem>>) semaphore(%run_scoped3A_177 : memref<!tpu.dma_semaphore, #tpu.memory_space<semaphore_mem>>) {add = true}
          %dma_wait3A_184 = arith.constant 0 : i32
          %dma_wait3A_185 = tpu.memref_slice %arg8[%run_scoped3A_107, %dma_wait3A_184] : memref<8x128xi32, #tpu.memory_space<vmem>> -> memref<1x128xi32, #tpu.memory_space<vmem>>
          %dma_wait3A_186 = tpu.memref_squeeze %dma_wait3A_185 : memref<1x128xi32, #tpu.memory_space<vmem>> -> memref<128xi32, #tpu.memory_space<vmem>>
          %dma_wait3A_187 = arith.constant 0 : i32
          %dma_wait3A_188 = arith.constant 0 : i32
          %dma_wait3A_189 = tpu.memref_slice %arg11[%dma_wait3A_187, %dma_wait3A_188] : memref<10240x128xf32, #tpu.memory_space<vmem_shared>> -> memref<10240x128xf32, #tpu.memory_space<vmem_shared>>
          tpu.wait_indirect_dma semaphore(%run_scoped3A_177 : memref<!tpu.dma_semaphore, #tpu.memory_space<semaphore_mem>>) src(%arg9 : memref<128x128xf32, #tpu.memory_space<vmem>>) dst(%dma_wait3A_189 : memref<10240x128xf32, #tpu.memory_space<vmem_shared>>)
          tpu.yield
        }) : () -> ()
        %dma_wait3A_108 = arith.constant 3 : i32
        %dma_wait3A_109 = arith.constant 0 : i32
        %dma_wait3A_110 = tpu.memref_slice %arg7[%dma_wait3A_108, %dma_wait3A_109] : memref<8x128xi32, #tpu.memory_space<vmem>> -> memref<1x128xi32, #tpu.memory_space<vmem>>
        %dma_wait3A_111 = tpu.memref_squeeze %dma_wait3A_110 : memref<1x128xi32, #tpu.memory_space<vmem>> -> memref<128xi32, #tpu.memory_space<vmem>>
        %dma_wait3A_112 = arith.constant 0 : i32
        %dma_wait3A_113 = arith.constant 0 : i32
        %dma_wait3A_114 = tpu.memref_slice %arg2[%dma_wait3A_112, %dma_wait3A_113] : memref<10240x128xf32, #tpu.memory_space<hbm>> -> memref<10240x128xf32, #tpu.memory_space<hbm>>
        tpu.wait_indirect_dma semaphore(%arg13 : memref<!tpu.dma_semaphore, #tpu.memory_space<semaphore_mem>>) src(%dma_wait3A_114 : memref<10240x128xf32, #tpu.memory_space<hbm>>) dst(%arg10 : memref<128x128xf32, #tpu.memory_space<vmem>>)
        %dma_start3A_115 = arith.constant 4 : i32
        %dma_start3A_116 = arith.constant 0 : i32
        %dma_start3A_117 = tpu.memref_slice %arg7[%dma_start3A_115, %dma_start3A_116] : memref<8x128xi32, #tpu.memory_space<vmem>> -> memref<1x128xi32, #tpu.memory_space<vmem>>
        %dma_start3A_118 = tpu.memref_squeeze %dma_start3A_117 : memref<1x128xi32, #tpu.memory_space<vmem>> -> memref<128xi32, #tpu.memory_space<vmem>>
        %dma_start3A_119 = arith.constant 0 : i32
        %dma_start3A_120 = arith.constant 0 : i32
        %dma_start3A_121 = tpu.memref_slice %arg2[%dma_start3A_119, %dma_start3A_120] : memref<10240x128xf32, #tpu.memory_space<hbm>> -> memref<10240x128xf32, #tpu.memory_space<hbm>>
        tpu.enqueue_indirect_dma source(%dma_start3A_121 : memref<10240x128xf32, #tpu.memory_space<hbm>>) target(%arg9 : memref<128x128xf32, #tpu.memory_space<vmem>>) offsets(%dma_start3A_118 : memref<128xi32, #tpu.memory_space<vmem>>) semaphore(%arg12 : memref<!tpu.dma_semaphore, #tpu.memory_space<semaphore_mem>>)
        %run_scoped3A_122 = arith.constant 3 : i32
        "tpu.region"() ({
          %run_scoped3A_177 = tpu.sem_alloc : memref<!tpu.dma_semaphore, #tpu.memory_space<semaphore_mem>>
          %dma_start3A_178 = arith.constant 0 : i32
          %dma_start3A_179 = tpu.memref_slice %arg8[%run_scoped3A_122, %dma_start3A_178] : memref<8x128xi32, #tpu.memory_space<vmem>> -> memref<1x128xi32, #tpu.memory_space<vmem>>
          %dma_start3A_180 = tpu.memref_squeeze %dma_start3A_179 : memref<1x128xi32, #tpu.memory_space<vmem>> -> memref<128xi32, #tpu.memory_space<vmem>>
          %dma_start3A_181 = arith.constant 0 : i32
          %dma_start3A_182 = arith.constant 0 : i32
          %dma_start3A_183 = tpu.memref_slice %arg11[%dma_start3A_181, %dma_start3A_182] : memref<10240x128xf32, #tpu.memory_space<vmem_shared>> -> memref<10240x128xf32, #tpu.memory_space<vmem_shared>>
          tpu.enqueue_indirect_dma source(%arg10 : memref<128x128xf32, #tpu.memory_space<vmem>>) target(%dma_start3A_183 : memref<10240x128xf32, #tpu.memory_space<vmem_shared>>) offsets(%dma_start3A_180 : memref<128xi32, #tpu.memory_space<vmem>>) semaphore(%run_scoped3A_177 : memref<!tpu.dma_semaphore, #tpu.memory_space<semaphore_mem>>) {add = true}
          %dma_wait3A_184 = arith.constant 0 : i32
          %dma_wait3A_185 = tpu.memref_slice %arg8[%run_scoped3A_122, %dma_wait3A_184] : memref<8x128xi32, #tpu.memory_space<vmem>> -> memref<1x128xi32, #tpu.memory_space<vmem>>
          %dma_wait3A_186 = tpu.memref_squeeze %dma_wait3A_185 : memref<1x128xi32, #tpu.memory_space<vmem>> -> memref<128xi32, #tpu.memory_space<vmem>>
          %dma_wait3A_187 = arith.constant 0 : i32
          %dma_wait3A_188 = arith.constant 0 : i32
          %dma_wait3A_189 = tpu.memref_slice %arg11[%dma_wait3A_187, %dma_wait3A_188] : memref<10240x128xf32, #tpu.memory_space<vmem_shared>> -> memref<10240x128xf32, #tpu.memory_space<vmem_shared>>
          tpu.wait_indirect_dma semaphore(%run_scoped3A_177 : memref<!tpu.dma_semaphore, #tpu.memory_space<semaphore_mem>>) src(%arg10 : memref<128x128xf32, #tpu.memory_space<vmem>>) dst(%dma_wait3A_189 : memref<10240x128xf32, #tpu.memory_space<vmem_shared>>)
          tpu.yield
        }) : () -> ()
        %dma_wait3A_123 = arith.constant 4 : i32
        %dma_wait3A_124 = arith.constant 0 : i32
        %dma_wait3A_125 = tpu.memref_slice %arg7[%dma_wait3A_123, %dma_wait3A_124] : memref<8x128xi32, #tpu.memory_space<vmem>> -> memref<1x128xi32, #tpu.memory_space<vmem>>
        %dma_wait3A_126 = tpu.memref_squeeze %dma_wait3A_125 : memref<1x128xi32, #tpu.memory_space<vmem>> -> memref<128xi32, #tpu.memory_space<vmem>>
        %dma_wait3A_127 = arith.constant 0 : i32
        %dma_wait3A_128 = arith.constant 0 : i32
        %dma_wait3A_129 = tpu.memref_slice %arg2[%dma_wait3A_127, %dma_wait3A_128] : memref<10240x128xf32, #tpu.memory_space<hbm>> -> memref<10240x128xf32, #tpu.memory_space<hbm>>
        tpu.wait_indirect_dma semaphore(%arg12 : memref<!tpu.dma_semaphore, #tpu.memory_space<semaphore_mem>>) src(%dma_wait3A_129 : memref<10240x128xf32, #tpu.memory_space<hbm>>) dst(%arg9 : memref<128x128xf32, #tpu.memory_space<vmem>>)
        %dma_start3A_130 = arith.constant 5 : i32
        %dma_start3A_131 = arith.constant 0 : i32
        %dma_start3A_132 = tpu.memref_slice %arg7[%dma_start3A_130, %dma_start3A_131] : memref<8x128xi32, #tpu.memory_space<vmem>> -> memref<1x128xi32, #tpu.memory_space<vmem>>
        %dma_start3A_133 = tpu.memref_squeeze %dma_start3A_132 : memref<1x128xi32, #tpu.memory_space<vmem>> -> memref<128xi32, #tpu.memory_space<vmem>>
        %dma_start3A_134 = arith.constant 0 : i32
        %dma_start3A_135 = arith.constant 0 : i32
        %dma_start3A_136 = tpu.memref_slice %arg2[%dma_start3A_134, %dma_start3A_135] : memref<10240x128xf32, #tpu.memory_space<hbm>> -> memref<10240x128xf32, #tpu.memory_space<hbm>>
        tpu.enqueue_indirect_dma source(%dma_start3A_136 : memref<10240x128xf32, #tpu.memory_space<hbm>>) target(%arg10 : memref<128x128xf32, #tpu.memory_space<vmem>>) offsets(%dma_start3A_133 : memref<128xi32, #tpu.memory_space<vmem>>) semaphore(%arg13 : memref<!tpu.dma_semaphore, #tpu.memory_space<semaphore_mem>>)
        %run_scoped3A_137 = arith.constant 4 : i32
        "tpu.region"() ({
          %run_scoped3A_177 = tpu.sem_alloc : memref<!tpu.dma_semaphore, #tpu.memory_space<semaphore_mem>>
          %dma_start3A_178 = arith.constant 0 : i32
          %dma_start3A_179 = tpu.memref_slice %arg8[%run_scoped3A_137, %dma_start3A_178] : memref<8x128xi32, #tpu.memory_space<vmem>> -> memref<1x128xi32, #tpu.memory_space<vmem>>
          %dma_start3A_180 = tpu.memref_squeeze %dma_start3A_179 : memref<1x128xi32, #tpu.memory_space<vmem>> -> memref<128xi32, #tpu.memory_space<vmem>>
          %dma_start3A_181 = arith.constant 0 : i32
          %dma_start3A_182 = arith.constant 0 : i32
          %dma_start3A_183 = tpu.memref_slice %arg11[%dma_start3A_181, %dma_start3A_182] : memref<10240x128xf32, #tpu.memory_space<vmem_shared>> -> memref<10240x128xf32, #tpu.memory_space<vmem_shared>>
          tpu.enqueue_indirect_dma source(%arg9 : memref<128x128xf32, #tpu.memory_space<vmem>>) target(%dma_start3A_183 : memref<10240x128xf32, #tpu.memory_space<vmem_shared>>) offsets(%dma_start3A_180 : memref<128xi32, #tpu.memory_space<vmem>>) semaphore(%run_scoped3A_177 : memref<!tpu.dma_semaphore, #tpu.memory_space<semaphore_mem>>) {add = true}
          %dma_wait3A_184 = arith.constant 0 : i32
          %dma_wait3A_185 = tpu.memref_slice %arg8[%run_scoped3A_137, %dma_wait3A_184] : memref<8x128xi32, #tpu.memory_space<vmem>> -> memref<1x128xi32, #tpu.memory_space<vmem>>
          %dma_wait3A_186 = tpu.memref_squeeze %dma_wait3A_185 : memref<1x128xi32, #tpu.memory_space<vmem>> -> memref<128xi32, #tpu.memory_space<vmem>>
          %dma_wait3A_187 = arith.constant 0 : i32
          %dma_wait3A_188 = arith.constant 0 : i32
          %dma_wait3A_189 = tpu.memref_slice %arg11[%dma_wait3A_187, %dma_wait3A_188] : memref<10240x128xf32, #tpu.memory_space<vmem_shared>> -> memref<10240x128xf32, #tpu.memory_space<vmem_shared>>
          tpu.wait_indirect_dma semaphore(%run_scoped3A_177 : memref<!tpu.dma_semaphore, #tpu.memory_space<semaphore_mem>>) src(%arg9 : memref<128x128xf32, #tpu.memory_space<vmem>>) dst(%dma_wait3A_189 : memref<10240x128xf32, #tpu.memory_space<vmem_shared>>)
          tpu.yield
        }) : () -> ()
        %dma_wait3A_138 = arith.constant 5 : i32
        %dma_wait3A_139 = arith.constant 0 : i32
        %dma_wait3A_140 = tpu.memref_slice %arg7[%dma_wait3A_138, %dma_wait3A_139] : memref<8x128xi32, #tpu.memory_space<vmem>> -> memref<1x128xi32, #tpu.memory_space<vmem>>
        %dma_wait3A_141 = tpu.memref_squeeze %dma_wait3A_140 : memref<1x128xi32, #tpu.memory_space<vmem>> -> memref<128xi32, #tpu.memory_space<vmem>>
        %dma_wait3A_142 = arith.constant 0 : i32
        %dma_wait3A_143 = arith.constant 0 : i32
        %dma_wait3A_144 = tpu.memref_slice %arg2[%dma_wait3A_142, %dma_wait3A_143] : memref<10240x128xf32, #tpu.memory_space<hbm>> -> memref<10240x128xf32, #tpu.memory_space<hbm>>
        tpu.wait_indirect_dma semaphore(%arg13 : memref<!tpu.dma_semaphore, #tpu.memory_space<semaphore_mem>>) src(%dma_wait3A_144 : memref<10240x128xf32, #tpu.memory_space<hbm>>) dst(%arg10 : memref<128x128xf32, #tpu.memory_space<vmem>>)
        %dma_start3A_145 = arith.constant 6 : i32
        %dma_start3A_146 = arith.constant 0 : i32
        %dma_start3A_147 = tpu.memref_slice %arg7[%dma_start3A_145, %dma_start3A_146] : memref<8x128xi32, #tpu.memory_space<vmem>> -> memref<1x128xi32, #tpu.memory_space<vmem>>
        %dma_start3A_148 = tpu.memref_squeeze %dma_start3A_147 : memref<1x128xi32, #tpu.memory_space<vmem>> -> memref<128xi32, #tpu.memory_space<vmem>>
        %dma_start3A_149 = arith.constant 0 : i32
        %dma_start3A_150 = arith.constant 0 : i32
        %dma_start3A_151 = tpu.memref_slice %arg2[%dma_start3A_149, %dma_start3A_150] : memref<10240x128xf32, #tpu.memory_space<hbm>> -> memref<10240x128xf32, #tpu.memory_space<hbm>>
        tpu.enqueue_indirect_dma source(%dma_start3A_151 : memref<10240x128xf32, #tpu.memory_space<hbm>>) target(%arg9 : memref<128x128xf32, #tpu.memory_space<vmem>>) offsets(%dma_start3A_148 : memref<128xi32, #tpu.memory_space<vmem>>) semaphore(%arg12 : memref<!tpu.dma_semaphore, #tpu.memory_space<semaphore_mem>>)
        %run_scoped3A_152 = arith.constant 5 : i32
        "tpu.region"() ({
          %run_scoped3A_177 = tpu.sem_alloc : memref<!tpu.dma_semaphore, #tpu.memory_space<semaphore_mem>>
          %dma_start3A_178 = arith.constant 0 : i32
          %dma_start3A_179 = tpu.memref_slice %arg8[%run_scoped3A_152, %dma_start3A_178] : memref<8x128xi32, #tpu.memory_space<vmem>> -> memref<1x128xi32, #tpu.memory_space<vmem>>
          %dma_start3A_180 = tpu.memref_squeeze %dma_start3A_179 : memref<1x128xi32, #tpu.memory_space<vmem>> -> memref<128xi32, #tpu.memory_space<vmem>>
          %dma_start3A_181 = arith.constant 0 : i32
          %dma_start3A_182 = arith.constant 0 : i32
          %dma_start3A_183 = tpu.memref_slice %arg11[%dma_start3A_181, %dma_start3A_182] : memref<10240x128xf32, #tpu.memory_space<vmem_shared>> -> memref<10240x128xf32, #tpu.memory_space<vmem_shared>>
          tpu.enqueue_indirect_dma source(%arg10 : memref<128x128xf32, #tpu.memory_space<vmem>>) target(%dma_start3A_183 : memref<10240x128xf32, #tpu.memory_space<vmem_shared>>) offsets(%dma_start3A_180 : memref<128xi32, #tpu.memory_space<vmem>>) semaphore(%run_scoped3A_177 : memref<!tpu.dma_semaphore, #tpu.memory_space<semaphore_mem>>) {add = true}
          %dma_wait3A_184 = arith.constant 0 : i32
          %dma_wait3A_185 = tpu.memref_slice %arg8[%run_scoped3A_152, %dma_wait3A_184] : memref<8x128xi32, #tpu.memory_space<vmem>> -> memref<1x128xi32, #tpu.memory_space<vmem>>
          %dma_wait3A_186 = tpu.memref_squeeze %dma_wait3A_185 : memref<1x128xi32, #tpu.memory_space<vmem>> -> memref<128xi32, #tpu.memory_space<vmem>>
          %dma_wait3A_187 = arith.constant 0 : i32
          %dma_wait3A_188 = arith.constant 0 : i32
          %dma_wait3A_189 = tpu.memref_slice %arg11[%dma_wait3A_187, %dma_wait3A_188] : memref<10240x128xf32, #tpu.memory_space<vmem_shared>> -> memref<10240x128xf32, #tpu.memory_space<vmem_shared>>
          tpu.wait_indirect_dma semaphore(%run_scoped3A_177 : memref<!tpu.dma_semaphore, #tpu.memory_space<semaphore_mem>>) src(%arg10 : memref<128x128xf32, #tpu.memory_space<vmem>>) dst(%dma_wait3A_189 : memref<10240x128xf32, #tpu.memory_space<vmem_shared>>)
          tpu.yield
        }) : () -> ()
        %dma_wait3A_153 = arith.constant 6 : i32
        %dma_wait3A_154 = arith.constant 0 : i32
        %dma_wait3A_155 = tpu.memref_slice %arg7[%dma_wait3A_153, %dma_wait3A_154] : memref<8x128xi32, #tpu.memory_space<vmem>> -> memref<1x128xi32, #tpu.memory_space<vmem>>
        %dma_wait3A_156 = tpu.memref_squeeze %dma_wait3A_155 : memref<1x128xi32, #tpu.memory_space<vmem>> -> memref<128xi32, #tpu.memory_space<vmem>>
        %dma_wait3A_157 = arith.constant 0 : i32
        %dma_wait3A_158 = arith.constant 0 : i32
        %dma_wait3A_159 = tpu.memref_slice %arg2[%dma_wait3A_157, %dma_wait3A_158] : memref<10240x128xf32, #tpu.memory_space<hbm>> -> memref<10240x128xf32, #tpu.memory_space<hbm>>
        tpu.wait_indirect_dma semaphore(%arg12 : memref<!tpu.dma_semaphore, #tpu.memory_space<semaphore_mem>>) src(%dma_wait3A_159 : memref<10240x128xf32, #tpu.memory_space<hbm>>) dst(%arg9 : memref<128x128xf32, #tpu.memory_space<vmem>>)
        %dma_start3A_160 = arith.constant 7 : i32
        %dma_start3A_161 = arith.constant 0 : i32
        %dma_start3A_162 = tpu.memref_slice %arg7[%dma_start3A_160, %dma_start3A_161] : memref<8x128xi32, #tpu.memory_space<vmem>> -> memref<1x128xi32, #tpu.memory_space<vmem>>
        %dma_start3A_163 = tpu.memref_squeeze %dma_start3A_162 : memref<1x128xi32, #tpu.memory_space<vmem>> -> memref<128xi32, #tpu.memory_space<vmem>>
        %dma_start3A_164 = arith.constant 0 : i32
        %dma_start3A_165 = arith.constant 0 : i32
        %dma_start3A_166 = tpu.memref_slice %arg2[%dma_start3A_164, %dma_start3A_165] : memref<10240x128xf32, #tpu.memory_space<hbm>> -> memref<10240x128xf32, #tpu.memory_space<hbm>>
        tpu.enqueue_indirect_dma source(%dma_start3A_166 : memref<10240x128xf32, #tpu.memory_space<hbm>>) target(%arg10 : memref<128x128xf32, #tpu.memory_space<vmem>>) offsets(%dma_start3A_163 : memref<128xi32, #tpu.memory_space<vmem>>) semaphore(%arg13 : memref<!tpu.dma_semaphore, #tpu.memory_space<semaphore_mem>>)
        %run_scoped3A_167 = arith.constant 6 : i32
        "tpu.region"() ({
          %run_scoped3A_177 = tpu.sem_alloc : memref<!tpu.dma_semaphore, #tpu.memory_space<semaphore_mem>>
          %dma_start3A_178 = arith.constant 0 : i32
          %dma_start3A_179 = tpu.memref_slice %arg8[%run_scoped3A_167, %dma_start3A_178] : memref<8x128xi32, #tpu.memory_space<vmem>> -> memref<1x128xi32, #tpu.memory_space<vmem>>
          %dma_start3A_180 = tpu.memref_squeeze %dma_start3A_179 : memref<1x128xi32, #tpu.memory_space<vmem>> -> memref<128xi32, #tpu.memory_space<vmem>>
          %dma_start3A_181 = arith.constant 0 : i32
          %dma_start3A_182 = arith.constant 0 : i32
          %dma_start3A_183 = tpu.memref_slice %arg11[%dma_start3A_181, %dma_start3A_182] : memref<10240x128xf32, #tpu.memory_space<vmem_shared>> -> memref<10240x128xf32, #tpu.memory_space<vmem_shared>>
          tpu.enqueue_indirect_dma source(%arg9 : memref<128x128xf32, #tpu.memory_space<vmem>>) target(%dma_start3A_183 : memref<10240x128xf32, #tpu.memory_space<vmem_shared>>) offsets(%dma_start3A_180 : memref<128xi32, #tpu.memory_space<vmem>>) semaphore(%run_scoped3A_177 : memref<!tpu.dma_semaphore, #tpu.memory_space<semaphore_mem>>) {add = true}
          %dma_wait3A_184 = arith.constant 0 : i32
          %dma_wait3A_185 = tpu.memref_slice %arg8[%run_scoped3A_167, %dma_wait3A_184] : memref<8x128xi32, #tpu.memory_space<vmem>> -> memref<1x128xi32, #tpu.memory_space<vmem>>
          %dma_wait3A_186 = tpu.memref_squeeze %dma_wait3A_185 : memref<1x128xi32, #tpu.memory_space<vmem>> -> memref<128xi32, #tpu.memory_space<vmem>>
          %dma_wait3A_187 = arith.constant 0 : i32
          %dma_wait3A_188 = arith.constant 0 : i32
          %dma_wait3A_189 = tpu.memref_slice %arg11[%dma_wait3A_187, %dma_wait3A_188] : memref<10240x128xf32, #tpu.memory_space<vmem_shared>> -> memref<10240x128xf32, #tpu.memory_space<vmem_shared>>
          tpu.wait_indirect_dma semaphore(%run_scoped3A_177 : memref<!tpu.dma_semaphore, #tpu.memory_space<semaphore_mem>>) src(%arg9 : memref<128x128xf32, #tpu.memory_space<vmem>>) dst(%dma_wait3A_189 : memref<10240x128xf32, #tpu.memory_space<vmem_shared>>)
          tpu.yield
        }) : () -> ()
        %dma_wait3A_168 = arith.constant 7 : i32
        %dma_wait3A_169 = arith.constant 0 : i32
        %dma_wait3A_170 = tpu.memref_slice %arg7[%dma_wait3A_168, %dma_wait3A_169] : memref<8x128xi32, #tpu.memory_space<vmem>> -> memref<1x128xi32, #tpu.memory_space<vmem>>
        %dma_wait3A_171 = tpu.memref_squeeze %dma_wait3A_170 : memref<1x128xi32, #tpu.memory_space<vmem>> -> memref<128xi32, #tpu.memory_space<vmem>>
        %dma_wait3A_172 = arith.constant 0 : i32
        %dma_wait3A_173 = arith.constant 0 : i32
        %dma_wait3A_174 = tpu.memref_slice %arg2[%dma_wait3A_172, %dma_wait3A_173] : memref<10240x128xf32, #tpu.memory_space<hbm>> -> memref<10240x128xf32, #tpu.memory_space<hbm>>
        tpu.wait_indirect_dma semaphore(%arg13 : memref<!tpu.dma_semaphore, #tpu.memory_space<semaphore_mem>>) src(%dma_wait3A_174 : memref<10240x128xf32, #tpu.memory_space<hbm>>) dst(%arg10 : memref<128x128xf32, #tpu.memory_space<vmem>>)
        %run_scoped3A_175 = arith.constant 7 : i32
        "tpu.region"() ({
          %run_scoped3A_177 = tpu.sem_alloc : memref<!tpu.dma_semaphore, #tpu.memory_space<semaphore_mem>>
          %dma_start3A_178 = arith.constant 0 : i32
          %dma_start3A_179 = tpu.memref_slice %arg8[%run_scoped3A_175, %dma_start3A_178] : memref<8x128xi32, #tpu.memory_space<vmem>> -> memref<1x128xi32, #tpu.memory_space<vmem>>
          %dma_start3A_180 = tpu.memref_squeeze %dma_start3A_179 : memref<1x128xi32, #tpu.memory_space<vmem>> -> memref<128xi32, #tpu.memory_space<vmem>>
          %dma_start3A_181 = arith.constant 0 : i32
          %dma_start3A_182 = arith.constant 0 : i32
          %dma_start3A_183 = tpu.memref_slice %arg11[%dma_start3A_181, %dma_start3A_182] : memref<10240x128xf32, #tpu.memory_space<vmem_shared>> -> memref<10240x128xf32, #tpu.memory_space<vmem_shared>>
          tpu.enqueue_indirect_dma source(%arg10 : memref<128x128xf32, #tpu.memory_space<vmem>>) target(%dma_start3A_183 : memref<10240x128xf32, #tpu.memory_space<vmem_shared>>) offsets(%dma_start3A_180 : memref<128xi32, #tpu.memory_space<vmem>>) semaphore(%run_scoped3A_177 : memref<!tpu.dma_semaphore, #tpu.memory_space<semaphore_mem>>) {add = true}
          %dma_wait3A_184 = arith.constant 0 : i32
          %dma_wait3A_185 = tpu.memref_slice %arg8[%run_scoped3A_175, %dma_wait3A_184] : memref<8x128xi32, #tpu.memory_space<vmem>> -> memref<1x128xi32, #tpu.memory_space<vmem>>
          %dma_wait3A_186 = tpu.memref_squeeze %dma_wait3A_185 : memref<1x128xi32, #tpu.memory_space<vmem>> -> memref<128xi32, #tpu.memory_space<vmem>>
          %dma_wait3A_187 = arith.constant 0 : i32
          %dma_wait3A_188 = arith.constant 0 : i32
          %dma_wait3A_189 = tpu.memref_slice %arg11[%dma_wait3A_187, %dma_wait3A_188] : memref<10240x128xf32, #tpu.memory_space<vmem_shared>> -> memref<10240x128xf32, #tpu.memory_space<vmem_shared>>
          tpu.wait_indirect_dma semaphore(%run_scoped3A_177 : memref<!tpu.dma_semaphore, #tpu.memory_space<semaphore_mem>>) src(%arg10 : memref<128x128xf32, #tpu.memory_space<vmem>>) dst(%dma_wait3A_189 : memref<10240x128xf32, #tpu.memory_space<vmem_shared>>)
          tpu.yield
        }) : () -> ()
        %scan3A_176 = arith.constant 0 : i32
        scf.yield %scan3A_176 : i32
      }
      %scan3A_50 = arith.constant 15 : i32
    } else {
    }
    %eq3A_3 = arith.constant 1 : i32
    %eq3A_4 = arith.cmpi eq, %arg0, %eq3A_3 : i32
    %convert_element_type3A_5 = arith.extui %eq3A_4 : i1 to i32
    %cond3A_6 = arith.constant 0 : i32
    %cond3A_7 = arith.cmpi ne, %convert_element_type3A_5, %cond3A_6 : i32
    scf.if %cond3A_7 {
      %mul3A_43 = arith.constant 40 : i32
      %mul3A_44 = arith.muli %arg1, %mul3A_43 : i32
      %add3A_45 = arith.constant 1920 : i32
      %add3A_46 = arith.addi %add3A_45, %mul3A_44 : i32
      %scan3A = arith.constant 0 : i32
      %scan3A_47 = arith.constant 0 : i32
      %scan3A_48 = arith.constant 5 : i32
      %scan3A_49 = arith.addi %scan3A_47, %scan3A_48 : i32
      %scan3A_50 = arith.constant 1 : i32
      %scan3A_51 = scf.for %scan3A_53 = %scan3A_47 to %scan3A_49 step %scan3A_50 iter_args(%scan3A_54 = %scan3A) -> (i32)  : i32 {
        %mul3A_55 = arith.constant 8 : i32
        %mul3A_56 = arith.muli %scan3A_53, %mul3A_55 : i32
        %add3A_57 = arith.addi %add3A_46, %mul3A_56 : i32
        "tpu.region"() ({
          %run_scoped3A_179 = tpu.sem_alloc : memref<!tpu.dma_semaphore, #tpu.memory_space<semaphore_mem>>
          %dma_start3A_180 = arith.constant 0 : i32
          %dma_start3A_181 = tpu.memref_slice %arg3[%add3A_57, %dma_start3A_180] : memref<2560x128xi32, #tpu.memory_space<hbm>> -> memref<8x128xi32, #tpu.memory_space<hbm>>
          %dma_start3A_182 = arith.constant 0 : i32
          %dma_start3A_183 = tpu.memref_slice %arg3[%add3A_57, %dma_start3A_182] : memref<2560x128xi32, #tpu.memory_space<hbm>> -> memref<8x128xi32, #tpu.memory_space<hbm>>
          tpu.enqueue_dma source(%dma_start3A_183 : memref<8x128xi32, #tpu.memory_space<hbm>>) target(%arg7 : memref<8x128xi32, #tpu.memory_space<vmem>>) target_semaphore(%run_scoped3A_179 : memref<!tpu.dma_semaphore, #tpu.memory_space<semaphore_mem>>)
          %dma_wait3A_184 = arith.constant 0 : i32
          %dma_wait3A_185 = tpu.memref_slice %arg3[%add3A_57, %dma_wait3A_184] : memref<2560x128xi32, #tpu.memory_space<hbm>> -> memref<8x128xi32, #tpu.memory_space<hbm>>
          %dma_wait3A_186 = arith.constant 0 : i32
          %dma_wait3A_187 = tpu.memref_slice %arg3[%add3A_57, %dma_wait3A_186] : memref<2560x128xi32, #tpu.memory_space<hbm>> -> memref<8x128xi32, #tpu.memory_space<hbm>>
          tpu.wait_dma2 semaphore(%run_scoped3A_179 : memref<!tpu.dma_semaphore, #tpu.memory_space<semaphore_mem>>) src(%dma_wait3A_187 : memref<8x128xi32, #tpu.memory_space<hbm>>) dst(%arg7 : memref<8x128xi32, #tpu.memory_space<vmem>>)
          tpu.yield
        }) : () -> ()
        %mul3A_58 = arith.constant 8 : i32
        %mul3A_59 = arith.muli %scan3A_53, %mul3A_58 : i32
        %add3A_60 = arith.addi %add3A_46, %mul3A_59 : i32
        "tpu.region"() ({
          %run_scoped3A_179 = tpu.sem_alloc : memref<!tpu.dma_semaphore, #tpu.memory_space<semaphore_mem>>
          %dma_start3A_180 = arith.constant 0 : i32
          %dma_start3A_181 = tpu.memref_slice %arg4[%add3A_60, %dma_start3A_180] : memref<2560x128xi32, #tpu.memory_space<hbm>> -> memref<8x128xi32, #tpu.memory_space<hbm>>
          %dma_start3A_182 = arith.constant 0 : i32
          %dma_start3A_183 = tpu.memref_slice %arg4[%add3A_60, %dma_start3A_182] : memref<2560x128xi32, #tpu.memory_space<hbm>> -> memref<8x128xi32, #tpu.memory_space<hbm>>
          tpu.enqueue_dma source(%dma_start3A_183 : memref<8x128xi32, #tpu.memory_space<hbm>>) target(%arg8 : memref<8x128xi32, #tpu.memory_space<vmem>>) target_semaphore(%run_scoped3A_179 : memref<!tpu.dma_semaphore, #tpu.memory_space<semaphore_mem>>)
          %dma_wait3A_184 = arith.constant 0 : i32
          %dma_wait3A_185 = tpu.memref_slice %arg4[%add3A_60, %dma_wait3A_184] : memref<2560x128xi32, #tpu.memory_space<hbm>> -> memref<8x128xi32, #tpu.memory_space<hbm>>
          %dma_wait3A_186 = arith.constant 0 : i32
          %dma_wait3A_187 = tpu.memref_slice %arg4[%add3A_60, %dma_wait3A_186] : memref<2560x128xi32, #tpu.memory_space<hbm>> -> memref<8x128xi32, #tpu.memory_space<hbm>>
          tpu.wait_dma2 semaphore(%run_scoped3A_179 : memref<!tpu.dma_semaphore, #tpu.memory_space<semaphore_mem>>) src(%dma_wait3A_187 : memref<8x128xi32, #tpu.memory_space<hbm>>) dst(%arg8 : memref<8x128xi32, #tpu.memory_space<vmem>>)
          tpu.yield
        }) : () -> ()
        %dma_start3A = arith.constant 0 : i32
        %dma_start3A_61 = arith.constant 0 : i32
        %dma_start3A_62 = tpu.memref_slice %arg7[%dma_start3A, %dma_start3A_61] : memref<8x128xi32, #tpu.memory_space<vmem>> -> memref<1x128xi32, #tpu.memory_space<vmem>>
        %dma_start3A_63 = tpu.memref_squeeze %dma_start3A_62 : memref<1x128xi32, #tpu.memory_space<vmem>> -> memref<128xi32, #tpu.memory_space<vmem>>
        %dma_start3A_64 = arith.constant 0 : i32
        %dma_start3A_65 = arith.constant 0 : i32
        %dma_start3A_66 = tpu.memref_slice %arg2[%dma_start3A_64, %dma_start3A_65] : memref<10240x128xf32, #tpu.memory_space<hbm>> -> memref<10240x128xf32, #tpu.memory_space<hbm>>
        tpu.enqueue_indirect_dma source(%dma_start3A_66 : memref<10240x128xf32, #tpu.memory_space<hbm>>) target(%arg9 : memref<128x128xf32, #tpu.memory_space<vmem>>) offsets(%dma_start3A_63 : memref<128xi32, #tpu.memory_space<vmem>>) semaphore(%arg12 : memref<!tpu.dma_semaphore, #tpu.memory_space<semaphore_mem>>)
        %dma_wait3A = arith.constant 0 : i32
        %dma_wait3A_67 = arith.constant 0 : i32
        %dma_wait3A_68 = tpu.memref_slice %arg7[%dma_wait3A, %dma_wait3A_67] : memref<8x128xi32, #tpu.memory_space<vmem>> -> memref<1x128xi32, #tpu.memory_space<vmem>>
        %dma_wait3A_69 = tpu.memref_squeeze %dma_wait3A_68 : memref<1x128xi32, #tpu.memory_space<vmem>> -> memref<128xi32, #tpu.memory_space<vmem>>
        %dma_wait3A_70 = arith.constant 0 : i32
        %dma_wait3A_71 = arith.constant 0 : i32
        %dma_wait3A_72 = tpu.memref_slice %arg2[%dma_wait3A_70, %dma_wait3A_71] : memref<10240x128xf32, #tpu.memory_space<hbm>> -> memref<10240x128xf32, #tpu.memory_space<hbm>>
        tpu.wait_indirect_dma semaphore(%arg12 : memref<!tpu.dma_semaphore, #tpu.memory_space<semaphore_mem>>) src(%dma_wait3A_72 : memref<10240x128xf32, #tpu.memory_space<hbm>>) dst(%arg9 : memref<128x128xf32, #tpu.memory_space<vmem>>)
        %dma_start3A_73 = arith.constant 1 : i32
        %dma_start3A_74 = arith.constant 0 : i32
        %dma_start3A_75 = tpu.memref_slice %arg7[%dma_start3A_73, %dma_start3A_74] : memref<8x128xi32, #tpu.memory_space<vmem>> -> memref<1x128xi32, #tpu.memory_space<vmem>>
        %dma_start3A_76 = tpu.memref_squeeze %dma_start3A_75 : memref<1x128xi32, #tpu.memory_space<vmem>> -> memref<128xi32, #tpu.memory_space<vmem>>
        %dma_start3A_77 = arith.constant 0 : i32
        %dma_start3A_78 = arith.constant 0 : i32
        %dma_start3A_79 = tpu.memref_slice %arg2[%dma_start3A_77, %dma_start3A_78] : memref<10240x128xf32, #tpu.memory_space<hbm>> -> memref<10240x128xf32, #tpu.memory_space<hbm>>
        tpu.enqueue_indirect_dma source(%dma_start3A_79 : memref<10240x128xf32, #tpu.memory_space<hbm>>) target(%arg10 : memref<128x128xf32, #tpu.memory_space<vmem>>) offsets(%dma_start3A_76 : memref<128xi32, #tpu.memory_space<vmem>>) semaphore(%arg13 : memref<!tpu.dma_semaphore, #tpu.memory_space<semaphore_mem>>)
        %run_scoped3A = arith.constant 0 : i32
        "tpu.region"() ({
          %run_scoped3A_179 = tpu.sem_alloc : memref<!tpu.dma_semaphore, #tpu.memory_space<semaphore_mem>>
          %dma_start3A_180 = arith.constant 0 : i32
          %dma_start3A_181 = tpu.memref_slice %arg8[%run_scoped3A, %dma_start3A_180] : memref<8x128xi32, #tpu.memory_space<vmem>> -> memref<1x128xi32, #tpu.memory_space<vmem>>
          %dma_start3A_182 = tpu.memref_squeeze %dma_start3A_181 : memref<1x128xi32, #tpu.memory_space<vmem>> -> memref<128xi32, #tpu.memory_space<vmem>>
          %dma_start3A_183 = arith.constant 0 : i32
          %dma_start3A_184 = arith.constant 0 : i32
          %dma_start3A_185 = tpu.memref_slice %arg11[%dma_start3A_183, %dma_start3A_184] : memref<10240x128xf32, #tpu.memory_space<vmem_shared>> -> memref<10240x128xf32, #tpu.memory_space<vmem_shared>>
          tpu.enqueue_indirect_dma source(%arg9 : memref<128x128xf32, #tpu.memory_space<vmem>>) target(%dma_start3A_185 : memref<10240x128xf32, #tpu.memory_space<vmem_shared>>) offsets(%dma_start3A_182 : memref<128xi32, #tpu.memory_space<vmem>>) semaphore(%run_scoped3A_179 : memref<!tpu.dma_semaphore, #tpu.memory_space<semaphore_mem>>) {add = true}
          %dma_wait3A_186 = arith.constant 0 : i32
          %dma_wait3A_187 = tpu.memref_slice %arg8[%run_scoped3A, %dma_wait3A_186] : memref<8x128xi32, #tpu.memory_space<vmem>> -> memref<1x128xi32, #tpu.memory_space<vmem>>
          %dma_wait3A_188 = tpu.memref_squeeze %dma_wait3A_187 : memref<1x128xi32, #tpu.memory_space<vmem>> -> memref<128xi32, #tpu.memory_space<vmem>>
          %dma_wait3A_189 = arith.constant 0 : i32
          %dma_wait3A_190 = arith.constant 0 : i32
          %dma_wait3A_191 = tpu.memref_slice %arg11[%dma_wait3A_189, %dma_wait3A_190] : memref<10240x128xf32, #tpu.memory_space<vmem_shared>> -> memref<10240x128xf32, #tpu.memory_space<vmem_shared>>
          tpu.wait_indirect_dma semaphore(%run_scoped3A_179 : memref<!tpu.dma_semaphore, #tpu.memory_space<semaphore_mem>>) src(%arg9 : memref<128x128xf32, #tpu.memory_space<vmem>>) dst(%dma_wait3A_191 : memref<10240x128xf32, #tpu.memory_space<vmem_shared>>)
          tpu.yield
        }) : () -> ()
        %dma_wait3A_80 = arith.constant 1 : i32
        %dma_wait3A_81 = arith.constant 0 : i32
        %dma_wait3A_82 = tpu.memref_slice %arg7[%dma_wait3A_80, %dma_wait3A_81] : memref<8x128xi32, #tpu.memory_space<vmem>> -> memref<1x128xi32, #tpu.memory_space<vmem>>
        %dma_wait3A_83 = tpu.memref_squeeze %dma_wait3A_82 : memref<1x128xi32, #tpu.memory_space<vmem>> -> memref<128xi32, #tpu.memory_space<vmem>>
        %dma_wait3A_84 = arith.constant 0 : i32
        %dma_wait3A_85 = arith.constant 0 : i32
        %dma_wait3A_86 = tpu.memref_slice %arg2[%dma_wait3A_84, %dma_wait3A_85] : memref<10240x128xf32, #tpu.memory_space<hbm>> -> memref<10240x128xf32, #tpu.memory_space<hbm>>
        tpu.wait_indirect_dma semaphore(%arg13 : memref<!tpu.dma_semaphore, #tpu.memory_space<semaphore_mem>>) src(%dma_wait3A_86 : memref<10240x128xf32, #tpu.memory_space<hbm>>) dst(%arg10 : memref<128x128xf32, #tpu.memory_space<vmem>>)
        %dma_start3A_87 = arith.constant 2 : i32
        %dma_start3A_88 = arith.constant 0 : i32
        %dma_start3A_89 = tpu.memref_slice %arg7[%dma_start3A_87, %dma_start3A_88] : memref<8x128xi32, #tpu.memory_space<vmem>> -> memref<1x128xi32, #tpu.memory_space<vmem>>
        %dma_start3A_90 = tpu.memref_squeeze %dma_start3A_89 : memref<1x128xi32, #tpu.memory_space<vmem>> -> memref<128xi32, #tpu.memory_space<vmem>>
        %dma_start3A_91 = arith.constant 0 : i32
        %dma_start3A_92 = arith.constant 0 : i32
        %dma_start3A_93 = tpu.memref_slice %arg2[%dma_start3A_91, %dma_start3A_92] : memref<10240x128xf32, #tpu.memory_space<hbm>> -> memref<10240x128xf32, #tpu.memory_space<hbm>>
        tpu.enqueue_indirect_dma source(%dma_start3A_93 : memref<10240x128xf32, #tpu.memory_space<hbm>>) target(%arg9 : memref<128x128xf32, #tpu.memory_space<vmem>>) offsets(%dma_start3A_90 : memref<128xi32, #tpu.memory_space<vmem>>) semaphore(%arg12 : memref<!tpu.dma_semaphore, #tpu.memory_space<semaphore_mem>>)
        %run_scoped3A_94 = arith.constant 1 : i32
        "tpu.region"() ({
          %run_scoped3A_179 = tpu.sem_alloc : memref<!tpu.dma_semaphore, #tpu.memory_space<semaphore_mem>>
          %dma_start3A_180 = arith.constant 0 : i32
          %dma_start3A_181 = tpu.memref_slice %arg8[%run_scoped3A_94, %dma_start3A_180] : memref<8x128xi32, #tpu.memory_space<vmem>> -> memref<1x128xi32, #tpu.memory_space<vmem>>
          %dma_start3A_182 = tpu.memref_squeeze %dma_start3A_181 : memref<1x128xi32, #tpu.memory_space<vmem>> -> memref<128xi32, #tpu.memory_space<vmem>>
          %dma_start3A_183 = arith.constant 0 : i32
          %dma_start3A_184 = arith.constant 0 : i32
          %dma_start3A_185 = tpu.memref_slice %arg11[%dma_start3A_183, %dma_start3A_184] : memref<10240x128xf32, #tpu.memory_space<vmem_shared>> -> memref<10240x128xf32, #tpu.memory_space<vmem_shared>>
          tpu.enqueue_indirect_dma source(%arg10 : memref<128x128xf32, #tpu.memory_space<vmem>>) target(%dma_start3A_185 : memref<10240x128xf32, #tpu.memory_space<vmem_shared>>) offsets(%dma_start3A_182 : memref<128xi32, #tpu.memory_space<vmem>>) semaphore(%run_scoped3A_179 : memref<!tpu.dma_semaphore, #tpu.memory_space<semaphore_mem>>) {add = true}
          %dma_wait3A_186 = arith.constant 0 : i32
          %dma_wait3A_187 = tpu.memref_slice %arg8[%run_scoped3A_94, %dma_wait3A_186] : memref<8x128xi32, #tpu.memory_space<vmem>> -> memref<1x128xi32, #tpu.memory_space<vmem>>
          %dma_wait3A_188 = tpu.memref_squeeze %dma_wait3A_187 : memref<1x128xi32, #tpu.memory_space<vmem>> -> memref<128xi32, #tpu.memory_space<vmem>>
          %dma_wait3A_189 = arith.constant 0 : i32
          %dma_wait3A_190 = arith.constant 0 : i32
          %dma_wait3A_191 = tpu.memref_slice %arg11[%dma_wait3A_189, %dma_wait3A_190] : memref<10240x128xf32, #tpu.memory_space<vmem_shared>> -> memref<10240x128xf32, #tpu.memory_space<vmem_shared>>
          tpu.wait_indirect_dma semaphore(%run_scoped3A_179 : memref<!tpu.dma_semaphore, #tpu.memory_space<semaphore_mem>>) src(%arg10 : memref<128x128xf32, #tpu.memory_space<vmem>>) dst(%dma_wait3A_191 : memref<10240x128xf32, #tpu.memory_space<vmem_shared>>)
          tpu.yield
        }) : () -> ()
        %dma_wait3A_95 = arith.constant 2 : i32
        %dma_wait3A_96 = arith.constant 0 : i32
        %dma_wait3A_97 = tpu.memref_slice %arg7[%dma_wait3A_95, %dma_wait3A_96] : memref<8x128xi32, #tpu.memory_space<vmem>> -> memref<1x128xi32, #tpu.memory_space<vmem>>
        %dma_wait3A_98 = tpu.memref_squeeze %dma_wait3A_97 : memref<1x128xi32, #tpu.memory_space<vmem>> -> memref<128xi32, #tpu.memory_space<vmem>>
        %dma_wait3A_99 = arith.constant 0 : i32
        %dma_wait3A_100 = arith.constant 0 : i32
        %dma_wait3A_101 = tpu.memref_slice %arg2[%dma_wait3A_99, %dma_wait3A_100] : memref<10240x128xf32, #tpu.memory_space<hbm>> -> memref<10240x128xf32, #tpu.memory_space<hbm>>
        tpu.wait_indirect_dma semaphore(%arg12 : memref<!tpu.dma_semaphore, #tpu.memory_space<semaphore_mem>>) src(%dma_wait3A_101 : memref<10240x128xf32, #tpu.memory_space<hbm>>) dst(%arg9 : memref<128x128xf32, #tpu.memory_space<vmem>>)
        %dma_start3A_102 = arith.constant 3 : i32
        %dma_start3A_103 = arith.constant 0 : i32
        %dma_start3A_104 = tpu.memref_slice %arg7[%dma_start3A_102, %dma_start3A_103] : memref<8x128xi32, #tpu.memory_space<vmem>> -> memref<1x128xi32, #tpu.memory_space<vmem>>
        %dma_start3A_105 = tpu.memref_squeeze %dma_start3A_104 : memref<1x128xi32, #tpu.memory_space<vmem>> -> memref<128xi32, #tpu.memory_space<vmem>>
        %dma_start3A_106 = arith.constant 0 : i32
        %dma_start3A_107 = arith.constant 0 : i32
        %dma_start3A_108 = tpu.memref_slice %arg2[%dma_start3A_106, %dma_start3A_107] : memref<10240x128xf32, #tpu.memory_space<hbm>> -> memref<10240x128xf32, #tpu.memory_space<hbm>>
        tpu.enqueue_indirect_dma source(%dma_start3A_108 : memref<10240x128xf32, #tpu.memory_space<hbm>>) target(%arg10 : memref<128x128xf32, #tpu.memory_space<vmem>>) offsets(%dma_start3A_105 : memref<128xi32, #tpu.memory_space<vmem>>) semaphore(%arg13 : memref<!tpu.dma_semaphore, #tpu.memory_space<semaphore_mem>>)
        %run_scoped3A_109 = arith.constant 2 : i32
        "tpu.region"() ({
          %run_scoped3A_179 = tpu.sem_alloc : memref<!tpu.dma_semaphore, #tpu.memory_space<semaphore_mem>>
          %dma_start3A_180 = arith.constant 0 : i32
          %dma_start3A_181 = tpu.memref_slice %arg8[%run_scoped3A_109, %dma_start3A_180] : memref<8x128xi32, #tpu.memory_space<vmem>> -> memref<1x128xi32, #tpu.memory_space<vmem>>
          %dma_start3A_182 = tpu.memref_squeeze %dma_start3A_181 : memref<1x128xi32, #tpu.memory_space<vmem>> -> memref<128xi32, #tpu.memory_space<vmem>>
          %dma_start3A_183 = arith.constant 0 : i32
          %dma_start3A_184 = arith.constant 0 : i32
          %dma_start3A_185 = tpu.memref_slice %arg11[%dma_start3A_183, %dma_start3A_184] : memref<10240x128xf32, #tpu.memory_space<vmem_shared>> -> memref<10240x128xf32, #tpu.memory_space<vmem_shared>>
          tpu.enqueue_indirect_dma source(%arg9 : memref<128x128xf32, #tpu.memory_space<vmem>>) target(%dma_start3A_185 : memref<10240x128xf32, #tpu.memory_space<vmem_shared>>) offsets(%dma_start3A_182 : memref<128xi32, #tpu.memory_space<vmem>>) semaphore(%run_scoped3A_179 : memref<!tpu.dma_semaphore, #tpu.memory_space<semaphore_mem>>) {add = true}
          %dma_wait3A_186 = arith.constant 0 : i32
          %dma_wait3A_187 = tpu.memref_slice %arg8[%run_scoped3A_109, %dma_wait3A_186] : memref<8x128xi32, #tpu.memory_space<vmem>> -> memref<1x128xi32, #tpu.memory_space<vmem>>
          %dma_wait3A_188 = tpu.memref_squeeze %dma_wait3A_187 : memref<1x128xi32, #tpu.memory_space<vmem>> -> memref<128xi32, #tpu.memory_space<vmem>>
          %dma_wait3A_189 = arith.constant 0 : i32
          %dma_wait3A_190 = arith.constant 0 : i32
          %dma_wait3A_191 = tpu.memref_slice %arg11[%dma_wait3A_189, %dma_wait3A_190] : memref<10240x128xf32, #tpu.memory_space<vmem_shared>> -> memref<10240x128xf32, #tpu.memory_space<vmem_shared>>
          tpu.wait_indirect_dma semaphore(%run_scoped3A_179 : memref<!tpu.dma_semaphore, #tpu.memory_space<semaphore_mem>>) src(%arg9 : memref<128x128xf32, #tpu.memory_space<vmem>>) dst(%dma_wait3A_191 : memref<10240x128xf32, #tpu.memory_space<vmem_shared>>)
          tpu.yield
        }) : () -> ()
        %dma_wait3A_110 = arith.constant 3 : i32
        %dma_wait3A_111 = arith.constant 0 : i32
        %dma_wait3A_112 = tpu.memref_slice %arg7[%dma_wait3A_110, %dma_wait3A_111] : memref<8x128xi32, #tpu.memory_space<vmem>> -> memref<1x128xi32, #tpu.memory_space<vmem>>
        %dma_wait3A_113 = tpu.memref_squeeze %dma_wait3A_112 : memref<1x128xi32, #tpu.memory_space<vmem>> -> memref<128xi32, #tpu.memory_space<vmem>>
        %dma_wait3A_114 = arith.constant 0 : i32
        %dma_wait3A_115 = arith.constant 0 : i32
        %dma_wait3A_116 = tpu.memref_slice %arg2[%dma_wait3A_114, %dma_wait3A_115] : memref<10240x128xf32, #tpu.memory_space<hbm>> -> memref<10240x128xf32, #tpu.memory_space<hbm>>
        tpu.wait_indirect_dma semaphore(%arg13 : memref<!tpu.dma_semaphore, #tpu.memory_space<semaphore_mem>>) src(%dma_wait3A_116 : memref<10240x128xf32, #tpu.memory_space<hbm>>) dst(%arg10 : memref<128x128xf32, #tpu.memory_space<vmem>>)
        %dma_start3A_117 = arith.constant 4 : i32
        %dma_start3A_118 = arith.constant 0 : i32
        %dma_start3A_119 = tpu.memref_slice %arg7[%dma_start3A_117, %dma_start3A_118] : memref<8x128xi32, #tpu.memory_space<vmem>> -> memref<1x128xi32, #tpu.memory_space<vmem>>
        %dma_start3A_120 = tpu.memref_squeeze %dma_start3A_119 : memref<1x128xi32, #tpu.memory_space<vmem>> -> memref<128xi32, #tpu.memory_space<vmem>>
        %dma_start3A_121 = arith.constant 0 : i32
        %dma_start3A_122 = arith.constant 0 : i32
        %dma_start3A_123 = tpu.memref_slice %arg2[%dma_start3A_121, %dma_start3A_122] : memref<10240x128xf32, #tpu.memory_space<hbm>> -> memref<10240x128xf32, #tpu.memory_space<hbm>>
        tpu.enqueue_indirect_dma source(%dma_start3A_123 : memref<10240x128xf32, #tpu.memory_space<hbm>>) target(%arg9 : memref<128x128xf32, #tpu.memory_space<vmem>>) offsets(%dma_start3A_120 : memref<128xi32, #tpu.memory_space<vmem>>) semaphore(%arg12 : memref<!tpu.dma_semaphore, #tpu.memory_space<semaphore_mem>>)
        %run_scoped3A_124 = arith.constant 3 : i32
        "tpu.region"() ({
          %run_scoped3A_179 = tpu.sem_alloc : memref<!tpu.dma_semaphore, #tpu.memory_space<semaphore_mem>>
          %dma_start3A_180 = arith.constant 0 : i32
          %dma_start3A_181 = tpu.memref_slice %arg8[%run_scoped3A_124, %dma_start3A_180] : memref<8x128xi32, #tpu.memory_space<vmem>> -> memref<1x128xi32, #tpu.memory_space<vmem>>
          %dma_start3A_182 = tpu.memref_squeeze %dma_start3A_181 : memref<1x128xi32, #tpu.memory_space<vmem>> -> memref<128xi32, #tpu.memory_space<vmem>>
          %dma_start3A_183 = arith.constant 0 : i32
          %dma_start3A_184 = arith.constant 0 : i32
          %dma_start3A_185 = tpu.memref_slice %arg11[%dma_start3A_183, %dma_start3A_184] : memref<10240x128xf32, #tpu.memory_space<vmem_shared>> -> memref<10240x128xf32, #tpu.memory_space<vmem_shared>>
          tpu.enqueue_indirect_dma source(%arg10 : memref<128x128xf32, #tpu.memory_space<vmem>>) target(%dma_start3A_185 : memref<10240x128xf32, #tpu.memory_space<vmem_shared>>) offsets(%dma_start3A_182 : memref<128xi32, #tpu.memory_space<vmem>>) semaphore(%run_scoped3A_179 : memref<!tpu.dma_semaphore, #tpu.memory_space<semaphore_mem>>) {add = true}
          %dma_wait3A_186 = arith.constant 0 : i32
          %dma_wait3A_187 = tpu.memref_slice %arg8[%run_scoped3A_124, %dma_wait3A_186] : memref<8x128xi32, #tpu.memory_space<vmem>> -> memref<1x128xi32, #tpu.memory_space<vmem>>
          %dma_wait3A_188 = tpu.memref_squeeze %dma_wait3A_187 : memref<1x128xi32, #tpu.memory_space<vmem>> -> memref<128xi32, #tpu.memory_space<vmem>>
          %dma_wait3A_189 = arith.constant 0 : i32
          %dma_wait3A_190 = arith.constant 0 : i32
          %dma_wait3A_191 = tpu.memref_slice %arg11[%dma_wait3A_189, %dma_wait3A_190] : memref<10240x128xf32, #tpu.memory_space<vmem_shared>> -> memref<10240x128xf32, #tpu.memory_space<vmem_shared>>
          tpu.wait_indirect_dma semaphore(%run_scoped3A_179 : memref<!tpu.dma_semaphore, #tpu.memory_space<semaphore_mem>>) src(%arg10 : memref<128x128xf32, #tpu.memory_space<vmem>>) dst(%dma_wait3A_191 : memref<10240x128xf32, #tpu.memory_space<vmem_shared>>)
          tpu.yield
        }) : () -> ()
        %dma_wait3A_125 = arith.constant 4 : i32
        %dma_wait3A_126 = arith.constant 0 : i32
        %dma_wait3A_127 = tpu.memref_slice %arg7[%dma_wait3A_125, %dma_wait3A_126] : memref<8x128xi32, #tpu.memory_space<vmem>> -> memref<1x128xi32, #tpu.memory_space<vmem>>
        %dma_wait3A_128 = tpu.memref_squeeze %dma_wait3A_127 : memref<1x128xi32, #tpu.memory_space<vmem>> -> memref<128xi32, #tpu.memory_space<vmem>>
        %dma_wait3A_129 = arith.constant 0 : i32
        %dma_wait3A_130 = arith.constant 0 : i32
        %dma_wait3A_131 = tpu.memref_slice %arg2[%dma_wait3A_129, %dma_wait3A_130] : memref<10240x128xf32, #tpu.memory_space<hbm>> -> memref<10240x128xf32, #tpu.memory_space<hbm>>
        tpu.wait_indirect_dma semaphore(%arg12 : memref<!tpu.dma_semaphore, #tpu.memory_space<semaphore_mem>>) src(%dma_wait3A_131 : memref<10240x128xf32, #tpu.memory_space<hbm>>) dst(%arg9 : memref<128x128xf32, #tpu.memory_space<vmem>>)
        %dma_start3A_132 = arith.constant 5 : i32
        %dma_start3A_133 = arith.constant 0 : i32
        %dma_start3A_134 = tpu.memref_slice %arg7[%dma_start3A_132, %dma_start3A_133] : memref<8x128xi32, #tpu.memory_space<vmem>> -> memref<1x128xi32, #tpu.memory_space<vmem>>
        %dma_start3A_135 = tpu.memref_squeeze %dma_start3A_134 : memref<1x128xi32, #tpu.memory_space<vmem>> -> memref<128xi32, #tpu.memory_space<vmem>>
        %dma_start3A_136 = arith.constant 0 : i32
        %dma_start3A_137 = arith.constant 0 : i32
        %dma_start3A_138 = tpu.memref_slice %arg2[%dma_start3A_136, %dma_start3A_137] : memref<10240x128xf32, #tpu.memory_space<hbm>> -> memref<10240x128xf32, #tpu.memory_space<hbm>>
        tpu.enqueue_indirect_dma source(%dma_start3A_138 : memref<10240x128xf32, #tpu.memory_space<hbm>>) target(%arg10 : memref<128x128xf32, #tpu.memory_space<vmem>>) offsets(%dma_start3A_135 : memref<128xi32, #tpu.memory_space<vmem>>) semaphore(%arg13 : memref<!tpu.dma_semaphore, #tpu.memory_space<semaphore_mem>>)
        %run_scoped3A_139 = arith.constant 4 : i32
        "tpu.region"() ({
          %run_scoped3A_179 = tpu.sem_alloc : memref<!tpu.dma_semaphore, #tpu.memory_space<semaphore_mem>>
          %dma_start3A_180 = arith.constant 0 : i32
          %dma_start3A_181 = tpu.memref_slice %arg8[%run_scoped3A_139, %dma_start3A_180] : memref<8x128xi32, #tpu.memory_space<vmem>> -> memref<1x128xi32, #tpu.memory_space<vmem>>
          %dma_start3A_182 = tpu.memref_squeeze %dma_start3A_181 : memref<1x128xi32, #tpu.memory_space<vmem>> -> memref<128xi32, #tpu.memory_space<vmem>>
          %dma_start3A_183 = arith.constant 0 : i32
          %dma_start3A_184 = arith.constant 0 : i32
          %dma_start3A_185 = tpu.memref_slice %arg11[%dma_start3A_183, %dma_start3A_184] : memref<10240x128xf32, #tpu.memory_space<vmem_shared>> -> memref<10240x128xf32, #tpu.memory_space<vmem_shared>>
          tpu.enqueue_indirect_dma source(%arg9 : memref<128x128xf32, #tpu.memory_space<vmem>>) target(%dma_start3A_185 : memref<10240x128xf32, #tpu.memory_space<vmem_shared>>) offsets(%dma_start3A_182 : memref<128xi32, #tpu.memory_space<vmem>>) semaphore(%run_scoped3A_179 : memref<!tpu.dma_semaphore, #tpu.memory_space<semaphore_mem>>) {add = true}
          %dma_wait3A_186 = arith.constant 0 : i32
          %dma_wait3A_187 = tpu.memref_slice %arg8[%run_scoped3A_139, %dma_wait3A_186] : memref<8x128xi32, #tpu.memory_space<vmem>> -> memref<1x128xi32, #tpu.memory_space<vmem>>
          %dma_wait3A_188 = tpu.memref_squeeze %dma_wait3A_187 : memref<1x128xi32, #tpu.memory_space<vmem>> -> memref<128xi32, #tpu.memory_space<vmem>>
          %dma_wait3A_189 = arith.constant 0 : i32
          %dma_wait3A_190 = arith.constant 0 : i32
          %dma_wait3A_191 = tpu.memref_slice %arg11[%dma_wait3A_189, %dma_wait3A_190] : memref<10240x128xf32, #tpu.memory_space<vmem_shared>> -> memref<10240x128xf32, #tpu.memory_space<vmem_shared>>
          tpu.wait_indirect_dma semaphore(%run_scoped3A_179 : memref<!tpu.dma_semaphore, #tpu.memory_space<semaphore_mem>>) src(%arg9 : memref<128x128xf32, #tpu.memory_space<vmem>>) dst(%dma_wait3A_191 : memref<10240x128xf32, #tpu.memory_space<vmem_shared>>)
          tpu.yield
        }) : () -> ()
        %dma_wait3A_140 = arith.constant 5 : i32
        %dma_wait3A_141 = arith.constant 0 : i32
        %dma_wait3A_142 = tpu.memref_slice %arg7[%dma_wait3A_140, %dma_wait3A_141] : memref<8x128xi32, #tpu.memory_space<vmem>> -> memref<1x128xi32, #tpu.memory_space<vmem>>
        %dma_wait3A_143 = tpu.memref_squeeze %dma_wait3A_142 : memref<1x128xi32, #tpu.memory_space<vmem>> -> memref<128xi32, #tpu.memory_space<vmem>>
        %dma_wait3A_144 = arith.constant 0 : i32
        %dma_wait3A_145 = arith.constant 0 : i32
        %dma_wait3A_146 = tpu.memref_slice %arg2[%dma_wait3A_144, %dma_wait3A_145] : memref<10240x128xf32, #tpu.memory_space<hbm>> -> memref<10240x128xf32, #tpu.memory_space<hbm>>
        tpu.wait_indirect_dma semaphore(%arg13 : memref<!tpu.dma_semaphore, #tpu.memory_space<semaphore_mem>>) src(%dma_wait3A_146 : memref<10240x128xf32, #tpu.memory_space<hbm>>) dst(%arg10 : memref<128x128xf32, #tpu.memory_space<vmem>>)
        %dma_start3A_147 = arith.constant 6 : i32
        %dma_start3A_148 = arith.constant 0 : i32
        %dma_start3A_149 = tpu.memref_slice %arg7[%dma_start3A_147, %dma_start3A_148] : memref<8x128xi32, #tpu.memory_space<vmem>> -> memref<1x128xi32, #tpu.memory_space<vmem>>
        %dma_start3A_150 = tpu.memref_squeeze %dma_start3A_149 : memref<1x128xi32, #tpu.memory_space<vmem>> -> memref<128xi32, #tpu.memory_space<vmem>>
        %dma_start3A_151 = arith.constant 0 : i32
        %dma_start3A_152 = arith.constant 0 : i32
        %dma_start3A_153 = tpu.memref_slice %arg2[%dma_start3A_151, %dma_start3A_152] : memref<10240x128xf32, #tpu.memory_space<hbm>> -> memref<10240x128xf32, #tpu.memory_space<hbm>>
        tpu.enqueue_indirect_dma source(%dma_start3A_153 : memref<10240x128xf32, #tpu.memory_space<hbm>>) target(%arg9 : memref<128x128xf32, #tpu.memory_space<vmem>>) offsets(%dma_start3A_150 : memref<128xi32, #tpu.memory_space<vmem>>) semaphore(%arg12 : memref<!tpu.dma_semaphore, #tpu.memory_space<semaphore_mem>>)
        %run_scoped3A_154 = arith.constant 5 : i32
        "tpu.region"() ({
          %run_scoped3A_179 = tpu.sem_alloc : memref<!tpu.dma_semaphore, #tpu.memory_space<semaphore_mem>>
          %dma_start3A_180 = arith.constant 0 : i32
          %dma_start3A_181 = tpu.memref_slice %arg8[%run_scoped3A_154, %dma_start3A_180] : memref<8x128xi32, #tpu.memory_space<vmem>> -> memref<1x128xi32, #tpu.memory_space<vmem>>
          %dma_start3A_182 = tpu.memref_squeeze %dma_start3A_181 : memref<1x128xi32, #tpu.memory_space<vmem>> -> memref<128xi32, #tpu.memory_space<vmem>>
          %dma_start3A_183 = arith.constant 0 : i32
          %dma_start3A_184 = arith.constant 0 : i32
          %dma_start3A_185 = tpu.memref_slice %arg11[%dma_start3A_183, %dma_start3A_184] : memref<10240x128xf32, #tpu.memory_space<vmem_shared>> -> memref<10240x128xf32, #tpu.memory_space<vmem_shared>>
          tpu.enqueue_indirect_dma source(%arg10 : memref<128x128xf32, #tpu.memory_space<vmem>>) target(%dma_start3A_185 : memref<10240x128xf32, #tpu.memory_space<vmem_shared>>) offsets(%dma_start3A_182 : memref<128xi32, #tpu.memory_space<vmem>>) semaphore(%run_scoped3A_179 : memref<!tpu.dma_semaphore, #tpu.memory_space<semaphore_mem>>) {add = true}
          %dma_wait3A_186 = arith.constant 0 : i32
          %dma_wait3A_187 = tpu.memref_slice %arg8[%run_scoped3A_154, %dma_wait3A_186] : memref<8x128xi32, #tpu.memory_space<vmem>> -> memref<1x128xi32, #tpu.memory_space<vmem>>
          %dma_wait3A_188 = tpu.memref_squeeze %dma_wait3A_187 : memref<1x128xi32, #tpu.memory_space<vmem>> -> memref<128xi32, #tpu.memory_space<vmem>>
          %dma_wait3A_189 = arith.constant 0 : i32
          %dma_wait3A_190 = arith.constant 0 : i32
          %dma_wait3A_191 = tpu.memref_slice %arg11[%dma_wait3A_189, %dma_wait3A_190] : memref<10240x128xf32, #tpu.memory_space<vmem_shared>> -> memref<10240x128xf32, #tpu.memory_space<vmem_shared>>
          tpu.wait_indirect_dma semaphore(%run_scoped3A_179 : memref<!tpu.dma_semaphore, #tpu.memory_space<semaphore_mem>>) src(%arg10 : memref<128x128xf32, #tpu.memory_space<vmem>>) dst(%dma_wait3A_191 : memref<10240x128xf32, #tpu.memory_space<vmem_shared>>)
          tpu.yield
        }) : () -> ()
        %dma_wait3A_155 = arith.constant 6 : i32
        %dma_wait3A_156 = arith.constant 0 : i32
        %dma_wait3A_157 = tpu.memref_slice %arg7[%dma_wait3A_155, %dma_wait3A_156] : memref<8x128xi32, #tpu.memory_space<vmem>> -> memref<1x128xi32, #tpu.memory_space<vmem>>
        %dma_wait3A_158 = tpu.memref_squeeze %dma_wait3A_157 : memref<1x128xi32, #tpu.memory_space<vmem>> -> memref<128xi32, #tpu.memory_space<vmem>>
        %dma_wait3A_159 = arith.constant 0 : i32
        %dma_wait3A_160 = arith.constant 0 : i32
        %dma_wait3A_161 = tpu.memref_slice %arg2[%dma_wait3A_159, %dma_wait3A_160] : memref<10240x128xf32, #tpu.memory_space<hbm>> -> memref<10240x128xf32, #tpu.memory_space<hbm>>
        tpu.wait_indirect_dma semaphore(%arg12 : memref<!tpu.dma_semaphore, #tpu.memory_space<semaphore_mem>>) src(%dma_wait3A_161 : memref<10240x128xf32, #tpu.memory_space<hbm>>) dst(%arg9 : memref<128x128xf32, #tpu.memory_space<vmem>>)
        %dma_start3A_162 = arith.constant 7 : i32
        %dma_start3A_163 = arith.constant 0 : i32
        %dma_start3A_164 = tpu.memref_slice %arg7[%dma_start3A_162, %dma_start3A_163] : memref<8x128xi32, #tpu.memory_space<vmem>> -> memref<1x128xi32, #tpu.memory_space<vmem>>
        %dma_start3A_165 = tpu.memref_squeeze %dma_start3A_164 : memref<1x128xi32, #tpu.memory_space<vmem>> -> memref<128xi32, #tpu.memory_space<vmem>>
        %dma_start3A_166 = arith.constant 0 : i32
        %dma_start3A_167 = arith.constant 0 : i32
        %dma_start3A_168 = tpu.memref_slice %arg2[%dma_start3A_166, %dma_start3A_167] : memref<10240x128xf32, #tpu.memory_space<hbm>> -> memref<10240x128xf32, #tpu.memory_space<hbm>>
        tpu.enqueue_indirect_dma source(%dma_start3A_168 : memref<10240x128xf32, #tpu.memory_space<hbm>>) target(%arg10 : memref<128x128xf32, #tpu.memory_space<vmem>>) offsets(%dma_start3A_165 : memref<128xi32, #tpu.memory_space<vmem>>) semaphore(%arg13 : memref<!tpu.dma_semaphore, #tpu.memory_space<semaphore_mem>>)
        %run_scoped3A_169 = arith.constant 6 : i32
        "tpu.region"() ({
          %run_scoped3A_179 = tpu.sem_alloc : memref<!tpu.dma_semaphore, #tpu.memory_space<semaphore_mem>>
          %dma_start3A_180 = arith.constant 0 : i32
          %dma_start3A_181 = tpu.memref_slice %arg8[%run_scoped3A_169, %dma_start3A_180] : memref<8x128xi32, #tpu.memory_space<vmem>> -> memref<1x128xi32, #tpu.memory_space<vmem>>
          %dma_start3A_182 = tpu.memref_squeeze %dma_start3A_181 : memref<1x128xi32, #tpu.memory_space<vmem>> -> memref<128xi32, #tpu.memory_space<vmem>>
          %dma_start3A_183 = arith.constant 0 : i32
          %dma_start3A_184 = arith.constant 0 : i32
          %dma_start3A_185 = tpu.memref_slice %arg11[%dma_start3A_183, %dma_start3A_184] : memref<10240x128xf32, #tpu.memory_space<vmem_shared>> -> memref<10240x128xf32, #tpu.memory_space<vmem_shared>>
          tpu.enqueue_indirect_dma source(%arg9 : memref<128x128xf32, #tpu.memory_space<vmem>>) target(%dma_start3A_185 : memref<10240x128xf32, #tpu.memory_space<vmem_shared>>) offsets(%dma_start3A_182 : memref<128xi32, #tpu.memory_space<vmem>>) semaphore(%run_scoped3A_179 : memref<!tpu.dma_semaphore, #tpu.memory_space<semaphore_mem>>) {add = true}
          %dma_wait3A_186 = arith.constant 0 : i32
          %dma_wait3A_187 = tpu.memref_slice %arg8[%run_scoped3A_169, %dma_wait3A_186] : memref<8x128xi32, #tpu.memory_space<vmem>> -> memref<1x128xi32, #tpu.memory_space<vmem>>
          %dma_wait3A_188 = tpu.memref_squeeze %dma_wait3A_187 : memref<1x128xi32, #tpu.memory_space<vmem>> -> memref<128xi32, #tpu.memory_space<vmem>>
          %dma_wait3A_189 = arith.constant 0 : i32
          %dma_wait3A_190 = arith.constant 0 : i32
          %dma_wait3A_191 = tpu.memref_slice %arg11[%dma_wait3A_189, %dma_wait3A_190] : memref<10240x128xf32, #tpu.memory_space<vmem_shared>> -> memref<10240x128xf32, #tpu.memory_space<vmem_shared>>
          tpu.wait_indirect_dma semaphore(%run_scoped3A_179 : memref<!tpu.dma_semaphore, #tpu.memory_space<semaphore_mem>>) src(%arg9 : memref<128x128xf32, #tpu.memory_space<vmem>>) dst(%dma_wait3A_191 : memref<10240x128xf32, #tpu.memory_space<vmem_shared>>)
          tpu.yield
        }) : () -> ()
        %dma_wait3A_170 = arith.constant 7 : i32
        %dma_wait3A_171 = arith.constant 0 : i32
        %dma_wait3A_172 = tpu.memref_slice %arg7[%dma_wait3A_170, %dma_wait3A_171] : memref<8x128xi32, #tpu.memory_space<vmem>> -> memref<1x128xi32, #tpu.memory_space<vmem>>
        %dma_wait3A_173 = tpu.memref_squeeze %dma_wait3A_172 : memref<1x128xi32, #tpu.memory_space<vmem>> -> memref<128xi32, #tpu.memory_space<vmem>>
        %dma_wait3A_174 = arith.constant 0 : i32
        %dma_wait3A_175 = arith.constant 0 : i32
        %dma_wait3A_176 = tpu.memref_slice %arg2[%dma_wait3A_174, %dma_wait3A_175] : memref<10240x128xf32, #tpu.memory_space<hbm>> -> memref<10240x128xf32, #tpu.memory_space<hbm>>
        tpu.wait_indirect_dma semaphore(%arg13 : memref<!tpu.dma_semaphore, #tpu.memory_space<semaphore_mem>>) src(%dma_wait3A_176 : memref<10240x128xf32, #tpu.memory_space<hbm>>) dst(%arg10 : memref<128x128xf32, #tpu.memory_space<vmem>>)
        %run_scoped3A_177 = arith.constant 7 : i32
        "tpu.region"() ({
          %run_scoped3A_179 = tpu.sem_alloc : memref<!tpu.dma_semaphore, #tpu.memory_space<semaphore_mem>>
          %dma_start3A_180 = arith.constant 0 : i32
          %dma_start3A_181 = tpu.memref_slice %arg8[%run_scoped3A_177, %dma_start3A_180] : memref<8x128xi32, #tpu.memory_space<vmem>> -> memref<1x128xi32, #tpu.memory_space<vmem>>
          %dma_start3A_182 = tpu.memref_squeeze %dma_start3A_181 : memref<1x128xi32, #tpu.memory_space<vmem>> -> memref<128xi32, #tpu.memory_space<vmem>>
          %dma_start3A_183 = arith.constant 0 : i32
          %dma_start3A_184 = arith.constant 0 : i32
          %dma_start3A_185 = tpu.memref_slice %arg11[%dma_start3A_183, %dma_start3A_184] : memref<10240x128xf32, #tpu.memory_space<vmem_shared>> -> memref<10240x128xf32, #tpu.memory_space<vmem_shared>>
          tpu.enqueue_indirect_dma source(%arg10 : memref<128x128xf32, #tpu.memory_space<vmem>>) target(%dma_start3A_185 : memref<10240x128xf32, #tpu.memory_space<vmem_shared>>) offsets(%dma_start3A_182 : memref<128xi32, #tpu.memory_space<vmem>>) semaphore(%run_scoped3A_179 : memref<!tpu.dma_semaphore, #tpu.memory_space<semaphore_mem>>) {add = true}
          %dma_wait3A_186 = arith.constant 0 : i32
          %dma_wait3A_187 = tpu.memref_slice %arg8[%run_scoped3A_177, %dma_wait3A_186] : memref<8x128xi32, #tpu.memory_space<vmem>> -> memref<1x128xi32, #tpu.memory_space<vmem>>
          %dma_wait3A_188 = tpu.memref_squeeze %dma_wait3A_187 : memref<1x128xi32, #tpu.memory_space<vmem>> -> memref<128xi32, #tpu.memory_space<vmem>>
          %dma_wait3A_189 = arith.constant 0 : i32
          %dma_wait3A_190 = arith.constant 0 : i32
          %dma_wait3A_191 = tpu.memref_slice %arg11[%dma_wait3A_189, %dma_wait3A_190] : memref<10240x128xf32, #tpu.memory_space<vmem_shared>> -> memref<10240x128xf32, #tpu.memory_space<vmem_shared>>
          tpu.wait_indirect_dma semaphore(%run_scoped3A_179 : memref<!tpu.dma_semaphore, #tpu.memory_space<semaphore_mem>>) src(%arg10 : memref<128x128xf32, #tpu.memory_space<vmem>>) dst(%dma_wait3A_191 : memref<10240x128xf32, #tpu.memory_space<vmem_shared>>)
          tpu.yield
        }) : () -> ()
        %scan3A_178 = arith.constant 0 : i32
        scf.yield %scan3A_178 : i32
      }
      %scan3A_52 = arith.constant 5 : i32
    } else {
    }
    %barrier3A_8 = arith.constant 0 : index
    tpu.barrier barrier_id(%barrier3A_8)
    %mul3A_9 = arith.constant 10240 : i32
    %mul3A_10 = arith.muli %arg0, %mul3A_9 : i32
    %mul3A_11 = arith.constant 640 : i32
    %mul3A_12 = arith.muli %arg1, %mul3A_11 : i32
    %add3A = arith.addi %mul3A_10, %mul3A_12 : i32
    %mul3A_13 = arith.constant 640 : i32
    %mul3A_14 = arith.muli %arg1, %mul3A_13 : i32
    %add3A_15 = arith.constant 0 : i32
    %add3A_16 = arith.addi %mul3A_14, %add3A_15 : i32
    "tpu.region"() ({
      %run_scoped3A = tpu.sem_alloc : memref<!tpu.dma_semaphore, #tpu.memory_space<semaphore_mem>>
      %dma_start3A = arith.constant 0 : i32
      %dma_start3A_43 = tpu.memref_slice %arg11[%add3A_16, %dma_start3A] : memref<10240x128xf32, #tpu.memory_space<vmem_shared>> -> memref<128x128xf32, #tpu.memory_space<vmem_shared>>
      %dma_start3A_44 = arith.constant 0 : i32
      %dma_start3A_45 = tpu.memref_slice %arg11[%add3A_16, %dma_start3A_44] : memref<10240x128xf32, #tpu.memory_space<vmem_shared>> -> memref<128x128xf32, #tpu.memory_space<vmem_shared>>
      tpu.enqueue_dma source(%dma_start3A_45 : memref<128x128xf32, #tpu.memory_space<vmem_shared>>) target(%arg9 : memref<128x128xf32, #tpu.memory_space<vmem>>) target_semaphore(%run_scoped3A : memref<!tpu.dma_semaphore, #tpu.memory_space<semaphore_mem>>)
      %dma_wait3A = arith.constant 0 : i32
      %dma_wait3A_46 = tpu.memref_slice %arg11[%add3A_16, %dma_wait3A] : memref<10240x128xf32, #tpu.memory_space<vmem_shared>> -> memref<128x128xf32, #tpu.memory_space<vmem_shared>>
      %dma_wait3A_47 = arith.constant 0 : i32
      %dma_wait3A_48 = tpu.memref_slice %arg11[%add3A_16, %dma_wait3A_47] : memref<10240x128xf32, #tpu.memory_space<vmem_shared>> -> memref<128x128xf32, #tpu.memory_space<vmem_shared>>
      tpu.wait_dma2 semaphore(%run_scoped3A : memref<!tpu.dma_semaphore, #tpu.memory_space<semaphore_mem>>) src(%dma_wait3A_48 : memref<128x128xf32, #tpu.memory_space<vmem_shared>>) dst(%arg9 : memref<128x128xf32, #tpu.memory_space<vmem>>)
      tpu.yield
    }) : () -> ()
    %add3A_17 = arith.constant 0 : i32
    %add3A_18 = arith.addi %add3A, %add3A_17 : i32
    "tpu.region"() ({
      %run_scoped3A = tpu.sem_alloc : memref<!tpu.dma_semaphore, #tpu.memory_space<semaphore_mem>>
      %dma_start3A = arith.constant 0 : i32
      %dma_start3A_43 = tpu.memref_slice %arg6[%add3A_18, %dma_start3A] : memref<20480x128xf32, #tpu.memory_space<hbm>> -> memref<128x128xf32, #tpu.memory_space<hbm>>
      %dma_start3A_44 = arith.constant 0 : i32
      %dma_start3A_45 = tpu.memref_slice %arg6[%add3A_18, %dma_start3A_44] : memref<20480x128xf32, #tpu.memory_space<hbm>> -> memref<128x128xf32, #tpu.memory_space<hbm>>
      tpu.enqueue_dma source(%arg9 : memref<128x128xf32, #tpu.memory_space<vmem>>) target(%dma_start3A_45 : memref<128x128xf32, #tpu.memory_space<hbm>>) target_semaphore(%run_scoped3A : memref<!tpu.dma_semaphore, #tpu.memory_space<semaphore_mem>>)
      %dma_wait3A = arith.constant 0 : i32
      %dma_wait3A_46 = tpu.memref_slice %arg6[%add3A_18, %dma_wait3A] : memref<20480x128xf32, #tpu.memory_space<hbm>> -> memref<128x128xf32, #tpu.memory_space<hbm>>
      %dma_wait3A_47 = arith.constant 0 : i32
      %dma_wait3A_48 = tpu.memref_slice %arg6[%add3A_18, %dma_wait3A_47] : memref<20480x128xf32, #tpu.memory_space<hbm>> -> memref<128x128xf32, #tpu.memory_space<hbm>>
      tpu.wait_dma2 semaphore(%run_scoped3A : memref<!tpu.dma_semaphore, #tpu.memory_space<semaphore_mem>>) src(%arg9 : memref<128x128xf32, #tpu.memory_space<vmem>>) dst(%dma_wait3A_48 : memref<128x128xf32, #tpu.memory_space<hbm>>)
      tpu.yield
    }) : () -> ()
    %mul3A_19 = arith.constant 640 : i32
    %mul3A_20 = arith.muli %arg1, %mul3A_19 : i32
    %add3A_21 = arith.constant 128 : i32
    %add3A_22 = arith.addi %mul3A_20, %add3A_21 : i32
    "tpu.region"() ({
      %run_scoped3A = tpu.sem_alloc : memref<!tpu.dma_semaphore, #tpu.memory_space<semaphore_mem>>
      %dma_start3A = arith.constant 0 : i32
      %dma_start3A_43 = tpu.memref_slice %arg11[%add3A_22, %dma_start3A] : memref<10240x128xf32, #tpu.memory_space<vmem_shared>> -> memref<128x128xf32, #tpu.memory_space<vmem_shared>>
      %dma_start3A_44 = arith.constant 0 : i32
      %dma_start3A_45 = tpu.memref_slice %arg11[%add3A_22, %dma_start3A_44] : memref<10240x128xf32, #tpu.memory_space<vmem_shared>> -> memref<128x128xf32, #tpu.memory_space<vmem_shared>>
      tpu.enqueue_dma source(%dma_start3A_45 : memref<128x128xf32, #tpu.memory_space<vmem_shared>>) target(%arg9 : memref<128x128xf32, #tpu.memory_space<vmem>>) target_semaphore(%run_scoped3A : memref<!tpu.dma_semaphore, #tpu.memory_space<semaphore_mem>>)
      %dma_wait3A = arith.constant 0 : i32
      %dma_wait3A_46 = tpu.memref_slice %arg11[%add3A_22, %dma_wait3A] : memref<10240x128xf32, #tpu.memory_space<vmem_shared>> -> memref<128x128xf32, #tpu.memory_space<vmem_shared>>
      %dma_wait3A_47 = arith.constant 0 : i32
      %dma_wait3A_48 = tpu.memref_slice %arg11[%add3A_22, %dma_wait3A_47] : memref<10240x128xf32, #tpu.memory_space<vmem_shared>> -> memref<128x128xf32, #tpu.memory_space<vmem_shared>>
      tpu.wait_dma2 semaphore(%run_scoped3A : memref<!tpu.dma_semaphore, #tpu.memory_space<semaphore_mem>>) src(%dma_wait3A_48 : memref<128x128xf32, #tpu.memory_space<vmem_shared>>) dst(%arg9 : memref<128x128xf32, #tpu.memory_space<vmem>>)
      tpu.yield
    }) : () -> ()
    %add3A_23 = arith.constant 128 : i32
    %add3A_24 = arith.addi %add3A, %add3A_23 : i32
    "tpu.region"() ({
      %run_scoped3A = tpu.sem_alloc : memref<!tpu.dma_semaphore, #tpu.memory_space<semaphore_mem>>
      %dma_start3A = arith.constant 0 : i32
      %dma_start3A_43 = tpu.memref_slice %arg6[%add3A_24, %dma_start3A] : memref<20480x128xf32, #tpu.memory_space<hbm>> -> memref<128x128xf32, #tpu.memory_space<hbm>>
      %dma_start3A_44 = arith.constant 0 : i32
      %dma_start3A_45 = tpu.memref_slice %arg6[%add3A_24, %dma_start3A_44] : memref<20480x128xf32, #tpu.memory_space<hbm>> -> memref<128x128xf32, #tpu.memory_space<hbm>>
      tpu.enqueue_dma source(%arg9 : memref<128x128xf32, #tpu.memory_space<vmem>>) target(%dma_start3A_45 : memref<128x128xf32, #tpu.memory_space<hbm>>) target_semaphore(%run_scoped3A : memref<!tpu.dma_semaphore, #tpu.memory_space<semaphore_mem>>)
      %dma_wait3A = arith.constant 0 : i32
      %dma_wait3A_46 = tpu.memref_slice %arg6[%add3A_24, %dma_wait3A] : memref<20480x128xf32, #tpu.memory_space<hbm>> -> memref<128x128xf32, #tpu.memory_space<hbm>>
      %dma_wait3A_47 = arith.constant 0 : i32
      %dma_wait3A_48 = tpu.memref_slice %arg6[%add3A_24, %dma_wait3A_47] : memref<20480x128xf32, #tpu.memory_space<hbm>> -> memref<128x128xf32, #tpu.memory_space<hbm>>
      tpu.wait_dma2 semaphore(%run_scoped3A : memref<!tpu.dma_semaphore, #tpu.memory_space<semaphore_mem>>) src(%arg9 : memref<128x128xf32, #tpu.memory_space<vmem>>) dst(%dma_wait3A_48 : memref<128x128xf32, #tpu.memory_space<hbm>>)
      tpu.yield
    }) : () -> ()
    %mul3A_25 = arith.constant 640 : i32
    %mul3A_26 = arith.muli %arg1, %mul3A_25 : i32
    %add3A_27 = arith.constant 256 : i32
    %add3A_28 = arith.addi %mul3A_26, %add3A_27 : i32
    "tpu.region"() ({
      %run_scoped3A = tpu.sem_alloc : memref<!tpu.dma_semaphore, #tpu.memory_space<semaphore_mem>>
      %dma_start3A = arith.constant 0 : i32
      %dma_start3A_43 = tpu.memref_slice %arg11[%add3A_28, %dma_start3A] : memref<10240x128xf32, #tpu.memory_space<vmem_shared>> -> memref<128x128xf32, #tpu.memory_space<vmem_shared>>
      %dma_start3A_44 = arith.constant 0 : i32
      %dma_start3A_45 = tpu.memref_slice %arg11[%add3A_28, %dma_start3A_44] : memref<10240x128xf32, #tpu.memory_space<vmem_shared>> -> memref<128x128xf32, #tpu.memory_space<vmem_shared>>
      tpu.enqueue_dma source(%dma_start3A_45 : memref<128x128xf32, #tpu.memory_space<vmem_shared>>) target(%arg9 : memref<128x128xf32, #tpu.memory_space<vmem>>) target_semaphore(%run_scoped3A : memref<!tpu.dma_semaphore, #tpu.memory_space<semaphore_mem>>)
      %dma_wait3A = arith.constant 0 : i32
      %dma_wait3A_46 = tpu.memref_slice %arg11[%add3A_28, %dma_wait3A] : memref<10240x128xf32, #tpu.memory_space<vmem_shared>> -> memref<128x128xf32, #tpu.memory_space<vmem_shared>>
      %dma_wait3A_47 = arith.constant 0 : i32
      %dma_wait3A_48 = tpu.memref_slice %arg11[%add3A_28, %dma_wait3A_47] : memref<10240x128xf32, #tpu.memory_space<vmem_shared>> -> memref<128x128xf32, #tpu.memory_space<vmem_shared>>
      tpu.wait_dma2 semaphore(%run_scoped3A : memref<!tpu.dma_semaphore, #tpu.memory_space<semaphore_mem>>) src(%dma_wait3A_48 : memref<128x128xf32, #tpu.memory_space<vmem_shared>>) dst(%arg9 : memref<128x128xf32, #tpu.memory_space<vmem>>)
      tpu.yield
    }) : () -> ()
    %add3A_29 = arith.constant 256 : i32
    %add3A_30 = arith.addi %add3A, %add3A_29 : i32
    "tpu.region"() ({
      %run_scoped3A = tpu.sem_alloc : memref<!tpu.dma_semaphore, #tpu.memory_space<semaphore_mem>>
      %dma_start3A = arith.constant 0 : i32
      %dma_start3A_43 = tpu.memref_slice %arg6[%add3A_30, %dma_start3A] : memref<20480x128xf32, #tpu.memory_space<hbm>> -> memref<128x128xf32, #tpu.memory_space<hbm>>
      %dma_start3A_44 = arith.constant 0 : i32
      %dma_start3A_45 = tpu.memref_slice %arg6[%add3A_30, %dma_start3A_44] : memref<20480x128xf32, #tpu.memory_space<hbm>> -> memref<128x128xf32, #tpu.memory_space<hbm>>
      tpu.enqueue_dma source(%arg9 : memref<128x128xf32, #tpu.memory_space<vmem>>) target(%dma_start3A_45 : memref<128x128xf32, #tpu.memory_space<hbm>>) target_semaphore(%run_scoped3A : memref<!tpu.dma_semaphore, #tpu.memory_space<semaphore_mem>>)
      %dma_wait3A = arith.constant 0 : i32
      %dma_wait3A_46 = tpu.memref_slice %arg6[%add3A_30, %dma_wait3A] : memref<20480x128xf32, #tpu.memory_space<hbm>> -> memref<128x128xf32, #tpu.memory_space<hbm>>
      %dma_wait3A_47 = arith.constant 0 : i32
      %dma_wait3A_48 = tpu.memref_slice %arg6[%add3A_30, %dma_wait3A_47] : memref<20480x128xf32, #tpu.memory_space<hbm>> -> memref<128x128xf32, #tpu.memory_space<hbm>>
      tpu.wait_dma2 semaphore(%run_scoped3A : memref<!tpu.dma_semaphore, #tpu.memory_space<semaphore_mem>>) src(%arg9 : memref<128x128xf32, #tpu.memory_space<vmem>>) dst(%dma_wait3A_48 : memref<128x128xf32, #tpu.memory_space<hbm>>)
      tpu.yield
    }) : () -> ()
    %mul3A_31 = arith.constant 640 : i32
    %mul3A_32 = arith.muli %arg1, %mul3A_31 : i32
    %add3A_33 = arith.constant 384 : i32
    %add3A_34 = arith.addi %mul3A_32, %add3A_33 : i32
    "tpu.region"() ({
      %run_scoped3A = tpu.sem_alloc : memref<!tpu.dma_semaphore, #tpu.memory_space<semaphore_mem>>
      %dma_start3A = arith.constant 0 : i32
      %dma_start3A_43 = tpu.memref_slice %arg11[%add3A_34, %dma_start3A] : memref<10240x128xf32, #tpu.memory_space<vmem_shared>> -> memref<128x128xf32, #tpu.memory_space<vmem_shared>>
      %dma_start3A_44 = arith.constant 0 : i32
      %dma_start3A_45 = tpu.memref_slice %arg11[%add3A_34, %dma_start3A_44] : memref<10240x128xf32, #tpu.memory_space<vmem_shared>> -> memref<128x128xf32, #tpu.memory_space<vmem_shared>>
      tpu.enqueue_dma source(%dma_start3A_45 : memref<128x128xf32, #tpu.memory_space<vmem_shared>>) target(%arg9 : memref<128x128xf32, #tpu.memory_space<vmem>>) target_semaphore(%run_scoped3A : memref<!tpu.dma_semaphore, #tpu.memory_space<semaphore_mem>>)
      %dma_wait3A = arith.constant 0 : i32
      %dma_wait3A_46 = tpu.memref_slice %arg11[%add3A_34, %dma_wait3A] : memref<10240x128xf32, #tpu.memory_space<vmem_shared>> -> memref<128x128xf32, #tpu.memory_space<vmem_shared>>
      %dma_wait3A_47 = arith.constant 0 : i32
      %dma_wait3A_48 = tpu.memref_slice %arg11[%add3A_34, %dma_wait3A_47] : memref<10240x128xf32, #tpu.memory_space<vmem_shared>> -> memref<128x128xf32, #tpu.memory_space<vmem_shared>>
      tpu.wait_dma2 semaphore(%run_scoped3A : memref<!tpu.dma_semaphore, #tpu.memory_space<semaphore_mem>>) src(%dma_wait3A_48 : memref<128x128xf32, #tpu.memory_space<vmem_shared>>) dst(%arg9 : memref<128x128xf32, #tpu.memory_space<vmem>>)
      tpu.yield
    }) : () -> ()
    %add3A_35 = arith.constant 384 : i32
    %add3A_36 = arith.addi %add3A, %add3A_35 : i32
    "tpu.region"() ({
      %run_scoped3A = tpu.sem_alloc : memref<!tpu.dma_semaphore, #tpu.memory_space<semaphore_mem>>
      %dma_start3A = arith.constant 0 : i32
      %dma_start3A_43 = tpu.memref_slice %arg6[%add3A_36, %dma_start3A] : memref<20480x128xf32, #tpu.memory_space<hbm>> -> memref<128x128xf32, #tpu.memory_space<hbm>>
      %dma_start3A_44 = arith.constant 0 : i32
      %dma_start3A_45 = tpu.memref_slice %arg6[%add3A_36, %dma_start3A_44] : memref<20480x128xf32, #tpu.memory_space<hbm>> -> memref<128x128xf32, #tpu.memory_space<hbm>>
      tpu.enqueue_dma source(%arg9 : memref<128x128xf32, #tpu.memory_space<vmem>>) target(%dma_start3A_45 : memref<128x128xf32, #tpu.memory_space<hbm>>) target_semaphore(%run_scoped3A : memref<!tpu.dma_semaphore, #tpu.memory_space<semaphore_mem>>)
      %dma_wait3A = arith.constant 0 : i32
      %dma_wait3A_46 = tpu.memref_slice %arg6[%add3A_36, %dma_wait3A] : memref<20480x128xf32, #tpu.memory_space<hbm>> -> memref<128x128xf32, #tpu.memory_space<hbm>>
      %dma_wait3A_47 = arith.constant 0 : i32
      %dma_wait3A_48 = tpu.memref_slice %arg6[%add3A_36, %dma_wait3A_47] : memref<20480x128xf32, #tpu.memory_space<hbm>> -> memref<128x128xf32, #tpu.memory_space<hbm>>
      tpu.wait_dma2 semaphore(%run_scoped3A : memref<!tpu.dma_semaphore, #tpu.memory_space<semaphore_mem>>) src(%arg9 : memref<128x128xf32, #tpu.memory_space<vmem>>) dst(%dma_wait3A_48 : memref<128x128xf32, #tpu.memory_space<hbm>>)
      tpu.yield
    }) : () -> ()
    %mul3A_37 = arith.constant 640 : i32
    %mul3A_38 = arith.muli %arg1, %mul3A_37 : i32
    %add3A_39 = arith.constant 512 : i32
    %add3A_40 = arith.addi %mul3A_38, %add3A_39 : i32
    "tpu.region"() ({
      %run_scoped3A = tpu.sem_alloc : memref<!tpu.dma_semaphore, #tpu.memory_space<semaphore_mem>>
      %dma_start3A = arith.constant 0 : i32
      %dma_start3A_43 = tpu.memref_slice %arg11[%add3A_40, %dma_start3A] : memref<10240x128xf32, #tpu.memory_space<vmem_shared>> -> memref<128x128xf32, #tpu.memory_space<vmem_shared>>
      %dma_start3A_44 = arith.constant 0 : i32
      %dma_start3A_45 = tpu.memref_slice %arg11[%add3A_40, %dma_start3A_44] : memref<10240x128xf32, #tpu.memory_space<vmem_shared>> -> memref<128x128xf32, #tpu.memory_space<vmem_shared>>
      tpu.enqueue_dma source(%dma_start3A_45 : memref<128x128xf32, #tpu.memory_space<vmem_shared>>) target(%arg9 : memref<128x128xf32, #tpu.memory_space<vmem>>) target_semaphore(%run_scoped3A : memref<!tpu.dma_semaphore, #tpu.memory_space<semaphore_mem>>)
      %dma_wait3A = arith.constant 0 : i32
      %dma_wait3A_46 = tpu.memref_slice %arg11[%add3A_40, %dma_wait3A] : memref<10240x128xf32, #tpu.memory_space<vmem_shared>> -> memref<128x128xf32, #tpu.memory_space<vmem_shared>>
      %dma_wait3A_47 = arith.constant 0 : i32
      %dma_wait3A_48 = tpu.memref_slice %arg11[%add3A_40, %dma_wait3A_47] : memref<10240x128xf32, #tpu.memory_space<vmem_shared>> -> memref<128x128xf32, #tpu.memory_space<vmem_shared>>
      tpu.wait_dma2 semaphore(%run_scoped3A : memref<!tpu.dma_semaphore, #tpu.memory_space<semaphore_mem>>) src(%dma_wait3A_48 : memref<128x128xf32, #tpu.memory_space<vmem_shared>>) dst(%arg9 : memref<128x128xf32, #tpu.memory_space<vmem>>)
      tpu.yield
    }) : () -> ()
    %add3A_41 = arith.constant 512 : i32
    %add3A_42 = arith.addi %add3A, %add3A_41 : i32
    "tpu.region"() ({
      %run_scoped3A = tpu.sem_alloc : memref<!tpu.dma_semaphore, #tpu.memory_space<semaphore_mem>>
      %dma_start3A = arith.constant 0 : i32
      %dma_start3A_43 = tpu.memref_slice %arg6[%add3A_42, %dma_start3A] : memref<20480x128xf32, #tpu.memory_space<hbm>> -> memref<128x128xf32, #tpu.memory_space<hbm>>
      %dma_start3A_44 = arith.constant 0 : i32
      %dma_start3A_45 = tpu.memref_slice %arg6[%add3A_42, %dma_start3A_44] : memref<20480x128xf32, #tpu.memory_space<hbm>> -> memref<128x128xf32, #tpu.memory_space<hbm>>
      tpu.enqueue_dma source(%arg9 : memref<128x128xf32, #tpu.memory_space<vmem>>) target(%dma_start3A_45 : memref<128x128xf32, #tpu.memory_space<hbm>>) target_semaphore(%run_scoped3A : memref<!tpu.dma_semaphore, #tpu.memory_space<semaphore_mem>>)
      %dma_wait3A = arith.constant 0 : i32
      %dma_wait3A_46 = tpu.memref_slice %arg6[%add3A_42, %dma_wait3A] : memref<20480x128xf32, #tpu.memory_space<hbm>> -> memref<128x128xf32, #tpu.memory_space<hbm>>
      %dma_wait3A_47 = arith.constant 0 : i32
      %dma_wait3A_48 = tpu.memref_slice %arg6[%add3A_42, %dma_wait3A_47] : memref<20480x128xf32, #tpu.memory_space<hbm>> -> memref<128x128xf32, #tpu.memory_space<hbm>>
      tpu.wait_dma2 semaphore(%run_scoped3A : memref<!tpu.dma_semaphore, #tpu.memory_space<semaphore_mem>>) src(%arg9 : memref<128x128xf32, #tpu.memory_space<vmem>>) dst(%dma_wait3A_48 : memref<128x128xf32, #tpu.memory_space<hbm>>)
      tpu.yield
    }) : () -> ()
    return
  }
}

#map = affine_map<(d0, d1) -> (0, 0)>
module attributes {stable_mosaic.version = 14 : i64} {
  func.func @seg_sum(%arg0: i32, %arg1: i32, %arg2: memref<10240x128xf32, #tpu.memory_space<hbm>>, %arg3: memref<2560x128xi32, #tpu.memory_space<hbm>>, %arg4: memref<2560x128xi32, #tpu.memory_space<hbm>>, %arg5: memref<640x128xf32, #tpu.memory_space<hbm>>, %arg6: memref<20480x128xf32, #tpu.memory_space<hbm>>, %arg7: memref<8x128xi32, #tpu.memory_space<vmem>>, %arg8: memref<8x128xi32, #tpu.memory_space<vmem>>, %arg9: memref<128x128xf32, #tpu.memory_space<vmem>>, %arg10: memref<128x128xf32, #tpu.memory_space<vmem>>, %arg11: memref<10240x128xf32, #tpu.memory_space<vmem_shared>>, %arg12: memref<!tpu.dma_semaphore, #tpu.memory_space<semaphore_mem>>, %arg13: memref<!tpu.dma_semaphore, #tpu.memory_space<semaphore_mem>>) attributes {dimension_semantics = [#tpu.dimension_semantics<core_parallel>, #tpu.dimension_semantics<subcore_parallel>], iteration_bounds = array<i64: 2, 16>, scalar_prefetch = 0 : i64, scratch_operands = 7 : i64, tpu.core_type = #tpu.core_type<sc_vector_subcore>, window_params = [{transform_indices = #map}, {transform_indices = #map}, {transform_indices = #map}, {transform_indices = #map}, {transform_indices = #map}]} {
    %mul3A = arith.constant 640 : i32
    %mul3A_0 = arith.muli %arg1, %mul3A : i32
    "tpu.region"() ({
      %run_scoped3A = tpu.sem_alloc : memref<!tpu.dma_semaphore, #tpu.memory_space<semaphore_mem>>
      %dma_start3A = arith.constant 0 : i32
      %dma_start3A_43 = tpu.memref_slice %arg11[%mul3A_0, %dma_start3A] : memref<10240x128xf32, #tpu.memory_space<vmem_shared>> -> memref<640x128xf32, #tpu.memory_space<vmem_shared>>
      tpu.enqueue_dma source(%arg5 : memref<640x128xf32, #tpu.memory_space<hbm>>) target(%dma_start3A_43 : memref<640x128xf32, #tpu.memory_space<vmem_shared>>) target_semaphore(%run_scoped3A : memref<!tpu.dma_semaphore, #tpu.memory_space<semaphore_mem>>)
      %dma_wait3A = arith.constant 0 : i32
      %dma_wait3A_44 = tpu.memref_slice %arg11[%mul3A_0, %dma_wait3A] : memref<10240x128xf32, #tpu.memory_space<vmem_shared>> -> memref<640x128xf32, #tpu.memory_space<vmem_shared>>
      tpu.wait_dma2 semaphore(%run_scoped3A : memref<!tpu.dma_semaphore, #tpu.memory_space<semaphore_mem>>) src(%arg5 : memref<640x128xf32, #tpu.memory_space<hbm>>) dst(%dma_wait3A_44 : memref<640x128xf32, #tpu.memory_space<vmem_shared>>)
      tpu.yield
    }) : () -> ()
    %barrier3A = arith.constant 0 : index
    tpu.barrier barrier_id(%barrier3A)
    %eq3A = arith.constant 0 : i32
    %eq3A_1 = arith.cmpi eq, %arg0, %eq3A : i32
    %convert_element_type3A = arith.extui %eq3A_1 : i1 to i32
    %cond3A = arith.constant 0 : i32
    %cond3A_2 = arith.cmpi ne, %convert_element_type3A, %cond3A : i32
    scf.if %cond3A_2 {
      %mul3A_43 = arith.constant 120 : i32
      %mul3A_44 = arith.muli %arg1, %mul3A_43 : i32
      %scan3A = arith.constant 0 : i32
      %scan3A_45 = arith.constant 0 : i32
      %scan3A_46 = arith.constant 15 : i32
      %scan3A_47 = arith.addi %scan3A_45, %scan3A_46 : i32
      %scan3A_48 = arith.constant 1 : i32
      %scan3A_49 = scf.for %scan3A_51 = %scan3A_45 to %scan3A_47 step %scan3A_48 iter_args(%scan3A_52 = %scan3A) -> (i32)  : i32 {
        %mul3A_53 = arith.constant 8 : i32
        %mul3A_54 = arith.muli %scan3A_51, %mul3A_53 : i32
        %add3A_55 = arith.addi %mul3A_44, %mul3A_54 : i32
        "tpu.region"() ({
          %run_scoped3A_177 = tpu.sem_alloc : memref<!tpu.dma_semaphore, #tpu.memory_space<semaphore_mem>>
          %dma_start3A_178 = arith.constant 0 : i32
          %dma_start3A_179 = tpu.memref_slice %arg3[%add3A_55, %dma_start3A_178] : memref<2560x128xi32, #tpu.memory_space<hbm>> -> memref<8x128xi32, #tpu.memory_space<hbm>>
          %dma_start3A_180 = arith.constant 0 : i32
          %dma_start3A_181 = tpu.memref_slice %arg3[%add3A_55, %dma_start3A_180] : memref<2560x128xi32, #tpu.memory_space<hbm>> -> memref<8x128xi32, #tpu.memory_space<hbm>>
          tpu.enqueue_dma source(%dma_start3A_181 : memref<8x128xi32, #tpu.memory_space<hbm>>) target(%arg7 : memref<8x128xi32, #tpu.memory_space<vmem>>) target_semaphore(%run_scoped3A_177 : memref<!tpu.dma_semaphore, #tpu.memory_space<semaphore_mem>>)
          %dma_wait3A_182 = arith.constant 0 : i32
          %dma_wait3A_183 = tpu.memref_slice %arg3[%add3A_55, %dma_wait3A_182] : memref<2560x128xi32, #tpu.memory_space<hbm>> -> memref<8x128xi32, #tpu.memory_space<hbm>>
          %dma_wait3A_184 = arith.constant 0 : i32
          %dma_wait3A_185 = tpu.memref_slice %arg3[%add3A_55, %dma_wait3A_184] : memref<2560x128xi32, #tpu.memory_space<hbm>> -> memref<8x128xi32, #tpu.memory_space<hbm>>
          tpu.wait_dma2 semaphore(%run_scoped3A_177 : memref<!tpu.dma_semaphore, #tpu.memory_space<semaphore_mem>>) src(%dma_wait3A_185 : memref<8x128xi32, #tpu.memory_space<hbm>>) dst(%arg7 : memref<8x128xi32, #tpu.memory_space<vmem>>)
          tpu.yield
        }) : () -> ()
        %mul3A_56 = arith.constant 8 : i32
        %mul3A_57 = arith.muli %scan3A_51, %mul3A_56 : i32
        %add3A_58 = arith.addi %mul3A_44, %mul3A_57 : i32
        "tpu.region"() ({
          %run_scoped3A_177 = tpu.sem_alloc : memref<!tpu.dma_semaphore, #tpu.memory_space<semaphore_mem>>
          %dma_start3A_178 = arith.constant 0 : i32
          %dma_start3A_179 = tpu.memref_slice %arg4[%add3A_58, %dma_start3A_178] : memref<2560x128xi32, #tpu.memory_space<hbm>> -> memref<8x128xi32, #tpu.memory_space<hbm>>
          %dma_start3A_180 = arith.constant 0 : i32
          %dma_start3A_181 = tpu.memref_slice %arg4[%add3A_58, %dma_start3A_180] : memref<2560x128xi32, #tpu.memory_space<hbm>> -> memref<8x128xi32, #tpu.memory_space<hbm>>
          tpu.enqueue_dma source(%dma_start3A_181 : memref<8x128xi32, #tpu.memory_space<hbm>>) target(%arg8 : memref<8x128xi32, #tpu.memory_space<vmem>>) target_semaphore(%run_scoped3A_177 : memref<!tpu.dma_semaphore, #tpu.memory_space<semaphore_mem>>)
          %dma_wait3A_182 = arith.constant 0 : i32
          %dma_wait3A_183 = tpu.memref_slice %arg4[%add3A_58, %dma_wait3A_182] : memref<2560x128xi32, #tpu.memory_space<hbm>> -> memref<8x128xi32, #tpu.memory_space<hbm>>
          %dma_wait3A_184 = arith.constant 0 : i32
          %dma_wait3A_185 = tpu.memref_slice %arg4[%add3A_58, %dma_wait3A_184] : memref<2560x128xi32, #tpu.memory_space<hbm>> -> memref<8x128xi32, #tpu.memory_space<hbm>>
          tpu.wait_dma2 semaphore(%run_scoped3A_177 : memref<!tpu.dma_semaphore, #tpu.memory_space<semaphore_mem>>) src(%dma_wait3A_185 : memref<8x128xi32, #tpu.memory_space<hbm>>) dst(%arg8 : memref<8x128xi32, #tpu.memory_space<vmem>>)
          tpu.yield
        }) : () -> ()
        %dma_start3A = arith.constant 0 : i32
        %dma_start3A_59 = arith.constant 0 : i32
        %dma_start3A_60 = tpu.memref_slice %arg7[%dma_start3A, %dma_start3A_59] : memref<8x128xi32, #tpu.memory_space<vmem>> -> memref<1x128xi32, #tpu.memory_space<vmem>>
        %dma_start3A_61 = tpu.memref_squeeze %dma_start3A_60 : memref<1x128xi32, #tpu.memory_space<vmem>> -> memref<128xi32, #tpu.memory_space<vmem>>
        %dma_start3A_62 = arith.constant 0 : i32
        %dma_start3A_63 = arith.constant 0 : i32
        %dma_start3A_64 = tpu.memref_slice %arg2[%dma_start3A_62, %dma_start3A_63] : memref<10240x128xf32, #tpu.memory_space<hbm>> -> memref<10240x128xf32, #tpu.memory_space<hbm>>
        tpu.enqueue_indirect_dma source(%dma_start3A_64 : memref<10240x128xf32, #tpu.memory_space<hbm>>) target(%arg9 : memref<128x128xf32, #tpu.memory_space<vmem>>) offsets(%dma_start3A_61 : memref<128xi32, #tpu.memory_space<vmem>>) semaphore(%arg12 : memref<!tpu.dma_semaphore, #tpu.memory_space<semaphore_mem>>)
        %dma_wait3A = arith.constant 0 : i32
        %dma_wait3A_65 = arith.constant 0 : i32
        %dma_wait3A_66 = tpu.memref_slice %arg7[%dma_wait3A, %dma_wait3A_65] : memref<8x128xi32, #tpu.memory_space<vmem>> -> memref<1x128xi32, #tpu.memory_space<vmem>>
        %dma_wait3A_67 = tpu.memref_squeeze %dma_wait3A_66 : memref<1x128xi32, #tpu.memory_space<vmem>> -> memref<128xi32, #tpu.memory_space<vmem>>
        %dma_wait3A_68 = arith.constant 0 : i32
        %dma_wait3A_69 = arith.constant 0 : i32
        %dma_wait3A_70 = tpu.memref_slice %arg2[%dma_wait3A_68, %dma_wait3A_69] : memref<10240x128xf32, #tpu.memory_space<hbm>> -> memref<10240x128xf32, #tpu.memory_space<hbm>>
        tpu.wait_indirect_dma semaphore(%arg12 : memref<!tpu.dma_semaphore, #tpu.memory_space<semaphore_mem>>) src(%dma_wait3A_70 : memref<10240x128xf32, #tpu.memory_space<hbm>>) dst(%arg9 : memref<128x128xf32, #tpu.memory_space<vmem>>)
        %dma_start3A_71 = arith.constant 1 : i32
        %dma_start3A_72 = arith.constant 0 : i32
        %dma_start3A_73 = tpu.memref_slice %arg7[%dma_start3A_71, %dma_start3A_72] : memref<8x128xi32, #tpu.memory_space<vmem>> -> memref<1x128xi32, #tpu.memory_space<vmem>>
        %dma_start3A_74 = tpu.memref_squeeze %dma_start3A_73 : memref<1x128xi32, #tpu.memory_space<vmem>> -> memref<128xi32, #tpu.memory_space<vmem>>
        %dma_start3A_75 = arith.constant 0 : i32
        %dma_start3A_76 = arith.constant 0 : i32
        %dma_start3A_77 = tpu.memref_slice %arg2[%dma_start3A_75, %dma_start3A_76] : memref<10240x128xf32, #tpu.memory_space<hbm>> -> memref<10240x128xf32, #tpu.memory_space<hbm>>
        tpu.enqueue_indirect_dma source(%dma_start3A_77 : memref<10240x128xf32, #tpu.memory_space<hbm>>) target(%arg10 : memref<128x128xf32, #tpu.memory_space<vmem>>) offsets(%dma_start3A_74 : memref<128xi32, #tpu.memory_space<vmem>>) semaphore(%arg13 : memref<!tpu.dma_semaphore, #tpu.memory_space<semaphore_mem>>)
        %run_scoped3A = arith.constant 0 : i32
        "tpu.region"() ({
          %run_scoped3A_177 = tpu.sem_alloc : memref<!tpu.dma_semaphore, #tpu.memory_space<semaphore_mem>>
          %dma_start3A_178 = arith.constant 0 : i32
          %dma_start3A_179 = tpu.memref_slice %arg8[%run_scoped3A, %dma_start3A_178] : memref<8x128xi32, #tpu.memory_space<vmem>> -> memref<1x128xi32, #tpu.memory_space<vmem>>
          %dma_start3A_180 = tpu.memref_squeeze %dma_start3A_179 : memref<1x128xi32, #tpu.memory_space<vmem>> -> memref<128xi32, #tpu.memory_space<vmem>>
          %dma_start3A_181 = arith.constant 0 : i32
          %dma_start3A_182 = arith.constant 0 : i32
          %dma_start3A_183 = tpu.memref_slice %arg11[%dma_start3A_181, %dma_start3A_182] : memref<10240x128xf32, #tpu.memory_space<vmem_shared>> -> memref<10240x128xf32, #tpu.memory_space<vmem_shared>>
          tpu.enqueue_indirect_dma source(%arg9 : memref<128x128xf32, #tpu.memory_space<vmem>>) target(%dma_start3A_183 : memref<10240x128xf32, #tpu.memory_space<vmem_shared>>) offsets(%dma_start3A_180 : memref<128xi32, #tpu.memory_space<vmem>>) semaphore(%run_scoped3A_177 : memref<!tpu.dma_semaphore, #tpu.memory_space<semaphore_mem>>) {add = true}
          %dma_wait3A_184 = arith.constant 0 : i32
          %dma_wait3A_185 = tpu.memref_slice %arg8[%run_scoped3A, %dma_wait3A_184] : memref<8x128xi32, #tpu.memory_space<vmem>> -> memref<1x128xi32, #tpu.memory_space<vmem>>
          %dma_wait3A_186 = tpu.memref_squeeze %dma_wait3A_185 : memref<1x128xi32, #tpu.memory_space<vmem>> -> memref<128xi32, #tpu.memory_space<vmem>>
          %dma_wait3A_187 = arith.constant 0 : i32
          %dma_wait3A_188 = arith.constant 0 : i32
          %dma_wait3A_189 = tpu.memref_slice %arg11[%dma_wait3A_187, %dma_wait3A_188] : memref<10240x128xf32, #tpu.memory_space<vmem_shared>> -> memref<10240x128xf32, #tpu.memory_space<vmem_shared>>
          tpu.wait_indirect_dma semaphore(%run_scoped3A_177 : memref<!tpu.dma_semaphore, #tpu.memory_space<semaphore_mem>>) src(%arg9 : memref<128x128xf32, #tpu.memory_space<vmem>>) dst(%dma_wait3A_189 : memref<10240x128xf32, #tpu.memory_space<vmem_shared>>)
          tpu.yield
        }) : () -> ()
        %dma_wait3A_78 = arith.constant 1 : i32
        %dma_wait3A_79 = arith.constant 0 : i32
        %dma_wait3A_80 = tpu.memref_slice %arg7[%dma_wait3A_78, %dma_wait3A_79] : memref<8x128xi32, #tpu.memory_space<vmem>> -> memref<1x128xi32, #tpu.memory_space<vmem>>
        %dma_wait3A_81 = tpu.memref_squeeze %dma_wait3A_80 : memref<1x128xi32, #tpu.memory_space<vmem>> -> memref<128xi32, #tpu.memory_space<vmem>>
        %dma_wait3A_82 = arith.constant 0 : i32
        %dma_wait3A_83 = arith.constant 0 : i32
        %dma_wait3A_84 = tpu.memref_slice %arg2[%dma_wait3A_82, %dma_wait3A_83] : memref<10240x128xf32, #tpu.memory_space<hbm>> -> memref<10240x128xf32, #tpu.memory_space<hbm>>
        tpu.wait_indirect_dma semaphore(%arg13 : memref<!tpu.dma_semaphore, #tpu.memory_space<semaphore_mem>>) src(%dma_wait3A_84 : memref<10240x128xf32, #tpu.memory_space<hbm>>) dst(%arg10 : memref<128x128xf32, #tpu.memory_space<vmem>>)
        %dma_start3A_85 = arith.constant 2 : i32
        %dma_start3A_86 = arith.constant 0 : i32
        %dma_start3A_87 = tpu.memref_slice %arg7[%dma_start3A_85, %dma_start3A_86] : memref<8x128xi32, #tpu.memory_space<vmem>> -> memref<1x128xi32, #tpu.memory_space<vmem>>
        %dma_start3A_88 = tpu.memref_squeeze %dma_start3A_87 : memref<1x128xi32, #tpu.memory_space<vmem>> -> memref<128xi32, #tpu.memory_space<vmem>>
        %dma_start3A_89 = arith.constant 0 : i32
        %dma_start3A_90 = arith.constant 0 : i32
        %dma_start3A_91 = tpu.memref_slice %arg2[%dma_start3A_89, %dma_start3A_90] : memref<10240x128xf32, #tpu.memory_space<hbm>> -> memref<10240x128xf32, #tpu.memory_space<hbm>>
        tpu.enqueue_indirect_dma source(%dma_start3A_91 : memref<10240x128xf32, #tpu.memory_space<hbm>>) target(%arg9 : memref<128x128xf32, #tpu.memory_space<vmem>>) offsets(%dma_start3A_88 : memref<128xi32, #tpu.memory_space<vmem>>) semaphore(%arg12 : memref<!tpu.dma_semaphore, #tpu.memory_space<semaphore_mem>>)
        %run_scoped3A_92 = arith.constant 1 : i32
        "tpu.region"() ({
          %run_scoped3A_177 = tpu.sem_alloc : memref<!tpu.dma_semaphore, #tpu.memory_space<semaphore_mem>>
          %dma_start3A_178 = arith.constant 0 : i32
          %dma_start3A_179 = tpu.memref_slice %arg8[%run_scoped3A_92, %dma_start3A_178] : memref<8x128xi32, #tpu.memory_space<vmem>> -> memref<1x128xi32, #tpu.memory_space<vmem>>
          %dma_start3A_180 = tpu.memref_squeeze %dma_start3A_179 : memref<1x128xi32, #tpu.memory_space<vmem>> -> memref<128xi32, #tpu.memory_space<vmem>>
          %dma_start3A_181 = arith.constant 0 : i32
          %dma_start3A_182 = arith.constant 0 : i32
          %dma_start3A_183 = tpu.memref_slice %arg11[%dma_start3A_181, %dma_start3A_182] : memref<10240x128xf32, #tpu.memory_space<vmem_shared>> -> memref<10240x128xf32, #tpu.memory_space<vmem_shared>>
          tpu.enqueue_indirect_dma source(%arg10 : memref<128x128xf32, #tpu.memory_space<vmem>>) target(%dma_start3A_183 : memref<10240x128xf32, #tpu.memory_space<vmem_shared>>) offsets(%dma_start3A_180 : memref<128xi32, #tpu.memory_space<vmem>>) semaphore(%run_scoped3A_177 : memref<!tpu.dma_semaphore, #tpu.memory_space<semaphore_mem>>) {add = true}
          %dma_wait3A_184 = arith.constant 0 : i32
          %dma_wait3A_185 = tpu.memref_slice %arg8[%run_scoped3A_92, %dma_wait3A_184] : memref<8x128xi32, #tpu.memory_space<vmem>> -> memref<1x128xi32, #tpu.memory_space<vmem>>
          %dma_wait3A_186 = tpu.memref_squeeze %dma_wait3A_185 : memref<1x128xi32, #tpu.memory_space<vmem>> -> memref<128xi32, #tpu.memory_space<vmem>>
          %dma_wait3A_187 = arith.constant 0 : i32
          %dma_wait3A_188 = arith.constant 0 : i32
          %dma_wait3A_189 = tpu.memref_slice %arg11[%dma_wait3A_187, %dma_wait3A_188] : memref<10240x128xf32, #tpu.memory_space<vmem_shared>> -> memref<10240x128xf32, #tpu.memory_space<vmem_shared>>
          tpu.wait_indirect_dma semaphore(%run_scoped3A_177 : memref<!tpu.dma_semaphore, #tpu.memory_space<semaphore_mem>>) src(%arg10 : memref<128x128xf32, #tpu.memory_space<vmem>>) dst(%dma_wait3A_189 : memref<10240x128xf32, #tpu.memory_space<vmem_shared>>)
          tpu.yield
        }) : () -> ()
        %dma_wait3A_93 = arith.constant 2 : i32
        %dma_wait3A_94 = arith.constant 0 : i32
        %dma_wait3A_95 = tpu.memref_slice %arg7[%dma_wait3A_93, %dma_wait3A_94] : memref<8x128xi32, #tpu.memory_space<vmem>> -> memref<1x128xi32, #tpu.memory_space<vmem>>
        %dma_wait3A_96 = tpu.memref_squeeze %dma_wait3A_95 : memref<1x128xi32, #tpu.memory_space<vmem>> -> memref<128xi32, #tpu.memory_space<vmem>>
        %dma_wait3A_97 = arith.constant 0 : i32
        %dma_wait3A_98 = arith.constant 0 : i32
        %dma_wait3A_99 = tpu.memref_slice %arg2[%dma_wait3A_97, %dma_wait3A_98] : memref<10240x128xf32, #tpu.memory_space<hbm>> -> memref<10240x128xf32, #tpu.memory_space<hbm>>
        tpu.wait_indirect_dma semaphore(%arg12 : memref<!tpu.dma_semaphore, #tpu.memory_space<semaphore_mem>>) src(%dma_wait3A_99 : memref<10240x128xf32, #tpu.memory_space<hbm>>) dst(%arg9 : memref<128x128xf32, #tpu.memory_space<vmem>>)
        %dma_start3A_100 = arith.constant 3 : i32
        %dma_start3A_101 = arith.constant 0 : i32
        %dma_start3A_102 = tpu.memref_slice %arg7[%dma_start3A_100, %dma_start3A_101] : memref<8x128xi32, #tpu.memory_space<vmem>> -> memref<1x128xi32, #tpu.memory_space<vmem>>
        %dma_start3A_103 = tpu.memref_squeeze %dma_start3A_102 : memref<1x128xi32, #tpu.memory_space<vmem>> -> memref<128xi32, #tpu.memory_space<vmem>>
        %dma_start3A_104 = arith.constant 0 : i32
        %dma_start3A_105 = arith.constant 0 : i32
        %dma_start3A_106 = tpu.memref_slice %arg2[%dma_start3A_104, %dma_start3A_105] : memref<10240x128xf32, #tpu.memory_space<hbm>> -> memref<10240x128xf32, #tpu.memory_space<hbm>>
        tpu.enqueue_indirect_dma source(%dma_start3A_106 : memref<10240x128xf32, #tpu.memory_space<hbm>>) target(%arg10 : memref<128x128xf32, #tpu.memory_space<vmem>>) offsets(%dma_start3A_103 : memref<128xi32, #tpu.memory_space<vmem>>) semaphore(%arg13 : memref<!tpu.dma_semaphore, #tpu.memory_space<semaphore_mem>>)
        %run_scoped3A_107 = arith.constant 2 : i32
        "tpu.region"() ({
          %run_scoped3A_177 = tpu.sem_alloc : memref<!tpu.dma_semaphore, #tpu.memory_space<semaphore_mem>>
          %dma_start3A_178 = arith.constant 0 : i32
          %dma_start3A_179 = tpu.memref_slice %arg8[%run_scoped3A_107, %dma_start3A_178] : memref<8x128xi32, #tpu.memory_space<vmem>> -> memref<1x128xi32, #tpu.memory_space<vmem>>
          %dma_start3A_180 = tpu.memref_squeeze %dma_start3A_179 : memref<1x128xi32, #tpu.memory_space<vmem>> -> memref<128xi32, #tpu.memory_space<vmem>>
          %dma_start3A_181 = arith.constant 0 : i32
          %dma_start3A_182 = arith.constant 0 : i32
          %dma_start3A_183 = tpu.memref_slice %arg11[%dma_start3A_181, %dma_start3A_182] : memref<10240x128xf32, #tpu.memory_space<vmem_shared>> -> memref<10240x128xf32, #tpu.memory_space<vmem_shared>>
          tpu.enqueue_indirect_dma source(%arg9 : memref<128x128xf32, #tpu.memory_space<vmem>>) target(%dma_start3A_183 : memref<10240x128xf32, #tpu.memory_space<vmem_shared>>) offsets(%dma_start3A_180 : memref<128xi32, #tpu.memory_space<vmem>>) semaphore(%run_scoped3A_177 : memref<!tpu.dma_semaphore, #tpu.memory_space<semaphore_mem>>) {add = true}
          %dma_wait3A_184 = arith.constant 0 : i32
          %dma_wait3A_185 = tpu.memref_slice %arg8[%run_scoped3A_107, %dma_wait3A_184] : memref<8x128xi32, #tpu.memory_space<vmem>> -> memref<1x128xi32, #tpu.memory_space<vmem>>
          %dma_wait3A_186 = tpu.memref_squeeze %dma_wait3A_185 : memref<1x128xi32, #tpu.memory_space<vmem>> -> memref<128xi32, #tpu.memory_space<vmem>>
          %dma_wait3A_187 = arith.constant 0 : i32
          %dma_wait3A_188 = arith.constant 0 : i32
          %dma_wait3A_189 = tpu.memref_slice %arg11[%dma_wait3A_187, %dma_wait3A_188] : memref<10240x128xf32, #tpu.memory_space<vmem_shared>> -> memref<10240x128xf32, #tpu.memory_space<vmem_shared>>
          tpu.wait_indirect_dma semaphore(%run_scoped3A_177 : memref<!tpu.dma_semaphore, #tpu.memory_space<semaphore_mem>>) src(%arg9 : memref<128x128xf32, #tpu.memory_space<vmem>>) dst(%dma_wait3A_189 : memref<10240x128xf32, #tpu.memory_space<vmem_shared>>)
          tpu.yield
        }) : () -> ()
        %dma_wait3A_108 = arith.constant 3 : i32
        %dma_wait3A_109 = arith.constant 0 : i32
        %dma_wait3A_110 = tpu.memref_slice %arg7[%dma_wait3A_108, %dma_wait3A_109] : memref<8x128xi32, #tpu.memory_space<vmem>> -> memref<1x128xi32, #tpu.memory_space<vmem>>
        %dma_wait3A_111 = tpu.memref_squeeze %dma_wait3A_110 : memref<1x128xi32, #tpu.memory_space<vmem>> -> memref<128xi32, #tpu.memory_space<vmem>>
        %dma_wait3A_112 = arith.constant 0 : i32
        %dma_wait3A_113 = arith.constant 0 : i32
        %dma_wait3A_114 = tpu.memref_slice %arg2[%dma_wait3A_112, %dma_wait3A_113] : memref<10240x128xf32, #tpu.memory_space<hbm>> -> memref<10240x128xf32, #tpu.memory_space<hbm>>
        tpu.wait_indirect_dma semaphore(%arg13 : memref<!tpu.dma_semaphore, #tpu.memory_space<semaphore_mem>>) src(%dma_wait3A_114 : memref<10240x128xf32, #tpu.memory_space<hbm>>) dst(%arg10 : memref<128x128xf32, #tpu.memory_space<vmem>>)
        %dma_start3A_115 = arith.constant 4 : i32
        %dma_start3A_116 = arith.constant 0 : i32
        %dma_start3A_117 = tpu.memref_slice %arg7[%dma_start3A_115, %dma_start3A_116] : memref<8x128xi32, #tpu.memory_space<vmem>> -> memref<1x128xi32, #tpu.memory_space<vmem>>
        %dma_start3A_118 = tpu.memref_squeeze %dma_start3A_117 : memref<1x128xi32, #tpu.memory_space<vmem>> -> memref<128xi32, #tpu.memory_space<vmem>>
        %dma_start3A_119 = arith.constant 0 : i32
        %dma_start3A_120 = arith.constant 0 : i32
        %dma_start3A_121 = tpu.memref_slice %arg2[%dma_start3A_119, %dma_start3A_120] : memref<10240x128xf32, #tpu.memory_space<hbm>> -> memref<10240x128xf32, #tpu.memory_space<hbm>>
        tpu.enqueue_indirect_dma source(%dma_start3A_121 : memref<10240x128xf32, #tpu.memory_space<hbm>>) target(%arg9 : memref<128x128xf32, #tpu.memory_space<vmem>>) offsets(%dma_start3A_118 : memref<128xi32, #tpu.memory_space<vmem>>) semaphore(%arg12 : memref<!tpu.dma_semaphore, #tpu.memory_space<semaphore_mem>>)
        %run_scoped3A_122 = arith.constant 3 : i32
        "tpu.region"() ({
          %run_scoped3A_177 = tpu.sem_alloc : memref<!tpu.dma_semaphore, #tpu.memory_space<semaphore_mem>>
          %dma_start3A_178 = arith.constant 0 : i32
          %dma_start3A_179 = tpu.memref_slice %arg8[%run_scoped3A_122, %dma_start3A_178] : memref<8x128xi32, #tpu.memory_space<vmem>> -> memref<1x128xi32, #tpu.memory_space<vmem>>
          %dma_start3A_180 = tpu.memref_squeeze %dma_start3A_179 : memref<1x128xi32, #tpu.memory_space<vmem>> -> memref<128xi32, #tpu.memory_space<vmem>>
          %dma_start3A_181 = arith.constant 0 : i32
          %dma_start3A_182 = arith.constant 0 : i32
          %dma_start3A_183 = tpu.memref_slice %arg11[%dma_start3A_181, %dma_start3A_182] : memref<10240x128xf32, #tpu.memory_space<vmem_shared>> -> memref<10240x128xf32, #tpu.memory_space<vmem_shared>>
          tpu.enqueue_indirect_dma source(%arg10 : memref<128x128xf32, #tpu.memory_space<vmem>>) target(%dma_start3A_183 : memref<10240x128xf32, #tpu.memory_space<vmem_shared>>) offsets(%dma_start3A_180 : memref<128xi32, #tpu.memory_space<vmem>>) semaphore(%run_scoped3A_177 : memref<!tpu.dma_semaphore, #tpu.memory_space<semaphore_mem>>) {add = true}
          %dma_wait3A_184 = arith.constant 0 : i32
          %dma_wait3A_185 = tpu.memref_slice %arg8[%run_scoped3A_122, %dma_wait3A_184] : memref<8x128xi32, #tpu.memory_space<vmem>> -> memref<1x128xi32, #tpu.memory_space<vmem>>
          %dma_wait3A_186 = tpu.memref_squeeze %dma_wait3A_185 : memref<1x128xi32, #tpu.memory_space<vmem>> -> memref<128xi32, #tpu.memory_space<vmem>>
          %dma_wait3A_187 = arith.constant 0 : i32
          %dma_wait3A_188 = arith.constant 0 : i32
          %dma_wait3A_189 = tpu.memref_slice %arg11[%dma_wait3A_187, %dma_wait3A_188] : memref<10240x128xf32, #tpu.memory_space<vmem_shared>> -> memref<10240x128xf32, #tpu.memory_space<vmem_shared>>
          tpu.wait_indirect_dma semaphore(%run_scoped3A_177 : memref<!tpu.dma_semaphore, #tpu.memory_space<semaphore_mem>>) src(%arg10 : memref<128x128xf32, #tpu.memory_space<vmem>>) dst(%dma_wait3A_189 : memref<10240x128xf32, #tpu.memory_space<vmem_shared>>)
          tpu.yield
        }) : () -> ()
        %dma_wait3A_123 = arith.constant 4 : i32
        %dma_wait3A_124 = arith.constant 0 : i32
        %dma_wait3A_125 = tpu.memref_slice %arg7[%dma_wait3A_123, %dma_wait3A_124] : memref<8x128xi32, #tpu.memory_space<vmem>> -> memref<1x128xi32, #tpu.memory_space<vmem>>
        %dma_wait3A_126 = tpu.memref_squeeze %dma_wait3A_125 : memref<1x128xi32, #tpu.memory_space<vmem>> -> memref<128xi32, #tpu.memory_space<vmem>>
        %dma_wait3A_127 = arith.constant 0 : i32
        %dma_wait3A_128 = arith.constant 0 : i32
        %dma_wait3A_129 = tpu.memref_slice %arg2[%dma_wait3A_127, %dma_wait3A_128] : memref<10240x128xf32, #tpu.memory_space<hbm>> -> memref<10240x128xf32, #tpu.memory_space<hbm>>
        tpu.wait_indirect_dma semaphore(%arg12 : memref<!tpu.dma_semaphore, #tpu.memory_space<semaphore_mem>>) src(%dma_wait3A_129 : memref<10240x128xf32, #tpu.memory_space<hbm>>) dst(%arg9 : memref<128x128xf32, #tpu.memory_space<vmem>>)
        %dma_start3A_130 = arith.constant 5 : i32
        %dma_start3A_131 = arith.constant 0 : i32
        %dma_start3A_132 = tpu.memref_slice %arg7[%dma_start3A_130, %dma_start3A_131] : memref<8x128xi32, #tpu.memory_space<vmem>> -> memref<1x128xi32, #tpu.memory_space<vmem>>
        %dma_start3A_133 = tpu.memref_squeeze %dma_start3A_132 : memref<1x128xi32, #tpu.memory_space<vmem>> -> memref<128xi32, #tpu.memory_space<vmem>>
        %dma_start3A_134 = arith.constant 0 : i32
        %dma_start3A_135 = arith.constant 0 : i32
        %dma_start3A_136 = tpu.memref_slice %arg2[%dma_start3A_134, %dma_start3A_135] : memref<10240x128xf32, #tpu.memory_space<hbm>> -> memref<10240x128xf32, #tpu.memory_space<hbm>>
        tpu.enqueue_indirect_dma source(%dma_start3A_136 : memref<10240x128xf32, #tpu.memory_space<hbm>>) target(%arg10 : memref<128x128xf32, #tpu.memory_space<vmem>>) offsets(%dma_start3A_133 : memref<128xi32, #tpu.memory_space<vmem>>) semaphore(%arg13 : memref<!tpu.dma_semaphore, #tpu.memory_space<semaphore_mem>>)
        %run_scoped3A_137 = arith.constant 4 : i32
        "tpu.region"() ({
          %run_scoped3A_177 = tpu.sem_alloc : memref<!tpu.dma_semaphore, #tpu.memory_space<semaphore_mem>>
          %dma_start3A_178 = arith.constant 0 : i32
          %dma_start3A_179 = tpu.memref_slice %arg8[%run_scoped3A_137, %dma_start3A_178] : memref<8x128xi32, #tpu.memory_space<vmem>> -> memref<1x128xi32, #tpu.memory_space<vmem>>
          %dma_start3A_180 = tpu.memref_squeeze %dma_start3A_179 : memref<1x128xi32, #tpu.memory_space<vmem>> -> memref<128xi32, #tpu.memory_space<vmem>>
          %dma_start3A_181 = arith.constant 0 : i32
          %dma_start3A_182 = arith.constant 0 : i32
          %dma_start3A_183 = tpu.memref_slice %arg11[%dma_start3A_181, %dma_start3A_182] : memref<10240x128xf32, #tpu.memory_space<vmem_shared>> -> memref<10240x128xf32, #tpu.memory_space<vmem_shared>>
          tpu.enqueue_indirect_dma source(%arg9 : memref<128x128xf32, #tpu.memory_space<vmem>>) target(%dma_start3A_183 : memref<10240x128xf32, #tpu.memory_space<vmem_shared>>) offsets(%dma_start3A_180 : memref<128xi32, #tpu.memory_space<vmem>>) semaphore(%run_scoped3A_177 : memref<!tpu.dma_semaphore, #tpu.memory_space<semaphore_mem>>) {add = true}
          %dma_wait3A_184 = arith.constant 0 : i32
          %dma_wait3A_185 = tpu.memref_slice %arg8[%run_scoped3A_137, %dma_wait3A_184] : memref<8x128xi32, #tpu.memory_space<vmem>> -> memref<1x128xi32, #tpu.memory_space<vmem>>
          %dma_wait3A_186 = tpu.memref_squeeze %dma_wait3A_185 : memref<1x128xi32, #tpu.memory_space<vmem>> -> memref<128xi32, #tpu.memory_space<vmem>>
          %dma_wait3A_187 = arith.constant 0 : i32
          %dma_wait3A_188 = arith.constant 0 : i32
          %dma_wait3A_189 = tpu.memref_slice %arg11[%dma_wait3A_187, %dma_wait3A_188] : memref<10240x128xf32, #tpu.memory_space<vmem_shared>> -> memref<10240x128xf32, #tpu.memory_space<vmem_shared>>
          tpu.wait_indirect_dma semaphore(%run_scoped3A_177 : memref<!tpu.dma_semaphore, #tpu.memory_space<semaphore_mem>>) src(%arg9 : memref<128x128xf32, #tpu.memory_space<vmem>>) dst(%dma_wait3A_189 : memref<10240x128xf32, #tpu.memory_space<vmem_shared>>)
          tpu.yield
        }) : () -> ()
        %dma_wait3A_138 = arith.constant 5 : i32
        %dma_wait3A_139 = arith.constant 0 : i32
        %dma_wait3A_140 = tpu.memref_slice %arg7[%dma_wait3A_138, %dma_wait3A_139] : memref<8x128xi32, #tpu.memory_space<vmem>> -> memref<1x128xi32, #tpu.memory_space<vmem>>
        %dma_wait3A_141 = tpu.memref_squeeze %dma_wait3A_140 : memref<1x128xi32, #tpu.memory_space<vmem>> -> memref<128xi32, #tpu.memory_space<vmem>>
        %dma_wait3A_142 = arith.constant 0 : i32
        %dma_wait3A_143 = arith.constant 0 : i32
        %dma_wait3A_144 = tpu.memref_slice %arg2[%dma_wait3A_142, %dma_wait3A_143] : memref<10240x128xf32, #tpu.memory_space<hbm>> -> memref<10240x128xf32, #tpu.memory_space<hbm>>
        tpu.wait_indirect_dma semaphore(%arg13 : memref<!tpu.dma_semaphore, #tpu.memory_space<semaphore_mem>>) src(%dma_wait3A_144 : memref<10240x128xf32, #tpu.memory_space<hbm>>) dst(%arg10 : memref<128x128xf32, #tpu.memory_space<vmem>>)
        %dma_start3A_145 = arith.constant 6 : i32
        %dma_start3A_146 = arith.constant 0 : i32
        %dma_start3A_147 = tpu.memref_slice %arg7[%dma_start3A_145, %dma_start3A_146] : memref<8x128xi32, #tpu.memory_space<vmem>> -> memref<1x128xi32, #tpu.memory_space<vmem>>
        %dma_start3A_148 = tpu.memref_squeeze %dma_start3A_147 : memref<1x128xi32, #tpu.memory_space<vmem>> -> memref<128xi32, #tpu.memory_space<vmem>>
        %dma_start3A_149 = arith.constant 0 : i32
        %dma_start3A_150 = arith.constant 0 : i32
        %dma_start3A_151 = tpu.memref_slice %arg2[%dma_start3A_149, %dma_start3A_150] : memref<10240x128xf32, #tpu.memory_space<hbm>> -> memref<10240x128xf32, #tpu.memory_space<hbm>>
        tpu.enqueue_indirect_dma source(%dma_start3A_151 : memref<10240x128xf32, #tpu.memory_space<hbm>>) target(%arg9 : memref<128x128xf32, #tpu.memory_space<vmem>>) offsets(%dma_start3A_148 : memref<128xi32, #tpu.memory_space<vmem>>) semaphore(%arg12 : memref<!tpu.dma_semaphore, #tpu.memory_space<semaphore_mem>>)
        %run_scoped3A_152 = arith.constant 5 : i32
        "tpu.region"() ({
          %run_scoped3A_177 = tpu.sem_alloc : memref<!tpu.dma_semaphore, #tpu.memory_space<semaphore_mem>>
          %dma_start3A_178 = arith.constant 0 : i32
          %dma_start3A_179 = tpu.memref_slice %arg8[%run_scoped3A_152, %dma_start3A_178] : memref<8x128xi32, #tpu.memory_space<vmem>> -> memref<1x128xi32, #tpu.memory_space<vmem>>
          %dma_start3A_180 = tpu.memref_squeeze %dma_start3A_179 : memref<1x128xi32, #tpu.memory_space<vmem>> -> memref<128xi32, #tpu.memory_space<vmem>>
          %dma_start3A_181 = arith.constant 0 : i32
          %dma_start3A_182 = arith.constant 0 : i32
          %dma_start3A_183 = tpu.memref_slice %arg11[%dma_start3A_181, %dma_start3A_182] : memref<10240x128xf32, #tpu.memory_space<vmem_shared>> -> memref<10240x128xf32, #tpu.memory_space<vmem_shared>>
          tpu.enqueue_indirect_dma source(%arg10 : memref<128x128xf32, #tpu.memory_space<vmem>>) target(%dma_start3A_183 : memref<10240x128xf32, #tpu.memory_space<vmem_shared>>) offsets(%dma_start3A_180 : memref<128xi32, #tpu.memory_space<vmem>>) semaphore(%run_scoped3A_177 : memref<!tpu.dma_semaphore, #tpu.memory_space<semaphore_mem>>) {add = true}
          %dma_wait3A_184 = arith.constant 0 : i32
          %dma_wait3A_185 = tpu.memref_slice %arg8[%run_scoped3A_152, %dma_wait3A_184] : memref<8x128xi32, #tpu.memory_space<vmem>> -> memref<1x128xi32, #tpu.memory_space<vmem>>
          %dma_wait3A_186 = tpu.memref_squeeze %dma_wait3A_185 : memref<1x128xi32, #tpu.memory_space<vmem>> -> memref<128xi32, #tpu.memory_space<vmem>>
          %dma_wait3A_187 = arith.constant 0 : i32
          %dma_wait3A_188 = arith.constant 0 : i32
          %dma_wait3A_189 = tpu.memref_slice %arg11[%dma_wait3A_187, %dma_wait3A_188] : memref<10240x128xf32, #tpu.memory_space<vmem_shared>> -> memref<10240x128xf32, #tpu.memory_space<vmem_shared>>
          tpu.wait_indirect_dma semaphore(%run_scoped3A_177 : memref<!tpu.dma_semaphore, #tpu.memory_space<semaphore_mem>>) src(%arg10 : memref<128x128xf32, #tpu.memory_space<vmem>>) dst(%dma_wait3A_189 : memref<10240x128xf32, #tpu.memory_space<vmem_shared>>)
          tpu.yield
        }) : () -> ()
        %dma_wait3A_153 = arith.constant 6 : i32
        %dma_wait3A_154 = arith.constant 0 : i32
        %dma_wait3A_155 = tpu.memref_slice %arg7[%dma_wait3A_153, %dma_wait3A_154] : memref<8x128xi32, #tpu.memory_space<vmem>> -> memref<1x128xi32, #tpu.memory_space<vmem>>
        %dma_wait3A_156 = tpu.memref_squeeze %dma_wait3A_155 : memref<1x128xi32, #tpu.memory_space<vmem>> -> memref<128xi32, #tpu.memory_space<vmem>>
        %dma_wait3A_157 = arith.constant 0 : i32
        %dma_wait3A_158 = arith.constant 0 : i32
        %dma_wait3A_159 = tpu.memref_slice %arg2[%dma_wait3A_157, %dma_wait3A_158] : memref<10240x128xf32, #tpu.memory_space<hbm>> -> memref<10240x128xf32, #tpu.memory_space<hbm>>
        tpu.wait_indirect_dma semaphore(%arg12 : memref<!tpu.dma_semaphore, #tpu.memory_space<semaphore_mem>>) src(%dma_wait3A_159 : memref<10240x128xf32, #tpu.memory_space<hbm>>) dst(%arg9 : memref<128x128xf32, #tpu.memory_space<vmem>>)
        %dma_start3A_160 = arith.constant 7 : i32
        %dma_start3A_161 = arith.constant 0 : i32
        %dma_start3A_162 = tpu.memref_slice %arg7[%dma_start3A_160, %dma_start3A_161] : memref<8x128xi32, #tpu.memory_space<vmem>> -> memref<1x128xi32, #tpu.memory_space<vmem>>
        %dma_start3A_163 = tpu.memref_squeeze %dma_start3A_162 : memref<1x128xi32, #tpu.memory_space<vmem>> -> memref<128xi32, #tpu.memory_space<vmem>>
        %dma_start3A_164 = arith.constant 0 : i32
        %dma_start3A_165 = arith.constant 0 : i32
        %dma_start3A_166 = tpu.memref_slice %arg2[%dma_start3A_164, %dma_start3A_165] : memref<10240x128xf32, #tpu.memory_space<hbm>> -> memref<10240x128xf32, #tpu.memory_space<hbm>>
        tpu.enqueue_indirect_dma source(%dma_start3A_166 : memref<10240x128xf32, #tpu.memory_space<hbm>>) target(%arg10 : memref<128x128xf32, #tpu.memory_space<vmem>>) offsets(%dma_start3A_163 : memref<128xi32, #tpu.memory_space<vmem>>) semaphore(%arg13 : memref<!tpu.dma_semaphore, #tpu.memory_space<semaphore_mem>>)
        %run_scoped3A_167 = arith.constant 6 : i32
        "tpu.region"() ({
          %run_scoped3A_177 = tpu.sem_alloc : memref<!tpu.dma_semaphore, #tpu.memory_space<semaphore_mem>>
          %dma_start3A_178 = arith.constant 0 : i32
          %dma_start3A_179 = tpu.memref_slice %arg8[%run_scoped3A_167, %dma_start3A_178] : memref<8x128xi32, #tpu.memory_space<vmem>> -> memref<1x128xi32, #tpu.memory_space<vmem>>
          %dma_start3A_180 = tpu.memref_squeeze %dma_start3A_179 : memref<1x128xi32, #tpu.memory_space<vmem>> -> memref<128xi32, #tpu.memory_space<vmem>>
          %dma_start3A_181 = arith.constant 0 : i32
          %dma_start3A_182 = arith.constant 0 : i32
          %dma_start3A_183 = tpu.memref_slice %arg11[%dma_start3A_181, %dma_start3A_182] : memref<10240x128xf32, #tpu.memory_space<vmem_shared>> -> memref<10240x128xf32, #tpu.memory_space<vmem_shared>>
          tpu.enqueue_indirect_dma source(%arg9 : memref<128x128xf32, #tpu.memory_space<vmem>>) target(%dma_start3A_183 : memref<10240x128xf32, #tpu.memory_space<vmem_shared>>) offsets(%dma_start3A_180 : memref<128xi32, #tpu.memory_space<vmem>>) semaphore(%run_scoped3A_177 : memref<!tpu.dma_semaphore, #tpu.memory_space<semaphore_mem>>) {add = true}
          %dma_wait3A_184 = arith.constant 0 : i32
          %dma_wait3A_185 = tpu.memref_slice %arg8[%run_scoped3A_167, %dma_wait3A_184] : memref<8x128xi32, #tpu.memory_space<vmem>> -> memref<1x128xi32, #tpu.memory_space<vmem>>
          %dma_wait3A_186 = tpu.memref_squeeze %dma_wait3A_185 : memref<1x128xi32, #tpu.memory_space<vmem>> -> memref<128xi32, #tpu.memory_space<vmem>>
          %dma_wait3A_187 = arith.constant 0 : i32
          %dma_wait3A_188 = arith.constant 0 : i32
          %dma_wait3A_189 = tpu.memref_slice %arg11[%dma_wait3A_187, %dma_wait3A_188] : memref<10240x128xf32, #tpu.memory_space<vmem_shared>> -> memref<10240x128xf32, #tpu.memory_space<vmem_shared>>
          tpu.wait_indirect_dma semaphore(%run_scoped3A_177 : memref<!tpu.dma_semaphore, #tpu.memory_space<semaphore_mem>>) src(%arg9 : memref<128x128xf32, #tpu.memory_space<vmem>>) dst(%dma_wait3A_189 : memref<10240x128xf32, #tpu.memory_space<vmem_shared>>)
          tpu.yield
        }) : () -> ()
        %dma_wait3A_168 = arith.constant 7 : i32
        %dma_wait3A_169 = arith.constant 0 : i32
        %dma_wait3A_170 = tpu.memref_slice %arg7[%dma_wait3A_168, %dma_wait3A_169] : memref<8x128xi32, #tpu.memory_space<vmem>> -> memref<1x128xi32, #tpu.memory_space<vmem>>
        %dma_wait3A_171 = tpu.memref_squeeze %dma_wait3A_170 : memref<1x128xi32, #tpu.memory_space<vmem>> -> memref<128xi32, #tpu.memory_space<vmem>>
        %dma_wait3A_172 = arith.constant 0 : i32
        %dma_wait3A_173 = arith.constant 0 : i32
        %dma_wait3A_174 = tpu.memref_slice %arg2[%dma_wait3A_172, %dma_wait3A_173] : memref<10240x128xf32, #tpu.memory_space<hbm>> -> memref<10240x128xf32, #tpu.memory_space<hbm>>
        tpu.wait_indirect_dma semaphore(%arg13 : memref<!tpu.dma_semaphore, #tpu.memory_space<semaphore_mem>>) src(%dma_wait3A_174 : memref<10240x128xf32, #tpu.memory_space<hbm>>) dst(%arg10 : memref<128x128xf32, #tpu.memory_space<vmem>>)
        %run_scoped3A_175 = arith.constant 7 : i32
        "tpu.region"() ({
          %run_scoped3A_177 = tpu.sem_alloc : memref<!tpu.dma_semaphore, #tpu.memory_space<semaphore_mem>>
          %dma_start3A_178 = arith.constant 0 : i32
          %dma_start3A_179 = tpu.memref_slice %arg8[%run_scoped3A_175, %dma_start3A_178] : memref<8x128xi32, #tpu.memory_space<vmem>> -> memref<1x128xi32, #tpu.memory_space<vmem>>
          %dma_start3A_180 = tpu.memref_squeeze %dma_start3A_179 : memref<1x128xi32, #tpu.memory_space<vmem>> -> memref<128xi32, #tpu.memory_space<vmem>>
          %dma_start3A_181 = arith.constant 0 : i32
          %dma_start3A_182 = arith.constant 0 : i32
          %dma_start3A_183 = tpu.memref_slice %arg11[%dma_start3A_181, %dma_start3A_182] : memref<10240x128xf32, #tpu.memory_space<vmem_shared>> -> memref<10240x128xf32, #tpu.memory_space<vmem_shared>>
          tpu.enqueue_indirect_dma source(%arg10 : memref<128x128xf32, #tpu.memory_space<vmem>>) target(%dma_start3A_183 : memref<10240x128xf32, #tpu.memory_space<vmem_shared>>) offsets(%dma_start3A_180 : memref<128xi32, #tpu.memory_space<vmem>>) semaphore(%run_scoped3A_177 : memref<!tpu.dma_semaphore, #tpu.memory_space<semaphore_mem>>) {add = true}
          %dma_wait3A_184 = arith.constant 0 : i32
          %dma_wait3A_185 = tpu.memref_slice %arg8[%run_scoped3A_175, %dma_wait3A_184] : memref<8x128xi32, #tpu.memory_space<vmem>> -> memref<1x128xi32, #tpu.memory_space<vmem>>
          %dma_wait3A_186 = tpu.memref_squeeze %dma_wait3A_185 : memref<1x128xi32, #tpu.memory_space<vmem>> -> memref<128xi32, #tpu.memory_space<vmem>>
          %dma_wait3A_187 = arith.constant 0 : i32
          %dma_wait3A_188 = arith.constant 0 : i32
          %dma_wait3A_189 = tpu.memref_slice %arg11[%dma_wait3A_187, %dma_wait3A_188] : memref<10240x128xf32, #tpu.memory_space<vmem_shared>> -> memref<10240x128xf32, #tpu.memory_space<vmem_shared>>
          tpu.wait_indirect_dma semaphore(%run_scoped3A_177 : memref<!tpu.dma_semaphore, #tpu.memory_space<semaphore_mem>>) src(%arg10 : memref<128x128xf32, #tpu.memory_space<vmem>>) dst(%dma_wait3A_189 : memref<10240x128xf32, #tpu.memory_space<vmem_shared>>)
          tpu.yield
        }) : () -> ()
        %scan3A_176 = arith.constant 0 : i32
        scf.yield %scan3A_176 : i32
      }
      %scan3A_50 = arith.constant 15 : i32
    } else {
    }
    %eq3A_3 = arith.constant 1 : i32
    %eq3A_4 = arith.cmpi eq, %arg0, %eq3A_3 : i32
    %convert_element_type3A_5 = arith.extui %eq3A_4 : i1 to i32
    %cond3A_6 = arith.constant 0 : i32
    %cond3A_7 = arith.cmpi ne, %convert_element_type3A_5, %cond3A_6 : i32
    scf.if %cond3A_7 {
      %mul3A_43 = arith.constant 40 : i32
      %mul3A_44 = arith.muli %arg1, %mul3A_43 : i32
      %add3A_45 = arith.constant 1920 : i32
      %add3A_46 = arith.addi %add3A_45, %mul3A_44 : i32
      %scan3A = arith.constant 0 : i32
      %scan3A_47 = arith.constant 0 : i32
      %scan3A_48 = arith.constant 5 : i32
      %scan3A_49 = arith.addi %scan3A_47, %scan3A_48 : i32
      %scan3A_50 = arith.constant 1 : i32
      %scan3A_51 = scf.for %scan3A_53 = %scan3A_47 to %scan3A_49 step %scan3A_50 iter_args(%scan3A_54 = %scan3A) -> (i32)  : i32 {
        %mul3A_55 = arith.constant 8 : i32
        %mul3A_56 = arith.muli %scan3A_53, %mul3A_55 : i32
        %add3A_57 = arith.addi %add3A_46, %mul3A_56 : i32
        "tpu.region"() ({
          %run_scoped3A_179 = tpu.sem_alloc : memref<!tpu.dma_semaphore, #tpu.memory_space<semaphore_mem>>
          %dma_start3A_180 = arith.constant 0 : i32
          %dma_start3A_181 = tpu.memref_slice %arg3[%add3A_57, %dma_start3A_180] : memref<2560x128xi32, #tpu.memory_space<hbm>> -> memref<8x128xi32, #tpu.memory_space<hbm>>
          %dma_start3A_182 = arith.constant 0 : i32
          %dma_start3A_183 = tpu.memref_slice %arg3[%add3A_57, %dma_start3A_182] : memref<2560x128xi32, #tpu.memory_space<hbm>> -> memref<8x128xi32, #tpu.memory_space<hbm>>
          tpu.enqueue_dma source(%dma_start3A_183 : memref<8x128xi32, #tpu.memory_space<hbm>>) target(%arg7 : memref<8x128xi32, #tpu.memory_space<vmem>>) target_semaphore(%run_scoped3A_179 : memref<!tpu.dma_semaphore, #tpu.memory_space<semaphore_mem>>)
          %dma_wait3A_184 = arith.constant 0 : i32
          %dma_wait3A_185 = tpu.memref_slice %arg3[%add3A_57, %dma_wait3A_184] : memref<2560x128xi32, #tpu.memory_space<hbm>> -> memref<8x128xi32, #tpu.memory_space<hbm>>
          %dma_wait3A_186 = arith.constant 0 : i32
          %dma_wait3A_187 = tpu.memref_slice %arg3[%add3A_57, %dma_wait3A_186] : memref<2560x128xi32, #tpu.memory_space<hbm>> -> memref<8x128xi32, #tpu.memory_space<hbm>>
          tpu.wait_dma2 semaphore(%run_scoped3A_179 : memref<!tpu.dma_semaphore, #tpu.memory_space<semaphore_mem>>) src(%dma_wait3A_187 : memref<8x128xi32, #tpu.memory_space<hbm>>) dst(%arg7 : memref<8x128xi32, #tpu.memory_space<vmem>>)
          tpu.yield
        }) : () -> ()
        %mul3A_58 = arith.constant 8 : i32
        %mul3A_59 = arith.muli %scan3A_53, %mul3A_58 : i32
        %add3A_60 = arith.addi %add3A_46, %mul3A_59 : i32
        "tpu.region"() ({
          %run_scoped3A_179 = tpu.sem_alloc : memref<!tpu.dma_semaphore, #tpu.memory_space<semaphore_mem>>
          %dma_start3A_180 = arith.constant 0 : i32
          %dma_start3A_181 = tpu.memref_slice %arg4[%add3A_60, %dma_start3A_180] : memref<2560x128xi32, #tpu.memory_space<hbm>> -> memref<8x128xi32, #tpu.memory_space<hbm>>
          %dma_start3A_182 = arith.constant 0 : i32
          %dma_start3A_183 = tpu.memref_slice %arg4[%add3A_60, %dma_start3A_182] : memref<2560x128xi32, #tpu.memory_space<hbm>> -> memref<8x128xi32, #tpu.memory_space<hbm>>
          tpu.enqueue_dma source(%dma_start3A_183 : memref<8x128xi32, #tpu.memory_space<hbm>>) target(%arg8 : memref<8x128xi32, #tpu.memory_space<vmem>>) target_semaphore(%run_scoped3A_179 : memref<!tpu.dma_semaphore, #tpu.memory_space<semaphore_mem>>)
          %dma_wait3A_184 = arith.constant 0 : i32
          %dma_wait3A_185 = tpu.memref_slice %arg4[%add3A_60, %dma_wait3A_184] : memref<2560x128xi32, #tpu.memory_space<hbm>> -> memref<8x128xi32, #tpu.memory_space<hbm>>
          %dma_wait3A_186 = arith.constant 0 : i32
          %dma_wait3A_187 = tpu.memref_slice %arg4[%add3A_60, %dma_wait3A_186] : memref<2560x128xi32, #tpu.memory_space<hbm>> -> memref<8x128xi32, #tpu.memory_space<hbm>>
          tpu.wait_dma2 semaphore(%run_scoped3A_179 : memref<!tpu.dma_semaphore, #tpu.memory_space<semaphore_mem>>) src(%dma_wait3A_187 : memref<8x128xi32, #tpu.memory_space<hbm>>) dst(%arg8 : memref<8x128xi32, #tpu.memory_space<vmem>>)
          tpu.yield
        }) : () -> ()
        %dma_start3A = arith.constant 0 : i32
        %dma_start3A_61 = arith.constant 0 : i32
        %dma_start3A_62 = tpu.memref_slice %arg7[%dma_start3A, %dma_start3A_61] : memref<8x128xi32, #tpu.memory_space<vmem>> -> memref<1x128xi32, #tpu.memory_space<vmem>>
        %dma_start3A_63 = tpu.memref_squeeze %dma_start3A_62 : memref<1x128xi32, #tpu.memory_space<vmem>> -> memref<128xi32, #tpu.memory_space<vmem>>
        %dma_start3A_64 = arith.constant 0 : i32
        %dma_start3A_65 = arith.constant 0 : i32
        %dma_start3A_66 = tpu.memref_slice %arg2[%dma_start3A_64, %dma_start3A_65] : memref<10240x128xf32, #tpu.memory_space<hbm>> -> memref<10240x128xf32, #tpu.memory_space<hbm>>
        tpu.enqueue_indirect_dma source(%dma_start3A_66 : memref<10240x128xf32, #tpu.memory_space<hbm>>) target(%arg9 : memref<128x128xf32, #tpu.memory_space<vmem>>) offsets(%dma_start3A_63 : memref<128xi32, #tpu.memory_space<vmem>>) semaphore(%arg12 : memref<!tpu.dma_semaphore, #tpu.memory_space<semaphore_mem>>)
        %dma_wait3A = arith.constant 0 : i32
        %dma_wait3A_67 = arith.constant 0 : i32
        %dma_wait3A_68 = tpu.memref_slice %arg7[%dma_wait3A, %dma_wait3A_67] : memref<8x128xi32, #tpu.memory_space<vmem>> -> memref<1x128xi32, #tpu.memory_space<vmem>>
        %dma_wait3A_69 = tpu.memref_squeeze %dma_wait3A_68 : memref<1x128xi32, #tpu.memory_space<vmem>> -> memref<128xi32, #tpu.memory_space<vmem>>
        %dma_wait3A_70 = arith.constant 0 : i32
        %dma_wait3A_71 = arith.constant 0 : i32
        %dma_wait3A_72 = tpu.memref_slice %arg2[%dma_wait3A_70, %dma_wait3A_71] : memref<10240x128xf32, #tpu.memory_space<hbm>> -> memref<10240x128xf32, #tpu.memory_space<hbm>>
        tpu.wait_indirect_dma semaphore(%arg12 : memref<!tpu.dma_semaphore, #tpu.memory_space<semaphore_mem>>) src(%dma_wait3A_72 : memref<10240x128xf32, #tpu.memory_space<hbm>>) dst(%arg9 : memref<128x128xf32, #tpu.memory_space<vmem>>)
        %dma_start3A_73 = arith.constant 1 : i32
        %dma_start3A_74 = arith.constant 0 : i32
        %dma_start3A_75 = tpu.memref_slice %arg7[%dma_start3A_73, %dma_start3A_74] : memref<8x128xi32, #tpu.memory_space<vmem>> -> memref<1x128xi32, #tpu.memory_space<vmem>>
        %dma_start3A_76 = tpu.memref_squeeze %dma_start3A_75 : memref<1x128xi32, #tpu.memory_space<vmem>> -> memref<128xi32, #tpu.memory_space<vmem>>
        %dma_start3A_77 = arith.constant 0 : i32
        %dma_start3A_78 = arith.constant 0 : i32
        %dma_start3A_79 = tpu.memref_slice %arg2[%dma_start3A_77, %dma_start3A_78] : memref<10240x128xf32, #tpu.memory_space<hbm>> -> memref<10240x128xf32, #tpu.memory_space<hbm>>
        tpu.enqueue_indirect_dma source(%dma_start3A_79 : memref<10240x128xf32, #tpu.memory_space<hbm>>) target(%arg10 : memref<128x128xf32, #tpu.memory_space<vmem>>) offsets(%dma_start3A_76 : memref<128xi32, #tpu.memory_space<vmem>>) semaphore(%arg13 : memref<!tpu.dma_semaphore, #tpu.memory_space<semaphore_mem>>)
        %run_scoped3A = arith.constant 0 : i32
        "tpu.region"() ({
          %run_scoped3A_179 = tpu.sem_alloc : memref<!tpu.dma_semaphore, #tpu.memory_space<semaphore_mem>>
          %dma_start3A_180 = arith.constant 0 : i32
          %dma_start3A_181 = tpu.memref_slice %arg8[%run_scoped3A, %dma_start3A_180] : memref<8x128xi32, #tpu.memory_space<vmem>> -> memref<1x128xi32, #tpu.memory_space<vmem>>
          %dma_start3A_182 = tpu.memref_squeeze %dma_start3A_181 : memref<1x128xi32, #tpu.memory_space<vmem>> -> memref<128xi32, #tpu.memory_space<vmem>>
          %dma_start3A_183 = arith.constant 0 : i32
          %dma_start3A_184 = arith.constant 0 : i32
          %dma_start3A_185 = tpu.memref_slice %arg11[%dma_start3A_183, %dma_start3A_184] : memref<10240x128xf32, #tpu.memory_space<vmem_shared>> -> memref<10240x128xf32, #tpu.memory_space<vmem_shared>>
          tpu.enqueue_indirect_dma source(%arg9 : memref<128x128xf32, #tpu.memory_space<vmem>>) target(%dma_start3A_185 : memref<10240x128xf32, #tpu.memory_space<vmem_shared>>) offsets(%dma_start3A_182 : memref<128xi32, #tpu.memory_space<vmem>>) semaphore(%run_scoped3A_179 : memref<!tpu.dma_semaphore, #tpu.memory_space<semaphore_mem>>) {add = true}
          %dma_wait3A_186 = arith.constant 0 : i32
          %dma_wait3A_187 = tpu.memref_slice %arg8[%run_scoped3A, %dma_wait3A_186] : memref<8x128xi32, #tpu.memory_space<vmem>> -> memref<1x128xi32, #tpu.memory_space<vmem>>
          %dma_wait3A_188 = tpu.memref_squeeze %dma_wait3A_187 : memref<1x128xi32, #tpu.memory_space<vmem>> -> memref<128xi32, #tpu.memory_space<vmem>>
          %dma_wait3A_189 = arith.constant 0 : i32
          %dma_wait3A_190 = arith.constant 0 : i32
          %dma_wait3A_191 = tpu.memref_slice %arg11[%dma_wait3A_189, %dma_wait3A_190] : memref<10240x128xf32, #tpu.memory_space<vmem_shared>> -> memref<10240x128xf32, #tpu.memory_space<vmem_shared>>
          tpu.wait_indirect_dma semaphore(%run_scoped3A_179 : memref<!tpu.dma_semaphore, #tpu.memory_space<semaphore_mem>>) src(%arg9 : memref<128x128xf32, #tpu.memory_space<vmem>>) dst(%dma_wait3A_191 : memref<10240x128xf32, #tpu.memory_space<vmem_shared>>)
          tpu.yield
        }) : () -> ()
        %dma_wait3A_80 = arith.constant 1 : i32
        %dma_wait3A_81 = arith.constant 0 : i32
        %dma_wait3A_82 = tpu.memref_slice %arg7[%dma_wait3A_80, %dma_wait3A_81] : memref<8x128xi32, #tpu.memory_space<vmem>> -> memref<1x128xi32, #tpu.memory_space<vmem>>
        %dma_wait3A_83 = tpu.memref_squeeze %dma_wait3A_82 : memref<1x128xi32, #tpu.memory_space<vmem>> -> memref<128xi32, #tpu.memory_space<vmem>>
        %dma_wait3A_84 = arith.constant 0 : i32
        %dma_wait3A_85 = arith.constant 0 : i32
        %dma_wait3A_86 = tpu.memref_slice %arg2[%dma_wait3A_84, %dma_wait3A_85] : memref<10240x128xf32, #tpu.memory_space<hbm>> -> memref<10240x128xf32, #tpu.memory_space<hbm>>
        tpu.wait_indirect_dma semaphore(%arg13 : memref<!tpu.dma_semaphore, #tpu.memory_space<semaphore_mem>>) src(%dma_wait3A_86 : memref<10240x128xf32, #tpu.memory_space<hbm>>) dst(%arg10 : memref<128x128xf32, #tpu.memory_space<vmem>>)
        %dma_start3A_87 = arith.constant 2 : i32
        %dma_start3A_88 = arith.constant 0 : i32
        %dma_start3A_89 = tpu.memref_slice %arg7[%dma_start3A_87, %dma_start3A_88] : memref<8x128xi32, #tpu.memory_space<vmem>> -> memref<1x128xi32, #tpu.memory_space<vmem>>
        %dma_start3A_90 = tpu.memref_squeeze %dma_start3A_89 : memref<1x128xi32, #tpu.memory_space<vmem>> -> memref<128xi32, #tpu.memory_space<vmem>>
        %dma_start3A_91 = arith.constant 0 : i32
        %dma_start3A_92 = arith.constant 0 : i32
        %dma_start3A_93 = tpu.memref_slice %arg2[%dma_start3A_91, %dma_start3A_92] : memref<10240x128xf32, #tpu.memory_space<hbm>> -> memref<10240x128xf32, #tpu.memory_space<hbm>>
        tpu.enqueue_indirect_dma source(%dma_start3A_93 : memref<10240x128xf32, #tpu.memory_space<hbm>>) target(%arg9 : memref<128x128xf32, #tpu.memory_space<vmem>>) offsets(%dma_start3A_90 : memref<128xi32, #tpu.memory_space<vmem>>) semaphore(%arg12 : memref<!tpu.dma_semaphore, #tpu.memory_space<semaphore_mem>>)
        %run_scoped3A_94 = arith.constant 1 : i32
        "tpu.region"() ({
          %run_scoped3A_179 = tpu.sem_alloc : memref<!tpu.dma_semaphore, #tpu.memory_space<semaphore_mem>>
          %dma_start3A_180 = arith.constant 0 : i32
          %dma_start3A_181 = tpu.memref_slice %arg8[%run_scoped3A_94, %dma_start3A_180] : memref<8x128xi32, #tpu.memory_space<vmem>> -> memref<1x128xi32, #tpu.memory_space<vmem>>
          %dma_start3A_182 = tpu.memref_squeeze %dma_start3A_181 : memref<1x128xi32, #tpu.memory_space<vmem>> -> memref<128xi32, #tpu.memory_space<vmem>>
          %dma_start3A_183 = arith.constant 0 : i32
          %dma_start3A_184 = arith.constant 0 : i32
          %dma_start3A_185 = tpu.memref_slice %arg11[%dma_start3A_183, %dma_start3A_184] : memref<10240x128xf32, #tpu.memory_space<vmem_shared>> -> memref<10240x128xf32, #tpu.memory_space<vmem_shared>>
          tpu.enqueue_indirect_dma source(%arg10 : memref<128x128xf32, #tpu.memory_space<vmem>>) target(%dma_start3A_185 : memref<10240x128xf32, #tpu.memory_space<vmem_shared>>) offsets(%dma_start3A_182 : memref<128xi32, #tpu.memory_space<vmem>>) semaphore(%run_scoped3A_179 : memref<!tpu.dma_semaphore, #tpu.memory_space<semaphore_mem>>) {add = true}
          %dma_wait3A_186 = arith.constant 0 : i32
          %dma_wait3A_187 = tpu.memref_slice %arg8[%run_scoped3A_94, %dma_wait3A_186] : memref<8x128xi32, #tpu.memory_space<vmem>> -> memref<1x128xi32, #tpu.memory_space<vmem>>
          %dma_wait3A_188 = tpu.memref_squeeze %dma_wait3A_187 : memref<1x128xi32, #tpu.memory_space<vmem>> -> memref<128xi32, #tpu.memory_space<vmem>>
          %dma_wait3A_189 = arith.constant 0 : i32
          %dma_wait3A_190 = arith.constant 0 : i32
          %dma_wait3A_191 = tpu.memref_slice %arg11[%dma_wait3A_189, %dma_wait3A_190] : memref<10240x128xf32, #tpu.memory_space<vmem_shared>> -> memref<10240x128xf32, #tpu.memory_space<vmem_shared>>
          tpu.wait_indirect_dma semaphore(%run_scoped3A_179 : memref<!tpu.dma_semaphore, #tpu.memory_space<semaphore_mem>>) src(%arg10 : memref<128x128xf32, #tpu.memory_space<vmem>>) dst(%dma_wait3A_191 : memref<10240x128xf32, #tpu.memory_space<vmem_shared>>)
          tpu.yield
        }) : () -> ()
        %dma_wait3A_95 = arith.constant 2 : i32
        %dma_wait3A_96 = arith.constant 0 : i32
        %dma_wait3A_97 = tpu.memref_slice %arg7[%dma_wait3A_95, %dma_wait3A_96] : memref<8x128xi32, #tpu.memory_space<vmem>> -> memref<1x128xi32, #tpu.memory_space<vmem>>
        %dma_wait3A_98 = tpu.memref_squeeze %dma_wait3A_97 : memref<1x128xi32, #tpu.memory_space<vmem>> -> memref<128xi32, #tpu.memory_space<vmem>>
        %dma_wait3A_99 = arith.constant 0 : i32
        %dma_wait3A_100 = arith.constant 0 : i32
        %dma_wait3A_101 = tpu.memref_slice %arg2[%dma_wait3A_99, %dma_wait3A_100] : memref<10240x128xf32, #tpu.memory_space<hbm>> -> memref<10240x128xf32, #tpu.memory_space<hbm>>
        tpu.wait_indirect_dma semaphore(%arg12 : memref<!tpu.dma_semaphore, #tpu.memory_space<semaphore_mem>>) src(%dma_wait3A_101 : memref<10240x128xf32, #tpu.memory_space<hbm>>) dst(%arg9 : memref<128x128xf32, #tpu.memory_space<vmem>>)
        %dma_start3A_102 = arith.constant 3 : i32
        %dma_start3A_103 = arith.constant 0 : i32
        %dma_start3A_104 = tpu.memref_slice %arg7[%dma_start3A_102, %dma_start3A_103] : memref<8x128xi32, #tpu.memory_space<vmem>> -> memref<1x128xi32, #tpu.memory_space<vmem>>
        %dma_start3A_105 = tpu.memref_squeeze %dma_start3A_104 : memref<1x128xi32, #tpu.memory_space<vmem>> -> memref<128xi32, #tpu.memory_space<vmem>>
        %dma_start3A_106 = arith.constant 0 : i32
        %dma_start3A_107 = arith.constant 0 : i32
        %dma_start3A_108 = tpu.memref_slice %arg2[%dma_start3A_106, %dma_start3A_107] : memref<10240x128xf32, #tpu.memory_space<hbm>> -> memref<10240x128xf32, #tpu.memory_space<hbm>>
        tpu.enqueue_indirect_dma source(%dma_start3A_108 : memref<10240x128xf32, #tpu.memory_space<hbm>>) target(%arg10 : memref<128x128xf32, #tpu.memory_space<vmem>>) offsets(%dma_start3A_105 : memref<128xi32, #tpu.memory_space<vmem>>) semaphore(%arg13 : memref<!tpu.dma_semaphore, #tpu.memory_space<semaphore_mem>>)
        %run_scoped3A_109 = arith.constant 2 : i32
        "tpu.region"() ({
          %run_scoped3A_179 = tpu.sem_alloc : memref<!tpu.dma_semaphore, #tpu.memory_space<semaphore_mem>>
          %dma_start3A_180 = arith.constant 0 : i32
          %dma_start3A_181 = tpu.memref_slice %arg8[%run_scoped3A_109, %dma_start3A_180] : memref<8x128xi32, #tpu.memory_space<vmem>> -> memref<1x128xi32, #tpu.memory_space<vmem>>
          %dma_start3A_182 = tpu.memref_squeeze %dma_start3A_181 : memref<1x128xi32, #tpu.memory_space<vmem>> -> memref<128xi32, #tpu.memory_space<vmem>>
          %dma_start3A_183 = arith.constant 0 : i32
          %dma_start3A_184 = arith.constant 0 : i32
          %dma_start3A_185 = tpu.memref_slice %arg11[%dma_start3A_183, %dma_start3A_184] : memref<10240x128xf32, #tpu.memory_space<vmem_shared>> -> memref<10240x128xf32, #tpu.memory_space<vmem_shared>>
          tpu.enqueue_indirect_dma source(%arg9 : memref<128x128xf32, #tpu.memory_space<vmem>>) target(%dma_start3A_185 : memref<10240x128xf32, #tpu.memory_space<vmem_shared>>) offsets(%dma_start3A_182 : memref<128xi32, #tpu.memory_space<vmem>>) semaphore(%run_scoped3A_179 : memref<!tpu.dma_semaphore, #tpu.memory_space<semaphore_mem>>) {add = true}
          %dma_wait3A_186 = arith.constant 0 : i32
          %dma_wait3A_187 = tpu.memref_slice %arg8[%run_scoped3A_109, %dma_wait3A_186] : memref<8x128xi32, #tpu.memory_space<vmem>> -> memref<1x128xi32, #tpu.memory_space<vmem>>
          %dma_wait3A_188 = tpu.memref_squeeze %dma_wait3A_187 : memref<1x128xi32, #tpu.memory_space<vmem>> -> memref<128xi32, #tpu.memory_space<vmem>>
          %dma_wait3A_189 = arith.constant 0 : i32
          %dma_wait3A_190 = arith.constant 0 : i32
          %dma_wait3A_191 = tpu.memref_slice %arg11[%dma_wait3A_189, %dma_wait3A_190] : memref<10240x128xf32, #tpu.memory_space<vmem_shared>> -> memref<10240x128xf32, #tpu.memory_space<vmem_shared>>
          tpu.wait_indirect_dma semaphore(%run_scoped3A_179 : memref<!tpu.dma_semaphore, #tpu.memory_space<semaphore_mem>>) src(%arg9 : memref<128x128xf32, #tpu.memory_space<vmem>>) dst(%dma_wait3A_191 : memref<10240x128xf32, #tpu.memory_space<vmem_shared>>)
          tpu.yield
        }) : () -> ()
        %dma_wait3A_110 = arith.constant 3 : i32
        %dma_wait3A_111 = arith.constant 0 : i32
        %dma_wait3A_112 = tpu.memref_slice %arg7[%dma_wait3A_110, %dma_wait3A_111] : memref<8x128xi32, #tpu.memory_space<vmem>> -> memref<1x128xi32, #tpu.memory_space<vmem>>
        %dma_wait3A_113 = tpu.memref_squeeze %dma_wait3A_112 : memref<1x128xi32, #tpu.memory_space<vmem>> -> memref<128xi32, #tpu.memory_space<vmem>>
        %dma_wait3A_114 = arith.constant 0 : i32
        %dma_wait3A_115 = arith.constant 0 : i32
        %dma_wait3A_116 = tpu.memref_slice %arg2[%dma_wait3A_114, %dma_wait3A_115] : memref<10240x128xf32, #tpu.memory_space<hbm>> -> memref<10240x128xf32, #tpu.memory_space<hbm>>
        tpu.wait_indirect_dma semaphore(%arg13 : memref<!tpu.dma_semaphore, #tpu.memory_space<semaphore_mem>>) src(%dma_wait3A_116 : memref<10240x128xf32, #tpu.memory_space<hbm>>) dst(%arg10 : memref<128x128xf32, #tpu.memory_space<vmem>>)
        %dma_start3A_117 = arith.constant 4 : i32
        %dma_start3A_118 = arith.constant 0 : i32
        %dma_start3A_119 = tpu.memref_slice %arg7[%dma_start3A_117, %dma_start3A_118] : memref<8x128xi32, #tpu.memory_space<vmem>> -> memref<1x128xi32, #tpu.memory_space<vmem>>
        %dma_start3A_120 = tpu.memref_squeeze %dma_start3A_119 : memref<1x128xi32, #tpu.memory_space<vmem>> -> memref<128xi32, #tpu.memory_space<vmem>>
        %dma_start3A_121 = arith.constant 0 : i32
        %dma_start3A_122 = arith.constant 0 : i32
        %dma_start3A_123 = tpu.memref_slice %arg2[%dma_start3A_121, %dma_start3A_122] : memref<10240x128xf32, #tpu.memory_space<hbm>> -> memref<10240x128xf32, #tpu.memory_space<hbm>>
        tpu.enqueue_indirect_dma source(%dma_start3A_123 : memref<10240x128xf32, #tpu.memory_space<hbm>>) target(%arg9 : memref<128x128xf32, #tpu.memory_space<vmem>>) offsets(%dma_start3A_120 : memref<128xi32, #tpu.memory_space<vmem>>) semaphore(%arg12 : memref<!tpu.dma_semaphore, #tpu.memory_space<semaphore_mem>>)
        %run_scoped3A_124 = arith.constant 3 : i32
        "tpu.region"() ({
          %run_scoped3A_179 = tpu.sem_alloc : memref<!tpu.dma_semaphore, #tpu.memory_space<semaphore_mem>>
          %dma_start3A_180 = arith.constant 0 : i32
          %dma_start3A_181 = tpu.memref_slice %arg8[%run_scoped3A_124, %dma_start3A_180] : memref<8x128xi32, #tpu.memory_space<vmem>> -> memref<1x128xi32, #tpu.memory_space<vmem>>
          %dma_start3A_182 = tpu.memref_squeeze %dma_start3A_181 : memref<1x128xi32, #tpu.memory_space<vmem>> -> memref<128xi32, #tpu.memory_space<vmem>>
          %dma_start3A_183 = arith.constant 0 : i32
          %dma_start3A_184 = arith.constant 0 : i32
          %dma_start3A_185 = tpu.memref_slice %arg11[%dma_start3A_183, %dma_start3A_184] : memref<10240x128xf32, #tpu.memory_space<vmem_shared>> -> memref<10240x128xf32, #tpu.memory_space<vmem_shared>>
          tpu.enqueue_indirect_dma source(%arg10 : memref<128x128xf32, #tpu.memory_space<vmem>>) target(%dma_start3A_185 : memref<10240x128xf32, #tpu.memory_space<vmem_shared>>) offsets(%dma_start3A_182 : memref<128xi32, #tpu.memory_space<vmem>>) semaphore(%run_scoped3A_179 : memref<!tpu.dma_semaphore, #tpu.memory_space<semaphore_mem>>) {add = true}
          %dma_wait3A_186 = arith.constant 0 : i32
          %dma_wait3A_187 = tpu.memref_slice %arg8[%run_scoped3A_124, %dma_wait3A_186] : memref<8x128xi32, #tpu.memory_space<vmem>> -> memref<1x128xi32, #tpu.memory_space<vmem>>
          %dma_wait3A_188 = tpu.memref_squeeze %dma_wait3A_187 : memref<1x128xi32, #tpu.memory_space<vmem>> -> memref<128xi32, #tpu.memory_space<vmem>>
          %dma_wait3A_189 = arith.constant 0 : i32
          %dma_wait3A_190 = arith.constant 0 : i32
          %dma_wait3A_191 = tpu.memref_slice %arg11[%dma_wait3A_189, %dma_wait3A_190] : memref<10240x128xf32, #tpu.memory_space<vmem_shared>> -> memref<10240x128xf32, #tpu.memory_space<vmem_shared>>
          tpu.wait_indirect_dma semaphore(%run_scoped3A_179 : memref<!tpu.dma_semaphore, #tpu.memory_space<semaphore_mem>>) src(%arg10 : memref<128x128xf32, #tpu.memory_space<vmem>>) dst(%dma_wait3A_191 : memref<10240x128xf32, #tpu.memory_space<vmem_shared>>)
          tpu.yield
        }) : () -> ()
        %dma_wait3A_125 = arith.constant 4 : i32
        %dma_wait3A_126 = arith.constant 0 : i32
        %dma_wait3A_127 = tpu.memref_slice %arg7[%dma_wait3A_125, %dma_wait3A_126] : memref<8x128xi32, #tpu.memory_space<vmem>> -> memref<1x128xi32, #tpu.memory_space<vmem>>
        %dma_wait3A_128 = tpu.memref_squeeze %dma_wait3A_127 : memref<1x128xi32, #tpu.memory_space<vmem>> -> memref<128xi32, #tpu.memory_space<vmem>>
        %dma_wait3A_129 = arith.constant 0 : i32
        %dma_wait3A_130 = arith.constant 0 : i32
        %dma_wait3A_131 = tpu.memref_slice %arg2[%dma_wait3A_129, %dma_wait3A_130] : memref<10240x128xf32, #tpu.memory_space<hbm>> -> memref<10240x128xf32, #tpu.memory_space<hbm>>
        tpu.wait_indirect_dma semaphore(%arg12 : memref<!tpu.dma_semaphore, #tpu.memory_space<semaphore_mem>>) src(%dma_wait3A_131 : memref<10240x128xf32, #tpu.memory_space<hbm>>) dst(%arg9 : memref<128x128xf32, #tpu.memory_space<vmem>>)
        %dma_start3A_132 = arith.constant 5 : i32
        %dma_start3A_133 = arith.constant 0 : i32
        %dma_start3A_134 = tpu.memref_slice %arg7[%dma_start3A_132, %dma_start3A_133] : memref<8x128xi32, #tpu.memory_space<vmem>> -> memref<1x128xi32, #tpu.memory_space<vmem>>
        %dma_start3A_135 = tpu.memref_squeeze %dma_start3A_134 : memref<1x128xi32, #tpu.memory_space<vmem>> -> memref<128xi32, #tpu.memory_space<vmem>>
        %dma_start3A_136 = arith.constant 0 : i32
        %dma_start3A_137 = arith.constant 0 : i32
        %dma_start3A_138 = tpu.memref_slice %arg2[%dma_start3A_136, %dma_start3A_137] : memref<10240x128xf32, #tpu.memory_space<hbm>> -> memref<10240x128xf32, #tpu.memory_space<hbm>>
        tpu.enqueue_indirect_dma source(%dma_start3A_138 : memref<10240x128xf32, #tpu.memory_space<hbm>>) target(%arg10 : memref<128x128xf32, #tpu.memory_space<vmem>>) offsets(%dma_start3A_135 : memref<128xi32, #tpu.memory_space<vmem>>) semaphore(%arg13 : memref<!tpu.dma_semaphore, #tpu.memory_space<semaphore_mem>>)
        %run_scoped3A_139 = arith.constant 4 : i32
        "tpu.region"() ({
          %run_scoped3A_179 = tpu.sem_alloc : memref<!tpu.dma_semaphore, #tpu.memory_space<semaphore_mem>>
          %dma_start3A_180 = arith.constant 0 : i32
          %dma_start3A_181 = tpu.memref_slice %arg8[%run_scoped3A_139, %dma_start3A_180] : memref<8x128xi32, #tpu.memory_space<vmem>> -> memref<1x128xi32, #tpu.memory_space<vmem>>
          %dma_start3A_182 = tpu.memref_squeeze %dma_start3A_181 : memref<1x128xi32, #tpu.memory_space<vmem>> -> memref<128xi32, #tpu.memory_space<vmem>>
          %dma_start3A_183 = arith.constant 0 : i32
          %dma_start3A_184 = arith.constant 0 : i32
          %dma_start3A_185 = tpu.memref_slice %arg11[%dma_start3A_183, %dma_start3A_184] : memref<10240x128xf32, #tpu.memory_space<vmem_shared>> -> memref<10240x128xf32, #tpu.memory_space<vmem_shared>>
          tpu.enqueue_indirect_dma source(%arg9 : memref<128x128xf32, #tpu.memory_space<vmem>>) target(%dma_start3A_185 : memref<10240x128xf32, #tpu.memory_space<vmem_shared>>) offsets(%dma_start3A_182 : memref<128xi32, #tpu.memory_space<vmem>>) semaphore(%run_scoped3A_179 : memref<!tpu.dma_semaphore, #tpu.memory_space<semaphore_mem>>) {add = true}
          %dma_wait3A_186 = arith.constant 0 : i32
          %dma_wait3A_187 = tpu.memref_slice %arg8[%run_scoped3A_139, %dma_wait3A_186] : memref<8x128xi32, #tpu.memory_space<vmem>> -> memref<1x128xi32, #tpu.memory_space<vmem>>
          %dma_wait3A_188 = tpu.memref_squeeze %dma_wait3A_187 : memref<1x128xi32, #tpu.memory_space<vmem>> -> memref<128xi32, #tpu.memory_space<vmem>>
          %dma_wait3A_189 = arith.constant 0 : i32
          %dma_wait3A_190 = arith.constant 0 : i32
          %dma_wait3A_191 = tpu.memref_slice %arg11[%dma_wait3A_189, %dma_wait3A_190] : memref<10240x128xf32, #tpu.memory_space<vmem_shared>> -> memref<10240x128xf32, #tpu.memory_space<vmem_shared>>
          tpu.wait_indirect_dma semaphore(%run_scoped3A_179 : memref<!tpu.dma_semaphore, #tpu.memory_space<semaphore_mem>>) src(%arg9 : memref<128x128xf32, #tpu.memory_space<vmem>>) dst(%dma_wait3A_191 : memref<10240x128xf32, #tpu.memory_space<vmem_shared>>)
          tpu.yield
        }) : () -> ()
        %dma_wait3A_140 = arith.constant 5 : i32
        %dma_wait3A_141 = arith.constant 0 : i32
        %dma_wait3A_142 = tpu.memref_slice %arg7[%dma_wait3A_140, %dma_wait3A_141] : memref<8x128xi32, #tpu.memory_space<vmem>> -> memref<1x128xi32, #tpu.memory_space<vmem>>
        %dma_wait3A_143 = tpu.memref_squeeze %dma_wait3A_142 : memref<1x128xi32, #tpu.memory_space<vmem>> -> memref<128xi32, #tpu.memory_space<vmem>>
        %dma_wait3A_144 = arith.constant 0 : i32
        %dma_wait3A_145 = arith.constant 0 : i32
        %dma_wait3A_146 = tpu.memref_slice %arg2[%dma_wait3A_144, %dma_wait3A_145] : memref<10240x128xf32, #tpu.memory_space<hbm>> -> memref<10240x128xf32, #tpu.memory_space<hbm>>
        tpu.wait_indirect_dma semaphore(%arg13 : memref<!tpu.dma_semaphore, #tpu.memory_space<semaphore_mem>>) src(%dma_wait3A_146 : memref<10240x128xf32, #tpu.memory_space<hbm>>) dst(%arg10 : memref<128x128xf32, #tpu.memory_space<vmem>>)
        %dma_start3A_147 = arith.constant 6 : i32
        %dma_start3A_148 = arith.constant 0 : i32
        %dma_start3A_149 = tpu.memref_slice %arg7[%dma_start3A_147, %dma_start3A_148] : memref<8x128xi32, #tpu.memory_space<vmem>> -> memref<1x128xi32, #tpu.memory_space<vmem>>
        %dma_start3A_150 = tpu.memref_squeeze %dma_start3A_149 : memref<1x128xi32, #tpu.memory_space<vmem>> -> memref<128xi32, #tpu.memory_space<vmem>>
        %dma_start3A_151 = arith.constant 0 : i32
        %dma_start3A_152 = arith.constant 0 : i32
        %dma_start3A_153 = tpu.memref_slice %arg2[%dma_start3A_151, %dma_start3A_152] : memref<10240x128xf32, #tpu.memory_space<hbm>> -> memref<10240x128xf32, #tpu.memory_space<hbm>>
        tpu.enqueue_indirect_dma source(%dma_start3A_153 : memref<10240x128xf32, #tpu.memory_space<hbm>>) target(%arg9 : memref<128x128xf32, #tpu.memory_space<vmem>>) offsets(%dma_start3A_150 : memref<128xi32, #tpu.memory_space<vmem>>) semaphore(%arg12 : memref<!tpu.dma_semaphore, #tpu.memory_space<semaphore_mem>>)
        %run_scoped3A_154 = arith.constant 5 : i32
        "tpu.region"() ({
          %run_scoped3A_179 = tpu.sem_alloc : memref<!tpu.dma_semaphore, #tpu.memory_space<semaphore_mem>>
          %dma_start3A_180 = arith.constant 0 : i32
          %dma_start3A_181 = tpu.memref_slice %arg8[%run_scoped3A_154, %dma_start3A_180] : memref<8x128xi32, #tpu.memory_space<vmem>> -> memref<1x128xi32, #tpu.memory_space<vmem>>
          %dma_start3A_182 = tpu.memref_squeeze %dma_start3A_181 : memref<1x128xi32, #tpu.memory_space<vmem>> -> memref<128xi32, #tpu.memory_space<vmem>>
          %dma_start3A_183 = arith.constant 0 : i32
          %dma_start3A_184 = arith.constant 0 : i32
          %dma_start3A_185 = tpu.memref_slice %arg11[%dma_start3A_183, %dma_start3A_184] : memref<10240x128xf32, #tpu.memory_space<vmem_shared>> -> memref<10240x128xf32, #tpu.memory_space<vmem_shared>>
          tpu.enqueue_indirect_dma source(%arg10 : memref<128x128xf32, #tpu.memory_space<vmem>>) target(%dma_start3A_185 : memref<10240x128xf32, #tpu.memory_space<vmem_shared>>) offsets(%dma_start3A_182 : memref<128xi32, #tpu.memory_space<vmem>>) semaphore(%run_scoped3A_179 : memref<!tpu.dma_semaphore, #tpu.memory_space<semaphore_mem>>) {add = true}
          %dma_wait3A_186 = arith.constant 0 : i32
          %dma_wait3A_187 = tpu.memref_slice %arg8[%run_scoped3A_154, %dma_wait3A_186] : memref<8x128xi32, #tpu.memory_space<vmem>> -> memref<1x128xi32, #tpu.memory_space<vmem>>
          %dma_wait3A_188 = tpu.memref_squeeze %dma_wait3A_187 : memref<1x128xi32, #tpu.memory_space<vmem>> -> memref<128xi32, #tpu.memory_space<vmem>>
          %dma_wait3A_189 = arith.constant 0 : i32
          %dma_wait3A_190 = arith.constant 0 : i32
          %dma_wait3A_191 = tpu.memref_slice %arg11[%dma_wait3A_189, %dma_wait3A_190] : memref<10240x128xf32, #tpu.memory_space<vmem_shared>> -> memref<10240x128xf32, #tpu.memory_space<vmem_shared>>
          tpu.wait_indirect_dma semaphore(%run_scoped3A_179 : memref<!tpu.dma_semaphore, #tpu.memory_space<semaphore_mem>>) src(%arg10 : memref<128x128xf32, #tpu.memory_space<vmem>>) dst(%dma_wait3A_191 : memref<10240x128xf32, #tpu.memory_space<vmem_shared>>)
          tpu.yield
        }) : () -> ()
        %dma_wait3A_155 = arith.constant 6 : i32
        %dma_wait3A_156 = arith.constant 0 : i32
        %dma_wait3A_157 = tpu.memref_slice %arg7[%dma_wait3A_155, %dma_wait3A_156] : memref<8x128xi32, #tpu.memory_space<vmem>> -> memref<1x128xi32, #tpu.memory_space<vmem>>
        %dma_wait3A_158 = tpu.memref_squeeze %dma_wait3A_157 : memref<1x128xi32, #tpu.memory_space<vmem>> -> memref<128xi32, #tpu.memory_space<vmem>>
        %dma_wait3A_159 = arith.constant 0 : i32
        %dma_wait3A_160 = arith.constant 0 : i32
        %dma_wait3A_161 = tpu.memref_slice %arg2[%dma_wait3A_159, %dma_wait3A_160] : memref<10240x128xf32, #tpu.memory_space<hbm>> -> memref<10240x128xf32, #tpu.memory_space<hbm>>
        tpu.wait_indirect_dma semaphore(%arg12 : memref<!tpu.dma_semaphore, #tpu.memory_space<semaphore_mem>>) src(%dma_wait3A_161 : memref<10240x128xf32, #tpu.memory_space<hbm>>) dst(%arg9 : memref<128x128xf32, #tpu.memory_space<vmem>>)
        %dma_start3A_162 = arith.constant 7 : i32
        %dma_start3A_163 = arith.constant 0 : i32
        %dma_start3A_164 = tpu.memref_slice %arg7[%dma_start3A_162, %dma_start3A_163] : memref<8x128xi32, #tpu.memory_space<vmem>> -> memref<1x128xi32, #tpu.memory_space<vmem>>
        %dma_start3A_165 = tpu.memref_squeeze %dma_start3A_164 : memref<1x128xi32, #tpu.memory_space<vmem>> -> memref<128xi32, #tpu.memory_space<vmem>>
        %dma_start3A_166 = arith.constant 0 : i32
        %dma_start3A_167 = arith.constant 0 : i32
        %dma_start3A_168 = tpu.memref_slice %arg2[%dma_start3A_166, %dma_start3A_167] : memref<10240x128xf32, #tpu.memory_space<hbm>> -> memref<10240x128xf32, #tpu.memory_space<hbm>>
        tpu.enqueue_indirect_dma source(%dma_start3A_168 : memref<10240x128xf32, #tpu.memory_space<hbm>>) target(%arg10 : memref<128x128xf32, #tpu.memory_space<vmem>>) offsets(%dma_start3A_165 : memref<128xi32, #tpu.memory_space<vmem>>) semaphore(%arg13 : memref<!tpu.dma_semaphore, #tpu.memory_space<semaphore_mem>>)
        %run_scoped3A_169 = arith.constant 6 : i32
        "tpu.region"() ({
          %run_scoped3A_179 = tpu.sem_alloc : memref<!tpu.dma_semaphore, #tpu.memory_space<semaphore_mem>>
          %dma_start3A_180 = arith.constant 0 : i32
          %dma_start3A_181 = tpu.memref_slice %arg8[%run_scoped3A_169, %dma_start3A_180] : memref<8x128xi32, #tpu.memory_space<vmem>> -> memref<1x128xi32, #tpu.memory_space<vmem>>
          %dma_start3A_182 = tpu.memref_squeeze %dma_start3A_181 : memref<1x128xi32, #tpu.memory_space<vmem>> -> memref<128xi32, #tpu.memory_space<vmem>>
          %dma_start3A_183 = arith.constant 0 : i32
          %dma_start3A_184 = arith.constant 0 : i32
          %dma_start3A_185 = tpu.memref_slice %arg11[%dma_start3A_183, %dma_start3A_184] : memref<10240x128xf32, #tpu.memory_space<vmem_shared>> -> memref<10240x128xf32, #tpu.memory_space<vmem_shared>>
          tpu.enqueue_indirect_dma source(%arg9 : memref<128x128xf32, #tpu.memory_space<vmem>>) target(%dma_start3A_185 : memref<10240x128xf32, #tpu.memory_space<vmem_shared>>) offsets(%dma_start3A_182 : memref<128xi32, #tpu.memory_space<vmem>>) semaphore(%run_scoped3A_179 : memref<!tpu.dma_semaphore, #tpu.memory_space<semaphore_mem>>) {add = true}
          %dma_wait3A_186 = arith.constant 0 : i32
          %dma_wait3A_187 = tpu.memref_slice %arg8[%run_scoped3A_169, %dma_wait3A_186] : memref<8x128xi32, #tpu.memory_space<vmem>> -> memref<1x128xi32, #tpu.memory_space<vmem>>
          %dma_wait3A_188 = tpu.memref_squeeze %dma_wait3A_187 : memref<1x128xi32, #tpu.memory_space<vmem>> -> memref<128xi32, #tpu.memory_space<vmem>>
          %dma_wait3A_189 = arith.constant 0 : i32
          %dma_wait3A_190 = arith.constant 0 : i32
          %dma_wait3A_191 = tpu.memref_slice %arg11[%dma_wait3A_189, %dma_wait3A_190] : memref<10240x128xf32, #tpu.memory_space<vmem_shared>> -> memref<10240x128xf32, #tpu.memory_space<vmem_shared>>
          tpu.wait_indirect_dma semaphore(%run_scoped3A_179 : memref<!tpu.dma_semaphore, #tpu.memory_space<semaphore_mem>>) src(%arg9 : memref<128x128xf32, #tpu.memory_space<vmem>>) dst(%dma_wait3A_191 : memref<10240x128xf32, #tpu.memory_space<vmem_shared>>)
          tpu.yield
        }) : () -> ()
        %dma_wait3A_170 = arith.constant 7 : i32
        %dma_wait3A_171 = arith.constant 0 : i32
        %dma_wait3A_172 = tpu.memref_slice %arg7[%dma_wait3A_170, %dma_wait3A_171] : memref<8x128xi32, #tpu.memory_space<vmem>> -> memref<1x128xi32, #tpu.memory_space<vmem>>
        %dma_wait3A_173 = tpu.memref_squeeze %dma_wait3A_172 : memref<1x128xi32, #tpu.memory_space<vmem>> -> memref<128xi32, #tpu.memory_space<vmem>>
        %dma_wait3A_174 = arith.constant 0 : i32
        %dma_wait3A_175 = arith.constant 0 : i32
        %dma_wait3A_176 = tpu.memref_slice %arg2[%dma_wait3A_174, %dma_wait3A_175] : memref<10240x128xf32, #tpu.memory_space<hbm>> -> memref<10240x128xf32, #tpu.memory_space<hbm>>
        tpu.wait_indirect_dma semaphore(%arg13 : memref<!tpu.dma_semaphore, #tpu.memory_space<semaphore_mem>>) src(%dma_wait3A_176 : memref<10240x128xf32, #tpu.memory_space<hbm>>) dst(%arg10 : memref<128x128xf32, #tpu.memory_space<vmem>>)
        %run_scoped3A_177 = arith.constant 7 : i32
        "tpu.region"() ({
          %run_scoped3A_179 = tpu.sem_alloc : memref<!tpu.dma_semaphore, #tpu.memory_space<semaphore_mem>>
          %dma_start3A_180 = arith.constant 0 : i32
          %dma_start3A_181 = tpu.memref_slice %arg8[%run_scoped3A_177, %dma_start3A_180] : memref<8x128xi32, #tpu.memory_space<vmem>> -> memref<1x128xi32, #tpu.memory_space<vmem>>
          %dma_start3A_182 = tpu.memref_squeeze %dma_start3A_181 : memref<1x128xi32, #tpu.memory_space<vmem>> -> memref<128xi32, #tpu.memory_space<vmem>>
          %dma_start3A_183 = arith.constant 0 : i32
          %dma_start3A_184 = arith.constant 0 : i32
          %dma_start3A_185 = tpu.memref_slice %arg11[%dma_start3A_183, %dma_start3A_184] : memref<10240x128xf32, #tpu.memory_space<vmem_shared>> -> memref<10240x128xf32, #tpu.memory_space<vmem_shared>>
          tpu.enqueue_indirect_dma source(%arg10 : memref<128x128xf32, #tpu.memory_space<vmem>>) target(%dma_start3A_185 : memref<10240x128xf32, #tpu.memory_space<vmem_shared>>) offsets(%dma_start3A_182 : memref<128xi32, #tpu.memory_space<vmem>>) semaphore(%run_scoped3A_179 : memref<!tpu.dma_semaphore, #tpu.memory_space<semaphore_mem>>) {add = true}
          %dma_wait3A_186 = arith.constant 0 : i32
          %dma_wait3A_187 = tpu.memref_slice %arg8[%run_scoped3A_177, %dma_wait3A_186] : memref<8x128xi32, #tpu.memory_space<vmem>> -> memref<1x128xi32, #tpu.memory_space<vmem>>
          %dma_wait3A_188 = tpu.memref_squeeze %dma_wait3A_187 : memref<1x128xi32, #tpu.memory_space<vmem>> -> memref<128xi32, #tpu.memory_space<vmem>>
          %dma_wait3A_189 = arith.constant 0 : i32
          %dma_wait3A_190 = arith.constant 0 : i32
          %dma_wait3A_191 = tpu.memref_slice %arg11[%dma_wait3A_189, %dma_wait3A_190] : memref<10240x128xf32, #tpu.memory_space<vmem_shared>> -> memref<10240x128xf32, #tpu.memory_space<vmem_shared>>
          tpu.wait_indirect_dma semaphore(%run_scoped3A_179 : memref<!tpu.dma_semaphore, #tpu.memory_space<semaphore_mem>>) src(%arg10 : memref<128x128xf32, #tpu.memory_space<vmem>>) dst(%dma_wait3A_191 : memref<10240x128xf32, #tpu.memory_space<vmem_shared>>)
          tpu.yield
        }) : () -> ()
        %scan3A_178 = arith.constant 0 : i32
        scf.yield %scan3A_178 : i32
      }
      %scan3A_52 = arith.constant 5 : i32
    } else {
    }
    %barrier3A_8 = arith.constant 0 : index
    tpu.barrier barrier_id(%barrier3A_8)
    %mul3A_9 = arith.constant 10240 : i32
    %mul3A_10 = arith.muli %arg0, %mul3A_9 : i32
    %mul3A_11 = arith.constant 640 : i32
    %mul3A_12 = arith.muli %arg1, %mul3A_11 : i32
    %add3A = arith.addi %mul3A_10, %mul3A_12 : i32
    %mul3A_13 = arith.constant 640 : i32
    %mul3A_14 = arith.muli %arg1, %mul3A_13 : i32
    %add3A_15 = arith.constant 0 : i32
    %add3A_16 = arith.addi %mul3A_14, %add3A_15 : i32
    "tpu.region"() ({
      %run_scoped3A = tpu.sem_alloc : memref<!tpu.dma_semaphore, #tpu.memory_space<semaphore_mem>>
      %dma_start3A = arith.constant 0 : i32
      %dma_start3A_43 = tpu.memref_slice %arg11[%add3A_16, %dma_start3A] : memref<10240x128xf32, #tpu.memory_space<vmem_shared>> -> memref<128x128xf32, #tpu.memory_space<vmem_shared>>
      %dma_start3A_44 = arith.constant 0 : i32
      %dma_start3A_45 = tpu.memref_slice %arg11[%add3A_16, %dma_start3A_44] : memref<10240x128xf32, #tpu.memory_space<vmem_shared>> -> memref<128x128xf32, #tpu.memory_space<vmem_shared>>
      tpu.enqueue_dma source(%dma_start3A_45 : memref<128x128xf32, #tpu.memory_space<vmem_shared>>) target(%arg9 : memref<128x128xf32, #tpu.memory_space<vmem>>) target_semaphore(%run_scoped3A : memref<!tpu.dma_semaphore, #tpu.memory_space<semaphore_mem>>)
      %dma_wait3A = arith.constant 0 : i32
      %dma_wait3A_46 = tpu.memref_slice %arg11[%add3A_16, %dma_wait3A] : memref<10240x128xf32, #tpu.memory_space<vmem_shared>> -> memref<128x128xf32, #tpu.memory_space<vmem_shared>>
      %dma_wait3A_47 = arith.constant 0 : i32
      %dma_wait3A_48 = tpu.memref_slice %arg11[%add3A_16, %dma_wait3A_47] : memref<10240x128xf32, #tpu.memory_space<vmem_shared>> -> memref<128x128xf32, #tpu.memory_space<vmem_shared>>
      tpu.wait_dma2 semaphore(%run_scoped3A : memref<!tpu.dma_semaphore, #tpu.memory_space<semaphore_mem>>) src(%dma_wait3A_48 : memref<128x128xf32, #tpu.memory_space<vmem_shared>>) dst(%arg9 : memref<128x128xf32, #tpu.memory_space<vmem>>)
      tpu.yield
    }) : () -> ()
    %add3A_17 = arith.constant 0 : i32
    %add3A_18 = arith.addi %add3A, %add3A_17 : i32
    "tpu.region"() ({
      %run_scoped3A = tpu.sem_alloc : memref<!tpu.dma_semaphore, #tpu.memory_space<semaphore_mem>>
      %dma_start3A = arith.constant 0 : i32
      %dma_start3A_43 = tpu.memref_slice %arg6[%add3A_18, %dma_start3A] : memref<20480x128xf32, #tpu.memory_space<hbm>> -> memref<128x128xf32, #tpu.memory_space<hbm>>
      %dma_start3A_44 = arith.constant 0 : i32
      %dma_start3A_45 = tpu.memref_slice %arg6[%add3A_18, %dma_start3A_44] : memref<20480x128xf32, #tpu.memory_space<hbm>> -> memref<128x128xf32, #tpu.memory_space<hbm>>
      tpu.enqueue_dma source(%arg9 : memref<128x128xf32, #tpu.memory_space<vmem>>) target(%dma_start3A_45 : memref<128x128xf32, #tpu.memory_space<hbm>>) target_semaphore(%run_scoped3A : memref<!tpu.dma_semaphore, #tpu.memory_space<semaphore_mem>>)
      %dma_wait3A = arith.constant 0 : i32
      %dma_wait3A_46 = tpu.memref_slice %arg6[%add3A_18, %dma_wait3A] : memref<20480x128xf32, #tpu.memory_space<hbm>> -> memref<128x128xf32, #tpu.memory_space<hbm>>
      %dma_wait3A_47 = arith.constant 0 : i32
      %dma_wait3A_48 = tpu.memref_slice %arg6[%add3A_18, %dma_wait3A_47] : memref<20480x128xf32, #tpu.memory_space<hbm>> -> memref<128x128xf32, #tpu.memory_space<hbm>>
      tpu.wait_dma2 semaphore(%run_scoped3A : memref<!tpu.dma_semaphore, #tpu.memory_space<semaphore_mem>>) src(%arg9 : memref<128x128xf32, #tpu.memory_space<vmem>>) dst(%dma_wait3A_48 : memref<128x128xf32, #tpu.memory_space<hbm>>)
      tpu.yield
    }) : () -> ()
    %mul3A_19 = arith.constant 640 : i32
    %mul3A_20 = arith.muli %arg1, %mul3A_19 : i32
    %add3A_21 = arith.constant 128 : i32
    %add3A_22 = arith.addi %mul3A_20, %add3A_21 : i32
    "tpu.region"() ({
      %run_scoped3A = tpu.sem_alloc : memref<!tpu.dma_semaphore, #tpu.memory_space<semaphore_mem>>
      %dma_start3A = arith.constant 0 : i32
      %dma_start3A_43 = tpu.memref_slice %arg11[%add3A_22, %dma_start3A] : memref<10240x128xf32, #tpu.memory_space<vmem_shared>> -> memref<128x128xf32, #tpu.memory_space<vmem_shared>>
      %dma_start3A_44 = arith.constant 0 : i32
      %dma_start3A_45 = tpu.memref_slice %arg11[%add3A_22, %dma_start3A_44] : memref<10240x128xf32, #tpu.memory_space<vmem_shared>> -> memref<128x128xf32, #tpu.memory_space<vmem_shared>>
      tpu.enqueue_dma source(%dma_start3A_45 : memref<128x128xf32, #tpu.memory_space<vmem_shared>>) target(%arg9 : memref<128x128xf32, #tpu.memory_space<vmem>>) target_semaphore(%run_scoped3A : memref<!tpu.dma_semaphore, #tpu.memory_space<semaphore_mem>>)
      %dma_wait3A = arith.constant 0 : i32
      %dma_wait3A_46 = tpu.memref_slice %arg11[%add3A_22, %dma_wait3A] : memref<10240x128xf32, #tpu.memory_space<vmem_shared>> -> memref<128x128xf32, #tpu.memory_space<vmem_shared>>
      %dma_wait3A_47 = arith.constant 0 : i32
      %dma_wait3A_48 = tpu.memref_slice %arg11[%add3A_22, %dma_wait3A_47] : memref<10240x128xf32, #tpu.memory_space<vmem_shared>> -> memref<128x128xf32, #tpu.memory_space<vmem_shared>>
      tpu.wait_dma2 semaphore(%run_scoped3A : memref<!tpu.dma_semaphore, #tpu.memory_space<semaphore_mem>>) src(%dma_wait3A_48 : memref<128x128xf32, #tpu.memory_space<vmem_shared>>) dst(%arg9 : memref<128x128xf32, #tpu.memory_space<vmem>>)
      tpu.yield
    }) : () -> ()
    %add3A_23 = arith.constant 128 : i32
    %add3A_24 = arith.addi %add3A, %add3A_23 : i32
    "tpu.region"() ({
      %run_scoped3A = tpu.sem_alloc : memref<!tpu.dma_semaphore, #tpu.memory_space<semaphore_mem>>
      %dma_start3A = arith.constant 0 : i32
      %dma_start3A_43 = tpu.memref_slice %arg6[%add3A_24, %dma_start3A] : memref<20480x128xf32, #tpu.memory_space<hbm>> -> memref<128x128xf32, #tpu.memory_space<hbm>>
      %dma_start3A_44 = arith.constant 0 : i32
      %dma_start3A_45 = tpu.memref_slice %arg6[%add3A_24, %dma_start3A_44] : memref<20480x128xf32, #tpu.memory_space<hbm>> -> memref<128x128xf32, #tpu.memory_space<hbm>>
      tpu.enqueue_dma source(%arg9 : memref<128x128xf32, #tpu.memory_space<vmem>>) target(%dma_start3A_45 : memref<128x128xf32, #tpu.memory_space<hbm>>) target_semaphore(%run_scoped3A : memref<!tpu.dma_semaphore, #tpu.memory_space<semaphore_mem>>)
      %dma_wait3A = arith.constant 0 : i32
      %dma_wait3A_46 = tpu.memref_slice %arg6[%add3A_24, %dma_wait3A] : memref<20480x128xf32, #tpu.memory_space<hbm>> -> memref<128x128xf32, #tpu.memory_space<hbm>>
      %dma_wait3A_47 = arith.constant 0 : i32
      %dma_wait3A_48 = tpu.memref_slice %arg6[%add3A_24, %dma_wait3A_47] : memref<20480x128xf32, #tpu.memory_space<hbm>> -> memref<128x128xf32, #tpu.memory_space<hbm>>
      tpu.wait_dma2 semaphore(%run_scoped3A : memref<!tpu.dma_semaphore, #tpu.memory_space<semaphore_mem>>) src(%arg9 : memref<128x128xf32, #tpu.memory_space<vmem>>) dst(%dma_wait3A_48 : memref<128x128xf32, #tpu.memory_space<hbm>>)
      tpu.yield
    }) : () -> ()
    %mul3A_25 = arith.constant 640 : i32
    %mul3A_26 = arith.muli %arg1, %mul3A_25 : i32
    %add3A_27 = arith.constant 256 : i32
    %add3A_28 = arith.addi %mul3A_26, %add3A_27 : i32
    "tpu.region"() ({
      %run_scoped3A = tpu.sem_alloc : memref<!tpu.dma_semaphore, #tpu.memory_space<semaphore_mem>>
      %dma_start3A = arith.constant 0 : i32
      %dma_start3A_43 = tpu.memref_slice %arg11[%add3A_28, %dma_start3A] : memref<10240x128xf32, #tpu.memory_space<vmem_shared>> -> memref<128x128xf32, #tpu.memory_space<vmem_shared>>
      %dma_start3A_44 = arith.constant 0 : i32
      %dma_start3A_45 = tpu.memref_slice %arg11[%add3A_28, %dma_start3A_44] : memref<10240x128xf32, #tpu.memory_space<vmem_shared>> -> memref<128x128xf32, #tpu.memory_space<vmem_shared>>
      tpu.enqueue_dma source(%dma_start3A_45 : memref<128x128xf32, #tpu.memory_space<vmem_shared>>) target(%arg9 : memref<128x128xf32, #tpu.memory_space<vmem>>) target_semaphore(%run_scoped3A : memref<!tpu.dma_semaphore, #tpu.memory_space<semaphore_mem>>)
      %dma_wait3A = arith.constant 0 : i32
      %dma_wait3A_46 = tpu.memref_slice %arg11[%add3A_28, %dma_wait3A] : memref<10240x128xf32, #tpu.memory_space<vmem_shared>> -> memref<128x128xf32, #tpu.memory_space<vmem_shared>>
      %dma_wait3A_47 = arith.constant 0 : i32
      %dma_wait3A_48 = tpu.memref_slice %arg11[%add3A_28, %dma_wait3A_47] : memref<10240x128xf32, #tpu.memory_space<vmem_shared>> -> memref<128x128xf32, #tpu.memory_space<vmem_shared>>
      tpu.wait_dma2 semaphore(%run_scoped3A : memref<!tpu.dma_semaphore, #tpu.memory_space<semaphore_mem>>) src(%dma_wait3A_48 : memref<128x128xf32, #tpu.memory_space<vmem_shared>>) dst(%arg9 : memref<128x128xf32, #tpu.memory_space<vmem>>)
      tpu.yield
    }) : () -> ()
    %add3A_29 = arith.constant 256 : i32
    %add3A_30 = arith.addi %add3A, %add3A_29 : i32
    "tpu.region"() ({
      %run_scoped3A = tpu.sem_alloc : memref<!tpu.dma_semaphore, #tpu.memory_space<semaphore_mem>>
      %dma_start3A = arith.constant 0 : i32
      %dma_start3A_43 = tpu.memref_slice %arg6[%add3A_30, %dma_start3A] : memref<20480x128xf32, #tpu.memory_space<hbm>> -> memref<128x128xf32, #tpu.memory_space<hbm>>
      %dma_start3A_44 = arith.constant 0 : i32
      %dma_start3A_45 = tpu.memref_slice %arg6[%add3A_30, %dma_start3A_44] : memref<20480x128xf32, #tpu.memory_space<hbm>> -> memref<128x128xf32, #tpu.memory_space<hbm>>
      tpu.enqueue_dma source(%arg9 : memref<128x128xf32, #tpu.memory_space<vmem>>) target(%dma_start3A_45 : memref<128x128xf32, #tpu.memory_space<hbm>>) target_semaphore(%run_scoped3A : memref<!tpu.dma_semaphore, #tpu.memory_space<semaphore_mem>>)
      %dma_wait3A = arith.constant 0 : i32
      %dma_wait3A_46 = tpu.memref_slice %arg6[%add3A_30, %dma_wait3A] : memref<20480x128xf32, #tpu.memory_space<hbm>> -> memref<128x128xf32, #tpu.memory_space<hbm>>
      %dma_wait3A_47 = arith.constant 0 : i32
      %dma_wait3A_48 = tpu.memref_slice %arg6[%add3A_30, %dma_wait3A_47] : memref<20480x128xf32, #tpu.memory_space<hbm>> -> memref<128x128xf32, #tpu.memory_space<hbm>>
      tpu.wait_dma2 semaphore(%run_scoped3A : memref<!tpu.dma_semaphore, #tpu.memory_space<semaphore_mem>>) src(%arg9 : memref<128x128xf32, #tpu.memory_space<vmem>>) dst(%dma_wait3A_48 : memref<128x128xf32, #tpu.memory_space<hbm>>)
      tpu.yield
    }) : () -> ()
    %mul3A_31 = arith.constant 640 : i32
    %mul3A_32 = arith.muli %arg1, %mul3A_31 : i32
    %add3A_33 = arith.constant 384 : i32
    %add3A_34 = arith.addi %mul3A_32, %add3A_33 : i32
    "tpu.region"() ({
      %run_scoped3A = tpu.sem_alloc : memref<!tpu.dma_semaphore, #tpu.memory_space<semaphore_mem>>
      %dma_start3A = arith.constant 0 : i32
      %dma_start3A_43 = tpu.memref_slice %arg11[%add3A_34, %dma_start3A] : memref<10240x128xf32, #tpu.memory_space<vmem_shared>> -> memref<128x128xf32, #tpu.memory_space<vmem_shared>>
      %dma_start3A_44 = arith.constant 0 : i32
      %dma_start3A_45 = tpu.memref_slice %arg11[%add3A_34, %dma_start3A_44] : memref<10240x128xf32, #tpu.memory_space<vmem_shared>> -> memref<128x128xf32, #tpu.memory_space<vmem_shared>>
      tpu.enqueue_dma source(%dma_start3A_45 : memref<128x128xf32, #tpu.memory_space<vmem_shared>>) target(%arg9 : memref<128x128xf32, #tpu.memory_space<vmem>>) target_semaphore(%run_scoped3A : memref<!tpu.dma_semaphore, #tpu.memory_space<semaphore_mem>>)
      %dma_wait3A = arith.constant 0 : i32
      %dma_wait3A_46 = tpu.memref_slice %arg11[%add3A_34, %dma_wait3A] : memref<10240x128xf32, #tpu.memory_space<vmem_shared>> -> memref<128x128xf32, #tpu.memory_space<vmem_shared>>
      %dma_wait3A_47 = arith.constant 0 : i32
      %dma_wait3A_48 = tpu.memref_slice %arg11[%add3A_34, %dma_wait3A_47] : memref<10240x128xf32, #tpu.memory_space<vmem_shared>> -> memref<128x128xf32, #tpu.memory_space<vmem_shared>>
      tpu.wait_dma2 semaphore(%run_scoped3A : memref<!tpu.dma_semaphore, #tpu.memory_space<semaphore_mem>>) src(%dma_wait3A_48 : memref<128x128xf32, #tpu.memory_space<vmem_shared>>) dst(%arg9 : memref<128x128xf32, #tpu.memory_space<vmem>>)
      tpu.yield
    }) : () -> ()
    %add3A_35 = arith.constant 384 : i32
    %add3A_36 = arith.addi %add3A, %add3A_35 : i32
    "tpu.region"() ({
      %run_scoped3A = tpu.sem_alloc : memref<!tpu.dma_semaphore, #tpu.memory_space<semaphore_mem>>
      %dma_start3A = arith.constant 0 : i32
      %dma_start3A_43 = tpu.memref_slice %arg6[%add3A_36, %dma_start3A] : memref<20480x128xf32, #tpu.memory_space<hbm>> -> memref<128x128xf32, #tpu.memory_space<hbm>>
      %dma_start3A_44 = arith.constant 0 : i32
      %dma_start3A_45 = tpu.memref_slice %arg6[%add3A_36, %dma_start3A_44] : memref<20480x128xf32, #tpu.memory_space<hbm>> -> memref<128x128xf32, #tpu.memory_space<hbm>>
      tpu.enqueue_dma source(%arg9 : memref<128x128xf32, #tpu.memory_space<vmem>>) target(%dma_start3A_45 : memref<128x128xf32, #tpu.memory_space<hbm>>) target_semaphore(%run_scoped3A : memref<!tpu.dma_semaphore, #tpu.memory_space<semaphore_mem>>)
      %dma_wait3A = arith.constant 0 : i32
      %dma_wait3A_46 = tpu.memref_slice %arg6[%add3A_36, %dma_wait3A] : memref<20480x128xf32, #tpu.memory_space<hbm>> -> memref<128x128xf32, #tpu.memory_space<hbm>>
      %dma_wait3A_47 = arith.constant 0 : i32
      %dma_wait3A_48 = tpu.memref_slice %arg6[%add3A_36, %dma_wait3A_47] : memref<20480x128xf32, #tpu.memory_space<hbm>> -> memref<128x128xf32, #tpu.memory_space<hbm>>
      tpu.wait_dma2 semaphore(%run_scoped3A : memref<!tpu.dma_semaphore, #tpu.memory_space<semaphore_mem>>) src(%arg9 : memref<128x128xf32, #tpu.memory_space<vmem>>) dst(%dma_wait3A_48 : memref<128x128xf32, #tpu.memory_space<hbm>>)
      tpu.yield
    }) : () -> ()
    %mul3A_37 = arith.constant 640 : i32
    %mul3A_38 = arith.muli %arg1, %mul3A_37 : i32
    %add3A_39 = arith.constant 512 : i32
    %add3A_40 = arith.addi %mul3A_38, %add3A_39 : i32
    "tpu.region"() ({
      %run_scoped3A = tpu.sem_alloc : memref<!tpu.dma_semaphore, #tpu.memory_space<semaphore_mem>>
      %dma_start3A = arith.constant 0 : i32
      %dma_start3A_43 = tpu.memref_slice %arg11[%add3A_40, %dma_start3A] : memref<10240x128xf32, #tpu.memory_space<vmem_shared>> -> memref<128x128xf32, #tpu.memory_space<vmem_shared>>
      %dma_start3A_44 = arith.constant 0 : i32
      %dma_start3A_45 = tpu.memref_slice %arg11[%add3A_40, %dma_start3A_44] : memref<10240x128xf32, #tpu.memory_space<vmem_shared>> -> memref<128x128xf32, #tpu.memory_space<vmem_shared>>
      tpu.enqueue_dma source(%dma_start3A_45 : memref<128x128xf32, #tpu.memory_space<vmem_shared>>) target(%arg9 : memref<128x128xf32, #tpu.memory_space<vmem>>) target_semaphore(%run_scoped3A : memref<!tpu.dma_semaphore, #tpu.memory_space<semaphore_mem>>)
      %dma_wait3A = arith.constant 0 : i32
      %dma_wait3A_46 = tpu.memref_slice %arg11[%add3A_40, %dma_wait3A] : memref<10240x128xf32, #tpu.memory_space<vmem_shared>> -> memref<128x128xf32, #tpu.memory_space<vmem_shared>>
      %dma_wait3A_47 = arith.constant 0 : i32
      %dma_wait3A_48 = tpu.memref_slice %arg11[%add3A_40, %dma_wait3A_47] : memref<10240x128xf32, #tpu.memory_space<vmem_shared>> -> memref<128x128xf32, #tpu.memory_space<vmem_shared>>
      tpu.wait_dma2 semaphore(%run_scoped3A : memref<!tpu.dma_semaphore, #tpu.memory_space<semaphore_mem>>) src(%dma_wait3A_48 : memref<128x128xf32, #tpu.memory_space<vmem_shared>>) dst(%arg9 : memref<128x128xf32, #tpu.memory_space<vmem>>)
      tpu.yield
    }) : () -> ()
    %add3A_41 = arith.constant 512 : i32
    %add3A_42 = arith.addi %add3A, %add3A_41 : i32
    "tpu.region"() ({
      %run_scoped3A = tpu.sem_alloc : memref<!tpu.dma_semaphore, #tpu.memory_space<semaphore_mem>>
      %dma_start3A = arith.constant 0 : i32
      %dma_start3A_43 = tpu.memref_slice %arg6[%add3A_42, %dma_start3A] : memref<20480x128xf32, #tpu.memory_space<hbm>> -> memref<128x128xf32, #tpu.memory_space<hbm>>
      %dma_start3A_44 = arith.constant 0 : i32
      %dma_start3A_45 = tpu.memref_slice %arg6[%add3A_42, %dma_start3A_44] : memref<20480x128xf32, #tpu.memory_space<hbm>> -> memref<128x128xf32, #tpu.memory_space<hbm>>
      tpu.enqueue_dma source(%arg9 : memref<128x128xf32, #tpu.memory_space<vmem>>) target(%dma_start3A_45 : memref<128x128xf32, #tpu.memory_space<hbm>>) target_semaphore(%run_scoped3A : memref<!tpu.dma_semaphore, #tpu.memory_space<semaphore_mem>>)
      %dma_wait3A = arith.constant 0 : i32
      %dma_wait3A_46 = tpu.memref_slice %arg6[%add3A_42, %dma_wait3A] : memref<20480x128xf32, #tpu.memory_space<hbm>> -> memref<128x128xf32, #tpu.memory_space<hbm>>
      %dma_wait3A_47 = arith.constant 0 : i32
      %dma_wait3A_48 = tpu.memref_slice %arg6[%add3A_42, %dma_wait3A_47] : memref<20480x128xf32, #tpu.memory_space<hbm>> -> memref<128x128xf32, #tpu.memory_space<hbm>>
      tpu.wait_dma2 semaphore(%run_scoped3A : memref<!tpu.dma_semaphore, #tpu.memory_space<semaphore_mem>>) src(%arg9 : memref<128x128xf32, #tpu.memory_space<vmem>>) dst(%dma_wait3A_48 : memref<128x128xf32, #tpu.memory_space<hbm>>)
      tpu.yield
    }) : () -> ()
    return
  }
}

#map = affine_map<(d0, d1) -> (0, 0)>
module attributes {stable_mosaic.version = 14 : i64} {
  func.func @seg_sum(%arg0: i32, %arg1: i32, %arg2: memref<10240x128xf32, #tpu.memory_space<hbm>>, %arg3: memref<2560x128xi32, #tpu.memory_space<hbm>>, %arg4: memref<2560x128xi32, #tpu.memory_space<hbm>>, %arg5: memref<640x128xf32, #tpu.memory_space<hbm>>, %arg6: memref<20480x128xf32, #tpu.memory_space<hbm>>, %arg7: memref<8x128xi32, #tpu.memory_space<vmem>>, %arg8: memref<8x128xi32, #tpu.memory_space<vmem>>, %arg9: memref<128x128xf32, #tpu.memory_space<vmem>>, %arg10: memref<128x128xf32, #tpu.memory_space<vmem>>, %arg11: memref<10240x128xf32, #tpu.memory_space<vmem_shared>>, %arg12: memref<!tpu.dma_semaphore, #tpu.memory_space<semaphore_mem>>, %arg13: memref<!tpu.dma_semaphore, #tpu.memory_space<semaphore_mem>>) attributes {dimension_semantics = [#tpu.dimension_semantics<core_parallel>, #tpu.dimension_semantics<subcore_parallel>], iteration_bounds = array<i64: 2, 16>, scalar_prefetch = 0 : i64, scratch_operands = 7 : i64, tpu.core_type = #tpu.core_type<sc_vector_subcore>, window_params = [{transform_indices = #map}, {transform_indices = #map}, {transform_indices = #map}, {transform_indices = #map}, {transform_indices = #map}]} {
    %mul3A = arith.constant 640 : i32
    %mul3A_0 = arith.muli %arg1, %mul3A : i32
    "tpu.region"() ({
      %run_scoped3A = tpu.sem_alloc : memref<!tpu.dma_semaphore, #tpu.memory_space<semaphore_mem>>
      %dma_start3A = arith.constant 0 : i32
      %dma_start3A_43 = tpu.memref_slice %arg11[%mul3A_0, %dma_start3A] : memref<10240x128xf32, #tpu.memory_space<vmem_shared>> -> memref<640x128xf32, #tpu.memory_space<vmem_shared>>
      tpu.enqueue_dma source(%arg5 : memref<640x128xf32, #tpu.memory_space<hbm>>) target(%dma_start3A_43 : memref<640x128xf32, #tpu.memory_space<vmem_shared>>) target_semaphore(%run_scoped3A : memref<!tpu.dma_semaphore, #tpu.memory_space<semaphore_mem>>)
      %dma_wait3A = arith.constant 0 : i32
      %dma_wait3A_44 = tpu.memref_slice %arg11[%mul3A_0, %dma_wait3A] : memref<10240x128xf32, #tpu.memory_space<vmem_shared>> -> memref<640x128xf32, #tpu.memory_space<vmem_shared>>
      tpu.wait_dma2 semaphore(%run_scoped3A : memref<!tpu.dma_semaphore, #tpu.memory_space<semaphore_mem>>) src(%arg5 : memref<640x128xf32, #tpu.memory_space<hbm>>) dst(%dma_wait3A_44 : memref<640x128xf32, #tpu.memory_space<vmem_shared>>)
      tpu.yield
    }) : () -> ()
    %barrier3A = arith.constant 0 : index
    tpu.barrier barrier_id(%barrier3A)
    %eq3A = arith.constant 0 : i32
    %eq3A_1 = arith.cmpi eq, %arg0, %eq3A : i32
    %convert_element_type3A = arith.extui %eq3A_1 : i1 to i32
    %cond3A = arith.constant 0 : i32
    %cond3A_2 = arith.cmpi ne, %convert_element_type3A, %cond3A : i32
    scf.if %cond3A_2 {
      %mul3A_43 = arith.constant 120 : i32
      %mul3A_44 = arith.muli %arg1, %mul3A_43 : i32
      %scan3A = arith.constant 0 : i32
      %scan3A_45 = arith.constant 0 : i32
      %scan3A_46 = arith.constant 15 : i32
      %scan3A_47 = arith.addi %scan3A_45, %scan3A_46 : i32
      %scan3A_48 = arith.constant 1 : i32
      %scan3A_49 = scf.for %scan3A_51 = %scan3A_45 to %scan3A_47 step %scan3A_48 iter_args(%scan3A_52 = %scan3A) -> (i32)  : i32 {
        %mul3A_53 = arith.constant 8 : i32
        %mul3A_54 = arith.muli %scan3A_51, %mul3A_53 : i32
        %add3A_55 = arith.addi %mul3A_44, %mul3A_54 : i32
        "tpu.region"() ({
          %run_scoped3A_177 = tpu.sem_alloc : memref<!tpu.dma_semaphore, #tpu.memory_space<semaphore_mem>>
          %dma_start3A_178 = arith.constant 0 : i32
          %dma_start3A_179 = tpu.memref_slice %arg3[%add3A_55, %dma_start3A_178] : memref<2560x128xi32, #tpu.memory_space<hbm>> -> memref<8x128xi32, #tpu.memory_space<hbm>>
          %dma_start3A_180 = arith.constant 0 : i32
          %dma_start3A_181 = tpu.memref_slice %arg3[%add3A_55, %dma_start3A_180] : memref<2560x128xi32, #tpu.memory_space<hbm>> -> memref<8x128xi32, #tpu.memory_space<hbm>>
          tpu.enqueue_dma source(%dma_start3A_181 : memref<8x128xi32, #tpu.memory_space<hbm>>) target(%arg7 : memref<8x128xi32, #tpu.memory_space<vmem>>) target_semaphore(%run_scoped3A_177 : memref<!tpu.dma_semaphore, #tpu.memory_space<semaphore_mem>>)
          %dma_wait3A_182 = arith.constant 0 : i32
          %dma_wait3A_183 = tpu.memref_slice %arg3[%add3A_55, %dma_wait3A_182] : memref<2560x128xi32, #tpu.memory_space<hbm>> -> memref<8x128xi32, #tpu.memory_space<hbm>>
          %dma_wait3A_184 = arith.constant 0 : i32
          %dma_wait3A_185 = tpu.memref_slice %arg3[%add3A_55, %dma_wait3A_184] : memref<2560x128xi32, #tpu.memory_space<hbm>> -> memref<8x128xi32, #tpu.memory_space<hbm>>
          tpu.wait_dma2 semaphore(%run_scoped3A_177 : memref<!tpu.dma_semaphore, #tpu.memory_space<semaphore_mem>>) src(%dma_wait3A_185 : memref<8x128xi32, #tpu.memory_space<hbm>>) dst(%arg7 : memref<8x128xi32, #tpu.memory_space<vmem>>)
          tpu.yield
        }) : () -> ()
        %mul3A_56 = arith.constant 8 : i32
        %mul3A_57 = arith.muli %scan3A_51, %mul3A_56 : i32
        %add3A_58 = arith.addi %mul3A_44, %mul3A_57 : i32
        "tpu.region"() ({
          %run_scoped3A_177 = tpu.sem_alloc : memref<!tpu.dma_semaphore, #tpu.memory_space<semaphore_mem>>
          %dma_start3A_178 = arith.constant 0 : i32
          %dma_start3A_179 = tpu.memref_slice %arg4[%add3A_58, %dma_start3A_178] : memref<2560x128xi32, #tpu.memory_space<hbm>> -> memref<8x128xi32, #tpu.memory_space<hbm>>
          %dma_start3A_180 = arith.constant 0 : i32
          %dma_start3A_181 = tpu.memref_slice %arg4[%add3A_58, %dma_start3A_180] : memref<2560x128xi32, #tpu.memory_space<hbm>> -> memref<8x128xi32, #tpu.memory_space<hbm>>
          tpu.enqueue_dma source(%dma_start3A_181 : memref<8x128xi32, #tpu.memory_space<hbm>>) target(%arg8 : memref<8x128xi32, #tpu.memory_space<vmem>>) target_semaphore(%run_scoped3A_177 : memref<!tpu.dma_semaphore, #tpu.memory_space<semaphore_mem>>)
          %dma_wait3A_182 = arith.constant 0 : i32
          %dma_wait3A_183 = tpu.memref_slice %arg4[%add3A_58, %dma_wait3A_182] : memref<2560x128xi32, #tpu.memory_space<hbm>> -> memref<8x128xi32, #tpu.memory_space<hbm>>
          %dma_wait3A_184 = arith.constant 0 : i32
          %dma_wait3A_185 = tpu.memref_slice %arg4[%add3A_58, %dma_wait3A_184] : memref<2560x128xi32, #tpu.memory_space<hbm>> -> memref<8x128xi32, #tpu.memory_space<hbm>>
          tpu.wait_dma2 semaphore(%run_scoped3A_177 : memref<!tpu.dma_semaphore, #tpu.memory_space<semaphore_mem>>) src(%dma_wait3A_185 : memref<8x128xi32, #tpu.memory_space<hbm>>) dst(%arg8 : memref<8x128xi32, #tpu.memory_space<vmem>>)
          tpu.yield
        }) : () -> ()
        %dma_start3A = arith.constant 0 : i32
        %dma_start3A_59 = arith.constant 0 : i32
        %dma_start3A_60 = tpu.memref_slice %arg7[%dma_start3A, %dma_start3A_59] : memref<8x128xi32, #tpu.memory_space<vmem>> -> memref<1x128xi32, #tpu.memory_space<vmem>>
        %dma_start3A_61 = tpu.memref_squeeze %dma_start3A_60 : memref<1x128xi32, #tpu.memory_space<vmem>> -> memref<128xi32, #tpu.memory_space<vmem>>
        %dma_start3A_62 = arith.constant 0 : i32
        %dma_start3A_63 = arith.constant 0 : i32
        %dma_start3A_64 = tpu.memref_slice %arg2[%dma_start3A_62, %dma_start3A_63] : memref<10240x128xf32, #tpu.memory_space<hbm>> -> memref<10240x128xf32, #tpu.memory_space<hbm>>
        tpu.enqueue_indirect_dma source(%dma_start3A_64 : memref<10240x128xf32, #tpu.memory_space<hbm>>) target(%arg9 : memref<128x128xf32, #tpu.memory_space<vmem>>) offsets(%dma_start3A_61 : memref<128xi32, #tpu.memory_space<vmem>>) semaphore(%arg12 : memref<!tpu.dma_semaphore, #tpu.memory_space<semaphore_mem>>)
        %dma_wait3A = arith.constant 0 : i32
        %dma_wait3A_65 = arith.constant 0 : i32
        %dma_wait3A_66 = tpu.memref_slice %arg7[%dma_wait3A, %dma_wait3A_65] : memref<8x128xi32, #tpu.memory_space<vmem>> -> memref<1x128xi32, #tpu.memory_space<vmem>>
        %dma_wait3A_67 = tpu.memref_squeeze %dma_wait3A_66 : memref<1x128xi32, #tpu.memory_space<vmem>> -> memref<128xi32, #tpu.memory_space<vmem>>
        %dma_wait3A_68 = arith.constant 0 : i32
        %dma_wait3A_69 = arith.constant 0 : i32
        %dma_wait3A_70 = tpu.memref_slice %arg2[%dma_wait3A_68, %dma_wait3A_69] : memref<10240x128xf32, #tpu.memory_space<hbm>> -> memref<10240x128xf32, #tpu.memory_space<hbm>>
        tpu.wait_indirect_dma semaphore(%arg12 : memref<!tpu.dma_semaphore, #tpu.memory_space<semaphore_mem>>) src(%dma_wait3A_70 : memref<10240x128xf32, #tpu.memory_space<hbm>>) dst(%arg9 : memref<128x128xf32, #tpu.memory_space<vmem>>)
        %dma_start3A_71 = arith.constant 1 : i32
        %dma_start3A_72 = arith.constant 0 : i32
        %dma_start3A_73 = tpu.memref_slice %arg7[%dma_start3A_71, %dma_start3A_72] : memref<8x128xi32, #tpu.memory_space<vmem>> -> memref<1x128xi32, #tpu.memory_space<vmem>>
        %dma_start3A_74 = tpu.memref_squeeze %dma_start3A_73 : memref<1x128xi32, #tpu.memory_space<vmem>> -> memref<128xi32, #tpu.memory_space<vmem>>
        %dma_start3A_75 = arith.constant 0 : i32
        %dma_start3A_76 = arith.constant 0 : i32
        %dma_start3A_77 = tpu.memref_slice %arg2[%dma_start3A_75, %dma_start3A_76] : memref<10240x128xf32, #tpu.memory_space<hbm>> -> memref<10240x128xf32, #tpu.memory_space<hbm>>
        tpu.enqueue_indirect_dma source(%dma_start3A_77 : memref<10240x128xf32, #tpu.memory_space<hbm>>) target(%arg10 : memref<128x128xf32, #tpu.memory_space<vmem>>) offsets(%dma_start3A_74 : memref<128xi32, #tpu.memory_space<vmem>>) semaphore(%arg13 : memref<!tpu.dma_semaphore, #tpu.memory_space<semaphore_mem>>)
        %run_scoped3A = arith.constant 0 : i32
        "tpu.region"() ({
          %run_scoped3A_177 = tpu.sem_alloc : memref<!tpu.dma_semaphore, #tpu.memory_space<semaphore_mem>>
          %dma_start3A_178 = arith.constant 0 : i32
          %dma_start3A_179 = tpu.memref_slice %arg8[%run_scoped3A, %dma_start3A_178] : memref<8x128xi32, #tpu.memory_space<vmem>> -> memref<1x128xi32, #tpu.memory_space<vmem>>
          %dma_start3A_180 = tpu.memref_squeeze %dma_start3A_179 : memref<1x128xi32, #tpu.memory_space<vmem>> -> memref<128xi32, #tpu.memory_space<vmem>>
          %dma_start3A_181 = arith.constant 0 : i32
          %dma_start3A_182 = arith.constant 0 : i32
          %dma_start3A_183 = tpu.memref_slice %arg11[%dma_start3A_181, %dma_start3A_182] : memref<10240x128xf32, #tpu.memory_space<vmem_shared>> -> memref<10240x128xf32, #tpu.memory_space<vmem_shared>>
          tpu.enqueue_indirect_dma source(%arg9 : memref<128x128xf32, #tpu.memory_space<vmem>>) target(%dma_start3A_183 : memref<10240x128xf32, #tpu.memory_space<vmem_shared>>) offsets(%dma_start3A_180 : memref<128xi32, #tpu.memory_space<vmem>>) semaphore(%run_scoped3A_177 : memref<!tpu.dma_semaphore, #tpu.memory_space<semaphore_mem>>) {add = true}
          %dma_wait3A_184 = arith.constant 0 : i32
          %dma_wait3A_185 = tpu.memref_slice %arg8[%run_scoped3A, %dma_wait3A_184] : memref<8x128xi32, #tpu.memory_space<vmem>> -> memref<1x128xi32, #tpu.memory_space<vmem>>
          %dma_wait3A_186 = tpu.memref_squeeze %dma_wait3A_185 : memref<1x128xi32, #tpu.memory_space<vmem>> -> memref<128xi32, #tpu.memory_space<vmem>>
          %dma_wait3A_187 = arith.constant 0 : i32
          %dma_wait3A_188 = arith.constant 0 : i32
          %dma_wait3A_189 = tpu.memref_slice %arg11[%dma_wait3A_187, %dma_wait3A_188] : memref<10240x128xf32, #tpu.memory_space<vmem_shared>> -> memref<10240x128xf32, #tpu.memory_space<vmem_shared>>
          tpu.wait_indirect_dma semaphore(%run_scoped3A_177 : memref<!tpu.dma_semaphore, #tpu.memory_space<semaphore_mem>>) src(%arg9 : memref<128x128xf32, #tpu.memory_space<vmem>>) dst(%dma_wait3A_189 : memref<10240x128xf32, #tpu.memory_space<vmem_shared>>)
          tpu.yield
        }) : () -> ()
        %dma_wait3A_78 = arith.constant 1 : i32
        %dma_wait3A_79 = arith.constant 0 : i32
        %dma_wait3A_80 = tpu.memref_slice %arg7[%dma_wait3A_78, %dma_wait3A_79] : memref<8x128xi32, #tpu.memory_space<vmem>> -> memref<1x128xi32, #tpu.memory_space<vmem>>
        %dma_wait3A_81 = tpu.memref_squeeze %dma_wait3A_80 : memref<1x128xi32, #tpu.memory_space<vmem>> -> memref<128xi32, #tpu.memory_space<vmem>>
        %dma_wait3A_82 = arith.constant 0 : i32
        %dma_wait3A_83 = arith.constant 0 : i32
        %dma_wait3A_84 = tpu.memref_slice %arg2[%dma_wait3A_82, %dma_wait3A_83] : memref<10240x128xf32, #tpu.memory_space<hbm>> -> memref<10240x128xf32, #tpu.memory_space<hbm>>
        tpu.wait_indirect_dma semaphore(%arg13 : memref<!tpu.dma_semaphore, #tpu.memory_space<semaphore_mem>>) src(%dma_wait3A_84 : memref<10240x128xf32, #tpu.memory_space<hbm>>) dst(%arg10 : memref<128x128xf32, #tpu.memory_space<vmem>>)
        %dma_start3A_85 = arith.constant 2 : i32
        %dma_start3A_86 = arith.constant 0 : i32
        %dma_start3A_87 = tpu.memref_slice %arg7[%dma_start3A_85, %dma_start3A_86] : memref<8x128xi32, #tpu.memory_space<vmem>> -> memref<1x128xi32, #tpu.memory_space<vmem>>
        %dma_start3A_88 = tpu.memref_squeeze %dma_start3A_87 : memref<1x128xi32, #tpu.memory_space<vmem>> -> memref<128xi32, #tpu.memory_space<vmem>>
        %dma_start3A_89 = arith.constant 0 : i32
        %dma_start3A_90 = arith.constant 0 : i32
        %dma_start3A_91 = tpu.memref_slice %arg2[%dma_start3A_89, %dma_start3A_90] : memref<10240x128xf32, #tpu.memory_space<hbm>> -> memref<10240x128xf32, #tpu.memory_space<hbm>>
        tpu.enqueue_indirect_dma source(%dma_start3A_91 : memref<10240x128xf32, #tpu.memory_space<hbm>>) target(%arg9 : memref<128x128xf32, #tpu.memory_space<vmem>>) offsets(%dma_start3A_88 : memref<128xi32, #tpu.memory_space<vmem>>) semaphore(%arg12 : memref<!tpu.dma_semaphore, #tpu.memory_space<semaphore_mem>>)
        %run_scoped3A_92 = arith.constant 1 : i32
        "tpu.region"() ({
          %run_scoped3A_177 = tpu.sem_alloc : memref<!tpu.dma_semaphore, #tpu.memory_space<semaphore_mem>>
          %dma_start3A_178 = arith.constant 0 : i32
          %dma_start3A_179 = tpu.memref_slice %arg8[%run_scoped3A_92, %dma_start3A_178] : memref<8x128xi32, #tpu.memory_space<vmem>> -> memref<1x128xi32, #tpu.memory_space<vmem>>
          %dma_start3A_180 = tpu.memref_squeeze %dma_start3A_179 : memref<1x128xi32, #tpu.memory_space<vmem>> -> memref<128xi32, #tpu.memory_space<vmem>>
          %dma_start3A_181 = arith.constant 0 : i32
          %dma_start3A_182 = arith.constant 0 : i32
          %dma_start3A_183 = tpu.memref_slice %arg11[%dma_start3A_181, %dma_start3A_182] : memref<10240x128xf32, #tpu.memory_space<vmem_shared>> -> memref<10240x128xf32, #tpu.memory_space<vmem_shared>>
          tpu.enqueue_indirect_dma source(%arg10 : memref<128x128xf32, #tpu.memory_space<vmem>>) target(%dma_start3A_183 : memref<10240x128xf32, #tpu.memory_space<vmem_shared>>) offsets(%dma_start3A_180 : memref<128xi32, #tpu.memory_space<vmem>>) semaphore(%run_scoped3A_177 : memref<!tpu.dma_semaphore, #tpu.memory_space<semaphore_mem>>) {add = true}
          %dma_wait3A_184 = arith.constant 0 : i32
          %dma_wait3A_185 = tpu.memref_slice %arg8[%run_scoped3A_92, %dma_wait3A_184] : memref<8x128xi32, #tpu.memory_space<vmem>> -> memref<1x128xi32, #tpu.memory_space<vmem>>
          %dma_wait3A_186 = tpu.memref_squeeze %dma_wait3A_185 : memref<1x128xi32, #tpu.memory_space<vmem>> -> memref<128xi32, #tpu.memory_space<vmem>>
          %dma_wait3A_187 = arith.constant 0 : i32
          %dma_wait3A_188 = arith.constant 0 : i32
          %dma_wait3A_189 = tpu.memref_slice %arg11[%dma_wait3A_187, %dma_wait3A_188] : memref<10240x128xf32, #tpu.memory_space<vmem_shared>> -> memref<10240x128xf32, #tpu.memory_space<vmem_shared>>
          tpu.wait_indirect_dma semaphore(%run_scoped3A_177 : memref<!tpu.dma_semaphore, #tpu.memory_space<semaphore_mem>>) src(%arg10 : memref<128x128xf32, #tpu.memory_space<vmem>>) dst(%dma_wait3A_189 : memref<10240x128xf32, #tpu.memory_space<vmem_shared>>)
          tpu.yield
        }) : () -> ()
        %dma_wait3A_93 = arith.constant 2 : i32
        %dma_wait3A_94 = arith.constant 0 : i32
        %dma_wait3A_95 = tpu.memref_slice %arg7[%dma_wait3A_93, %dma_wait3A_94] : memref<8x128xi32, #tpu.memory_space<vmem>> -> memref<1x128xi32, #tpu.memory_space<vmem>>
        %dma_wait3A_96 = tpu.memref_squeeze %dma_wait3A_95 : memref<1x128xi32, #tpu.memory_space<vmem>> -> memref<128xi32, #tpu.memory_space<vmem>>
        %dma_wait3A_97 = arith.constant 0 : i32
        %dma_wait3A_98 = arith.constant 0 : i32
        %dma_wait3A_99 = tpu.memref_slice %arg2[%dma_wait3A_97, %dma_wait3A_98] : memref<10240x128xf32, #tpu.memory_space<hbm>> -> memref<10240x128xf32, #tpu.memory_space<hbm>>
        tpu.wait_indirect_dma semaphore(%arg12 : memref<!tpu.dma_semaphore, #tpu.memory_space<semaphore_mem>>) src(%dma_wait3A_99 : memref<10240x128xf32, #tpu.memory_space<hbm>>) dst(%arg9 : memref<128x128xf32, #tpu.memory_space<vmem>>)
        %dma_start3A_100 = arith.constant 3 : i32
        %dma_start3A_101 = arith.constant 0 : i32
        %dma_start3A_102 = tpu.memref_slice %arg7[%dma_start3A_100, %dma_start3A_101] : memref<8x128xi32, #tpu.memory_space<vmem>> -> memref<1x128xi32, #tpu.memory_space<vmem>>
        %dma_start3A_103 = tpu.memref_squeeze %dma_start3A_102 : memref<1x128xi32, #tpu.memory_space<vmem>> -> memref<128xi32, #tpu.memory_space<vmem>>
        %dma_start3A_104 = arith.constant 0 : i32
        %dma_start3A_105 = arith.constant 0 : i32
        %dma_start3A_106 = tpu.memref_slice %arg2[%dma_start3A_104, %dma_start3A_105] : memref<10240x128xf32, #tpu.memory_space<hbm>> -> memref<10240x128xf32, #tpu.memory_space<hbm>>
        tpu.enqueue_indirect_dma source(%dma_start3A_106 : memref<10240x128xf32, #tpu.memory_space<hbm>>) target(%arg10 : memref<128x128xf32, #tpu.memory_space<vmem>>) offsets(%dma_start3A_103 : memref<128xi32, #tpu.memory_space<vmem>>) semaphore(%arg13 : memref<!tpu.dma_semaphore, #tpu.memory_space<semaphore_mem>>)
        %run_scoped3A_107 = arith.constant 2 : i32
        "tpu.region"() ({
          %run_scoped3A_177 = tpu.sem_alloc : memref<!tpu.dma_semaphore, #tpu.memory_space<semaphore_mem>>
          %dma_start3A_178 = arith.constant 0 : i32
          %dma_start3A_179 = tpu.memref_slice %arg8[%run_scoped3A_107, %dma_start3A_178] : memref<8x128xi32, #tpu.memory_space<vmem>> -> memref<1x128xi32, #tpu.memory_space<vmem>>
          %dma_start3A_180 = tpu.memref_squeeze %dma_start3A_179 : memref<1x128xi32, #tpu.memory_space<vmem>> -> memref<128xi32, #tpu.memory_space<vmem>>
          %dma_start3A_181 = arith.constant 0 : i32
          %dma_start3A_182 = arith.constant 0 : i32
          %dma_start3A_183 = tpu.memref_slice %arg11[%dma_start3A_181, %dma_start3A_182] : memref<10240x128xf32, #tpu.memory_space<vmem_shared>> -> memref<10240x128xf32, #tpu.memory_space<vmem_shared>>
          tpu.enqueue_indirect_dma source(%arg9 : memref<128x128xf32, #tpu.memory_space<vmem>>) target(%dma_start3A_183 : memref<10240x128xf32, #tpu.memory_space<vmem_shared>>) offsets(%dma_start3A_180 : memref<128xi32, #tpu.memory_space<vmem>>) semaphore(%run_scoped3A_177 : memref<!tpu.dma_semaphore, #tpu.memory_space<semaphore_mem>>) {add = true}
          %dma_wait3A_184 = arith.constant 0 : i32
          %dma_wait3A_185 = tpu.memref_slice %arg8[%run_scoped3A_107, %dma_wait3A_184] : memref<8x128xi32, #tpu.memory_space<vmem>> -> memref<1x128xi32, #tpu.memory_space<vmem>>
          %dma_wait3A_186 = tpu.memref_squeeze %dma_wait3A_185 : memref<1x128xi32, #tpu.memory_space<vmem>> -> memref<128xi32, #tpu.memory_space<vmem>>
          %dma_wait3A_187 = arith.constant 0 : i32
          %dma_wait3A_188 = arith.constant 0 : i32
          %dma_wait3A_189 = tpu.memref_slice %arg11[%dma_wait3A_187, %dma_wait3A_188] : memref<10240x128xf32, #tpu.memory_space<vmem_shared>> -> memref<10240x128xf32, #tpu.memory_space<vmem_shared>>
          tpu.wait_indirect_dma semaphore(%run_scoped3A_177 : memref<!tpu.dma_semaphore, #tpu.memory_space<semaphore_mem>>) src(%arg9 : memref<128x128xf32, #tpu.memory_space<vmem>>) dst(%dma_wait3A_189 : memref<10240x128xf32, #tpu.memory_space<vmem_shared>>)
          tpu.yield
        }) : () -> ()
        %dma_wait3A_108 = arith.constant 3 : i32
        %dma_wait3A_109 = arith.constant 0 : i32
        %dma_wait3A_110 = tpu.memref_slice %arg7[%dma_wait3A_108, %dma_wait3A_109] : memref<8x128xi32, #tpu.memory_space<vmem>> -> memref<1x128xi32, #tpu.memory_space<vmem>>
        %dma_wait3A_111 = tpu.memref_squeeze %dma_wait3A_110 : memref<1x128xi32, #tpu.memory_space<vmem>> -> memref<128xi32, #tpu.memory_space<vmem>>
        %dma_wait3A_112 = arith.constant 0 : i32
        %dma_wait3A_113 = arith.constant 0 : i32
        %dma_wait3A_114 = tpu.memref_slice %arg2[%dma_wait3A_112, %dma_wait3A_113] : memref<10240x128xf32, #tpu.memory_space<hbm>> -> memref<10240x128xf32, #tpu.memory_space<hbm>>
        tpu.wait_indirect_dma semaphore(%arg13 : memref<!tpu.dma_semaphore, #tpu.memory_space<semaphore_mem>>) src(%dma_wait3A_114 : memref<10240x128xf32, #tpu.memory_space<hbm>>) dst(%arg10 : memref<128x128xf32, #tpu.memory_space<vmem>>)
        %dma_start3A_115 = arith.constant 4 : i32
        %dma_start3A_116 = arith.constant 0 : i32
        %dma_start3A_117 = tpu.memref_slice %arg7[%dma_start3A_115, %dma_start3A_116] : memref<8x128xi32, #tpu.memory_space<vmem>> -> memref<1x128xi32, #tpu.memory_space<vmem>>
        %dma_start3A_118 = tpu.memref_squeeze %dma_start3A_117 : memref<1x128xi32, #tpu.memory_space<vmem>> -> memref<128xi32, #tpu.memory_space<vmem>>
        %dma_start3A_119 = arith.constant 0 : i32
        %dma_start3A_120 = arith.constant 0 : i32
        %dma_start3A_121 = tpu.memref_slice %arg2[%dma_start3A_119, %dma_start3A_120] : memref<10240x128xf32, #tpu.memory_space<hbm>> -> memref<10240x128xf32, #tpu.memory_space<hbm>>
        tpu.enqueue_indirect_dma source(%dma_start3A_121 : memref<10240x128xf32, #tpu.memory_space<hbm>>) target(%arg9 : memref<128x128xf32, #tpu.memory_space<vmem>>) offsets(%dma_start3A_118 : memref<128xi32, #tpu.memory_space<vmem>>) semaphore(%arg12 : memref<!tpu.dma_semaphore, #tpu.memory_space<semaphore_mem>>)
        %run_scoped3A_122 = arith.constant 3 : i32
        "tpu.region"() ({
          %run_scoped3A_177 = tpu.sem_alloc : memref<!tpu.dma_semaphore, #tpu.memory_space<semaphore_mem>>
          %dma_start3A_178 = arith.constant 0 : i32
          %dma_start3A_179 = tpu.memref_slice %arg8[%run_scoped3A_122, %dma_start3A_178] : memref<8x128xi32, #tpu.memory_space<vmem>> -> memref<1x128xi32, #tpu.memory_space<vmem>>
          %dma_start3A_180 = tpu.memref_squeeze %dma_start3A_179 : memref<1x128xi32, #tpu.memory_space<vmem>> -> memref<128xi32, #tpu.memory_space<vmem>>
          %dma_start3A_181 = arith.constant 0 : i32
          %dma_start3A_182 = arith.constant 0 : i32
          %dma_start3A_183 = tpu.memref_slice %arg11[%dma_start3A_181, %dma_start3A_182] : memref<10240x128xf32, #tpu.memory_space<vmem_shared>> -> memref<10240x128xf32, #tpu.memory_space<vmem_shared>>
          tpu.enqueue_indirect_dma source(%arg10 : memref<128x128xf32, #tpu.memory_space<vmem>>) target(%dma_start3A_183 : memref<10240x128xf32, #tpu.memory_space<vmem_shared>>) offsets(%dma_start3A_180 : memref<128xi32, #tpu.memory_space<vmem>>) semaphore(%run_scoped3A_177 : memref<!tpu.dma_semaphore, #tpu.memory_space<semaphore_mem>>) {add = true}
          %dma_wait3A_184 = arith.constant 0 : i32
          %dma_wait3A_185 = tpu.memref_slice %arg8[%run_scoped3A_122, %dma_wait3A_184] : memref<8x128xi32, #tpu.memory_space<vmem>> -> memref<1x128xi32, #tpu.memory_space<vmem>>
          %dma_wait3A_186 = tpu.memref_squeeze %dma_wait3A_185 : memref<1x128xi32, #tpu.memory_space<vmem>> -> memref<128xi32, #tpu.memory_space<vmem>>
          %dma_wait3A_187 = arith.constant 0 : i32
          %dma_wait3A_188 = arith.constant 0 : i32
          %dma_wait3A_189 = tpu.memref_slice %arg11[%dma_wait3A_187, %dma_wait3A_188] : memref<10240x128xf32, #tpu.memory_space<vmem_shared>> -> memref<10240x128xf32, #tpu.memory_space<vmem_shared>>
          tpu.wait_indirect_dma semaphore(%run_scoped3A_177 : memref<!tpu.dma_semaphore, #tpu.memory_space<semaphore_mem>>) src(%arg10 : memref<128x128xf32, #tpu.memory_space<vmem>>) dst(%dma_wait3A_189 : memref<10240x128xf32, #tpu.memory_space<vmem_shared>>)
          tpu.yield
        }) : () -> ()
        %dma_wait3A_123 = arith.constant 4 : i32
        %dma_wait3A_124 = arith.constant 0 : i32
        %dma_wait3A_125 = tpu.memref_slice %arg7[%dma_wait3A_123, %dma_wait3A_124] : memref<8x128xi32, #tpu.memory_space<vmem>> -> memref<1x128xi32, #tpu.memory_space<vmem>>
        %dma_wait3A_126 = tpu.memref_squeeze %dma_wait3A_125 : memref<1x128xi32, #tpu.memory_space<vmem>> -> memref<128xi32, #tpu.memory_space<vmem>>
        %dma_wait3A_127 = arith.constant 0 : i32
        %dma_wait3A_128 = arith.constant 0 : i32
        %dma_wait3A_129 = tpu.memref_slice %arg2[%dma_wait3A_127, %dma_wait3A_128] : memref<10240x128xf32, #tpu.memory_space<hbm>> -> memref<10240x128xf32, #tpu.memory_space<hbm>>
        tpu.wait_indirect_dma semaphore(%arg12 : memref<!tpu.dma_semaphore, #tpu.memory_space<semaphore_mem>>) src(%dma_wait3A_129 : memref<10240x128xf32, #tpu.memory_space<hbm>>) dst(%arg9 : memref<128x128xf32, #tpu.memory_space<vmem>>)
        %dma_start3A_130 = arith.constant 5 : i32
        %dma_start3A_131 = arith.constant 0 : i32
        %dma_start3A_132 = tpu.memref_slice %arg7[%dma_start3A_130, %dma_start3A_131] : memref<8x128xi32, #tpu.memory_space<vmem>> -> memref<1x128xi32, #tpu.memory_space<vmem>>
        %dma_start3A_133 = tpu.memref_squeeze %dma_start3A_132 : memref<1x128xi32, #tpu.memory_space<vmem>> -> memref<128xi32, #tpu.memory_space<vmem>>
        %dma_start3A_134 = arith.constant 0 : i32
        %dma_start3A_135 = arith.constant 0 : i32
        %dma_start3A_136 = tpu.memref_slice %arg2[%dma_start3A_134, %dma_start3A_135] : memref<10240x128xf32, #tpu.memory_space<hbm>> -> memref<10240x128xf32, #tpu.memory_space<hbm>>
        tpu.enqueue_indirect_dma source(%dma_start3A_136 : memref<10240x128xf32, #tpu.memory_space<hbm>>) target(%arg10 : memref<128x128xf32, #tpu.memory_space<vmem>>) offsets(%dma_start3A_133 : memref<128xi32, #tpu.memory_space<vmem>>) semaphore(%arg13 : memref<!tpu.dma_semaphore, #tpu.memory_space<semaphore_mem>>)
        %run_scoped3A_137 = arith.constant 4 : i32
        "tpu.region"() ({
          %run_scoped3A_177 = tpu.sem_alloc : memref<!tpu.dma_semaphore, #tpu.memory_space<semaphore_mem>>
          %dma_start3A_178 = arith.constant 0 : i32
          %dma_start3A_179 = tpu.memref_slice %arg8[%run_scoped3A_137, %dma_start3A_178] : memref<8x128xi32, #tpu.memory_space<vmem>> -> memref<1x128xi32, #tpu.memory_space<vmem>>
          %dma_start3A_180 = tpu.memref_squeeze %dma_start3A_179 : memref<1x128xi32, #tpu.memory_space<vmem>> -> memref<128xi32, #tpu.memory_space<vmem>>
          %dma_start3A_181 = arith.constant 0 : i32
          %dma_start3A_182 = arith.constant 0 : i32
          %dma_start3A_183 = tpu.memref_slice %arg11[%dma_start3A_181, %dma_start3A_182] : memref<10240x128xf32, #tpu.memory_space<vmem_shared>> -> memref<10240x128xf32, #tpu.memory_space<vmem_shared>>
          tpu.enqueue_indirect_dma source(%arg9 : memref<128x128xf32, #tpu.memory_space<vmem>>) target(%dma_start3A_183 : memref<10240x128xf32, #tpu.memory_space<vmem_shared>>) offsets(%dma_start3A_180 : memref<128xi32, #tpu.memory_space<vmem>>) semaphore(%run_scoped3A_177 : memref<!tpu.dma_semaphore, #tpu.memory_space<semaphore_mem>>) {add = true}
          %dma_wait3A_184 = arith.constant 0 : i32
          %dma_wait3A_185 = tpu.memref_slice %arg8[%run_scoped3A_137, %dma_wait3A_184] : memref<8x128xi32, #tpu.memory_space<vmem>> -> memref<1x128xi32, #tpu.memory_space<vmem>>
          %dma_wait3A_186 = tpu.memref_squeeze %dma_wait3A_185 : memref<1x128xi32, #tpu.memory_space<vmem>> -> memref<128xi32, #tpu.memory_space<vmem>>
          %dma_wait3A_187 = arith.constant 0 : i32
          %dma_wait3A_188 = arith.constant 0 : i32
          %dma_wait3A_189 = tpu.memref_slice %arg11[%dma_wait3A_187, %dma_wait3A_188] : memref<10240x128xf32, #tpu.memory_space<vmem_shared>> -> memref<10240x128xf32, #tpu.memory_space<vmem_shared>>
          tpu.wait_indirect_dma semaphore(%run_scoped3A_177 : memref<!tpu.dma_semaphore, #tpu.memory_space<semaphore_mem>>) src(%arg9 : memref<128x128xf32, #tpu.memory_space<vmem>>) dst(%dma_wait3A_189 : memref<10240x128xf32, #tpu.memory_space<vmem_shared>>)
          tpu.yield
        }) : () -> ()
        %dma_wait3A_138 = arith.constant 5 : i32
        %dma_wait3A_139 = arith.constant 0 : i32
        %dma_wait3A_140 = tpu.memref_slice %arg7[%dma_wait3A_138, %dma_wait3A_139] : memref<8x128xi32, #tpu.memory_space<vmem>> -> memref<1x128xi32, #tpu.memory_space<vmem>>
        %dma_wait3A_141 = tpu.memref_squeeze %dma_wait3A_140 : memref<1x128xi32, #tpu.memory_space<vmem>> -> memref<128xi32, #tpu.memory_space<vmem>>
        %dma_wait3A_142 = arith.constant 0 : i32
        %dma_wait3A_143 = arith.constant 0 : i32
        %dma_wait3A_144 = tpu.memref_slice %arg2[%dma_wait3A_142, %dma_wait3A_143] : memref<10240x128xf32, #tpu.memory_space<hbm>> -> memref<10240x128xf32, #tpu.memory_space<hbm>>
        tpu.wait_indirect_dma semaphore(%arg13 : memref<!tpu.dma_semaphore, #tpu.memory_space<semaphore_mem>>) src(%dma_wait3A_144 : memref<10240x128xf32, #tpu.memory_space<hbm>>) dst(%arg10 : memref<128x128xf32, #tpu.memory_space<vmem>>)
        %dma_start3A_145 = arith.constant 6 : i32
        %dma_start3A_146 = arith.constant 0 : i32
        %dma_start3A_147 = tpu.memref_slice %arg7[%dma_start3A_145, %dma_start3A_146] : memref<8x128xi32, #tpu.memory_space<vmem>> -> memref<1x128xi32, #tpu.memory_space<vmem>>
        %dma_start3A_148 = tpu.memref_squeeze %dma_start3A_147 : memref<1x128xi32, #tpu.memory_space<vmem>> -> memref<128xi32, #tpu.memory_space<vmem>>
        %dma_start3A_149 = arith.constant 0 : i32
        %dma_start3A_150 = arith.constant 0 : i32
        %dma_start3A_151 = tpu.memref_slice %arg2[%dma_start3A_149, %dma_start3A_150] : memref<10240x128xf32, #tpu.memory_space<hbm>> -> memref<10240x128xf32, #tpu.memory_space<hbm>>
        tpu.enqueue_indirect_dma source(%dma_start3A_151 : memref<10240x128xf32, #tpu.memory_space<hbm>>) target(%arg9 : memref<128x128xf32, #tpu.memory_space<vmem>>) offsets(%dma_start3A_148 : memref<128xi32, #tpu.memory_space<vmem>>) semaphore(%arg12 : memref<!tpu.dma_semaphore, #tpu.memory_space<semaphore_mem>>)
        %run_scoped3A_152 = arith.constant 5 : i32
        "tpu.region"() ({
          %run_scoped3A_177 = tpu.sem_alloc : memref<!tpu.dma_semaphore, #tpu.memory_space<semaphore_mem>>
          %dma_start3A_178 = arith.constant 0 : i32
          %dma_start3A_179 = tpu.memref_slice %arg8[%run_scoped3A_152, %dma_start3A_178] : memref<8x128xi32, #tpu.memory_space<vmem>> -> memref<1x128xi32, #tpu.memory_space<vmem>>
          %dma_start3A_180 = tpu.memref_squeeze %dma_start3A_179 : memref<1x128xi32, #tpu.memory_space<vmem>> -> memref<128xi32, #tpu.memory_space<vmem>>
          %dma_start3A_181 = arith.constant 0 : i32
          %dma_start3A_182 = arith.constant 0 : i32
          %dma_start3A_183 = tpu.memref_slice %arg11[%dma_start3A_181, %dma_start3A_182] : memref<10240x128xf32, #tpu.memory_space<vmem_shared>> -> memref<10240x128xf32, #tpu.memory_space<vmem_shared>>
          tpu.enqueue_indirect_dma source(%arg10 : memref<128x128xf32, #tpu.memory_space<vmem>>) target(%dma_start3A_183 : memref<10240x128xf32, #tpu.memory_space<vmem_shared>>) offsets(%dma_start3A_180 : memref<128xi32, #tpu.memory_space<vmem>>) semaphore(%run_scoped3A_177 : memref<!tpu.dma_semaphore, #tpu.memory_space<semaphore_mem>>) {add = true}
          %dma_wait3A_184 = arith.constant 0 : i32
          %dma_wait3A_185 = tpu.memref_slice %arg8[%run_scoped3A_152, %dma_wait3A_184] : memref<8x128xi32, #tpu.memory_space<vmem>> -> memref<1x128xi32, #tpu.memory_space<vmem>>
          %dma_wait3A_186 = tpu.memref_squeeze %dma_wait3A_185 : memref<1x128xi32, #tpu.memory_space<vmem>> -> memref<128xi32, #tpu.memory_space<vmem>>
          %dma_wait3A_187 = arith.constant 0 : i32
          %dma_wait3A_188 = arith.constant 0 : i32
          %dma_wait3A_189 = tpu.memref_slice %arg11[%dma_wait3A_187, %dma_wait3A_188] : memref<10240x128xf32, #tpu.memory_space<vmem_shared>> -> memref<10240x128xf32, #tpu.memory_space<vmem_shared>>
          tpu.wait_indirect_dma semaphore(%run_scoped3A_177 : memref<!tpu.dma_semaphore, #tpu.memory_space<semaphore_mem>>) src(%arg10 : memref<128x128xf32, #tpu.memory_space<vmem>>) dst(%dma_wait3A_189 : memref<10240x128xf32, #tpu.memory_space<vmem_shared>>)
          tpu.yield
        }) : () -> ()
        %dma_wait3A_153 = arith.constant 6 : i32
        %dma_wait3A_154 = arith.constant 0 : i32
        %dma_wait3A_155 = tpu.memref_slice %arg7[%dma_wait3A_153, %dma_wait3A_154] : memref<8x128xi32, #tpu.memory_space<vmem>> -> memref<1x128xi32, #tpu.memory_space<vmem>>
        %dma_wait3A_156 = tpu.memref_squeeze %dma_wait3A_155 : memref<1x128xi32, #tpu.memory_space<vmem>> -> memref<128xi32, #tpu.memory_space<vmem>>
        %dma_wait3A_157 = arith.constant 0 : i32
        %dma_wait3A_158 = arith.constant 0 : i32
        %dma_wait3A_159 = tpu.memref_slice %arg2[%dma_wait3A_157, %dma_wait3A_158] : memref<10240x128xf32, #tpu.memory_space<hbm>> -> memref<10240x128xf32, #tpu.memory_space<hbm>>
        tpu.wait_indirect_dma semaphore(%arg12 : memref<!tpu.dma_semaphore, #tpu.memory_space<semaphore_mem>>) src(%dma_wait3A_159 : memref<10240x128xf32, #tpu.memory_space<hbm>>) dst(%arg9 : memref<128x128xf32, #tpu.memory_space<vmem>>)
        %dma_start3A_160 = arith.constant 7 : i32
        %dma_start3A_161 = arith.constant 0 : i32
        %dma_start3A_162 = tpu.memref_slice %arg7[%dma_start3A_160, %dma_start3A_161] : memref<8x128xi32, #tpu.memory_space<vmem>> -> memref<1x128xi32, #tpu.memory_space<vmem>>
        %dma_start3A_163 = tpu.memref_squeeze %dma_start3A_162 : memref<1x128xi32, #tpu.memory_space<vmem>> -> memref<128xi32, #tpu.memory_space<vmem>>
        %dma_start3A_164 = arith.constant 0 : i32
        %dma_start3A_165 = arith.constant 0 : i32
        %dma_start3A_166 = tpu.memref_slice %arg2[%dma_start3A_164, %dma_start3A_165] : memref<10240x128xf32, #tpu.memory_space<hbm>> -> memref<10240x128xf32, #tpu.memory_space<hbm>>
        tpu.enqueue_indirect_dma source(%dma_start3A_166 : memref<10240x128xf32, #tpu.memory_space<hbm>>) target(%arg10 : memref<128x128xf32, #tpu.memory_space<vmem>>) offsets(%dma_start3A_163 : memref<128xi32, #tpu.memory_space<vmem>>) semaphore(%arg13 : memref<!tpu.dma_semaphore, #tpu.memory_space<semaphore_mem>>)
        %run_scoped3A_167 = arith.constant 6 : i32
        "tpu.region"() ({
          %run_scoped3A_177 = tpu.sem_alloc : memref<!tpu.dma_semaphore, #tpu.memory_space<semaphore_mem>>
          %dma_start3A_178 = arith.constant 0 : i32
          %dma_start3A_179 = tpu.memref_slice %arg8[%run_scoped3A_167, %dma_start3A_178] : memref<8x128xi32, #tpu.memory_space<vmem>> -> memref<1x128xi32, #tpu.memory_space<vmem>>
          %dma_start3A_180 = tpu.memref_squeeze %dma_start3A_179 : memref<1x128xi32, #tpu.memory_space<vmem>> -> memref<128xi32, #tpu.memory_space<vmem>>
          %dma_start3A_181 = arith.constant 0 : i32
          %dma_start3A_182 = arith.constant 0 : i32
          %dma_start3A_183 = tpu.memref_slice %arg11[%dma_start3A_181, %dma_start3A_182] : memref<10240x128xf32, #tpu.memory_space<vmem_shared>> -> memref<10240x128xf32, #tpu.memory_space<vmem_shared>>
          tpu.enqueue_indirect_dma source(%arg9 : memref<128x128xf32, #tpu.memory_space<vmem>>) target(%dma_start3A_183 : memref<10240x128xf32, #tpu.memory_space<vmem_shared>>) offsets(%dma_start3A_180 : memref<128xi32, #tpu.memory_space<vmem>>) semaphore(%run_scoped3A_177 : memref<!tpu.dma_semaphore, #tpu.memory_space<semaphore_mem>>) {add = true}
          %dma_wait3A_184 = arith.constant 0 : i32
          %dma_wait3A_185 = tpu.memref_slice %arg8[%run_scoped3A_167, %dma_wait3A_184] : memref<8x128xi32, #tpu.memory_space<vmem>> -> memref<1x128xi32, #tpu.memory_space<vmem>>
          %dma_wait3A_186 = tpu.memref_squeeze %dma_wait3A_185 : memref<1x128xi32, #tpu.memory_space<vmem>> -> memref<128xi32, #tpu.memory_space<vmem>>
          %dma_wait3A_187 = arith.constant 0 : i32
          %dma_wait3A_188 = arith.constant 0 : i32
          %dma_wait3A_189 = tpu.memref_slice %arg11[%dma_wait3A_187, %dma_wait3A_188] : memref<10240x128xf32, #tpu.memory_space<vmem_shared>> -> memref<10240x128xf32, #tpu.memory_space<vmem_shared>>
          tpu.wait_indirect_dma semaphore(%run_scoped3A_177 : memref<!tpu.dma_semaphore, #tpu.memory_space<semaphore_mem>>) src(%arg9 : memref<128x128xf32, #tpu.memory_space<vmem>>) dst(%dma_wait3A_189 : memref<10240x128xf32, #tpu.memory_space<vmem_shared>>)
          tpu.yield
        }) : () -> ()
        %dma_wait3A_168 = arith.constant 7 : i32
        %dma_wait3A_169 = arith.constant 0 : i32
        %dma_wait3A_170 = tpu.memref_slice %arg7[%dma_wait3A_168, %dma_wait3A_169] : memref<8x128xi32, #tpu.memory_space<vmem>> -> memref<1x128xi32, #tpu.memory_space<vmem>>
        %dma_wait3A_171 = tpu.memref_squeeze %dma_wait3A_170 : memref<1x128xi32, #tpu.memory_space<vmem>> -> memref<128xi32, #tpu.memory_space<vmem>>
        %dma_wait3A_172 = arith.constant 0 : i32
        %dma_wait3A_173 = arith.constant 0 : i32
        %dma_wait3A_174 = tpu.memref_slice %arg2[%dma_wait3A_172, %dma_wait3A_173] : memref<10240x128xf32, #tpu.memory_space<hbm>> -> memref<10240x128xf32, #tpu.memory_space<hbm>>
        tpu.wait_indirect_dma semaphore(%arg13 : memref<!tpu.dma_semaphore, #tpu.memory_space<semaphore_mem>>) src(%dma_wait3A_174 : memref<10240x128xf32, #tpu.memory_space<hbm>>) dst(%arg10 : memref<128x128xf32, #tpu.memory_space<vmem>>)
        %run_scoped3A_175 = arith.constant 7 : i32
        "tpu.region"() ({
          %run_scoped3A_177 = tpu.sem_alloc : memref<!tpu.dma_semaphore, #tpu.memory_space<semaphore_mem>>
          %dma_start3A_178 = arith.constant 0 : i32
          %dma_start3A_179 = tpu.memref_slice %arg8[%run_scoped3A_175, %dma_start3A_178] : memref<8x128xi32, #tpu.memory_space<vmem>> -> memref<1x128xi32, #tpu.memory_space<vmem>>
          %dma_start3A_180 = tpu.memref_squeeze %dma_start3A_179 : memref<1x128xi32, #tpu.memory_space<vmem>> -> memref<128xi32, #tpu.memory_space<vmem>>
          %dma_start3A_181 = arith.constant 0 : i32
          %dma_start3A_182 = arith.constant 0 : i32
          %dma_start3A_183 = tpu.memref_slice %arg11[%dma_start3A_181, %dma_start3A_182] : memref<10240x128xf32, #tpu.memory_space<vmem_shared>> -> memref<10240x128xf32, #tpu.memory_space<vmem_shared>>
          tpu.enqueue_indirect_dma source(%arg10 : memref<128x128xf32, #tpu.memory_space<vmem>>) target(%dma_start3A_183 : memref<10240x128xf32, #tpu.memory_space<vmem_shared>>) offsets(%dma_start3A_180 : memref<128xi32, #tpu.memory_space<vmem>>) semaphore(%run_scoped3A_177 : memref<!tpu.dma_semaphore, #tpu.memory_space<semaphore_mem>>) {add = true}
          %dma_wait3A_184 = arith.constant 0 : i32
          %dma_wait3A_185 = tpu.memref_slice %arg8[%run_scoped3A_175, %dma_wait3A_184] : memref<8x128xi32, #tpu.memory_space<vmem>> -> memref<1x128xi32, #tpu.memory_space<vmem>>
          %dma_wait3A_186 = tpu.memref_squeeze %dma_wait3A_185 : memref<1x128xi32, #tpu.memory_space<vmem>> -> memref<128xi32, #tpu.memory_space<vmem>>
          %dma_wait3A_187 = arith.constant 0 : i32
          %dma_wait3A_188 = arith.constant 0 : i32
          %dma_wait3A_189 = tpu.memref_slice %arg11[%dma_wait3A_187, %dma_wait3A_188] : memref<10240x128xf32, #tpu.memory_space<vmem_shared>> -> memref<10240x128xf32, #tpu.memory_space<vmem_shared>>
          tpu.wait_indirect_dma semaphore(%run_scoped3A_177 : memref<!tpu.dma_semaphore, #tpu.memory_space<semaphore_mem>>) src(%arg10 : memref<128x128xf32, #tpu.memory_space<vmem>>) dst(%dma_wait3A_189 : memref<10240x128xf32, #tpu.memory_space<vmem_shared>>)
          tpu.yield
        }) : () -> ()
        %scan3A_176 = arith.constant 0 : i32
        scf.yield %scan3A_176 : i32
      }
      %scan3A_50 = arith.constant 15 : i32
    } else {
    }
    %eq3A_3 = arith.constant 1 : i32
    %eq3A_4 = arith.cmpi eq, %arg0, %eq3A_3 : i32
    %convert_element_type3A_5 = arith.extui %eq3A_4 : i1 to i32
    %cond3A_6 = arith.constant 0 : i32
    %cond3A_7 = arith.cmpi ne, %convert_element_type3A_5, %cond3A_6 : i32
    scf.if %cond3A_7 {
      %mul3A_43 = arith.constant 40 : i32
      %mul3A_44 = arith.muli %arg1, %mul3A_43 : i32
      %add3A_45 = arith.constant 1920 : i32
      %add3A_46 = arith.addi %add3A_45, %mul3A_44 : i32
      %scan3A = arith.constant 0 : i32
      %scan3A_47 = arith.constant 0 : i32
      %scan3A_48 = arith.constant 5 : i32
      %scan3A_49 = arith.addi %scan3A_47, %scan3A_48 : i32
      %scan3A_50 = arith.constant 1 : i32
      %scan3A_51 = scf.for %scan3A_53 = %scan3A_47 to %scan3A_49 step %scan3A_50 iter_args(%scan3A_54 = %scan3A) -> (i32)  : i32 {
        %mul3A_55 = arith.constant 8 : i32
        %mul3A_56 = arith.muli %scan3A_53, %mul3A_55 : i32
        %add3A_57 = arith.addi %add3A_46, %mul3A_56 : i32
        "tpu.region"() ({
          %run_scoped3A_179 = tpu.sem_alloc : memref<!tpu.dma_semaphore, #tpu.memory_space<semaphore_mem>>
          %dma_start3A_180 = arith.constant 0 : i32
          %dma_start3A_181 = tpu.memref_slice %arg3[%add3A_57, %dma_start3A_180] : memref<2560x128xi32, #tpu.memory_space<hbm>> -> memref<8x128xi32, #tpu.memory_space<hbm>>
          %dma_start3A_182 = arith.constant 0 : i32
          %dma_start3A_183 = tpu.memref_slice %arg3[%add3A_57, %dma_start3A_182] : memref<2560x128xi32, #tpu.memory_space<hbm>> -> memref<8x128xi32, #tpu.memory_space<hbm>>
          tpu.enqueue_dma source(%dma_start3A_183 : memref<8x128xi32, #tpu.memory_space<hbm>>) target(%arg7 : memref<8x128xi32, #tpu.memory_space<vmem>>) target_semaphore(%run_scoped3A_179 : memref<!tpu.dma_semaphore, #tpu.memory_space<semaphore_mem>>)
          %dma_wait3A_184 = arith.constant 0 : i32
          %dma_wait3A_185 = tpu.memref_slice %arg3[%add3A_57, %dma_wait3A_184] : memref<2560x128xi32, #tpu.memory_space<hbm>> -> memref<8x128xi32, #tpu.memory_space<hbm>>
          %dma_wait3A_186 = arith.constant 0 : i32
          %dma_wait3A_187 = tpu.memref_slice %arg3[%add3A_57, %dma_wait3A_186] : memref<2560x128xi32, #tpu.memory_space<hbm>> -> memref<8x128xi32, #tpu.memory_space<hbm>>
          tpu.wait_dma2 semaphore(%run_scoped3A_179 : memref<!tpu.dma_semaphore, #tpu.memory_space<semaphore_mem>>) src(%dma_wait3A_187 : memref<8x128xi32, #tpu.memory_space<hbm>>) dst(%arg7 : memref<8x128xi32, #tpu.memory_space<vmem>>)
          tpu.yield
        }) : () -> ()
        %mul3A_58 = arith.constant 8 : i32
        %mul3A_59 = arith.muli %scan3A_53, %mul3A_58 : i32
        %add3A_60 = arith.addi %add3A_46, %mul3A_59 : i32
        "tpu.region"() ({
          %run_scoped3A_179 = tpu.sem_alloc : memref<!tpu.dma_semaphore, #tpu.memory_space<semaphore_mem>>
          %dma_start3A_180 = arith.constant 0 : i32
          %dma_start3A_181 = tpu.memref_slice %arg4[%add3A_60, %dma_start3A_180] : memref<2560x128xi32, #tpu.memory_space<hbm>> -> memref<8x128xi32, #tpu.memory_space<hbm>>
          %dma_start3A_182 = arith.constant 0 : i32
          %dma_start3A_183 = tpu.memref_slice %arg4[%add3A_60, %dma_start3A_182] : memref<2560x128xi32, #tpu.memory_space<hbm>> -> memref<8x128xi32, #tpu.memory_space<hbm>>
          tpu.enqueue_dma source(%dma_start3A_183 : memref<8x128xi32, #tpu.memory_space<hbm>>) target(%arg8 : memref<8x128xi32, #tpu.memory_space<vmem>>) target_semaphore(%run_scoped3A_179 : memref<!tpu.dma_semaphore, #tpu.memory_space<semaphore_mem>>)
          %dma_wait3A_184 = arith.constant 0 : i32
          %dma_wait3A_185 = tpu.memref_slice %arg4[%add3A_60, %dma_wait3A_184] : memref<2560x128xi32, #tpu.memory_space<hbm>> -> memref<8x128xi32, #tpu.memory_space<hbm>>
          %dma_wait3A_186 = arith.constant 0 : i32
          %dma_wait3A_187 = tpu.memref_slice %arg4[%add3A_60, %dma_wait3A_186] : memref<2560x128xi32, #tpu.memory_space<hbm>> -> memref<8x128xi32, #tpu.memory_space<hbm>>
          tpu.wait_dma2 semaphore(%run_scoped3A_179 : memref<!tpu.dma_semaphore, #tpu.memory_space<semaphore_mem>>) src(%dma_wait3A_187 : memref<8x128xi32, #tpu.memory_space<hbm>>) dst(%arg8 : memref<8x128xi32, #tpu.memory_space<vmem>>)
          tpu.yield
        }) : () -> ()
        %dma_start3A = arith.constant 0 : i32
        %dma_start3A_61 = arith.constant 0 : i32
        %dma_start3A_62 = tpu.memref_slice %arg7[%dma_start3A, %dma_start3A_61] : memref<8x128xi32, #tpu.memory_space<vmem>> -> memref<1x128xi32, #tpu.memory_space<vmem>>
        %dma_start3A_63 = tpu.memref_squeeze %dma_start3A_62 : memref<1x128xi32, #tpu.memory_space<vmem>> -> memref<128xi32, #tpu.memory_space<vmem>>
        %dma_start3A_64 = arith.constant 0 : i32
        %dma_start3A_65 = arith.constant 0 : i32
        %dma_start3A_66 = tpu.memref_slice %arg2[%dma_start3A_64, %dma_start3A_65] : memref<10240x128xf32, #tpu.memory_space<hbm>> -> memref<10240x128xf32, #tpu.memory_space<hbm>>
        tpu.enqueue_indirect_dma source(%dma_start3A_66 : memref<10240x128xf32, #tpu.memory_space<hbm>>) target(%arg9 : memref<128x128xf32, #tpu.memory_space<vmem>>) offsets(%dma_start3A_63 : memref<128xi32, #tpu.memory_space<vmem>>) semaphore(%arg12 : memref<!tpu.dma_semaphore, #tpu.memory_space<semaphore_mem>>)
        %dma_wait3A = arith.constant 0 : i32
        %dma_wait3A_67 = arith.constant 0 : i32
        %dma_wait3A_68 = tpu.memref_slice %arg7[%dma_wait3A, %dma_wait3A_67] : memref<8x128xi32, #tpu.memory_space<vmem>> -> memref<1x128xi32, #tpu.memory_space<vmem>>
        %dma_wait3A_69 = tpu.memref_squeeze %dma_wait3A_68 : memref<1x128xi32, #tpu.memory_space<vmem>> -> memref<128xi32, #tpu.memory_space<vmem>>
        %dma_wait3A_70 = arith.constant 0 : i32
        %dma_wait3A_71 = arith.constant 0 : i32
        %dma_wait3A_72 = tpu.memref_slice %arg2[%dma_wait3A_70, %dma_wait3A_71] : memref<10240x128xf32, #tpu.memory_space<hbm>> -> memref<10240x128xf32, #tpu.memory_space<hbm>>
        tpu.wait_indirect_dma semaphore(%arg12 : memref<!tpu.dma_semaphore, #tpu.memory_space<semaphore_mem>>) src(%dma_wait3A_72 : memref<10240x128xf32, #tpu.memory_space<hbm>>) dst(%arg9 : memref<128x128xf32, #tpu.memory_space<vmem>>)
        %dma_start3A_73 = arith.constant 1 : i32
        %dma_start3A_74 = arith.constant 0 : i32
        %dma_start3A_75 = tpu.memref_slice %arg7[%dma_start3A_73, %dma_start3A_74] : memref<8x128xi32, #tpu.memory_space<vmem>> -> memref<1x128xi32, #tpu.memory_space<vmem>>
        %dma_start3A_76 = tpu.memref_squeeze %dma_start3A_75 : memref<1x128xi32, #tpu.memory_space<vmem>> -> memref<128xi32, #tpu.memory_space<vmem>>
        %dma_start3A_77 = arith.constant 0 : i32
        %dma_start3A_78 = arith.constant 0 : i32
        %dma_start3A_79 = tpu.memref_slice %arg2[%dma_start3A_77, %dma_start3A_78] : memref<10240x128xf32, #tpu.memory_space<hbm>> -> memref<10240x128xf32, #tpu.memory_space<hbm>>
        tpu.enqueue_indirect_dma source(%dma_start3A_79 : memref<10240x128xf32, #tpu.memory_space<hbm>>) target(%arg10 : memref<128x128xf32, #tpu.memory_space<vmem>>) offsets(%dma_start3A_76 : memref<128xi32, #tpu.memory_space<vmem>>) semaphore(%arg13 : memref<!tpu.dma_semaphore, #tpu.memory_space<semaphore_mem>>)
        %run_scoped3A = arith.constant 0 : i32
        "tpu.region"() ({
          %run_scoped3A_179 = tpu.sem_alloc : memref<!tpu.dma_semaphore, #tpu.memory_space<semaphore_mem>>
          %dma_start3A_180 = arith.constant 0 : i32
          %dma_start3A_181 = tpu.memref_slice %arg8[%run_scoped3A, %dma_start3A_180] : memref<8x128xi32, #tpu.memory_space<vmem>> -> memref<1x128xi32, #tpu.memory_space<vmem>>
          %dma_start3A_182 = tpu.memref_squeeze %dma_start3A_181 : memref<1x128xi32, #tpu.memory_space<vmem>> -> memref<128xi32, #tpu.memory_space<vmem>>
          %dma_start3A_183 = arith.constant 0 : i32
          %dma_start3A_184 = arith.constant 0 : i32
          %dma_start3A_185 = tpu.memref_slice %arg11[%dma_start3A_183, %dma_start3A_184] : memref<10240x128xf32, #tpu.memory_space<vmem_shared>> -> memref<10240x128xf32, #tpu.memory_space<vmem_shared>>
          tpu.enqueue_indirect_dma source(%arg9 : memref<128x128xf32, #tpu.memory_space<vmem>>) target(%dma_start3A_185 : memref<10240x128xf32, #tpu.memory_space<vmem_shared>>) offsets(%dma_start3A_182 : memref<128xi32, #tpu.memory_space<vmem>>) semaphore(%run_scoped3A_179 : memref<!tpu.dma_semaphore, #tpu.memory_space<semaphore_mem>>) {add = true}
          %dma_wait3A_186 = arith.constant 0 : i32
          %dma_wait3A_187 = tpu.memref_slice %arg8[%run_scoped3A, %dma_wait3A_186] : memref<8x128xi32, #tpu.memory_space<vmem>> -> memref<1x128xi32, #tpu.memory_space<vmem>>
          %dma_wait3A_188 = tpu.memref_squeeze %dma_wait3A_187 : memref<1x128xi32, #tpu.memory_space<vmem>> -> memref<128xi32, #tpu.memory_space<vmem>>
          %dma_wait3A_189 = arith.constant 0 : i32
          %dma_wait3A_190 = arith.constant 0 : i32
          %dma_wait3A_191 = tpu.memref_slice %arg11[%dma_wait3A_189, %dma_wait3A_190] : memref<10240x128xf32, #tpu.memory_space<vmem_shared>> -> memref<10240x128xf32, #tpu.memory_space<vmem_shared>>
          tpu.wait_indirect_dma semaphore(%run_scoped3A_179 : memref<!tpu.dma_semaphore, #tpu.memory_space<semaphore_mem>>) src(%arg9 : memref<128x128xf32, #tpu.memory_space<vmem>>) dst(%dma_wait3A_191 : memref<10240x128xf32, #tpu.memory_space<vmem_shared>>)
          tpu.yield
        }) : () -> ()
        %dma_wait3A_80 = arith.constant 1 : i32
        %dma_wait3A_81 = arith.constant 0 : i32
        %dma_wait3A_82 = tpu.memref_slice %arg7[%dma_wait3A_80, %dma_wait3A_81] : memref<8x128xi32, #tpu.memory_space<vmem>> -> memref<1x128xi32, #tpu.memory_space<vmem>>
        %dma_wait3A_83 = tpu.memref_squeeze %dma_wait3A_82 : memref<1x128xi32, #tpu.memory_space<vmem>> -> memref<128xi32, #tpu.memory_space<vmem>>
        %dma_wait3A_84 = arith.constant 0 : i32
        %dma_wait3A_85 = arith.constant 0 : i32
        %dma_wait3A_86 = tpu.memref_slice %arg2[%dma_wait3A_84, %dma_wait3A_85] : memref<10240x128xf32, #tpu.memory_space<hbm>> -> memref<10240x128xf32, #tpu.memory_space<hbm>>
        tpu.wait_indirect_dma semaphore(%arg13 : memref<!tpu.dma_semaphore, #tpu.memory_space<semaphore_mem>>) src(%dma_wait3A_86 : memref<10240x128xf32, #tpu.memory_space<hbm>>) dst(%arg10 : memref<128x128xf32, #tpu.memory_space<vmem>>)
        %dma_start3A_87 = arith.constant 2 : i32
        %dma_start3A_88 = arith.constant 0 : i32
        %dma_start3A_89 = tpu.memref_slice %arg7[%dma_start3A_87, %dma_start3A_88] : memref<8x128xi32, #tpu.memory_space<vmem>> -> memref<1x128xi32, #tpu.memory_space<vmem>>
        %dma_start3A_90 = tpu.memref_squeeze %dma_start3A_89 : memref<1x128xi32, #tpu.memory_space<vmem>> -> memref<128xi32, #tpu.memory_space<vmem>>
        %dma_start3A_91 = arith.constant 0 : i32
        %dma_start3A_92 = arith.constant 0 : i32
        %dma_start3A_93 = tpu.memref_slice %arg2[%dma_start3A_91, %dma_start3A_92] : memref<10240x128xf32, #tpu.memory_space<hbm>> -> memref<10240x128xf32, #tpu.memory_space<hbm>>
        tpu.enqueue_indirect_dma source(%dma_start3A_93 : memref<10240x128xf32, #tpu.memory_space<hbm>>) target(%arg9 : memref<128x128xf32, #tpu.memory_space<vmem>>) offsets(%dma_start3A_90 : memref<128xi32, #tpu.memory_space<vmem>>) semaphore(%arg12 : memref<!tpu.dma_semaphore, #tpu.memory_space<semaphore_mem>>)
        %run_scoped3A_94 = arith.constant 1 : i32
        "tpu.region"() ({
          %run_scoped3A_179 = tpu.sem_alloc : memref<!tpu.dma_semaphore, #tpu.memory_space<semaphore_mem>>
          %dma_start3A_180 = arith.constant 0 : i32
          %dma_start3A_181 = tpu.memref_slice %arg8[%run_scoped3A_94, %dma_start3A_180] : memref<8x128xi32, #tpu.memory_space<vmem>> -> memref<1x128xi32, #tpu.memory_space<vmem>>
          %dma_start3A_182 = tpu.memref_squeeze %dma_start3A_181 : memref<1x128xi32, #tpu.memory_space<vmem>> -> memref<128xi32, #tpu.memory_space<vmem>>
          %dma_start3A_183 = arith.constant 0 : i32
          %dma_start3A_184 = arith.constant 0 : i32
          %dma_start3A_185 = tpu.memref_slice %arg11[%dma_start3A_183, %dma_start3A_184] : memref<10240x128xf32, #tpu.memory_space<vmem_shared>> -> memref<10240x128xf32, #tpu.memory_space<vmem_shared>>
          tpu.enqueue_indirect_dma source(%arg10 : memref<128x128xf32, #tpu.memory_space<vmem>>) target(%dma_start3A_185 : memref<10240x128xf32, #tpu.memory_space<vmem_shared>>) offsets(%dma_start3A_182 : memref<128xi32, #tpu.memory_space<vmem>>) semaphore(%run_scoped3A_179 : memref<!tpu.dma_semaphore, #tpu.memory_space<semaphore_mem>>) {add = true}
          %dma_wait3A_186 = arith.constant 0 : i32
          %dma_wait3A_187 = tpu.memref_slice %arg8[%run_scoped3A_94, %dma_wait3A_186] : memref<8x128xi32, #tpu.memory_space<vmem>> -> memref<1x128xi32, #tpu.memory_space<vmem>>
          %dma_wait3A_188 = tpu.memref_squeeze %dma_wait3A_187 : memref<1x128xi32, #tpu.memory_space<vmem>> -> memref<128xi32, #tpu.memory_space<vmem>>
          %dma_wait3A_189 = arith.constant 0 : i32
          %dma_wait3A_190 = arith.constant 0 : i32
          %dma_wait3A_191 = tpu.memref_slice %arg11[%dma_wait3A_189, %dma_wait3A_190] : memref<10240x128xf32, #tpu.memory_space<vmem_shared>> -> memref<10240x128xf32, #tpu.memory_space<vmem_shared>>
          tpu.wait_indirect_dma semaphore(%run_scoped3A_179 : memref<!tpu.dma_semaphore, #tpu.memory_space<semaphore_mem>>) src(%arg10 : memref<128x128xf32, #tpu.memory_space<vmem>>) dst(%dma_wait3A_191 : memref<10240x128xf32, #tpu.memory_space<vmem_shared>>)
          tpu.yield
        }) : () -> ()
        %dma_wait3A_95 = arith.constant 2 : i32
        %dma_wait3A_96 = arith.constant 0 : i32
        %dma_wait3A_97 = tpu.memref_slice %arg7[%dma_wait3A_95, %dma_wait3A_96] : memref<8x128xi32, #tpu.memory_space<vmem>> -> memref<1x128xi32, #tpu.memory_space<vmem>>
        %dma_wait3A_98 = tpu.memref_squeeze %dma_wait3A_97 : memref<1x128xi32, #tpu.memory_space<vmem>> -> memref<128xi32, #tpu.memory_space<vmem>>
        %dma_wait3A_99 = arith.constant 0 : i32
        %dma_wait3A_100 = arith.constant 0 : i32
        %dma_wait3A_101 = tpu.memref_slice %arg2[%dma_wait3A_99, %dma_wait3A_100] : memref<10240x128xf32, #tpu.memory_space<hbm>> -> memref<10240x128xf32, #tpu.memory_space<hbm>>
        tpu.wait_indirect_dma semaphore(%arg12 : memref<!tpu.dma_semaphore, #tpu.memory_space<semaphore_mem>>) src(%dma_wait3A_101 : memref<10240x128xf32, #tpu.memory_space<hbm>>) dst(%arg9 : memref<128x128xf32, #tpu.memory_space<vmem>>)
        %dma_start3A_102 = arith.constant 3 : i32
        %dma_start3A_103 = arith.constant 0 : i32
        %dma_start3A_104 = tpu.memref_slice %arg7[%dma_start3A_102, %dma_start3A_103] : memref<8x128xi32, #tpu.memory_space<vmem>> -> memref<1x128xi32, #tpu.memory_space<vmem>>
        %dma_start3A_105 = tpu.memref_squeeze %dma_start3A_104 : memref<1x128xi32, #tpu.memory_space<vmem>> -> memref<128xi32, #tpu.memory_space<vmem>>
        %dma_start3A_106 = arith.constant 0 : i32
        %dma_start3A_107 = arith.constant 0 : i32
        %dma_start3A_108 = tpu.memref_slice %arg2[%dma_start3A_106, %dma_start3A_107] : memref<10240x128xf32, #tpu.memory_space<hbm>> -> memref<10240x128xf32, #tpu.memory_space<hbm>>
        tpu.enqueue_indirect_dma source(%dma_start3A_108 : memref<10240x128xf32, #tpu.memory_space<hbm>>) target(%arg10 : memref<128x128xf32, #tpu.memory_space<vmem>>) offsets(%dma_start3A_105 : memref<128xi32, #tpu.memory_space<vmem>>) semaphore(%arg13 : memref<!tpu.dma_semaphore, #tpu.memory_space<semaphore_mem>>)
        %run_scoped3A_109 = arith.constant 2 : i32
        "tpu.region"() ({
          %run_scoped3A_179 = tpu.sem_alloc : memref<!tpu.dma_semaphore, #tpu.memory_space<semaphore_mem>>
          %dma_start3A_180 = arith.constant 0 : i32
          %dma_start3A_181 = tpu.memref_slice %arg8[%run_scoped3A_109, %dma_start3A_180] : memref<8x128xi32, #tpu.memory_space<vmem>> -> memref<1x128xi32, #tpu.memory_space<vmem>>
          %dma_start3A_182 = tpu.memref_squeeze %dma_start3A_181 : memref<1x128xi32, #tpu.memory_space<vmem>> -> memref<128xi32, #tpu.memory_space<vmem>>
          %dma_start3A_183 = arith.constant 0 : i32
          %dma_start3A_184 = arith.constant 0 : i32
          %dma_start3A_185 = tpu.memref_slice %arg11[%dma_start3A_183, %dma_start3A_184] : memref<10240x128xf32, #tpu.memory_space<vmem_shared>> -> memref<10240x128xf32, #tpu.memory_space<vmem_shared>>
          tpu.enqueue_indirect_dma source(%arg9 : memref<128x128xf32, #tpu.memory_space<vmem>>) target(%dma_start3A_185 : memref<10240x128xf32, #tpu.memory_space<vmem_shared>>) offsets(%dma_start3A_182 : memref<128xi32, #tpu.memory_space<vmem>>) semaphore(%run_scoped3A_179 : memref<!tpu.dma_semaphore, #tpu.memory_space<semaphore_mem>>) {add = true}
          %dma_wait3A_186 = arith.constant 0 : i32
          %dma_wait3A_187 = tpu.memref_slice %arg8[%run_scoped3A_109, %dma_wait3A_186] : memref<8x128xi32, #tpu.memory_space<vmem>> -> memref<1x128xi32, #tpu.memory_space<vmem>>
          %dma_wait3A_188 = tpu.memref_squeeze %dma_wait3A_187 : memref<1x128xi32, #tpu.memory_space<vmem>> -> memref<128xi32, #tpu.memory_space<vmem>>
          %dma_wait3A_189 = arith.constant 0 : i32
          %dma_wait3A_190 = arith.constant 0 : i32
          %dma_wait3A_191 = tpu.memref_slice %arg11[%dma_wait3A_189, %dma_wait3A_190] : memref<10240x128xf32, #tpu.memory_space<vmem_shared>> -> memref<10240x128xf32, #tpu.memory_space<vmem_shared>>
          tpu.wait_indirect_dma semaphore(%run_scoped3A_179 : memref<!tpu.dma_semaphore, #tpu.memory_space<semaphore_mem>>) src(%arg9 : memref<128x128xf32, #tpu.memory_space<vmem>>) dst(%dma_wait3A_191 : memref<10240x128xf32, #tpu.memory_space<vmem_shared>>)
          tpu.yield
        }) : () -> ()
        %dma_wait3A_110 = arith.constant 3 : i32
        %dma_wait3A_111 = arith.constant 0 : i32
        %dma_wait3A_112 = tpu.memref_slice %arg7[%dma_wait3A_110, %dma_wait3A_111] : memref<8x128xi32, #tpu.memory_space<vmem>> -> memref<1x128xi32, #tpu.memory_space<vmem>>
        %dma_wait3A_113 = tpu.memref_squeeze %dma_wait3A_112 : memref<1x128xi32, #tpu.memory_space<vmem>> -> memref<128xi32, #tpu.memory_space<vmem>>
        %dma_wait3A_114 = arith.constant 0 : i32
        %dma_wait3A_115 = arith.constant 0 : i32
        %dma_wait3A_116 = tpu.memref_slice %arg2[%dma_wait3A_114, %dma_wait3A_115] : memref<10240x128xf32, #tpu.memory_space<hbm>> -> memref<10240x128xf32, #tpu.memory_space<hbm>>
        tpu.wait_indirect_dma semaphore(%arg13 : memref<!tpu.dma_semaphore, #tpu.memory_space<semaphore_mem>>) src(%dma_wait3A_116 : memref<10240x128xf32, #tpu.memory_space<hbm>>) dst(%arg10 : memref<128x128xf32, #tpu.memory_space<vmem>>)
        %dma_start3A_117 = arith.constant 4 : i32
        %dma_start3A_118 = arith.constant 0 : i32
        %dma_start3A_119 = tpu.memref_slice %arg7[%dma_start3A_117, %dma_start3A_118] : memref<8x128xi32, #tpu.memory_space<vmem>> -> memref<1x128xi32, #tpu.memory_space<vmem>>
        %dma_start3A_120 = tpu.memref_squeeze %dma_start3A_119 : memref<1x128xi32, #tpu.memory_space<vmem>> -> memref<128xi32, #tpu.memory_space<vmem>>
        %dma_start3A_121 = arith.constant 0 : i32
        %dma_start3A_122 = arith.constant 0 : i32
        %dma_start3A_123 = tpu.memref_slice %arg2[%dma_start3A_121, %dma_start3A_122] : memref<10240x128xf32, #tpu.memory_space<hbm>> -> memref<10240x128xf32, #tpu.memory_space<hbm>>
        tpu.enqueue_indirect_dma source(%dma_start3A_123 : memref<10240x128xf32, #tpu.memory_space<hbm>>) target(%arg9 : memref<128x128xf32, #tpu.memory_space<vmem>>) offsets(%dma_start3A_120 : memref<128xi32, #tpu.memory_space<vmem>>) semaphore(%arg12 : memref<!tpu.dma_semaphore, #tpu.memory_space<semaphore_mem>>)
        %run_scoped3A_124 = arith.constant 3 : i32
        "tpu.region"() ({
          %run_scoped3A_179 = tpu.sem_alloc : memref<!tpu.dma_semaphore, #tpu.memory_space<semaphore_mem>>
          %dma_start3A_180 = arith.constant 0 : i32
          %dma_start3A_181 = tpu.memref_slice %arg8[%run_scoped3A_124, %dma_start3A_180] : memref<8x128xi32, #tpu.memory_space<vmem>> -> memref<1x128xi32, #tpu.memory_space<vmem>>
          %dma_start3A_182 = tpu.memref_squeeze %dma_start3A_181 : memref<1x128xi32, #tpu.memory_space<vmem>> -> memref<128xi32, #tpu.memory_space<vmem>>
          %dma_start3A_183 = arith.constant 0 : i32
          %dma_start3A_184 = arith.constant 0 : i32
          %dma_start3A_185 = tpu.memref_slice %arg11[%dma_start3A_183, %dma_start3A_184] : memref<10240x128xf32, #tpu.memory_space<vmem_shared>> -> memref<10240x128xf32, #tpu.memory_space<vmem_shared>>
          tpu.enqueue_indirect_dma source(%arg10 : memref<128x128xf32, #tpu.memory_space<vmem>>) target(%dma_start3A_185 : memref<10240x128xf32, #tpu.memory_space<vmem_shared>>) offsets(%dma_start3A_182 : memref<128xi32, #tpu.memory_space<vmem>>) semaphore(%run_scoped3A_179 : memref<!tpu.dma_semaphore, #tpu.memory_space<semaphore_mem>>) {add = true}
          %dma_wait3A_186 = arith.constant 0 : i32
          %dma_wait3A_187 = tpu.memref_slice %arg8[%run_scoped3A_124, %dma_wait3A_186] : memref<8x128xi32, #tpu.memory_space<vmem>> -> memref<1x128xi32, #tpu.memory_space<vmem>>
          %dma_wait3A_188 = tpu.memref_squeeze %dma_wait3A_187 : memref<1x128xi32, #tpu.memory_space<vmem>> -> memref<128xi32, #tpu.memory_space<vmem>>
          %dma_wait3A_189 = arith.constant 0 : i32
          %dma_wait3A_190 = arith.constant 0 : i32
          %dma_wait3A_191 = tpu.memref_slice %arg11[%dma_wait3A_189, %dma_wait3A_190] : memref<10240x128xf32, #tpu.memory_space<vmem_shared>> -> memref<10240x128xf32, #tpu.memory_space<vmem_shared>>
          tpu.wait_indirect_dma semaphore(%run_scoped3A_179 : memref<!tpu.dma_semaphore, #tpu.memory_space<semaphore_mem>>) src(%arg10 : memref<128x128xf32, #tpu.memory_space<vmem>>) dst(%dma_wait3A_191 : memref<10240x128xf32, #tpu.memory_space<vmem_shared>>)
          tpu.yield
        }) : () -> ()
        %dma_wait3A_125 = arith.constant 4 : i32
        %dma_wait3A_126 = arith.constant 0 : i32
        %dma_wait3A_127 = tpu.memref_slice %arg7[%dma_wait3A_125, %dma_wait3A_126] : memref<8x128xi32, #tpu.memory_space<vmem>> -> memref<1x128xi32, #tpu.memory_space<vmem>>
        %dma_wait3A_128 = tpu.memref_squeeze %dma_wait3A_127 : memref<1x128xi32, #tpu.memory_space<vmem>> -> memref<128xi32, #tpu.memory_space<vmem>>
        %dma_wait3A_129 = arith.constant 0 : i32
        %dma_wait3A_130 = arith.constant 0 : i32
        %dma_wait3A_131 = tpu.memref_slice %arg2[%dma_wait3A_129, %dma_wait3A_130] : memref<10240x128xf32, #tpu.memory_space<hbm>> -> memref<10240x128xf32, #tpu.memory_space<hbm>>
        tpu.wait_indirect_dma semaphore(%arg12 : memref<!tpu.dma_semaphore, #tpu.memory_space<semaphore_mem>>) src(%dma_wait3A_131 : memref<10240x128xf32, #tpu.memory_space<hbm>>) dst(%arg9 : memref<128x128xf32, #tpu.memory_space<vmem>>)
        %dma_start3A_132 = arith.constant 5 : i32
        %dma_start3A_133 = arith.constant 0 : i32
        %dma_start3A_134 = tpu.memref_slice %arg7[%dma_start3A_132, %dma_start3A_133] : memref<8x128xi32, #tpu.memory_space<vmem>> -> memref<1x128xi32, #tpu.memory_space<vmem>>
        %dma_start3A_135 = tpu.memref_squeeze %dma_start3A_134 : memref<1x128xi32, #tpu.memory_space<vmem>> -> memref<128xi32, #tpu.memory_space<vmem>>
        %dma_start3A_136 = arith.constant 0 : i32
        %dma_start3A_137 = arith.constant 0 : i32
        %dma_start3A_138 = tpu.memref_slice %arg2[%dma_start3A_136, %dma_start3A_137] : memref<10240x128xf32, #tpu.memory_space<hbm>> -> memref<10240x128xf32, #tpu.memory_space<hbm>>
        tpu.enqueue_indirect_dma source(%dma_start3A_138 : memref<10240x128xf32, #tpu.memory_space<hbm>>) target(%arg10 : memref<128x128xf32, #tpu.memory_space<vmem>>) offsets(%dma_start3A_135 : memref<128xi32, #tpu.memory_space<vmem>>) semaphore(%arg13 : memref<!tpu.dma_semaphore, #tpu.memory_space<semaphore_mem>>)
        %run_scoped3A_139 = arith.constant 4 : i32
        "tpu.region"() ({
          %run_scoped3A_179 = tpu.sem_alloc : memref<!tpu.dma_semaphore, #tpu.memory_space<semaphore_mem>>
          %dma_start3A_180 = arith.constant 0 : i32
          %dma_start3A_181 = tpu.memref_slice %arg8[%run_scoped3A_139, %dma_start3A_180] : memref<8x128xi32, #tpu.memory_space<vmem>> -> memref<1x128xi32, #tpu.memory_space<vmem>>
          %dma_start3A_182 = tpu.memref_squeeze %dma_start3A_181 : memref<1x128xi32, #tpu.memory_space<vmem>> -> memref<128xi32, #tpu.memory_space<vmem>>
          %dma_start3A_183 = arith.constant 0 : i32
          %dma_start3A_184 = arith.constant 0 : i32
          %dma_start3A_185 = tpu.memref_slice %arg11[%dma_start3A_183, %dma_start3A_184] : memref<10240x128xf32, #tpu.memory_space<vmem_shared>> -> memref<10240x128xf32, #tpu.memory_space<vmem_shared>>
          tpu.enqueue_indirect_dma source(%arg9 : memref<128x128xf32, #tpu.memory_space<vmem>>) target(%dma_start3A_185 : memref<10240x128xf32, #tpu.memory_space<vmem_shared>>) offsets(%dma_start3A_182 : memref<128xi32, #tpu.memory_space<vmem>>) semaphore(%run_scoped3A_179 : memref<!tpu.dma_semaphore, #tpu.memory_space<semaphore_mem>>) {add = true}
          %dma_wait3A_186 = arith.constant 0 : i32
          %dma_wait3A_187 = tpu.memref_slice %arg8[%run_scoped3A_139, %dma_wait3A_186] : memref<8x128xi32, #tpu.memory_space<vmem>> -> memref<1x128xi32, #tpu.memory_space<vmem>>
          %dma_wait3A_188 = tpu.memref_squeeze %dma_wait3A_187 : memref<1x128xi32, #tpu.memory_space<vmem>> -> memref<128xi32, #tpu.memory_space<vmem>>
          %dma_wait3A_189 = arith.constant 0 : i32
          %dma_wait3A_190 = arith.constant 0 : i32
          %dma_wait3A_191 = tpu.memref_slice %arg11[%dma_wait3A_189, %dma_wait3A_190] : memref<10240x128xf32, #tpu.memory_space<vmem_shared>> -> memref<10240x128xf32, #tpu.memory_space<vmem_shared>>
          tpu.wait_indirect_dma semaphore(%run_scoped3A_179 : memref<!tpu.dma_semaphore, #tpu.memory_space<semaphore_mem>>) src(%arg9 : memref<128x128xf32, #tpu.memory_space<vmem>>) dst(%dma_wait3A_191 : memref<10240x128xf32, #tpu.memory_space<vmem_shared>>)
          tpu.yield
        }) : () -> ()
        %dma_wait3A_140 = arith.constant 5 : i32
        %dma_wait3A_141 = arith.constant 0 : i32
        %dma_wait3A_142 = tpu.memref_slice %arg7[%dma_wait3A_140, %dma_wait3A_141] : memref<8x128xi32, #tpu.memory_space<vmem>> -> memref<1x128xi32, #tpu.memory_space<vmem>>
        %dma_wait3A_143 = tpu.memref_squeeze %dma_wait3A_142 : memref<1x128xi32, #tpu.memory_space<vmem>> -> memref<128xi32, #tpu.memory_space<vmem>>
        %dma_wait3A_144 = arith.constant 0 : i32
        %dma_wait3A_145 = arith.constant 0 : i32
        %dma_wait3A_146 = tpu.memref_slice %arg2[%dma_wait3A_144, %dma_wait3A_145] : memref<10240x128xf32, #tpu.memory_space<hbm>> -> memref<10240x128xf32, #tpu.memory_space<hbm>>
        tpu.wait_indirect_dma semaphore(%arg13 : memref<!tpu.dma_semaphore, #tpu.memory_space<semaphore_mem>>) src(%dma_wait3A_146 : memref<10240x128xf32, #tpu.memory_space<hbm>>) dst(%arg10 : memref<128x128xf32, #tpu.memory_space<vmem>>)
        %dma_start3A_147 = arith.constant 6 : i32
        %dma_start3A_148 = arith.constant 0 : i32
        %dma_start3A_149 = tpu.memref_slice %arg7[%dma_start3A_147, %dma_start3A_148] : memref<8x128xi32, #tpu.memory_space<vmem>> -> memref<1x128xi32, #tpu.memory_space<vmem>>
        %dma_start3A_150 = tpu.memref_squeeze %dma_start3A_149 : memref<1x128xi32, #tpu.memory_space<vmem>> -> memref<128xi32, #tpu.memory_space<vmem>>
        %dma_start3A_151 = arith.constant 0 : i32
        %dma_start3A_152 = arith.constant 0 : i32
        %dma_start3A_153 = tpu.memref_slice %arg2[%dma_start3A_151, %dma_start3A_152] : memref<10240x128xf32, #tpu.memory_space<hbm>> -> memref<10240x128xf32, #tpu.memory_space<hbm>>
        tpu.enqueue_indirect_dma source(%dma_start3A_153 : memref<10240x128xf32, #tpu.memory_space<hbm>>) target(%arg9 : memref<128x128xf32, #tpu.memory_space<vmem>>) offsets(%dma_start3A_150 : memref<128xi32, #tpu.memory_space<vmem>>) semaphore(%arg12 : memref<!tpu.dma_semaphore, #tpu.memory_space<semaphore_mem>>)
        %run_scoped3A_154 = arith.constant 5 : i32
        "tpu.region"() ({
          %run_scoped3A_179 = tpu.sem_alloc : memref<!tpu.dma_semaphore, #tpu.memory_space<semaphore_mem>>
          %dma_start3A_180 = arith.constant 0 : i32
          %dma_start3A_181 = tpu.memref_slice %arg8[%run_scoped3A_154, %dma_start3A_180] : memref<8x128xi32, #tpu.memory_space<vmem>> -> memref<1x128xi32, #tpu.memory_space<vmem>>
          %dma_start3A_182 = tpu.memref_squeeze %dma_start3A_181 : memref<1x128xi32, #tpu.memory_space<vmem>> -> memref<128xi32, #tpu.memory_space<vmem>>
          %dma_start3A_183 = arith.constant 0 : i32
          %dma_start3A_184 = arith.constant 0 : i32
          %dma_start3A_185 = tpu.memref_slice %arg11[%dma_start3A_183, %dma_start3A_184] : memref<10240x128xf32, #tpu.memory_space<vmem_shared>> -> memref<10240x128xf32, #tpu.memory_space<vmem_shared>>
          tpu.enqueue_indirect_dma source(%arg10 : memref<128x128xf32, #tpu.memory_space<vmem>>) target(%dma_start3A_185 : memref<10240x128xf32, #tpu.memory_space<vmem_shared>>) offsets(%dma_start3A_182 : memref<128xi32, #tpu.memory_space<vmem>>) semaphore(%run_scoped3A_179 : memref<!tpu.dma_semaphore, #tpu.memory_space<semaphore_mem>>) {add = true}
          %dma_wait3A_186 = arith.constant 0 : i32
          %dma_wait3A_187 = tpu.memref_slice %arg8[%run_scoped3A_154, %dma_wait3A_186] : memref<8x128xi32, #tpu.memory_space<vmem>> -> memref<1x128xi32, #tpu.memory_space<vmem>>
          %dma_wait3A_188 = tpu.memref_squeeze %dma_wait3A_187 : memref<1x128xi32, #tpu.memory_space<vmem>> -> memref<128xi32, #tpu.memory_space<vmem>>
          %dma_wait3A_189 = arith.constant 0 : i32
          %dma_wait3A_190 = arith.constant 0 : i32
          %dma_wait3A_191 = tpu.memref_slice %arg11[%dma_wait3A_189, %dma_wait3A_190] : memref<10240x128xf32, #tpu.memory_space<vmem_shared>> -> memref<10240x128xf32, #tpu.memory_space<vmem_shared>>
          tpu.wait_indirect_dma semaphore(%run_scoped3A_179 : memref<!tpu.dma_semaphore, #tpu.memory_space<semaphore_mem>>) src(%arg10 : memref<128x128xf32, #tpu.memory_space<vmem>>) dst(%dma_wait3A_191 : memref<10240x128xf32, #tpu.memory_space<vmem_shared>>)
          tpu.yield
        }) : () -> ()
        %dma_wait3A_155 = arith.constant 6 : i32
        %dma_wait3A_156 = arith.constant 0 : i32
        %dma_wait3A_157 = tpu.memref_slice %arg7[%dma_wait3A_155, %dma_wait3A_156] : memref<8x128xi32, #tpu.memory_space<vmem>> -> memref<1x128xi32, #tpu.memory_space<vmem>>
        %dma_wait3A_158 = tpu.memref_squeeze %dma_wait3A_157 : memref<1x128xi32, #tpu.memory_space<vmem>> -> memref<128xi32, #tpu.memory_space<vmem>>
        %dma_wait3A_159 = arith.constant 0 : i32
        %dma_wait3A_160 = arith.constant 0 : i32
        %dma_wait3A_161 = tpu.memref_slice %arg2[%dma_wait3A_159, %dma_wait3A_160] : memref<10240x128xf32, #tpu.memory_space<hbm>> -> memref<10240x128xf32, #tpu.memory_space<hbm>>
        tpu.wait_indirect_dma semaphore(%arg12 : memref<!tpu.dma_semaphore, #tpu.memory_space<semaphore_mem>>) src(%dma_wait3A_161 : memref<10240x128xf32, #tpu.memory_space<hbm>>) dst(%arg9 : memref<128x128xf32, #tpu.memory_space<vmem>>)
        %dma_start3A_162 = arith.constant 7 : i32
        %dma_start3A_163 = arith.constant 0 : i32
        %dma_start3A_164 = tpu.memref_slice %arg7[%dma_start3A_162, %dma_start3A_163] : memref<8x128xi32, #tpu.memory_space<vmem>> -> memref<1x128xi32, #tpu.memory_space<vmem>>
        %dma_start3A_165 = tpu.memref_squeeze %dma_start3A_164 : memref<1x128xi32, #tpu.memory_space<vmem>> -> memref<128xi32, #tpu.memory_space<vmem>>
        %dma_start3A_166 = arith.constant 0 : i32
        %dma_start3A_167 = arith.constant 0 : i32
        %dma_start3A_168 = tpu.memref_slice %arg2[%dma_start3A_166, %dma_start3A_167] : memref<10240x128xf32, #tpu.memory_space<hbm>> -> memref<10240x128xf32, #tpu.memory_space<hbm>>
        tpu.enqueue_indirect_dma source(%dma_start3A_168 : memref<10240x128xf32, #tpu.memory_space<hbm>>) target(%arg10 : memref<128x128xf32, #tpu.memory_space<vmem>>) offsets(%dma_start3A_165 : memref<128xi32, #tpu.memory_space<vmem>>) semaphore(%arg13 : memref<!tpu.dma_semaphore, #tpu.memory_space<semaphore_mem>>)
        %run_scoped3A_169 = arith.constant 6 : i32
        "tpu.region"() ({
          %run_scoped3A_179 = tpu.sem_alloc : memref<!tpu.dma_semaphore, #tpu.memory_space<semaphore_mem>>
          %dma_start3A_180 = arith.constant 0 : i32
          %dma_start3A_181 = tpu.memref_slice %arg8[%run_scoped3A_169, %dma_start3A_180] : memref<8x128xi32, #tpu.memory_space<vmem>> -> memref<1x128xi32, #tpu.memory_space<vmem>>
          %dma_start3A_182 = tpu.memref_squeeze %dma_start3A_181 : memref<1x128xi32, #tpu.memory_space<vmem>> -> memref<128xi32, #tpu.memory_space<vmem>>
          %dma_start3A_183 = arith.constant 0 : i32
          %dma_start3A_184 = arith.constant 0 : i32
          %dma_start3A_185 = tpu.memref_slice %arg11[%dma_start3A_183, %dma_start3A_184] : memref<10240x128xf32, #tpu.memory_space<vmem_shared>> -> memref<10240x128xf32, #tpu.memory_space<vmem_shared>>
          tpu.enqueue_indirect_dma source(%arg9 : memref<128x128xf32, #tpu.memory_space<vmem>>) target(%dma_start3A_185 : memref<10240x128xf32, #tpu.memory_space<vmem_shared>>) offsets(%dma_start3A_182 : memref<128xi32, #tpu.memory_space<vmem>>) semaphore(%run_scoped3A_179 : memref<!tpu.dma_semaphore, #tpu.memory_space<semaphore_mem>>) {add = true}
          %dma_wait3A_186 = arith.constant 0 : i32
          %dma_wait3A_187 = tpu.memref_slice %arg8[%run_scoped3A_169, %dma_wait3A_186] : memref<8x128xi32, #tpu.memory_space<vmem>> -> memref<1x128xi32, #tpu.memory_space<vmem>>
          %dma_wait3A_188 = tpu.memref_squeeze %dma_wait3A_187 : memref<1x128xi32, #tpu.memory_space<vmem>> -> memref<128xi32, #tpu.memory_space<vmem>>
          %dma_wait3A_189 = arith.constant 0 : i32
          %dma_wait3A_190 = arith.constant 0 : i32
          %dma_wait3A_191 = tpu.memref_slice %arg11[%dma_wait3A_189, %dma_wait3A_190] : memref<10240x128xf32, #tpu.memory_space<vmem_shared>> -> memref<10240x128xf32, #tpu.memory_space<vmem_shared>>
          tpu.wait_indirect_dma semaphore(%run_scoped3A_179 : memref<!tpu.dma_semaphore, #tpu.memory_space<semaphore_mem>>) src(%arg9 : memref<128x128xf32, #tpu.memory_space<vmem>>) dst(%dma_wait3A_191 : memref<10240x128xf32, #tpu.memory_space<vmem_shared>>)
          tpu.yield
        }) : () -> ()
        %dma_wait3A_170 = arith.constant 7 : i32
        %dma_wait3A_171 = arith.constant 0 : i32
        %dma_wait3A_172 = tpu.memref_slice %arg7[%dma_wait3A_170, %dma_wait3A_171] : memref<8x128xi32, #tpu.memory_space<vmem>> -> memref<1x128xi32, #tpu.memory_space<vmem>>
        %dma_wait3A_173 = tpu.memref_squeeze %dma_wait3A_172 : memref<1x128xi32, #tpu.memory_space<vmem>> -> memref<128xi32, #tpu.memory_space<vmem>>
        %dma_wait3A_174 = arith.constant 0 : i32
        %dma_wait3A_175 = arith.constant 0 : i32
        %dma_wait3A_176 = tpu.memref_slice %arg2[%dma_wait3A_174, %dma_wait3A_175] : memref<10240x128xf32, #tpu.memory_space<hbm>> -> memref<10240x128xf32, #tpu.memory_space<hbm>>
        tpu.wait_indirect_dma semaphore(%arg13 : memref<!tpu.dma_semaphore, #tpu.memory_space<semaphore_mem>>) src(%dma_wait3A_176 : memref<10240x128xf32, #tpu.memory_space<hbm>>) dst(%arg10 : memref<128x128xf32, #tpu.memory_space<vmem>>)
        %run_scoped3A_177 = arith.constant 7 : i32
        "tpu.region"() ({
          %run_scoped3A_179 = tpu.sem_alloc : memref<!tpu.dma_semaphore, #tpu.memory_space<semaphore_mem>>
          %dma_start3A_180 = arith.constant 0 : i32
          %dma_start3A_181 = tpu.memref_slice %arg8[%run_scoped3A_177, %dma_start3A_180] : memref<8x128xi32, #tpu.memory_space<vmem>> -> memref<1x128xi32, #tpu.memory_space<vmem>>
          %dma_start3A_182 = tpu.memref_squeeze %dma_start3A_181 : memref<1x128xi32, #tpu.memory_space<vmem>> -> memref<128xi32, #tpu.memory_space<vmem>>
          %dma_start3A_183 = arith.constant 0 : i32
          %dma_start3A_184 = arith.constant 0 : i32
          %dma_start3A_185 = tpu.memref_slice %arg11[%dma_start3A_183, %dma_start3A_184] : memref<10240x128xf32, #tpu.memory_space<vmem_shared>> -> memref<10240x128xf32, #tpu.memory_space<vmem_shared>>
          tpu.enqueue_indirect_dma source(%arg10 : memref<128x128xf32, #tpu.memory_space<vmem>>) target(%dma_start3A_185 : memref<10240x128xf32, #tpu.memory_space<vmem_shared>>) offsets(%dma_start3A_182 : memref<128xi32, #tpu.memory_space<vmem>>) semaphore(%run_scoped3A_179 : memref<!tpu.dma_semaphore, #tpu.memory_space<semaphore_mem>>) {add = true}
          %dma_wait3A_186 = arith.constant 0 : i32
          %dma_wait3A_187 = tpu.memref_slice %arg8[%run_scoped3A_177, %dma_wait3A_186] : memref<8x128xi32, #tpu.memory_space<vmem>> -> memref<1x128xi32, #tpu.memory_space<vmem>>
          %dma_wait3A_188 = tpu.memref_squeeze %dma_wait3A_187 : memref<1x128xi32, #tpu.memory_space<vmem>> -> memref<128xi32, #tpu.memory_space<vmem>>
          %dma_wait3A_189 = arith.constant 0 : i32
          %dma_wait3A_190 = arith.constant 0 : i32
          %dma_wait3A_191 = tpu.memref_slice %arg11[%dma_wait3A_189, %dma_wait3A_190] : memref<10240x128xf32, #tpu.memory_space<vmem_shared>> -> memref<10240x128xf32, #tpu.memory_space<vmem_shared>>
          tpu.wait_indirect_dma semaphore(%run_scoped3A_179 : memref<!tpu.dma_semaphore, #tpu.memory_space<semaphore_mem>>) src(%arg10 : memref<128x128xf32, #tpu.memory_space<vmem>>) dst(%dma_wait3A_191 : memref<10240x128xf32, #tpu.memory_space<vmem_shared>>)
          tpu.yield
        }) : () -> ()
        %scan3A_178 = arith.constant 0 : i32
        scf.yield %scan3A_178 : i32
      }
      %scan3A_52 = arith.constant 5 : i32
    } else {
    }
    %barrier3A_8 = arith.constant 0 : index
    tpu.barrier barrier_id(%barrier3A_8)
    %mul3A_9 = arith.constant 10240 : i32
    %mul3A_10 = arith.muli %arg0, %mul3A_9 : i32
    %mul3A_11 = arith.constant 640 : i32
    %mul3A_12 = arith.muli %arg1, %mul3A_11 : i32
    %add3A = arith.addi %mul3A_10, %mul3A_12 : i32
    %mul3A_13 = arith.constant 640 : i32
    %mul3A_14 = arith.muli %arg1, %mul3A_13 : i32
    %add3A_15 = arith.constant 0 : i32
    %add3A_16 = arith.addi %mul3A_14, %add3A_15 : i32
    "tpu.region"() ({
      %run_scoped3A = tpu.sem_alloc : memref<!tpu.dma_semaphore, #tpu.memory_space<semaphore_mem>>
      %dma_start3A = arith.constant 0 : i32
      %dma_start3A_43 = tpu.memref_slice %arg11[%add3A_16, %dma_start3A] : memref<10240x128xf32, #tpu.memory_space<vmem_shared>> -> memref<128x128xf32, #tpu.memory_space<vmem_shared>>
      %dma_start3A_44 = arith.constant 0 : i32
      %dma_start3A_45 = tpu.memref_slice %arg11[%add3A_16, %dma_start3A_44] : memref<10240x128xf32, #tpu.memory_space<vmem_shared>> -> memref<128x128xf32, #tpu.memory_space<vmem_shared>>
      tpu.enqueue_dma source(%dma_start3A_45 : memref<128x128xf32, #tpu.memory_space<vmem_shared>>) target(%arg9 : memref<128x128xf32, #tpu.memory_space<vmem>>) target_semaphore(%run_scoped3A : memref<!tpu.dma_semaphore, #tpu.memory_space<semaphore_mem>>)
      %dma_wait3A = arith.constant 0 : i32
      %dma_wait3A_46 = tpu.memref_slice %arg11[%add3A_16, %dma_wait3A] : memref<10240x128xf32, #tpu.memory_space<vmem_shared>> -> memref<128x128xf32, #tpu.memory_space<vmem_shared>>
      %dma_wait3A_47 = arith.constant 0 : i32
      %dma_wait3A_48 = tpu.memref_slice %arg11[%add3A_16, %dma_wait3A_47] : memref<10240x128xf32, #tpu.memory_space<vmem_shared>> -> memref<128x128xf32, #tpu.memory_space<vmem_shared>>
      tpu.wait_dma2 semaphore(%run_scoped3A : memref<!tpu.dma_semaphore, #tpu.memory_space<semaphore_mem>>) src(%dma_wait3A_48 : memref<128x128xf32, #tpu.memory_space<vmem_shared>>) dst(%arg9 : memref<128x128xf32, #tpu.memory_space<vmem>>)
      tpu.yield
    }) : () -> ()
    %add3A_17 = arith.constant 0 : i32
    %add3A_18 = arith.addi %add3A, %add3A_17 : i32
    "tpu.region"() ({
      %run_scoped3A = tpu.sem_alloc : memref<!tpu.dma_semaphore, #tpu.memory_space<semaphore_mem>>
      %dma_start3A = arith.constant 0 : i32
      %dma_start3A_43 = tpu.memref_slice %arg6[%add3A_18, %dma_start3A] : memref<20480x128xf32, #tpu.memory_space<hbm>> -> memref<128x128xf32, #tpu.memory_space<hbm>>
      %dma_start3A_44 = arith.constant 0 : i32
      %dma_start3A_45 = tpu.memref_slice %arg6[%add3A_18, %dma_start3A_44] : memref<20480x128xf32, #tpu.memory_space<hbm>> -> memref<128x128xf32, #tpu.memory_space<hbm>>
      tpu.enqueue_dma source(%arg9 : memref<128x128xf32, #tpu.memory_space<vmem>>) target(%dma_start3A_45 : memref<128x128xf32, #tpu.memory_space<hbm>>) target_semaphore(%run_scoped3A : memref<!tpu.dma_semaphore, #tpu.memory_space<semaphore_mem>>)
      %dma_wait3A = arith.constant 0 : i32
      %dma_wait3A_46 = tpu.memref_slice %arg6[%add3A_18, %dma_wait3A] : memref<20480x128xf32, #tpu.memory_space<hbm>> -> memref<128x128xf32, #tpu.memory_space<hbm>>
      %dma_wait3A_47 = arith.constant 0 : i32
      %dma_wait3A_48 = tpu.memref_slice %arg6[%add3A_18, %dma_wait3A_47] : memref<20480x128xf32, #tpu.memory_space<hbm>> -> memref<128x128xf32, #tpu.memory_space<hbm>>
      tpu.wait_dma2 semaphore(%run_scoped3A : memref<!tpu.dma_semaphore, #tpu.memory_space<semaphore_mem>>) src(%arg9 : memref<128x128xf32, #tpu.memory_space<vmem>>) dst(%dma_wait3A_48 : memref<128x128xf32, #tpu.memory_space<hbm>>)
      tpu.yield
    }) : () -> ()
    %mul3A_19 = arith.constant 640 : i32
    %mul3A_20 = arith.muli %arg1, %mul3A_19 : i32
    %add3A_21 = arith.constant 128 : i32
    %add3A_22 = arith.addi %mul3A_20, %add3A_21 : i32
    "tpu.region"() ({
      %run_scoped3A = tpu.sem_alloc : memref<!tpu.dma_semaphore, #tpu.memory_space<semaphore_mem>>
      %dma_start3A = arith.constant 0 : i32
      %dma_start3A_43 = tpu.memref_slice %arg11[%add3A_22, %dma_start3A] : memref<10240x128xf32, #tpu.memory_space<vmem_shared>> -> memref<128x128xf32, #tpu.memory_space<vmem_shared>>
      %dma_start3A_44 = arith.constant 0 : i32
      %dma_start3A_45 = tpu.memref_slice %arg11[%add3A_22, %dma_start3A_44] : memref<10240x128xf32, #tpu.memory_space<vmem_shared>> -> memref<128x128xf32, #tpu.memory_space<vmem_shared>>
      tpu.enqueue_dma source(%dma_start3A_45 : memref<128x128xf32, #tpu.memory_space<vmem_shared>>) target(%arg9 : memref<128x128xf32, #tpu.memory_space<vmem>>) target_semaphore(%run_scoped3A : memref<!tpu.dma_semaphore, #tpu.memory_space<semaphore_mem>>)
      %dma_wait3A = arith.constant 0 : i32
      %dma_wait3A_46 = tpu.memref_slice %arg11[%add3A_22, %dma_wait3A] : memref<10240x128xf32, #tpu.memory_space<vmem_shared>> -> memref<128x128xf32, #tpu.memory_space<vmem_shared>>
      %dma_wait3A_47 = arith.constant 0 : i32
      %dma_wait3A_48 = tpu.memref_slice %arg11[%add3A_22, %dma_wait3A_47] : memref<10240x128xf32, #tpu.memory_space<vmem_shared>> -> memref<128x128xf32, #tpu.memory_space<vmem_shared>>
      tpu.wait_dma2 semaphore(%run_scoped3A : memref<!tpu.dma_semaphore, #tpu.memory_space<semaphore_mem>>) src(%dma_wait3A_48 : memref<128x128xf32, #tpu.memory_space<vmem_shared>>) dst(%arg9 : memref<128x128xf32, #tpu.memory_space<vmem>>)
      tpu.yield
    }) : () -> ()
    %add3A_23 = arith.constant 128 : i32
    %add3A_24 = arith.addi %add3A, %add3A_23 : i32
    "tpu.region"() ({
      %run_scoped3A = tpu.sem_alloc : memref<!tpu.dma_semaphore, #tpu.memory_space<semaphore_mem>>
      %dma_start3A = arith.constant 0 : i32
      %dma_start3A_43 = tpu.memref_slice %arg6[%add3A_24, %dma_start3A] : memref<20480x128xf32, #tpu.memory_space<hbm>> -> memref<128x128xf32, #tpu.memory_space<hbm>>
      %dma_start3A_44 = arith.constant 0 : i32
      %dma_start3A_45 = tpu.memref_slice %arg6[%add3A_24, %dma_start3A_44] : memref<20480x128xf32, #tpu.memory_space<hbm>> -> memref<128x128xf32, #tpu.memory_space<hbm>>
      tpu.enqueue_dma source(%arg9 : memref<128x128xf32, #tpu.memory_space<vmem>>) target(%dma_start3A_45 : memref<128x128xf32, #tpu.memory_space<hbm>>) target_semaphore(%run_scoped3A : memref<!tpu.dma_semaphore, #tpu.memory_space<semaphore_mem>>)
      %dma_wait3A = arith.constant 0 : i32
      %dma_wait3A_46 = tpu.memref_slice %arg6[%add3A_24, %dma_wait3A] : memref<20480x128xf32, #tpu.memory_space<hbm>> -> memref<128x128xf32, #tpu.memory_space<hbm>>
      %dma_wait3A_47 = arith.constant 0 : i32
      %dma_wait3A_48 = tpu.memref_slice %arg6[%add3A_24, %dma_wait3A_47] : memref<20480x128xf32, #tpu.memory_space<hbm>> -> memref<128x128xf32, #tpu.memory_space<hbm>>
      tpu.wait_dma2 semaphore(%run_scoped3A : memref<!tpu.dma_semaphore, #tpu.memory_space<semaphore_mem>>) src(%arg9 : memref<128x128xf32, #tpu.memory_space<vmem>>) dst(%dma_wait3A_48 : memref<128x128xf32, #tpu.memory_space<hbm>>)
      tpu.yield
    }) : () -> ()
    %mul3A_25 = arith.constant 640 : i32
    %mul3A_26 = arith.muli %arg1, %mul3A_25 : i32
    %add3A_27 = arith.constant 256 : i32
    %add3A_28 = arith.addi %mul3A_26, %add3A_27 : i32
    "tpu.region"() ({
      %run_scoped3A = tpu.sem_alloc : memref<!tpu.dma_semaphore, #tpu.memory_space<semaphore_mem>>
      %dma_start3A = arith.constant 0 : i32
      %dma_start3A_43 = tpu.memref_slice %arg11[%add3A_28, %dma_start3A] : memref<10240x128xf32, #tpu.memory_space<vmem_shared>> -> memref<128x128xf32, #tpu.memory_space<vmem_shared>>
      %dma_start3A_44 = arith.constant 0 : i32
      %dma_start3A_45 = tpu.memref_slice %arg11[%add3A_28, %dma_start3A_44] : memref<10240x128xf32, #tpu.memory_space<vmem_shared>> -> memref<128x128xf32, #tpu.memory_space<vmem_shared>>
      tpu.enqueue_dma source(%dma_start3A_45 : memref<128x128xf32, #tpu.memory_space<vmem_shared>>) target(%arg9 : memref<128x128xf32, #tpu.memory_space<vmem>>) target_semaphore(%run_scoped3A : memref<!tpu.dma_semaphore, #tpu.memory_space<semaphore_mem>>)
      %dma_wait3A = arith.constant 0 : i32
      %dma_wait3A_46 = tpu.memref_slice %arg11[%add3A_28, %dma_wait3A] : memref<10240x128xf32, #tpu.memory_space<vmem_shared>> -> memref<128x128xf32, #tpu.memory_space<vmem_shared>>
      %dma_wait3A_47 = arith.constant 0 : i32
      %dma_wait3A_48 = tpu.memref_slice %arg11[%add3A_28, %dma_wait3A_47] : memref<10240x128xf32, #tpu.memory_space<vmem_shared>> -> memref<128x128xf32, #tpu.memory_space<vmem_shared>>
      tpu.wait_dma2 semaphore(%run_scoped3A : memref<!tpu.dma_semaphore, #tpu.memory_space<semaphore_mem>>) src(%dma_wait3A_48 : memref<128x128xf32, #tpu.memory_space<vmem_shared>>) dst(%arg9 : memref<128x128xf32, #tpu.memory_space<vmem>>)
      tpu.yield
    }) : () -> ()
    %add3A_29 = arith.constant 256 : i32
    %add3A_30 = arith.addi %add3A, %add3A_29 : i32
    "tpu.region"() ({
      %run_scoped3A = tpu.sem_alloc : memref<!tpu.dma_semaphore, #tpu.memory_space<semaphore_mem>>
      %dma_start3A = arith.constant 0 : i32
      %dma_start3A_43 = tpu.memref_slice %arg6[%add3A_30, %dma_start3A] : memref<20480x128xf32, #tpu.memory_space<hbm>> -> memref<128x128xf32, #tpu.memory_space<hbm>>
      %dma_start3A_44 = arith.constant 0 : i32
      %dma_start3A_45 = tpu.memref_slice %arg6[%add3A_30, %dma_start3A_44] : memref<20480x128xf32, #tpu.memory_space<hbm>> -> memref<128x128xf32, #tpu.memory_space<hbm>>
      tpu.enqueue_dma source(%arg9 : memref<128x128xf32, #tpu.memory_space<vmem>>) target(%dma_start3A_45 : memref<128x128xf32, #tpu.memory_space<hbm>>) target_semaphore(%run_scoped3A : memref<!tpu.dma_semaphore, #tpu.memory_space<semaphore_mem>>)
      %dma_wait3A = arith.constant 0 : i32
      %dma_wait3A_46 = tpu.memref_slice %arg6[%add3A_30, %dma_wait3A] : memref<20480x128xf32, #tpu.memory_space<hbm>> -> memref<128x128xf32, #tpu.memory_space<hbm>>
      %dma_wait3A_47 = arith.constant 0 : i32
      %dma_wait3A_48 = tpu.memref_slice %arg6[%add3A_30, %dma_wait3A_47] : memref<20480x128xf32, #tpu.memory_space<hbm>> -> memref<128x128xf32, #tpu.memory_space<hbm>>
      tpu.wait_dma2 semaphore(%run_scoped3A : memref<!tpu.dma_semaphore, #tpu.memory_space<semaphore_mem>>) src(%arg9 : memref<128x128xf32, #tpu.memory_space<vmem>>) dst(%dma_wait3A_48 : memref<128x128xf32, #tpu.memory_space<hbm>>)
      tpu.yield
    }) : () -> ()
    %mul3A_31 = arith.constant 640 : i32
    %mul3A_32 = arith.muli %arg1, %mul3A_31 : i32
    %add3A_33 = arith.constant 384 : i32
    %add3A_34 = arith.addi %mul3A_32, %add3A_33 : i32
    "tpu.region"() ({
      %run_scoped3A = tpu.sem_alloc : memref<!tpu.dma_semaphore, #tpu.memory_space<semaphore_mem>>
      %dma_start3A = arith.constant 0 : i32
      %dma_start3A_43 = tpu.memref_slice %arg11[%add3A_34, %dma_start3A] : memref<10240x128xf32, #tpu.memory_space<vmem_shared>> -> memref<128x128xf32, #tpu.memory_space<vmem_shared>>
      %dma_start3A_44 = arith.constant 0 : i32
      %dma_start3A_45 = tpu.memref_slice %arg11[%add3A_34, %dma_start3A_44] : memref<10240x128xf32, #tpu.memory_space<vmem_shared>> -> memref<128x128xf32, #tpu.memory_space<vmem_shared>>
      tpu.enqueue_dma source(%dma_start3A_45 : memref<128x128xf32, #tpu.memory_space<vmem_shared>>) target(%arg9 : memref<128x128xf32, #tpu.memory_space<vmem>>) target_semaphore(%run_scoped3A : memref<!tpu.dma_semaphore, #tpu.memory_space<semaphore_mem>>)
      %dma_wait3A = arith.constant 0 : i32
      %dma_wait3A_46 = tpu.memref_slice %arg11[%add3A_34, %dma_wait3A] : memref<10240x128xf32, #tpu.memory_space<vmem_shared>> -> memref<128x128xf32, #tpu.memory_space<vmem_shared>>
      %dma_wait3A_47 = arith.constant 0 : i32
      %dma_wait3A_48 = tpu.memref_slice %arg11[%add3A_34, %dma_wait3A_47] : memref<10240x128xf32, #tpu.memory_space<vmem_shared>> -> memref<128x128xf32, #tpu.memory_space<vmem_shared>>
      tpu.wait_dma2 semaphore(%run_scoped3A : memref<!tpu.dma_semaphore, #tpu.memory_space<semaphore_mem>>) src(%dma_wait3A_48 : memref<128x128xf32, #tpu.memory_space<vmem_shared>>) dst(%arg9 : memref<128x128xf32, #tpu.memory_space<vmem>>)
      tpu.yield
    }) : () -> ()
    %add3A_35 = arith.constant 384 : i32
    %add3A_36 = arith.addi %add3A, %add3A_35 : i32
    "tpu.region"() ({
      %run_scoped3A = tpu.sem_alloc : memref<!tpu.dma_semaphore, #tpu.memory_space<semaphore_mem>>
      %dma_start3A = arith.constant 0 : i32
      %dma_start3A_43 = tpu.memref_slice %arg6[%add3A_36, %dma_start3A] : memref<20480x128xf32, #tpu.memory_space<hbm>> -> memref<128x128xf32, #tpu.memory_space<hbm>>
      %dma_start3A_44 = arith.constant 0 : i32
      %dma_start3A_45 = tpu.memref_slice %arg6[%add3A_36, %dma_start3A_44] : memref<20480x128xf32, #tpu.memory_space<hbm>> -> memref<128x128xf32, #tpu.memory_space<hbm>>
      tpu.enqueue_dma source(%arg9 : memref<128x128xf32, #tpu.memory_space<vmem>>) target(%dma_start3A_45 : memref<128x128xf32, #tpu.memory_space<hbm>>) target_semaphore(%run_scoped3A : memref<!tpu.dma_semaphore, #tpu.memory_space<semaphore_mem>>)
      %dma_wait3A = arith.constant 0 : i32
      %dma_wait3A_46 = tpu.memref_slice %arg6[%add3A_36, %dma_wait3A] : memref<20480x128xf32, #tpu.memory_space<hbm>> -> memref<128x128xf32, #tpu.memory_space<hbm>>
      %dma_wait3A_47 = arith.constant 0 : i32
      %dma_wait3A_48 = tpu.memref_slice %arg6[%add3A_36, %dma_wait3A_47] : memref<20480x128xf32, #tpu.memory_space<hbm>> -> memref<128x128xf32, #tpu.memory_space<hbm>>
      tpu.wait_dma2 semaphore(%run_scoped3A : memref<!tpu.dma_semaphore, #tpu.memory_space<semaphore_mem>>) src(%arg9 : memref<128x128xf32, #tpu.memory_space<vmem>>) dst(%dma_wait3A_48 : memref<128x128xf32, #tpu.memory_space<hbm>>)
      tpu.yield
    }) : () -> ()
    %mul3A_37 = arith.constant 640 : i32
    %mul3A_38 = arith.muli %arg1, %mul3A_37 : i32
    %add3A_39 = arith.constant 512 : i32
    %add3A_40 = arith.addi %mul3A_38, %add3A_39 : i32
    "tpu.region"() ({
      %run_scoped3A = tpu.sem_alloc : memref<!tpu.dma_semaphore, #tpu.memory_space<semaphore_mem>>
      %dma_start3A = arith.constant 0 : i32
      %dma_start3A_43 = tpu.memref_slice %arg11[%add3A_40, %dma_start3A] : memref<10240x128xf32, #tpu.memory_space<vmem_shared>> -> memref<128x128xf32, #tpu.memory_space<vmem_shared>>
      %dma_start3A_44 = arith.constant 0 : i32
      %dma_start3A_45 = tpu.memref_slice %arg11[%add3A_40, %dma_start3A_44] : memref<10240x128xf32, #tpu.memory_space<vmem_shared>> -> memref<128x128xf32, #tpu.memory_space<vmem_shared>>
      tpu.enqueue_dma source(%dma_start3A_45 : memref<128x128xf32, #tpu.memory_space<vmem_shared>>) target(%arg9 : memref<128x128xf32, #tpu.memory_space<vmem>>) target_semaphore(%run_scoped3A : memref<!tpu.dma_semaphore, #tpu.memory_space<semaphore_mem>>)
      %dma_wait3A = arith.constant 0 : i32
      %dma_wait3A_46 = tpu.memref_slice %arg11[%add3A_40, %dma_wait3A] : memref<10240x128xf32, #tpu.memory_space<vmem_shared>> -> memref<128x128xf32, #tpu.memory_space<vmem_shared>>
      %dma_wait3A_47 = arith.constant 0 : i32
      %dma_wait3A_48 = tpu.memref_slice %arg11[%add3A_40, %dma_wait3A_47] : memref<10240x128xf32, #tpu.memory_space<vmem_shared>> -> memref<128x128xf32, #tpu.memory_space<vmem_shared>>
      tpu.wait_dma2 semaphore(%run_scoped3A : memref<!tpu.dma_semaphore, #tpu.memory_space<semaphore_mem>>) src(%dma_wait3A_48 : memref<128x128xf32, #tpu.memory_space<vmem_shared>>) dst(%arg9 : memref<128x128xf32, #tpu.memory_space<vmem>>)
      tpu.yield
    }) : () -> ()
    %add3A_41 = arith.constant 512 : i32
    %add3A_42 = arith.addi %add3A, %add3A_41 : i32
    "tpu.region"() ({
      %run_scoped3A = tpu.sem_alloc : memref<!tpu.dma_semaphore, #tpu.memory_space<semaphore_mem>>
      %dma_start3A = arith.constant 0 : i32
      %dma_start3A_43 = tpu.memref_slice %arg6[%add3A_42, %dma_start3A] : memref<20480x128xf32, #tpu.memory_space<hbm>> -> memref<128x128xf32, #tpu.memory_space<hbm>>
      %dma_start3A_44 = arith.constant 0 : i32
      %dma_start3A_45 = tpu.memref_slice %arg6[%add3A_42, %dma_start3A_44] : memref<20480x128xf32, #tpu.memory_space<hbm>> -> memref<128x128xf32, #tpu.memory_space<hbm>>
      tpu.enqueue_dma source(%arg9 : memref<128x128xf32, #tpu.memory_space<vmem>>) target(%dma_start3A_45 : memref<128x128xf32, #tpu.memory_space<hbm>>) target_semaphore(%run_scoped3A : memref<!tpu.dma_semaphore, #tpu.memory_space<semaphore_mem>>)
      %dma_wait3A = arith.constant 0 : i32
      %dma_wait3A_46 = tpu.memref_slice %arg6[%add3A_42, %dma_wait3A] : memref<20480x128xf32, #tpu.memory_space<hbm>> -> memref<128x128xf32, #tpu.memory_space<hbm>>
      %dma_wait3A_47 = arith.constant 0 : i32
      %dma_wait3A_48 = tpu.memref_slice %arg6[%add3A_42, %dma_wait3A_47] : memref<20480x128xf32, #tpu.memory_space<hbm>> -> memref<128x128xf32, #tpu.memory_space<hbm>>
      tpu.wait_dma2 semaphore(%run_scoped3A : memref<!tpu.dma_semaphore, #tpu.memory_space<semaphore_mem>>) src(%arg9 : memref<128x128xf32, #tpu.memory_space<vmem>>) dst(%dma_wait3A_48 : memref<128x128xf32, #tpu.memory_space<hbm>>)
      tpu.yield
    }) : () -> ()
    return
  }
}

module attributes {stable_mosaic.version = 14 : i64} {
  func.func @_mlp_body(%arg0: i32, %arg1: memref<1024x128xf32, #tpu.memory_space<vmem>>, %arg2: memref<1024x128xf32, #tpu.memory_space<vmem>>, %arg3: memref<1024x128xf32, #tpu.memory_space<vmem>>, %arg4: memref<128x128xf32, #tpu.memory_space<vmem>>, %arg5: memref<1x128xf32, #tpu.memory_space<vmem>>, %arg6: memref<128x128xf32, #tpu.memory_space<vmem>>, %arg7: memref<1x128xf32, #tpu.memory_space<vmem>>, %arg8: memref<1024x128xf32, #tpu.memory_space<vmem>>) attributes {dimension_semantics = [#tpu.dimension_semantics<arbitrary>], iteration_bounds = array<i64: 10>, scalar_prefetch = 0 : i64, scratch_operands = 0 : i64, tpu.core_type = #tpu.core_type<tc>, window_params = [{transform_indices = @transform_0, window_bounds = array<i64: 1024, 128>}, {transform_indices = @transform_1, window_bounds = array<i64: 1024, 128>}, {transform_indices = @transform_2, window_bounds = array<i64: 1024, 128>}, {pipeline_mode = #tpu.pipeline_mode<synchronous>, transform_indices = @transform_3, window_bounds = array<i64: 128, 128>}, {pipeline_mode = #tpu.pipeline_mode<synchronous>, transform_indices = @transform_4, window_bounds = array<i64: 1, 128>}, {pipeline_mode = #tpu.pipeline_mode<synchronous>, transform_indices = @transform_5, window_bounds = array<i64: 128, 128>}, {pipeline_mode = #tpu.pipeline_mode<synchronous>, transform_indices = @transform_6, window_bounds = array<i64: 1, 128>}, {transform_indices = @transform_7, window_bounds = array<i64: 1024, 128>}]} {
    %get3A = arith.constant 0 : index
    %get3A_0 = arith.constant 0 : index
    %get3A_1 = vector.load %arg1[%get3A, %get3A_0] : memref<1024x128xf32, #tpu.memory_space<vmem>>, vector<1024x128xf32>
    %get3A_2 = arith.constant 0 : index
    %get3A_3 = arith.constant 0 : index
    %get3A_4 = vector.load %arg2[%get3A_2, %get3A_3] : memref<1024x128xf32, #tpu.memory_space<vmem>>, vector<1024x128xf32>
    %add3A = arith.addf %get3A_1, %get3A_4 : vector<1024x128xf32>
    %get3A_5 = arith.constant 0 : index
    %get3A_6 = arith.constant 0 : index
    %get3A_7 = vector.load %arg3[%get3A_5, %get3A_6] : memref<1024x128xf32, #tpu.memory_space<vmem>>, vector<1024x128xf32>
    %add3A_8 = arith.addf %add3A, %get3A_7 : vector<1024x128xf32>
    %get3A_9 = arith.constant 0 : index
    %get3A_10 = arith.constant 0 : index
    %get3A_11 = vector.load %arg4[%get3A_9, %get3A_10] : memref<128x128xf32, #tpu.memory_space<vmem>>, vector<128x128xf32>
    %dot_general3A = arith.constant dense<0.000000e+00> : vector<1024x128xf32>
    %dot_general3A_12 = tpu.matmul %add3A_8, %get3A_11, %dot_general3A {dimension_numbers = #tpu.dot_dimension_numbers<[1], [0], [0], [1], [0, 0, 1, 1], [], []>, transpose_lhs_hint = false} : vector<1024x128xf32>, vector<128x128xf32>, vector<1024x128xf32> -> vector<1024x128xf32>
    %get3A_13 = arith.constant 0 : index
    %get3A_14 = arith.constant 0 : index
    %get3A_15 = vector.load %arg5[%get3A_13, %get3A_14] : memref<1x128xf32, #tpu.memory_space<vmem>>, vector<1x128xf32>
    %add3A_16 = vector.broadcast %get3A_15 : vector<1x128xf32> to vector<1024x128xf32>
    %add3A_17 = arith.addf %dot_general3A_12, %add3A_16 : vector<1024x128xf32>
    %max3A = arith.constant 0.000000e+00 : f32
    %max3A_18 = vector.broadcast %max3A : f32 to vector<1024x128xf32>
    %max3A_19 = arith.maximumf %add3A_17, %max3A_18 : vector<1024x128xf32>
    %get3A_20 = arith.constant 0 : index
    %get3A_21 = arith.constant 0 : index
    %get3A_22 = vector.load %arg6[%get3A_20, %get3A_21] : memref<128x128xf32, #tpu.memory_space<vmem>>, vector<128x128xf32>
    %dot_general3A_23 = arith.constant dense<0.000000e+00> : vector<1024x128xf32>
    %dot_general3A_24 = tpu.matmul %max3A_19, %get3A_22, %dot_general3A_23 {dimension_numbers = #tpu.dot_dimension_numbers<[1], [0], [0], [1], [0, 0, 1, 1], [], []>, transpose_lhs_hint = false} : vector<1024x128xf32>, vector<128x128xf32>, vector<1024x128xf32> -> vector<1024x128xf32>
    %get3A_25 = arith.constant 0 : index
    %get3A_26 = arith.constant 0 : index
    %get3A_27 = vector.load %arg7[%get3A_25, %get3A_26] : memref<1x128xf32, #tpu.memory_space<vmem>>, vector<1x128xf32>
    %add3A_28 = vector.broadcast %get3A_27 : vector<1x128xf32> to vector<1024x128xf32>
    %add3A_29 = arith.addf %dot_general3A_24, %add3A_28 : vector<1024x128xf32>
    %max3A_30 = arith.constant 0.000000e+00 : f32
    %max3A_31 = vector.broadcast %max3A_30 : f32 to vector<1024x128xf32>
    %max3A_32 = arith.maximumf %add3A_29, %max3A_31 : vector<1024x128xf32>
    %swap3A = arith.constant 0 : index
    %swap3A_33 = arith.constant 0 : index
    %swap3A_34 = vector.load %arg8[%swap3A, %swap3A_33] : memref<1024x128xf32, #tpu.memory_space<vmem>>, vector<1024x128xf32>
    tpu.vector_store %arg8[%swap3A, %swap3A_33], %max3A_32 {strides = array<i32>} : memref<1024x128xf32, #tpu.memory_space<vmem>>, vector<1024x128xf32>,
    return
  }
  func.func @transform_0(%arg0: i32) -> (i32, i32) {
    %c0_i32 = arith.constant 0 : i32
    %c0_i32_0 = arith.constant 0 : i32
    return %arg0, %c0_i32 : i32, i32
  }
  func.func @transform_1(%arg0: i32) -> (i32, i32) {
    %c0_i32 = arith.constant 0 : i32
    %c0_i32_0 = arith.constant 0 : i32
    return %arg0, %c0_i32 : i32, i32
  }
  func.func @transform_2(%arg0: i32) -> (i32, i32) {
    %c0_i32 = arith.constant 0 : i32
    %c0_i32_0 = arith.constant 0 : i32
    return %arg0, %c0_i32 : i32, i32
  }
  func.func @transform_3(%arg0: i32) -> (i32, i32) {
    %c0_i32 = arith.constant 0 : i32
    %c0_i32_0 = arith.constant 0 : i32
    %c0_i32_1 = arith.constant 0 : i32
    return %c0_i32, %c0_i32_0 : i32, i32
  }
  func.func @transform_4(%arg0: i32) -> (i32, i32) {
    %c0_i32 = arith.constant 0 : i32
    %c0_i32_0 = arith.constant 0 : i32
    %c0_i32_1 = arith.constant 0 : i32
    return %c0_i32, %c0_i32_0 : i32, i32
  }
  func.func @transform_5(%arg0: i32) -> (i32, i32) {
    %c0_i32 = arith.constant 0 : i32
    %c0_i32_0 = arith.constant 0 : i32
    %c0_i32_1 = arith.constant 0 : i32
    return %c0_i32, %c0_i32_0 : i32, i32
  }
  func.func @transform_6(%arg0: i32) -> (i32, i32) {
    %c0_i32 = arith.constant 0 : i32
    %c0_i32_0 = arith.constant 0 : i32
    %c0_i32_1 = arith.constant 0 : i32
    return %c0_i32, %c0_i32_0 : i32, i32
  }
  func.func @transform_7(%arg0: i32) -> (i32, i32) {
    %c0_i32 = arith.constant 0 : i32
    %c0_i32_0 = arith.constant 0 : i32
    return %arg0, %c0_i32 : i32, i32
  }
}

module attributes {stable_mosaic.version = 14 : i64} {
  func.func @_att_body(%arg0: memref<10240x128xf32, #tpu.memory_space<vmem>>, %arg1: memref<10240x128xf32, #tpu.memory_space<vmem>>, %arg2: memref<10240x128xf32, #tpu.memory_space<vmem>>, %arg3: memref<128x128xf32, #tpu.memory_space<vmem>>, %arg4: memref<1x128xf32, #tpu.memory_space<vmem>>, %arg5: memref<128x128xf32, #tpu.memory_space<vmem>>, %arg6: memref<1x128xf32, #tpu.memory_space<vmem>>, %arg7: memref<128x128xf32, #tpu.memory_space<vmem>>, %arg8: memref<1x128xf32, #tpu.memory_space<vmem>>, %arg9: memref<128x128xf32, #tpu.memory_space<vmem>>, %arg10: memref<1x128xf32, #tpu.memory_space<vmem>>, %arg11: memref<128x128xf32, #tpu.memory_space<vmem>>, %arg12: memref<1x128xf32, #tpu.memory_space<vmem>>, %arg13: memref<128x128xf32, #tpu.memory_space<vmem>>, %arg14: memref<1x128xf32, #tpu.memory_space<vmem>>, %arg15: memref<128x128xf32, #tpu.memory_space<vmem>>, %arg16: memref<1x128xf32, #tpu.memory_space<vmem>>, %arg17: memref<10240x128xf32, #tpu.memory_space<vmem>>, %arg18: memref<8x128xf32, #tpu.memory_space<vmem>>, %arg19: memref<8x128xf32, #tpu.memory_space<vmem>>) attributes {dimension_semantics = [], scalar_prefetch = 0 : i64, scratch_operands = 0 : i64, tpu.core_type = #tpu.core_type<tc>} {
    %get3A = arith.constant 0 : index
    %get3A_0 = arith.constant 0 : index
    %get3A_1 = vector.load %arg0[%get3A, %get3A_0] : memref<10240x128xf32, #tpu.memory_space<vmem>>, vector<10240x128xf32>
    %get3A_2 = arith.constant 0 : index
    %get3A_3 = arith.constant 0 : index
    %get3A_4 = vector.load %arg1[%get3A_2, %get3A_3] : memref<10240x128xf32, #tpu.memory_space<vmem>>, vector<10240x128xf32>
    %add3A = arith.addf %get3A_1, %get3A_4 : vector<10240x128xf32>
    %get3A_5 = arith.constant 0 : index
    %get3A_6 = arith.constant 0 : index
    %get3A_7 = vector.load %arg2[%get3A_5, %get3A_6] : memref<10240x128xf32, #tpu.memory_space<vmem>>, vector<10240x128xf32>
    %add3A_8 = arith.addf %add3A, %get3A_7 : vector<10240x128xf32>
    %get3A_9 = arith.constant 0 : index
    %get3A_10 = arith.constant 0 : index
    %get3A_11 = vector.load %arg3[%get3A_9, %get3A_10] : memref<128x128xf32, #tpu.memory_space<vmem>>, vector<128x128xf32>
    %dot_general3A = arith.constant dense<0.000000e+00> : vector<10240x128xf32>
    %dot_general3A_12 = tpu.matmul %add3A_8, %get3A_11, %dot_general3A {dimension_numbers = #tpu.dot_dimension_numbers<[1], [0], [0], [1], [0, 0, 1, 1], [], []>, transpose_lhs_hint = false} : vector<10240x128xf32>, vector<128x128xf32>, vector<10240x128xf32> -> vector<10240x128xf32>
    %get3A_13 = arith.constant 0 : index
    %get3A_14 = arith.constant 0 : index
    %get3A_15 = vector.load %arg4[%get3A_13, %get3A_14] : memref<1x128xf32, #tpu.memory_space<vmem>>, vector<1x128xf32>
    %add3A_16 = vector.broadcast %get3A_15 : vector<1x128xf32> to vector<10240x128xf32>
    %add3A_17 = arith.addf %dot_general3A_12, %add3A_16 : vector<10240x128xf32>
    %max3A = arith.constant 0.000000e+00 : f32
    %max3A_18 = vector.broadcast %max3A : f32 to vector<10240x128xf32>
    %max3A_19 = arith.maximumf %add3A_17, %max3A_18 : vector<10240x128xf32>
    %get3A_20 = arith.constant 0 : index
    %get3A_21 = arith.constant 0 : index
    %get3A_22 = vector.load %arg5[%get3A_20, %get3A_21] : memref<128x128xf32, #tpu.memory_space<vmem>>, vector<128x128xf32>
    %dot_general3A_23 = arith.constant dense<0.000000e+00> : vector<10240x128xf32>
    %dot_general3A_24 = tpu.matmul %max3A_19, %get3A_22, %dot_general3A_23 {dimension_numbers = #tpu.dot_dimension_numbers<[1], [0], [0], [1], [0, 0, 1, 1], [], []>, transpose_lhs_hint = false} : vector<10240x128xf32>, vector<128x128xf32>, vector<10240x128xf32> -> vector<10240x128xf32>
    %get3A_25 = arith.constant 0 : index
    %get3A_26 = arith.constant 0 : index
    %get3A_27 = vector.load %arg6[%get3A_25, %get3A_26] : memref<1x128xf32, #tpu.memory_space<vmem>>, vector<1x128xf32>
    %add3A_28 = vector.broadcast %get3A_27 : vector<1x128xf32> to vector<10240x128xf32>
    %add3A_29 = arith.addf %dot_general3A_24, %add3A_28 : vector<10240x128xf32>
    %max3A_30 = arith.constant 0.000000e+00 : f32
    %max3A_31 = vector.broadcast %max3A_30 : f32 to vector<10240x128xf32>
    %max3A_32 = arith.maximumf %add3A_29, %max3A_31 : vector<10240x128xf32>
    %get3A_33 = arith.constant 0 : index
    %get3A_34 = arith.constant 0 : index
    %get3A_35 = vector.load %arg7[%get3A_33, %get3A_34] : memref<128x128xf32, #tpu.memory_space<vmem>>, vector<128x128xf32>
    %dot_general3A_36 = arith.constant dense<0.000000e+00> : vector<10240x128xf32>
    %dot_general3A_37 = tpu.matmul %max3A_32, %get3A_35, %dot_general3A_36 {dimension_numbers = #tpu.dot_dimension_numbers<[1], [0], [0], [1], [0, 0, 1, 1], [], []>, transpose_lhs_hint = false} : vector<10240x128xf32>, vector<128x128xf32>, vector<10240x128xf32> -> vector<10240x128xf32>
    %get3A_38 = arith.constant 0 : index
    %get3A_39 = arith.constant 0 : index
    %get3A_40 = vector.load %arg8[%get3A_38, %get3A_39] : memref<1x128xf32, #tpu.memory_space<vmem>>, vector<1x128xf32>
    %add3A_41 = vector.broadcast %get3A_40 : vector<1x128xf32> to vector<10240x128xf32>
    %add3A_42 = arith.addf %dot_general3A_37, %add3A_41 : vector<10240x128xf32>
    %tanh3A = math.tanh %add3A_42 : vector<10240x128xf32>
    %get3A_43 = arith.constant 0 : index
    %get3A_44 = arith.constant 0 : index
    %get3A_45 = vector.load %arg9[%get3A_43, %get3A_44] : memref<128x128xf32, #tpu.memory_space<vmem>>, vector<128x128xf32>
    %dot_general3A_46 = arith.constant dense<0.000000e+00> : vector<10240x128xf32>
    %dot_general3A_47 = tpu.matmul %max3A_32, %get3A_45, %dot_general3A_46 {dimension_numbers = #tpu.dot_dimension_numbers<[1], [0], [0], [1], [0, 0, 1, 1], [], []>, transpose_lhs_hint = false} : vector<10240x128xf32>, vector<128x128xf32>, vector<10240x128xf32> -> vector<10240x128xf32>
    %get3A_48 = arith.constant 0 : index
    %get3A_49 = arith.constant 0 : index
    %get3A_50 = vector.load %arg10[%get3A_48, %get3A_49] : memref<1x128xf32, #tpu.memory_space<vmem>>, vector<1x128xf32>
    %add3A_51 = vector.broadcast %get3A_50 : vector<1x128xf32> to vector<10240x128xf32>
    %add3A_52 = arith.addf %dot_general3A_47, %add3A_51 : vector<10240x128xf32>
    %logistic3A = arith.negf %add3A_52 : vector<10240x128xf32>
    %logistic3A_53 = math.exp %logistic3A : vector<10240x128xf32>
    %logistic3A_54 = arith.constant 1.000000e+00 : f32
    %logistic3A_55 = vector.broadcast %logistic3A_54 : f32 to vector<10240x128xf32>
    %logistic3A_56 = arith.addf %logistic3A_55, %logistic3A_53 : vector<10240x128xf32>
    %logistic3A_57 = arith.divf %logistic3A_55, %logistic3A_56 : vector<10240x128xf32>
    %mul3A = arith.mulf %tanh3A, %logistic3A_57 : vector<10240x128xf32>
    %get3A_58 = arith.constant 0 : index
    %get3A_59 = arith.constant 0 : index
    %get3A_60 = vector.load %arg11[%get3A_58, %get3A_59] : memref<128x128xf32, #tpu.memory_space<vmem>>, vector<128x128xf32>
    %dot_general3A_61 = arith.constant dense<0.000000e+00> : vector<10240x128xf32>
    %dot_general3A_62 = tpu.matmul %mul3A, %get3A_60, %dot_general3A_61 {dimension_numbers = #tpu.dot_dimension_numbers<[1], [0], [0], [1], [0, 0, 1, 1], [], []>, transpose_lhs_hint = false} : vector<10240x128xf32>, vector<128x128xf32>, vector<10240x128xf32> -> vector<10240x128xf32>
    %get3A_63 = arith.constant 0 : index
    %get3A_64 = arith.constant 0 : index
    %get3A_65 = vector.load %arg12[%get3A_63, %get3A_64] : memref<1x128xf32, #tpu.memory_space<vmem>>, vector<1x128xf32>
    %add3A_66 = vector.broadcast %get3A_65 : vector<1x128xf32> to vector<10240x128xf32>
    %add3A_67 = arith.addf %dot_general3A_62, %add3A_66 : vector<10240x128xf32>
    %swap3A = arith.constant 0 : index
    %swap3A_68 = arith.constant 0 : index
    %swap3A_69 = vector.load %arg17[%swap3A, %swap3A_68] : memref<10240x128xf32, #tpu.memory_space<vmem>>, vector<10240x128xf32>
    tpu.vector_store %arg17[%swap3A, %swap3A_68], %add3A_67 {strides = array<i32>} : memref<10240x128xf32, #tpu.memory_space<vmem>>, vector<10240x128xf32>,
    %iota3A = tpu.iota {dimensions = array<i32: 0>} : vector<10240x128xi32>
    %lt3A = arith.constant 10000 : i32
    %lt3A_70 = vector.broadcast %lt3A : i32 to vector<10240x128xi32>
    %lt3A_71 = arith.cmpi slt, %iota3A, %lt3A_70 : vector<10240x128xi32>
    %jit3A = arith.constant -1.000000e+30 : f32
    %broadcast_in_dim3A = vector.broadcast %jit3A : f32 to vector<10240x128xf32>
    %select_n3A = arith.select %lt3A_71, %add3A_67, %broadcast_in_dim3A : vector<10240x128xi1>, vector<10240x128xf32>
    %reduce_max3A = vector.shape_cast %select_n3A : vector<10240x128xf32> to vector<1x10240x128xf32>
    %reduce_max3A_72 = arith.constant dense<0xFF800000> : vector<1xf32>
    %reduce_max3A_73 = vector.multi_reduction <maximumf>, %reduce_max3A, %reduce_max3A_72 [1, 2] : vector<1x10240x128xf32> to vector<1xf32>
    %reduce_max3A_74 = vector.shape_cast %reduce_max3A_73 : vector<1xf32> to vector<1x1x1xf32>
    %reduce_max3A_75 = vector.extract %reduce_max3A_74[0, 0, 0] : f32 from vector<1x1x1xf32>
    %sub3A = vector.broadcast %reduce_max3A_75 : f32 to vector<10240x128xf32>
    %sub3A_76 = arith.subf %add3A_67, %sub3A : vector<10240x128xf32>
    %exp3A = math.exp %sub3A_76 : vector<10240x128xf32>
    %jit3A_77 = arith.constant 0.000000e+00 : f32
    %broadcast_in_dim3A_78 = vector.broadcast %jit3A_77 : f32 to vector<10240x128xf32>
    %select_n3A_79 = arith.select %lt3A_71, %exp3A, %broadcast_in_dim3A_78 : vector<10240x128xi1>, vector<10240x128xf32>
    %reduce_sum3A = vector.shape_cast %select_n3A_79 : vector<10240x128xf32> to vector<1x10240x128xf32>
    %reduce_sum3A_80 = arith.constant dense<0.000000e+00> : vector<1xf32>
    %reduce_sum3A_81 = vector.multi_reduction <add>, %reduce_sum3A, %reduce_sum3A_80 [1, 2] : vector<1x10240x128xf32> to vector<1xf32>
    %reduce_sum3A_82 = vector.shape_cast %reduce_sum3A_81 : vector<1xf32> to vector<1x1x1xf32>
    %reduce_sum3A_83 = vector.extract %reduce_sum3A_82[0, 0, 0] : f32 from vector<1x1x1xf32>
    %mul3A_84 = arith.constant 7.812500e-03 : f32
    %mul3A_85 = arith.mulf %reduce_sum3A_83, %mul3A_84 : f32
    %mul3A_86 = arith.mulf %max3A_32, %select_n3A_79 : vector<10240x128xf32>
    %reduce_sum3A_87 = arith.constant dense<0.000000e+00> : vector<128xf32>
    %reduce_sum3A_88 = vector.multi_reduction <add>, %mul3A_86, %reduce_sum3A_87 [0] : vector<10240x128xf32> to vector<128xf32>
    %broadcast_in_dim3A_89 = vector.shape_cast %reduce_sum3A_88 : vector<128xf32> to vector<1x128xf32>
    %div3A = vector.broadcast %mul3A_85 : f32 to vector<1x128xf32>
    %div3A_90 = arith.divf %broadcast_in_dim3A_89, %div3A : vector<1x128xf32>
    %get3A_91 = arith.constant 0 : index
    %get3A_92 = arith.constant 0 : index
    %get3A_93 = vector.load %arg13[%get3A_91, %get3A_92] : memref<128x128xf32, #tpu.memory_space<vmem>>, vector<128x128xf32>
    %dot_general3A_94 = arith.constant dense<0.000000e+00> : vector<1x128xf32>
    %dot_general3A_95 = tpu.matmul %div3A_90, %get3A_93, %dot_general3A_94 {dimension_numbers = #tpu.dot_dimension_numbers<[1], [0], [0], [1], [0, 0, 1, 1], [], []>, transpose_lhs_hint = false} : vector<1x128xf32>, vector<128x128xf32>, vector<1x128xf32> -> vector<1x128xf32>
    %get3A_96 = arith.constant 0 : index
    %get3A_97 = arith.constant 0 : index
    %get3A_98 = vector.load %arg14[%get3A_96, %get3A_97] : memref<1x128xf32, #tpu.memory_space<vmem>>, vector<1x128xf32>
    %add3A_99 = arith.addf %dot_general3A_95, %get3A_98 : vector<1x128xf32>
    %max3A_100 = arith.constant 0.000000e+00 : f32
    %max3A_101 = vector.broadcast %max3A_100 : f32 to vector<1x128xf32>
    %max3A_102 = arith.maximumf %add3A_99, %max3A_101 : vector<1x128xf32>
    %get3A_103 = arith.constant 0 : index
    %get3A_104 = arith.constant 0 : index
    %get3A_105 = vector.load %arg15[%get3A_103, %get3A_104] : memref<128x128xf32, #tpu.memory_space<vmem>>, vector<128x128xf32>
    %dot_general3A_106 = arith.constant dense<0.000000e+00> : vector<1x128xf32>
    %dot_general3A_107 = tpu.matmul %max3A_102, %get3A_105, %dot_general3A_106 {dimension_numbers = #tpu.dot_dimension_numbers<[1], [0], [0], [1], [0, 0, 1, 1], [], []>, transpose_lhs_hint = false} : vector<1x128xf32>, vector<128x128xf32>, vector<1x128xf32> -> vector<1x128xf32>
    %get3A_108 = arith.constant 0 : index
    %get3A_109 = arith.constant 0 : index
    %get3A_110 = vector.load %arg16[%get3A_108, %get3A_109] : memref<1x128xf32, #tpu.memory_space<vmem>>, vector<1x128xf32>
    %add3A_111 = arith.addf %dot_general3A_107, %get3A_110 : vector<1x128xf32>
    %broadcast_in_dim3A_112 = vector.shape_cast %add3A_111 : vector<1x128xf32> to vector<1x128xf32>
    %broadcast_in_dim3A_113 = vector.broadcast %broadcast_in_dim3A_112 : vector<1x128xf32> to vector<8x128xf32>
    %swap3A_114 = arith.constant 0 : index
    %swap3A_115 = arith.constant 0 : index
    %swap3A_116 = vector.load %arg18[%swap3A_114, %swap3A_115] : memref<8x128xf32, #tpu.memory_space<vmem>>, vector<8x128xf32>
    tpu.vector_store %arg18[%swap3A_114, %swap3A_115], %broadcast_in_dim3A_113 {strides = array<i32>} : memref<8x128xf32, #tpu.memory_space<vmem>>, vector<8x128xf32>,
    %logistic3A_117 = arith.negf %add3A_111 : vector<1x128xf32>
    %logistic3A_118 = math.exp %logistic3A_117 : vector<1x128xf32>
    %logistic3A_119 = arith.constant 1.000000e+00 : f32
    %logistic3A_120 = vector.broadcast %logistic3A_119 : f32 to vector<1x128xf32>
    %logistic3A_121 = arith.addf %logistic3A_120, %logistic3A_118 : vector<1x128xf32>
    %logistic3A_122 = arith.divf %logistic3A_120, %logistic3A_121 : vector<1x128xf32>
    %broadcast_in_dim3A_123 = vector.shape_cast %logistic3A_122 : vector<1x128xf32> to vector<1x128xf32>
    %broadcast_in_dim3A_124 = vector.broadcast %broadcast_in_dim3A_123 : vector<1x128xf32> to vector<8x128xf32>
    %swap3A_125 = arith.constant 0 : index
    %swap3A_126 = arith.constant 0 : index
    %swap3A_127 = vector.load %arg19[%swap3A_125, %swap3A_126] : memref<8x128xf32, #tpu.memory_space<vmem>>, vector<8x128xf32>
    tpu.vector_store %arg19[%swap3A_125, %swap3A_126], %broadcast_in_dim3A_124 {strides = array<i32>} : memref<8x128xf32, #tpu.memory_space<vmem>>, vector<8x128xf32>,
    return
  }
}

</mosaic_0001>

<sc_bundles>
// kernel: kernel.11.cloned.1.call-start
scs
__scs_entry_jumppad:
0x0: {  	(pc) =	sbr.rel $0x88, $3  }
0x1: {  	(tag) =	ssettag $0x0;
	lr =	simm.s32 $0x1  }
0x2: {  	[smem:$0x3F88] =	sst lr;
	_ =	strace $0xD0000000  }
0x3: {  	_ = 	snop  }
0x4: {  	_ = 	snop  }
0x5: {  	_ = 	snop  }
0x6: {  	_ = 	snop  }
0x7: {  	_ = 	snop  }
__scs_overlays_trampoline_lowered:
0x8: {  	[smem:$0x3F97] =	sst s0  }
0x9: {  	[smem:$0x3F98] =	sst s1  }
0xa: {  	[smem:$0x3F99] =	sst s2  }
0xb: {  	[smem:$0x3F9A] =	sst s3  }
0xc: {  	[smem:$0x3F9B] =	sst s4  }
0xd: {  	[smem:$0x3F9C] =	sst s5  }
0xe: {  	[smem:$0x3F9D] =	sst s6  }
0xf: {  	[smem:$0x3F9E] =	sst s7  }
0x10: {  	[smem:$0x3F9F] =	sst s8  }
0x11: {  	[smem:$0x3FA0] =	sst s9;
	s0 =	simm.s32 @!p0 $0x0  }
0x12: {  	s1 =	sld [smem:$0x3F86];
	s0 =	simm.s32 @p0 $0x1  }
0x13: {  	[smem:$0x3FA1] =	sst s0;
	s0 =	simm.s32 @!p1 $0x0  }
0x14: {  	s2 =	sld [smem:$0x3F85];
	s0 =	simm.s32 @p1 $0x1  }
0x15: {  	[smem:$0x3FA2] =	sst s0;
	s0 =	simm.s32 @!p2 $0x0  }
0x16: {  	s3 =	sld [smem:$0x3FDB];
	s0 =	simm.s32 @p2 $0x1  }
0x17: {  	s4 =	simm.s32 $0x1BF5;
	[smem:$0x3FA4] =	sst s0  }
0x18: {  	s0 =	sld [smem:$0x3F87];
	_ =	swait.ge [sflag:s4], $0x0  }
0x19: {  	s7 =	sld [smem:$0x3F88]  }
0x1a: {  	s8 =	sadd.s32 $0xFFFFE003, lr  }
0x1b: {  	s9 =	sadd.s32 $0xFFFFFEF7, lr;
	s5 =	simm.s32 $0xFFFFFFFF;
	p2 =	slt.u32 s8, $0xFFFFF086  }
0x1c: {  	p1 =	slt.u32 s9, $0xF7A;
	s5 =	simm.s32 @!p2 $0x0  }
0x1d: {  	s5 =	simm.s32 @p1 $0x1;
	p0 =	seq.s32 s7, s2  }
0x1e: {  	s7 =	smul.u32 @!p0 $0xF7A, s2;
	p2 =	seq.s32 @!p0 s5, $0x0  }
0x1f: {  	s9 =	smul.u32 $0xF7A, s1;
	s8 =	simm.s32 @!p0 $0x1BF5;
	p2 =	por !p2, p0  }
0x20: {  	[sflag:s8] =	ssyncset.s32 @!p0 $0xFFFFF086;
	s6 =	sadd.s32 @!p0 s3, s7;
	s7 =	simm.s32 @!p0 $0x108  }
0x21: {  	s3 =	sadd.s32 s3, s9;
	s6 =	sadd.s32 @!p0 $0x88, s6;
	s7 =	simm.s32 @p2 $0x1082  }
0x22: {  	[simem:s7], [sflag:s8] =	dma.local @!p0 [hbm:s6], $0xF7A  }
0x23: {  	s9 =	sor.u32 $0xD0000000, s2;
	s6 =	simm.s32 $0x108;
	_ =	swait.ge @!p0 [sflag:s8], $0x0  }
0x24: {  	s3 =	sadd.s32 $0x88, s3;
	s6 =	simm.s32 @!p1 $0x1082;
	[sflag:s4] =	ssyncset.s32 $0xFFFFF086  }
0x25: {  	[simem:s6], [sflag:s4] =	dma.local [hbm:s3], $0xF7A  }
0x26: {  	[smem:$0x3F88] =	sst s1;
	(tag) =	ssettag s2;
	_ =	strace s9  }
0x27: {  	s1 =	sld [smem:$0x3F98]  }
0x28: {  	s2 =	sld [smem:$0x3F99]  }
0x29: {  	s4 =	sld [smem:$0x3F9B]  }
0x2a: {  	p0 =	seq.s32 s5, $0x0;
	s5 =	sld [smem:$0x3F9C]  }
0x2b: {  	s6 =	sld [smem:$0x3F9D]  }
0x2c: {  	s7 =	sld [smem:$0x3F9E]  }
0x2d: {  	s3 =	simm.s32 $0x108;
	s8 =	sld [smem:$0x3F9F]  }
0x2e: {  	s3 =	simm.s32 @!p0 $0x1082;
	s9 =	sld [smem:$0x3FA0]  }
0x2f: {  	lr =	sadd.s32 s0, s3;
	s0 =	sld [smem:$0x3F97]  }
0x30: {  	s3 =	sld [smem:$0x3F9A]  }
0x31: {  	[smem:$0x3FA3] =	sst s10  }
0x32: {  	s10 =	sld [smem:$0x3FA1];
	_ =	sdelay $0x3  }
0x33: {  	p0 =	seq.s32 s10, $0x1;
	s10 =	sld [smem:$0x3FA3];
	_ =	sdelay $0x3  }
0x34: {  	[smem:$0x3FA3] =	sst s10  }
0x35: {  	s10 =	sld [smem:$0x3FA2];
	_ =	sdelay $0x3  }
0x36: {  	p1 =	seq.s32 s10, $0x1;
	s10 =	sld [smem:$0x3FA3];
	_ =	sdelay $0x3  }
0x37: {  	[smem:$0x3FA3] =	sst s10  }
0x38: {  	s10 =	sld [smem:$0x3FA4]  }
0x39: {  	_ = 	snop;
	(pc) =	sbr.ind lr, $3  }
0x3a: {  	_ = 	snop  }
0x3b: {  	_ = 	snop  }
0x3c: {  	p2 =	seq.s32 s10, $0x1;
	s10 =	sld [smem:$0x3FA3]  }
0x3d: {  	_ =	shalt  }
0x3e: {  	_ =	shalt  }
0x3f: {  	_ =	shalt  }
0x40: {  	_ =	shalt  }
0x41: {  	_ =	shalt  }
0x42: {  	_ =	shalt  }
0x43: {  	_ =	shalt  }
0x44: {  	_ =	shalt  }
0x45: {  	_ =	shalt  }
0x46: {  	_ =	shalt  }
0x47: {  	_ =	shalt  }
0x48: {  	_ =	shalt  }
0x49: {  	_ =	shalt  }
0x4a: {  	_ =	shalt  }
0x4b: {  	_ =	shalt  }
0x4c: {  	_ =	shalt  }
0x4d: {  	_ =	shalt  }
0x4e: {  	_ =	shalt  }
0x4f: {  	_ =	shalt  }
0x50: {  	_ =	shalt  }
0x51: {  	_ =	shalt  }
0x52: {  	_ =	shalt  }
0x53: {  	_ =	shalt  }
0x54: {  	_ =	shalt  }
0x55: {  	_ =	shalt  }
0x56: {  	_ =	shalt  }
0x57: {  	_ =	shalt  }
0x58: {  	_ =	shalt  }
0x59: {  	_ =	shalt  }
0x5a: {  	_ =	shalt  }
0x5b: {  	_ =	shalt  }
0x5c: {  	_ =	shalt  }
0x5d: {  	_ =	shalt  }
0x5e: {  	_ =	shalt  }
0x5f: {  	_ =	shalt  }
0x60: {  	_ =	shalt  }
0x61: {  	_ =	shalt  }
0x62: {  	_ =	shalt  }
0x63: {  	_ =	shalt  }
0x64: {  	_ =	shalt  }
0x65: {  	_ =	shalt  }
0x66: {  	_ =	shalt  }
0x67: {  	_ =	shalt  }
0x68: {  	_ =	shalt  }
0x69: {  	_ =	shalt  }
0x6a: {  	_ =	shalt  }
0x6b: {  	_ =	shalt  }
0x6c: {  	_ =	shalt  }
0x6d: {  	_ =	shalt  }
0x6e: {  	_ =	shalt  }
0x6f: {  	_ =	shalt  }
0x70: {  	_ =	shalt  }
0x71: {  	_ =	shalt  }
0x72: {  	_ =	shalt  }
0x73: {  	_ =	shalt  }
0x74: {  	_ =	shalt  }
0x75: {  	_ =	shalt  }
0x76: {  	_ =	shalt  }
0x77: {  	_ =	shalt  }
0x78: {  	_ =	shalt  }
0x79: {  	_ =	shalt  }
0x7a: {  	_ =	shalt  }
0x7b: {  	_ =	shalt  }
0x7c: {  	_ =	shalt  }
0x7d: {  	_ =	shalt  }
0x7e: {  	_ =	shalt  }
0x7f: {  	_ =	shalt  }
0x80: {  	_ =	shalt  }
0x81: {  	_ =	shalt  }
0x82: {  	_ =	shalt  }
0x83: {  	_ =	shalt  }
0x84: {  	_ =	shalt  }
0x85: {  	_ =	shalt  }
0x86: {  	_ =	shalt  }
0x87: {  	_ =	shalt  }
.Lfunc_end0:
.L_simem_size_0:
called_computation.1_lowered:
.L_overlay_start_0:
0x88: {  	s2 =	sld [smem:$0x3FD9]  }
0x89: {  	s3 =	sld [smem:$0x3FFE];
	_ =	sdelay $0x1  }
0x8a: {  	s1 =	srdreg.scid  }
0x8b: {  	s0 =	sand.u32 $0x1, s1  }
0x8c: {  	s16 =	sshll.u32 s0, $0xA;
	s2 =	sadd.s32 s3, s2  }
0x8d: {  	s2 =	sadd.s32 s2, s16  }
0x8e: {  	[smem:$0x3FAF] =	sst s2  }
0x8f: {  	_ = 	snop  }
0x90: {  	(tm) =	ssettm $0x1  }
0x91: {  	s17 =	sld [smem:$0x3FFB];
	_ =	sdelay $0x3  }
0x92: {  	_ =	strace s17  }
0x93: {  	s2 =	sld [smem:$0x3FFC];
	_ =	sdelay $0x3  }
0x94: {  	_ =	strace s2  }
0x95: {  	s2 =	sld [smem:$0x3FFD];
	_ =	sdelay $0x3  }
0x96: {  	_ =	strace s2  }
0x97: {  	_ =	strace $0x8FFFFFFF  }
0x98: {  	s18 =	sld [smem:$0x3FDB];
	_ =	sdelay $0x1  }
0x99: {  	s19 =	simm.s32 $_scs_section_size  }
0x9a: {  	s4 =	simm.s32 $_size__tile_overlayer_lowered;
	s5 =	simm.s32 $_tile_overlayer_lowered  }
0x9b: {  	s22 =	simm.s32 $0x1BFF;
	s21 =	sshll.u32 s5, $0x1;
	s2 =	sadd.s32 s19, s18  }
0x9c: {  	s6 =	simm.s32 $0x0;
	s20 =	sshll.u32 s4, $0x1;
	s4 =	sadd.s32 s21, s2  }
0x9d: {  	[timem:s6], [sflag:s22] =	dma.local [hbm:s4], s20  }
0x9e: {  	_ =	swait.ge [sflag:s22], s20  }
0x9f: {  	s3 =	ssub.s32 $0x0, s20;
	[sflag:s22] =	ssyncset.done $0x0  }
0xa0: {  	[sflag:s22] =	ssyncadd.s32 s3;
	_ =	sdelay $0x1  }
0xa1: {  	s23 =	simm.s32 $0x1B8B  }
0xa2: {  	_ =	swait.ge [sflag:s23], $0x1  }
0xa3: {  	[sflag:s23] =	ssyncset.done $0x0  }
0xa4: {  	s25 =	simm.s32 $0x1B8E;
	s24 =	sld [smem:$0x3FFE];
	[sflag:s23] =	ssyncadd.s32 $0xFFFFFFFF  }
0xa5: {  	s26 =	simm.s32 $execute0_lowered;
	[smem:$0x3FD2] =	sst s25  }
0xa6: {  	s4 =	sshll.u32 s26, $0x1;
	_ =	strace $0x80000049;
	[dreg:$0x1] =	wrdreg $0xFFFFFFFF  }
0xa7: {  	s28 =	simm.s32 $_size_execute0_lowered;
	s2 =	sadd.s32 s2, s4;
	[dreg:$0x0] =	wrdreg $0x0  }
0xa8: {  	s4 =	sshll.u32 s28, $0x1;
	[dreg:$0x2] =	wrdreg s2  }
0xa9: {  	[dreg:$0x3] =	wrdreg s4  }
0xaa: {  	[dreg:$0x4] =	wrdreg $0xC0  }
0xab: {  	_ =	task [dreg:s6], $0x5FFFF  }
0xac: {  	[dreg:$0x1] =	wrdreg $0xFFFFFFFF  }
0xad: {  	[dreg:$0x0] =	wrdreg $0x60  }
0xae: {  	[dreg:$0x2] =	wrdreg s24  }
0xaf: {  	[dreg:$0x3] =	wrdreg $0x88000  }
0xb0: {  	[dreg:$0x4] =	wrdreg $0x9  }
0xb1: {  	_ =	task.clear_ibuf [dreg:s6], $0x5FFFF;
	_ =	strace $0x90000049  }
0xb2: {  	s29 =	simm.s32 $0x9;
	_ =	strace $0x8000004B  }
0xb3: {  	_ =	swait.ge [sflag:s29], $0x1  }
0xb4: {  	[sflag:s29] =	ssyncadd.s32 $0xFFFFFFFF  }
0xb5: {  	_ =	strace $0x9000004B  }
0xb6: {  	_ =	sfence  }
0xb7: {  	s30 =	sld [smem:$0x0];
	_ =	sdelay $0x2  }
0xb8: {  	s31 =	sshll.u32 s1, $0xD;
	s1 =	sshrl.u32 s1, $0x2  }
0xb9: {  	s3 =	sand.u32 $0x4000, s31;
	s1 =	sadd.s32 s1, s30  }
0xba: {  	s0 =	sor.u32 s3, s0;
	s1 =	sshll.u32 s1, $0x11  }
0xbb: {  	s0 =	sor.u32 s1, s0  }
0xbc: {  	s0 =	sadd.s32 $0x8F2B, s0  }
0xbd: {  	[sflag:s0] =	ssyncadd.remote.s32 $0x1  }
0xbe: {  	_ =	sfence.sel $0xFFFF  }
0xbf: {  	[dreg:$0x0] =	wrdreg $0xFFFFFFFF;
	(pc) =	sbr.abs _section_cstart, $3  }
0xc0: {  	[dreg:$0x1] =	wrdreg $0xFFFFFFFF  }
0xc1: {  	_ =	task.clear_ibuf [dreg:s6], $0x2FFFF;
	_ =	strace $0x9FFFFFFF  }
0xc2: {  	(tm) =	ssettm $0x7FFFFFFF  }
0xc3: {  	_ =	shalt  }
tec
execute0_lowered:
.L_overlay_start_1:
0x0: {  	(tag) =	ssettag $0x1  }
0x1: {  	s0 =	rddreg [dreg:$0x0]  }
0x2: {  	s2 =	rddreg [dreg:$0x1];
	s1 =	srdreg.scid  }
0x3: {  	s12 =	stileid.u32;
	s3 =	simm.s32 $0x0;
	s28 =	simm.s32 $0x4800  }
0x4: {  	s29 =	simm.s32 $0x2;
	s30 =	simm.s32 $0x100;
	s31 =	simm.s32 $0x480  }
0x5: {  	s1 =	sand.u32 $0x1, s1;
	s5 =	smul.u32 $0x280, s12;
	[smem:$0x7FF] =	sst s3  }
0x6: {  	s4 =	sadd.s32 $0x4A00, s0;
	s7 =	sadd.s32 $0x36A00, s0;
	s9 =	smul.u32 $0x50000, s12  }
0x7: {  	s8 =	sadd.s32 $0x2CA00, s0;
	s10 =	sadd.s32 $0x40A00, s0;
	s23 =	smul.u32 $0x780, s12  }
0x8: {  	s11 =	sshll.u32 s12, $0x6;
	s12 =	simm.s32 $0x380;
	s6 =	smul.u32 $0x2800, s1  }
0x9: {  	_ =	strace $0x8000004A;
	[dreg:$0x3] =	wrdreg s10;
	s10 =	ssub.s32 $0x2, s1  }
0xa: {  	s14 =	sor.u32 $0x1C03, s11;
	p0 =	seq.s32 s1, $0x1;
	s1 =	simm.s32 $0x500  }
0xb: {  	s11 =	simm.s32 $0x680;
	s13 =	sshrl.u32 s10, $0x1;
	s9 =	sshrl.u32 s9, $0x2  }
0xc: {  	[dreg:$0x5] =	wrdreg s14;
	s26 =	sadd.s32 s5, s8;
	s14 =	simm.s32 $0x780  }
0xd: {  	s6 =	sadd.s32 s5, s6;
	s15 =	sadd.s32 s9, s2;
	s5 =	sadd.s32 s5, s7  }
0xe: {  	s9 =	simm.s32 $0x600;
	s17 =	sadd.s32 $0x4000, s15;
	[dreg:$0x4] =	wrdreg s15  }
0xf: {  	s6 =	sshll.u32 s6, $0x4;
	s19 =	sadd.s32 $0x8000, s15;
	[dreg:$0x7] =	wrdreg s17  }
0x10: {  	s21 =	sadd.s32 $0xC000, s15;
	s24 =	sadd.s32 $0x10000, s15;
	[dreg:$0x9] =	wrdreg s19  }
0x11: {  	s0 =	sadd.s32 s6, s0;
	s6 =	ssub.s32 s10, s13;
	[dreg:$0xb] =	wrdreg s21  }
0x12: {  	[dreg:$0xd] =	wrdreg s24;
	s19 =	sadd.s32 s23, s8;
	s21 =	sadd.s32 $0x7800, s5  }
0x13: {  	s24 =	simm.s32 $0x80;
	s16 =	sadd.s32 $0x43200, s0;
	[dreg:$0x10] =	wrdreg s19  }
0x14: {  	s5 =	simm.s32 $0x200;
	s18 =	sadd.s32 $0x43A00, s0;
	[dreg:$0x6] =	wrdreg s16  }
0x15: {  	s8 =	simm.s32 $0x280;
	s20 =	sadd.s32 $0x44200, s0;
	[dreg:$0x8] =	wrdreg s18  }
0x16: {  	s10 =	simm.s32 $0x300;
	s22 =	sadd.s32 $0x44A00, s0;
	[dreg:$0xa] =	wrdreg s20  }
0x17: {  	s13 =	simm.s32 $0x700;
	s0 =	sadd.s32 $0x45200, s0;
	[dreg:$0xc] =	wrdreg s22  }
.Ltmp0:
0x18: {  	s25 =	smax.u32 s6, $0x1;
	[dreg:$0xe] =	wrdreg s0;
	(pc) =	sbr.rel .LBB2_1-.Ltmp0, $4  }
0x19: {  	[dreg:$0xf] =	wrdreg s25;
	s18 =	sadd.s32 s23, s7;
	s0 =	sadd.s32 $0x7800, s26  }
0x1a: {  	s22 =	simm.s32 $0x3;
	s23 =	simm.s32 $0x400;
	s25 =	simm.s32 $0x800  }
0x1b: {  	s26 =	simm.s32 $0x1;
	s7 =	simm.s32 $0x580;
	s16 =	simm.s32 $0x0  }
0x1c: {  	[dreg:$0x11] =	wrdreg s0;
	s0 =	simm.s32 $0x180;
	s20 =	smov.u32 s18  }
.LBB2_7:
0x1d: {  	s6 =	sadd.s32 s16, s21;
	[sflag:s22] =	ssyncadd.s32 $0xFFFFC000  }
0x1e: {  	[tilespmem:s3], [sflag:$0x3] =	stream.linear.gather [hbm4b:s6+s3], $0x400, $0x38;
	[tilespmem:$0x1C800] =	vst v63  }
0x1f: {  	_ =	swait.ge [sflag:s22], $0x400  }
0x20: {  	[sflag:s22] =	ssyncset.done $0x0  }
0x21: {  	s19 =	sadd.s32 s16, s19;
	[sflag:s22] =	ssyncadd.s32 $0xFFFFFC00  }
0x22: {  	[tilespmem:s23], [sflag:$0x3] =	stream.linear.gather [hbm4b:s19+s3], $0x400, $0x38;
	[tilespmem:$0x1C800] =	vst v63  }
0x23: {  	_ =	swait.ge [sflag:s22], $0x400  }
0x24: {  	[sflag:s22] =	ssyncset.done $0x0  }
0x25: {  	[sflag:s22] =	ssyncadd.s32 $0xFFFFFC00  }
0x26: {  	[tilespmem:s25], [sflag:$0x1] =	stream.indirect.gather [hbm4b:s4+s24], $0x80, s3, s24, $0xb8;
	[tilespmem:$0x1C800] =	vst v63  }
0x27: {  	_ =	swait.ge [sflag:s26], $0x4000  }
0x28: {  	[sflag:s26] =	ssyncset.done $0x0  }
0x29: {  	[sflag:s26] =	ssyncadd.s32 $0xFFFFC000  }
0x2a: {  	[tilespmem:s28], [sflag:$0x2] =	stream.indirect.gather [hbm4b:s4+s24], $0x80, s24, s24, $0xb8;
	[tilespmem:$0x1C800] =	vst v63  }
0x2b: {  	_ = 	snop  }
0x2c: {  	[spmem:s2] =	stream.indirect.scatter.add.f32 [tilespmem:s25], [sflag:$0x3], $0x80, s23, s24, $0xb8;
	[tilespmem:$0x1C800] =	vst v63  }
0x2d: {  	_ =	swait.ge [sflag:s22], $0x4000  }
0x2e: {  	[sflag:s22] =	ssyncset.done $0x0  }
0x2f: {  	[sflag:s22] =	ssyncadd.s32 $0xFFFFC000  }
0x30: {  	_ =	swait.ge [sflag:s29], $0x4000  }
0x31: {  	[sflag:s29] =	ssyncset.done $0x0  }
0x32: {  	[sflag:s29] =	ssyncadd.s32 $0xFFFFC000  }
0x33: {  	[tilespmem:s25], [sflag:$0x1] =	stream.indirect.gather [hbm4b:s4+s24], $0x80, s30, s24, $0xb8;
	[tilespmem:$0x1C800] =	vst v63  }
0x34: {  	_ = 	snop  }
0x35: {  	[spmem:s2] =	stream.indirect.scatter.add.f32 [tilespmem:s28], [sflag:$0x3], $0x80, s31, s24, $0xb8;
	[tilespmem:$0x1C800] =	vst v63  }
0x36: {  	_ =	swait.ge [sflag:s22], $0x4000  }
0x37: {  	[sflag:s22] =	ssyncset.done $0x0  }
0x38: {  	[sflag:s22] =	ssyncadd.s32 $0xFFFFC000  }
0x39: {  	_ =	swait.ge [sflag:s26], $0x4000  }
0x3a: {  	[sflag:s26] =	ssyncset.done $0x0  }
0x3b: {  	[sflag:s26] =	ssyncadd.s32 $0xFFFFC000  }
0x3c: {  	[tilespmem:s28], [sflag:$0x2] =	stream.indirect.gather [hbm4b:s4+s24], $0x80, s0, s24, $0xb8;
	[tilespmem:$0x1C800] =	vst v63  }
0x3d: {  	_ = 	snop  }
0x3e: {  	[spmem:s2] =	stream.indirect.scatter.add.f32 [tilespmem:s25], [sflag:$0x3], $0x80, s1, s24, $0xb8;
	[tilespmem:$0x1C800] =	vst v63  }
0x3f: {  	_ =	swait.ge [sflag:s22], $0x4000  }
0x40: {  	[sflag:s22] =	ssyncset.done $0x0  }
0x41: {  	[sflag:s22] =	ssyncadd.s32 $0xFFFFC000  }
0x42: {  	_ =	swait.ge [sflag:s29], $0x4000  }
0x43: {  	[sflag:s29] =	ssyncset.done $0x0  }
0x44: {  	[sflag:s29] =	ssyncadd.s32 $0xFFFFC000  }
0x45: {  	[tilespmem:s25], [sflag:$0x1] =	stream.indirect.gather [hbm4b:s4+s24], $0x80, s5, s24, $0xb8;
	[tilespmem:$0x1C800] =	vst v63  }
0x46: {  	_ = 	snop  }
0x47: {  	[spmem:s2] =	stream.indirect.scatter.add.f32 [tilespmem:s28], [sflag:$0x3], $0x80, s7, s24, $0xb8;
	[tilespmem:$0x1C800] =	vst v63  }
0x48: {  	_ =	swait.ge [sflag:s22], $0x4000  }
0x49: {  	[sflag:s22] =	ssyncset.done $0x0  }
0x4a: {  	[sflag:s22] =	ssyncadd.s32 $0xFFFFC000  }
0x4b: {  	_ =	swait.ge [sflag:s26], $0x4000  }
0x4c: {  	[sflag:s26] =	ssyncset.done $0x0  }
0x4d: {  	[sflag:s26] =	ssyncadd.s32 $0xFFFFC000  }
0x4e: {  	[tilespmem:s28], [sflag:$0x2] =	stream.indirect.gather [hbm4b:s4+s24], $0x80, s8, s24, $0xb8;
	[tilespmem:$0x1C800] =	vst v63  }
0x4f: {  	_ = 	snop  }
0x50: {  	[spmem:s2] =	stream.indirect.scatter.add.f32 [tilespmem:s25], [sflag:$0x3], $0x80, s9, s24, $0xb8;
	[tilespmem:$0x1C800] =	vst v63  }
0x51: {  	_ =	swait.ge [sflag:s22], $0x4000  }
0x52: {  	[sflag:s22] =	ssyncset.done $0x0  }
0x53: {  	[sflag:s22] =	ssyncadd.s32 $0xFFFFC000  }
0x54: {  	_ =	swait.ge [sflag:s29], $0x4000  }
0x55: {  	[sflag:s29] =	ssyncset.done $0x0  }
0x56: {  	[sflag:s29] =	ssyncadd.s32 $0xFFFFC000  }
0x57: {  	[tilespmem:s25], [sflag:$0x1] =	stream.indirect.gather [hbm4b:s4+s24], $0x80, s10, s24, $0xb8;
	[tilespmem:$0x1C800] =	vst v63  }
0x58: {  	_ = 	snop  }
0x59: {  	[spmem:s2] =	stream.indirect.scatter.add.f32 [tilespmem:s28], [sflag:$0x3], $0x80, s11, s24, $0xb8;
	[tilespmem:$0x1C800] =	vst v63  }
0x5a: {  	_ =	swait.ge [sflag:s22], $0x4000  }
0x5b: {  	[sflag:s22] =	ssyncset.done $0x0  }
0x5c: {  	[sflag:s22] =	ssyncadd.s32 $0xFFFFC000  }
0x5d: {  	_ =	swait.ge [sflag:s26], $0x4000  }
0x5e: {  	[sflag:s26] =	ssyncset.done $0x0  }
0x5f: {  	[sflag:s26] =	ssyncadd.s32 $0xFFFFC000  }
0x60: {  	[tilespmem:s28], [sflag:$0x2] =	stream.indirect.gather [hbm4b:s4+s24], $0x80, s12, s24, $0xb8;
	[tilespmem:$0x1C800] =	vst v63  }
0x61: {  	_ = 	snop  }
0x62: {  	[spmem:s2] =	stream.indirect.scatter.add.f32 [tilespmem:s25], [sflag:$0x3], $0x80, s13, s24, $0xb8;
	[tilespmem:$0x1C800] =	vst v63  }
0x63: {  	_ =	swait.ge [sflag:s22], $0x4000  }
0x64: {  	[sflag:s22] =	ssyncset.done $0x0  }
0x65: {  	[sflag:s22] =	ssyncadd.s32 $0xFFFFC000  }
0x66: {  	_ =	swait.ge [sflag:s29], $0x4000  }
0x67: {  	[sflag:s29] =	ssyncset.done $0x0  }
0x68: {  	[sflag:s29] =	ssyncadd.s32 $0xFFFFC000  }
0x69: {  	[spmem:s2] =	stream.indirect.scatter.add.f32 [tilespmem:s28], [sflag:$0x3], $0x80, s14, s24, $0xb8;
	[tilespmem:$0x1C800] =	vst v63  }
0x6a: {  	_ =	swait.ge [sflag:s22], $0x4000  }
0x6b: {  	[sflag:s22] =	ssyncset.done $0x0;
	s19 =	rddreg [dreg:$0x10]  }
0x6c: {  	s18 =	smov.u32 s20;
	s16 =	rddreg [dreg:$0x12];
	[sflag:s22] =	ssyncadd.s32 $0xFFFFC000  }
.LBB2_8:
0x6d: {  	[bflag:$0x0] =	sbarrier.arrive $0xFFFF  }
0x6e: {  	s15 =	rddreg [dreg:$0x4]  }
0x6f: {  	[tilespmem:s25], [sflag:$0x3] =	stream.linear.gather [spmem:s15], $0x4000, $0x38;
	[tilespmem:$0x1C800] =	vst v63  }
0x70: {  	_ =	swait.ge [sflag:s22], $0x4000  }
0x71: {  	[sflag:s22] =	ssyncset.done $0x0  }
0x72: {  	s6 =	rddreg [dreg:$0x6];
	[sflag:s22] =	ssyncadd.s32 $0xFFFFC000  }
0x73: {  	[hbm4b:s6+s3] =	stream.linear.scatter [tilespmem:s25], [sflag:$0x3], $0x4000, $0x38;
	[tilespmem:$0x1C800] =	vst v63  }
0x74: {  	_ =	swait.ge [sflag:s22], $0x4000  }
0x75: {  	[sflag:s22] =	ssyncset.done $0x0  }
0x76: {  	s17 =	rddreg [dreg:$0x7];
	[sflag:s22] =	ssyncadd.s32 $0xFFFFC000  }
0x77: {  	[tilespmem:s25], [sflag:$0x3] =	stream.linear.gather [spmem:s17], $0x4000, $0x38;
	[tilespmem:$0x1C800] =	vst v63  }
0x78: {  	_ =	swait.ge [sflag:s22], $0x4000  }
0x79: {  	[sflag:s22] =	ssyncset.done $0x0  }
0x7a: {  	s17 =	rddreg [dreg:$0x8];
	[sflag:s22] =	ssyncadd.s32 $0xFFFFC000  }
0x7b: {  	[hbm4b:s17+s3] =	stream.linear.scatter [tilespmem:s25], [sflag:$0x3], $0x4000, $0x38;
	[tilespmem:$0x1C800] =	vst v63  }
0x7c: {  	_ =	swait.ge [sflag:s22], $0x4000  }
0x7d: {  	[sflag:s22] =	ssyncset.done $0x0  }
0x7e: {  	s17 =	rddreg [dreg:$0x9];
	[sflag:s22] =	ssyncadd.s32 $0xFFFFC000  }
0x7f: {  	[tilespmem:s25], [sflag:$0x3] =	stream.linear.gather [spmem:s17], $0x4000, $0x38;
	[tilespmem:$0x1C800] =	vst v63  }
0x80: {  	_ =	swait.ge [sflag:s22], $0x4000  }
0x81: {  	[sflag:s22] =	ssyncset.done $0x0  }
0x82: {  	s17 =	rddreg [dreg:$0xa];
	[sflag:s22] =	ssyncadd.s32 $0xFFFFC000  }
0x83: {  	[hbm4b:s17+s3] =	stream.linear.scatter [tilespmem:s25], [sflag:$0x3], $0x4000, $0x38;
	[tilespmem:$0x1C800] =	vst v63  }
0x84: {  	_ =	swait.ge [sflag:s22], $0x4000  }
0x85: {  	[sflag:s22] =	ssyncset.done $0x0  }
0x86: {  	s17 =	rddreg [dreg:$0xb];
	[sflag:s22] =	ssyncadd.s32 $0xFFFFC000  }
0x87: {  	[tilespmem:s25], [sflag:$0x3] =	stream.linear.gather [spmem:s17], $0x4000, $0x38;
	[tilespmem:$0x1C800] =	vst v63  }
0x88: {  	_ =	swait.ge [sflag:s22], $0x4000  }
0x89: {  	[sflag:s22] =	ssyncset.done $0x0  }
0x8a: {  	s17 =	rddreg [dreg:$0xc];
	[sflag:s22] =	ssyncadd.s32 $0xFFFFC000  }
0x8b: {  	[hbm4b:s17+s3] =	stream.linear.scatter [tilespmem:s25], [sflag:$0x3], $0x4000, $0x38;
	[tilespmem:$0x1C800] =	vst v63  }
0x8c: {  	_ =	swait.ge [sflag:s22], $0x4000  }
0x8d: {  	[sflag:s22] =	ssyncset.done $0x0  }
0x8e: {  	s17 =	rddreg [dreg:$0xd];
	[sflag:s22] =	ssyncadd.s32 $0xFFFFC000  }
0x8f: {  	[tilespmem:s25], [sflag:$0x3] =	stream.linear.gather [spmem:s17], $0x4000, $0x38;
	[tilespmem:$0x1C800] =	vst v63  }
0x90: {  	_ =	swait.ge [sflag:s22], $0x4000  }
0x91: {  	[sflag:s22] =	ssyncset.done $0x0  }
0x92: {  	s17 =	rddreg [dreg:$0xe];
	[sflag:s22] =	ssyncadd.s32 $0xFFFFC000  }
0x93: {  	[hbm4b:s17+s3] =	stream.linear.scatter [tilespmem:s25], [sflag:$0x3], $0x4000, $0x38;
	[tilespmem:$0x1C800] =	vst v63  }
0x94: {  	_ =	swait.ge [sflag:s22], $0x4000  }
0x95: {  	s16 =	sadd.s32 $0x1, s16;
	s17 =	rddreg [dreg:$0xf]  }
0x96: {  	p1 =	sne.s32 s16, s17  }
.Ltmp1:
0x97: {  	_ = 	snop;
	(pc) =	sbr.rel @!p1 .LBB2_9-.Ltmp1, $3  }
0x98: {  	_ =	sdelay $0x1  }
0x99: {  	[sflag:s22] =	ssyncset.done $0x0  }
0x9a: {  	[sflag:s22] =	ssyncadd.s32 $0xFFFFC000  }
.LBB2_1:
0x9b: {  	[dreg:$0x12] =	wrdreg s16  }
0x9c: {  	s16 =	rddreg [dreg:$0x3]  }
0x9d: {  	s6 =	sshrl.u32 s15, $0x3;
	s17 =	rddreg [dreg:$0x5]  }
0x9e: {  	[spmem:s6], [sflag:s17] =	dma.local [hbm:s16], $0x2800  }
.Ltmp2:
0x9f: {  	_ =	swait.ge [sflag:s22], $0x2800;
	(pc) =	sbr.rel @!p0 .LBB2_2-.Ltmp2, $3  }
0xa0: {  	[sflag:s22] =	ssyncset.done $0x0  }
0xa1: {  	[sflag:s22] =	ssyncadd.s32 $0xFFFFD800  }
0xa2: {  	[bflag:$0x0] =	sbarrier.arrive $0xFFFF;
	_ =	sdelay $0x1  }
0xa3: {  	s6 =	sadd.s32 $0x0, s21  }
0xa4: {  	[tilespmem:s3], [sflag:$0x3] =	stream.linear.gather [hbm4b:s6+s3], $0x400, $0x38;
	[tilespmem:$0x1C800] =	vst v63  }
0xa5: {  	_ =	swait.ge [sflag:s22], $0x400  }
0xa6: {  	[sflag:s22] =	ssyncset.done $0x0;
	s19 =	rddreg [dreg:$0x11]  }
0xa7: {  	[sflag:s22] =	ssyncadd.s32 $0xFFFFFC00;
	s18 =	sadd.s32 $0x0, s19  }
0xa8: {  	[tilespmem:s23], [sflag:$0x3] =	stream.linear.gather [hbm4b:s18+s3], $0x400, $0x38;
	[tilespmem:$0x1C800] =	vst v63  }
0xa9: {  	_ =	swait.ge [sflag:s22], $0x400  }
0xaa: {  	[sflag:s22] =	ssyncset.done $0x0  }
0xab: {  	[sflag:s22] =	ssyncadd.s32 $0xFFFFFC00  }
0xac: {  	[tilespmem:s25], [sflag:$0x1] =	stream.indirect.gather [hbm4b:s4+s24], $0x80, s3, s24, $0xb8;
	[tilespmem:$0x1C800] =	vst v63  }
0xad: {  	_ =	swait.ge [sflag:s26], $0x4000  }
0xae: {  	[sflag:s26] =	ssyncset.done $0x0  }
0xaf: {  	[sflag:s26] =	ssyncadd.s32 $0xFFFFC000  }
0xb0: {  	[tilespmem:s28], [sflag:$0x2] =	stream.indirect.gather [hbm4b:s4+s24], $0x80, s24, s24, $0xb8;
	[tilespmem:$0x1C800] =	vst v63  }
0xb1: {  	_ = 	snop  }
0xb2: {  	[spmem:s2] =	stream.indirect.scatter.add.f32 [tilespmem:s25], [sflag:$0x3], $0x80, s23, s24, $0xb8;
	[tilespmem:$0x1C800] =	vst v63  }
0xb3: {  	_ =	swait.ge [sflag:s22], $0x4000  }
0xb4: {  	[sflag:s22] =	ssyncset.done $0x0  }
0xb5: {  	[sflag:s22] =	ssyncadd.s32 $0xFFFFC000  }
0xb6: {  	_ =	swait.ge [sflag:s29], $0x4000  }
0xb7: {  	[sflag:s29] =	ssyncset.done $0x0  }
0xb8: {  	[sflag:s29] =	ssyncadd.s32 $0xFFFFC000  }
0xb9: {  	[tilespmem:s25], [sflag:$0x1] =	stream.indirect.gather [hbm4b:s4+s24], $0x80, s30, s24, $0xb8;
	[tilespmem:$0x1C800] =	vst v63  }
0xba: {  	_ = 	snop  }
0xbb: {  	[spmem:s2] =	stream.indirect.scatter.add.f32 [tilespmem:s28], [sflag:$0x3], $0x80, s31, s24, $0xb8;
	[tilespmem:$0x1C800] =	vst v63  }
0xbc: {  	_ =	swait.ge [sflag:s22], $0x4000  }
0xbd: {  	[sflag:s22] =	ssyncset.done $0x0  }
0xbe: {  	[sflag:s22] =	ssyncadd.s32 $0xFFFFC000  }
0xbf: {  	_ =	swait.ge [sflag:s26], $0x4000  }
0xc0: {  	[sflag:s26] =	ssyncset.done $0x0  }
0xc1: {  	[sflag:s26] =	ssyncadd.s32 $0xFFFFC000  }
0xc2: {  	[tilespmem:s28], [sflag:$0x2] =	stream.indirect.gather [hbm4b:s4+s24], $0x80, s0, s24, $0xb8;
	[tilespmem:$0x1C800] =	vst v63  }
0xc3: {  	_ = 	snop  }
0xc4: {  	[spmem:s2] =	stream.indirect.scatter.add.f32 [tilespmem:s25], [sflag:$0x3], $0x80, s1, s24, $0xb8;
	[tilespmem:$0x1C800] =	vst v63  }
0xc5: {  	_ =	swait.ge [sflag:s22], $0x4000  }
0xc6: {  	[sflag:s22] =	ssyncset.done $0x0  }
0xc7: {  	[sflag:s22] =	ssyncadd.s32 $0xFFFFC000  }
0xc8: {  	_ =	swait.ge [sflag:s29], $0x4000  }
0xc9: {  	[sflag:s29] =	ssyncset.done $0x0  }
0xca: {  	[sflag:s29] =	ssyncadd.s32 $0xFFFFC000  }
0xcb: {  	[tilespmem:s25], [sflag:$0x1] =	stream.indirect.gather [hbm4b:s4+s24], $0x80, s5, s24, $0xb8;
	[tilespmem:$0x1C800] =	vst v63  }
0xcc: {  	_ = 	snop  }
0xcd: {  	[spmem:s2] =	stream.indirect.scatter.add.f32 [tilespmem:s28], [sflag:$0x3], $0x80, s7, s24, $0xb8;
	[tilespmem:$0x1C800] =	vst v63  }
0xce: {  	_ =	swait.ge [sflag:s22], $0x4000  }
0xcf: {  	[sflag:s22] =	ssyncset.done $0x0  }
0xd0: {  	[sflag:s22] =	ssyncadd.s32 $0xFFFFC000  }
0xd1: {  	_ =	swait.ge [sflag:s26], $0x4000  }
0xd2: {  	[sflag:s26] =	ssyncset.done $0x0  }
0xd3: {  	[sflag:s26] =	ssyncadd.s32 $0xFFFFC000  }
0xd4: {  	[tilespmem:s28], [sflag:$0x2] =	stream.indirect.gather [hbm4b:s4+s24], $0x80, s8, s24, $0xb8;
	[tilespmem:$0x1C800] =	vst v63  }
0xd5: {  	_ = 	snop  }
0xd6: {  	[spmem:s2] =	stream.indirect.scatter.add.f32 [tilespmem:s25], [sflag:$0x3], $0x80, s9, s24, $0xb8;
	[tilespmem:$0x1C800] =	vst v63  }
0xd7: {  	_ =	swait.ge [sflag:s22], $0x4000  }
0xd8: {  	[sflag:s22] =	ssyncset.done $0x0  }
0xd9: {  	[sflag:s22] =	ssyncadd.s32 $0xFFFFC000  }
0xda: {  	_ =	swait.ge [sflag:s29], $0x4000  }
0xdb: {  	[sflag:s29] =	ssyncset.done $0x0  }
0xdc: {  	[sflag:s29] =	ssyncadd.s32 $0xFFFFC000  }
0xdd: {  	[tilespmem:s25], [sflag:$0x1] =	stream.indirect.gather [hbm4b:s4+s24], $0x80, s10, s24, $0xb8;
	[tilespmem:$0x1C800] =	vst v63  }
0xde: {  	_ = 	snop  }
0xdf: {  	[spmem:s2] =	stream.indirect.scatter.add.f32 [tilespmem:s28], [sflag:$0x3], $0x80, s11, s24, $0xb8;
	[tilespmem:$0x1C800] =	vst v63  }
0xe0: {  	_ =	swait.ge [sflag:s22], $0x4000  }
0xe1: {  	[sflag:s22] =	ssyncset.done $0x0  }
0xe2: {  	[sflag:s22] =	ssyncadd.s32 $0xFFFFC000  }
0xe3: {  	_ =	swait.ge [sflag:s26], $0x4000  }
0xe4: {  	[sflag:s26] =	ssyncset.done $0x0  }
0xe5: {  	[sflag:s26] =	ssyncadd.s32 $0xFFFFC000  }
0xe6: {  	[tilespmem:s28], [sflag:$0x2] =	stream.indirect.gather [hbm4b:s4+s24], $0x80, s12, s24, $0xb8;
	[tilespmem:$0x1C800] =	vst v63  }
0xe7: {  	_ = 	snop  }
0xe8: {  	[spmem:s2] =	stream.indirect.scatter.add.f32 [tilespmem:s25], [sflag:$0x3], $0x80, s13, s24, $0xb8;
	[tilespmem:$0x1C800] =	vst v63  }
0xe9: {  	_ =	swait.ge [sflag:s22], $0x4000  }
0xea: {  	[sflag:s22] =	ssyncset.done $0x0  }
0xeb: {  	[sflag:s22] =	ssyncadd.s32 $0xFFFFC000  }
0xec: {  	_ =	swait.ge [sflag:s29], $0x4000  }
0xed: {  	[sflag:s29] =	ssyncset.done $0x0  }
0xee: {  	[sflag:s29] =	ssyncadd.s32 $0xFFFFC000  }
0xef: {  	[spmem:s2] =	stream.indirect.scatter.add.f32 [tilespmem:s28], [sflag:$0x3], $0x80, s14, s24, $0xb8;
	[tilespmem:$0x1C800] =	vst v63  }
0xf0: {  	_ =	swait.ge [sflag:s22], $0x4000  }
0xf1: {  	s16 =	simm.s32 $0x80;
	s6 =	simm.s32 $0x100;
	[sflag:s22] =	ssyncset.done $0x0  }
.LBB2_6:
0xf2: {  	s15 =	sadd.s32 s16, s21  }
0xf3: {  	[sflag:s22] =	ssyncadd.s32 $0xFFFFC000;
	s18 =	smov.u32 s6;
	s17 =	sadd.s32 $0x80, s6  }
0xf4: {  	[tilespmem:s3], [sflag:$0x3] =	stream.linear.gather [hbm4b:s15+s3], $0x400, $0x38;
	[tilespmem:$0x1C800] =	vst v63  }
0xf5: {  	p1 =	sne.s32 s6, $0x200;
	_ =	swait.ge [sflag:s22], $0x400  }
0xf6: {  	[sflag:s22] =	ssyncset.done $0x0  }
0xf7: {  	s6 =	sadd.s32 s16, s19;
	s16 =	smov.u32 s18;
	[sflag:s22] =	ssyncadd.s32 $0xFFFFFC00  }
0xf8: {  	[tilespmem:s23], [sflag:$0x3] =	stream.linear.gather [hbm4b:s6+s3], $0x400, $0x38;
	[tilespmem:$0x1C800] =	vst v63  }
0xf9: {  	_ =	swait.ge [sflag:s22], $0x400  }
0xfa: {  	[sflag:s22] =	ssyncset.done $0x0  }
0xfb: {  	[sflag:s22] =	ssyncadd.s32 $0xFFFFFC00  }
0xfc: {  	[tilespmem:s25], [sflag:$0x1] =	stream.indirect.gather [hbm4b:s4+s24], $0x80, s3, s24, $0xb8;
	[tilespmem:$0x1C800] =	vst v63  }
0xfd: {  	_ =	swait.ge [sflag:s26], $0x4000  }
0xfe: {  	[sflag:s26] =	ssyncset.done $0x0  }
0xff: {  	[sflag:s26] =	ssyncadd.s32 $0xFFFFC000  }
0x100: {  	[tilespmem:s28], [sflag:$0x2] =	stream.indirect.gather [hbm4b:s4+s24], $0x80, s24, s24, $0xb8;
	[tilespmem:$0x1C800] =	vst v63  }
0x101: {  	_ = 	snop  }
0x102: {  	[spmem:s2] =	stream.indirect.scatter.add.f32 [tilespmem:s25], [sflag:$0x3], $0x80, s23, s24, $0xb8;
	[tilespmem:$0x1C800] =	vst v63  }
0x103: {  	_ =	swait.ge [sflag:s22], $0x4000  }
0x104: {  	[sflag:s22] =	ssyncset.done $0x0  }
0x105: {  	[sflag:s22] =	ssyncadd.s32 $0xFFFFC000  }
0x106: {  	_ =	swait.ge [sflag:s29], $0x4000  }
0x107: {  	[sflag:s29] =	ssyncset.done $0x0  }
0x108: {  	[sflag:s29] =	ssyncadd.s32 $0xFFFFC000  }
0x109: {  	[tilespmem:s25], [sflag:$0x1] =	stream.indirect.gather [hbm4b:s4+s24], $0x80, s30, s24, $0xb8;
	[tilespmem:$0x1C800] =	vst v63  }
0x10a: {  	_ = 	snop  }
0x10b: {  	[spmem:s2] =	stream.indirect.scatter.add.f32 [tilespmem:s28], [sflag:$0x3], $0x80, s31, s24, $0xb8;
	[tilespmem:$0x1C800] =	vst v63  }
0x10c: {  	_ =	swait.ge [sflag:s22], $0x4000  }
0x10d: {  	[sflag:s22] =	ssyncset.done $0x0  }
0x10e: {  	[sflag:s22] =	ssyncadd.s32 $0xFFFFC000  }
0x10f: {  	_ =	swait.ge [sflag:s26], $0x4000  }
0x110: {  	[sflag:s26] =	ssyncset.done $0x0  }
0x111: {  	[sflag:s26] =	ssyncadd.s32 $0xFFFFC000  }
0x112: {  	[tilespmem:s28], [sflag:$0x2] =	stream.indirect.gather [hbm4b:s4+s24], $0x80, s0, s24, $0xb8;
	[tilespmem:$0x1C800] =	vst v63  }
0x113: {  	_ = 	snop  }
0x114: {  	[spmem:s2] =	stream.indirect.scatter.add.f32 [tilespmem:s25], [sflag:$0x3], $0x80, s1, s24, $0xb8;
	[tilespmem:$0x1C800] =	vst v63  }
0x115: {  	_ =	swait.ge [sflag:s22], $0x4000  }
0x116: {  	[sflag:s22] =	ssyncset.done $0x0  }
0x117: {  	[sflag:s22] =	ssyncadd.s32 $0xFFFFC000  }
0x118: {  	_ =	swait.ge [sflag:s29], $0x4000  }
0x119: {  	[sflag:s29] =	ssyncset.done $0x0  }
0x11a: {  	[sflag:s29] =	ssyncadd.s32 $0xFFFFC000  }
0x11b: {  	[tilespmem:s25], [sflag:$0x1] =	stream.indirect.gather [hbm4b:s4+s24], $0x80, s5, s24, $0xb8;
	[tilespmem:$0x1C800] =	vst v63  }
0x11c: {  	_ = 	snop  }
0x11d: {  	[spmem:s2] =	stream.indirect.scatter.add.f32 [tilespmem:s28], [sflag:$0x3], $0x80, s7, s24, $0xb8;
	[tilespmem:$0x1C800] =	vst v63  }
0x11e: {  	_ =	swait.ge [sflag:s22], $0x4000  }
0x11f: {  	[sflag:s22] =	ssyncset.done $0x0  }
0x120: {  	[sflag:s22] =	ssyncadd.s32 $0xFFFFC000  }
0x121: {  	_ =	swait.ge [sflag:s26], $0x4000  }
0x122: {  	[sflag:s26] =	ssyncset.done $0x0  }
0x123: {  	[sflag:s26] =	ssyncadd.s32 $0xFFFFC000  }
0x124: {  	[tilespmem:s28], [sflag:$0x2] =	stream.indirect.gather [hbm4b:s4+s24], $0x80, s8, s24, $0xb8;
	[tilespmem:$0x1C800] =	vst v63  }
0x125: {  	_ = 	snop  }
0x126: {  	[spmem:s2] =	stream.indirect.scatter.add.f32 [tilespmem:s25], [sflag:$0x3], $0x80, s9, s24, $0xb8;
	[tilespmem:$0x1C800] =	vst v63  }
0x127: {  	_ =	swait.ge [sflag:s22], $0x4000  }
0x128: {  	[sflag:s22] =	ssyncset.done $0x0  }
0x129: {  	[sflag:s22] =	ssyncadd.s32 $0xFFFFC000  }
0x12a: {  	_ =	swait.ge [sflag:s29], $0x4000  }
0x12b: {  	[sflag:s29] =	ssyncset.done $0x0  }
0x12c: {  	[sflag:s29] =	ssyncadd.s32 $0xFFFFC000  }
0x12d: {  	[tilespmem:s25], [sflag:$0x1] =	stream.indirect.gather [hbm4b:s4+s24], $0x80, s10, s24, $0xb8;
	[tilespmem:$0x1C800] =	vst v63  }
0x12e: {  	_ = 	snop  }
0x12f: {  	[spmem:s2] =	stream.indirect.scatter.add.f32 [tilespmem:s28], [sflag:$0x3], $0x80, s11, s24, $0xb8;
	[tilespmem:$0x1C800] =	vst v63  }
0x130: {  	_ =	swait.ge [sflag:s22], $0x4000  }
0x131: {  	[sflag:s22] =	ssyncset.done $0x0  }
0x132: {  	[sflag:s22] =	ssyncadd.s32 $0xFFFFC000  }
0x133: {  	_ =	swait.ge [sflag:s26], $0x4000  }
0x134: {  	[sflag:s26] =	ssyncset.done $0x0  }
0x135: {  	[sflag:s26] =	ssyncadd.s32 $0xFFFFC000  }
0x136: {  	[tilespmem:s28], [sflag:$0x2] =	stream.indirect.gather [hbm4b:s4+s24], $0x80, s12, s24, $0xb8;
	[tilespmem:$0x1C800] =	vst v63  }
0x137: {  	_ = 	snop  }
0x138: {  	[spmem:s2] =	stream.indirect.scatter.add.f32 [tilespmem:s25], [sflag:$0x3], $0x80, s13, s24, $0xb8;
	[tilespmem:$0x1C800] =	vst v63  }
0x139: {  	_ =	swait.ge [sflag:s22], $0x4000  }
0x13a: {  	[sflag:s22] =	ssyncset.done $0x0  }
0x13b: {  	[sflag:s22] =	ssyncadd.s32 $0xFFFFC000  }
0x13c: {  	_ =	swait.ge [sflag:s29], $0x4000  }
.Ltmp3:
0x13d: {  	[sflag:s29] =	ssyncset.done $0x0;
	(pc) =	sbr.rel @p1 .LBB2_6-.Ltmp3, $4  }
0x13e: {  	[sflag:s29] =	ssyncadd.s32 $0xFFFFC000  }
0x13f: {  	[spmem:s2] =	stream.indirect.scatter.add.f32 [tilespmem:s28], [sflag:$0x3], $0x80, s14, s24, $0xb8;
	[tilespmem:$0x1C800] =	vst v63  }
0x140: {  	_ =	swait.ge [sflag:s22], $0x4000  }
0x141: {  	s6 =	smov.u32 s17;
	[sflag:s22] =	ssyncset.done $0x0  }
.Ltmp4:
0x142: {  	_ = 	snop;
	(pc) =	sbr.rel .LBB2_7-.Ltmp4, $1  }
0x143: {  	_ =	sdelay $0x3  }
.LBB2_2:
0x144: {  	s6 =	sadd.s32 $0x0, s18  }
0x145: {  	[tilespmem:s3], [sflag:$0x3] =	stream.linear.gather [hbm4b:s6+s3], $0x400, $0x38;
	[tilespmem:$0x1C800] =	vst v63  }
0x146: {  	_ =	swait.ge [sflag:s22], $0x400  }
0x147: {  	[sflag:s22] =	ssyncset.done $0x0  }
0x148: {  	s17 =	sadd.s32 $0x0, s19;
	[sflag:s22] =	ssyncadd.s32 $0xFFFFFC00  }
0x149: {  	[tilespmem:s23], [sflag:$0x3] =	stream.linear.gather [hbm4b:s17+s3], $0x400, $0x38;
	[tilespmem:$0x1C800] =	vst v63  }
0x14a: {  	_ =	swait.ge [sflag:s22], $0x400  }
0x14b: {  	[sflag:s22] =	ssyncset.done $0x0  }
0x14c: {  	[sflag:s22] =	ssyncadd.s32 $0xFFFFFC00  }
0x14d: {  	[tilespmem:s25], [sflag:$0x1] =	stream.indirect.gather [hbm4b:s4+s24], $0x80, s3, s24, $0xb8;
	[tilespmem:$0x1C800] =	vst v63  }
0x14e: {  	_ =	swait.ge [sflag:s26], $0x4000  }
0x14f: {  	[sflag:s26] =	ssyncset.done $0x0  }
0x150: {  	[sflag:s26] =	ssyncadd.s32 $0xFFFFC000  }
0x151: {  	[tilespmem:s28], [sflag:$0x2] =	stream.indirect.gather [hbm4b:s4+s24], $0x80, s24, s24, $0xb8;
	[tilespmem:$0x1C800] =	vst v63  }
0x152: {  	_ = 	snop  }
0x153: {  	[spmem:s2] =	stream.indirect.scatter.add.f32 [tilespmem:s25], [sflag:$0x3], $0x80, s23, s24, $0xb8;
	[tilespmem:$0x1C800] =	vst v63  }
0x154: {  	_ =	swait.ge [sflag:s22], $0x4000  }
0x155: {  	[sflag:s22] =	ssyncset.done $0x0  }
0x156: {  	[sflag:s22] =	ssyncadd.s32 $0xFFFFC000  }
0x157: {  	_ =	swait.ge [sflag:s29], $0x4000  }
0x158: {  	[sflag:s29] =	ssyncset.done $0x0  }
0x159: {  	[sflag:s29] =	ssyncadd.s32 $0xFFFFC000  }
0x15a: {  	[tilespmem:s25], [sflag:$0x1] =	stream.indirect.gather [hbm4b:s4+s24], $0x80, s30, s24, $0xb8;
	[tilespmem:$0x1C800] =	vst v63  }
0x15b: {  	_ = 	snop  }
0x15c: {  	[spmem:s2] =	stream.indirect.scatter.add.f32 [tilespmem:s28], [sflag:$0x3], $0x80, s31, s24, $0xb8;
	[tilespmem:$0x1C800] =	vst v63  }
0x15d: {  	_ =	swait.ge [sflag:s22], $0x4000  }
0x15e: {  	[sflag:s22] =	ssyncset.done $0x0  }
0x15f: {  	[sflag:s22] =	ssyncadd.s32 $0xFFFFC000  }
0x160: {  	_ =	swait.ge [sflag:s26], $0x4000  }
0x161: {  	[sflag:s26] =	ssyncset.done $0x0  }
0x162: {  	[sflag:s26] =	ssyncadd.s32 $0xFFFFC000  }
0x163: {  	[tilespmem:s28], [sflag:$0x2] =	stream.indirect.gather [hbm4b:s4+s24], $0x80, s0, s24, $0xb8;
	[tilespmem:$0x1C800] =	vst v63  }
0x164: {  	_ = 	snop  }
0x165: {  	[spmem:s2] =	stream.indirect.scatter.add.f32 [tilespmem:s25], [sflag:$0x3], $0x80, s1, s24, $0xb8;
	[tilespmem:$0x1C800] =	vst v63  }
0x166: {  	_ =	swait.ge [sflag:s22], $0x4000  }
0x167: {  	[sflag:s22] =	ssyncset.done $0x0  }
0x168: {  	[sflag:s22] =	ssyncadd.s32 $0xFFFFC000  }
0x169: {  	_ =	swait.ge [sflag:s29], $0x4000  }
0x16a: {  	[sflag:s29] =	ssyncset.done $0x0  }
0x16b: {  	[sflag:s29] =	ssyncadd.s32 $0xFFFFC000  }
0x16c: {  	[tilespmem:s25], [sflag:$0x1] =	stream.indirect.gather [hbm4b:s4+s24], $0x80, s5, s24, $0xb8;
	[tilespmem:$0x1C800] =	vst v63  }
0x16d: {  	_ = 	snop  }
0x16e: {  	[spmem:s2] =	stream.indirect.scatter.add.f32 [tilespmem:s28], [sflag:$0x3], $0x80, s7, s24, $0xb8;
	[tilespmem:$0x1C800] =	vst v63  }
0x16f: {  	_ =	swait.ge [sflag:s22], $0x4000  }
0x170: {  	[sflag:s22] =	ssyncset.done $0x0  }
0x171: {  	[sflag:s22] =	ssyncadd.s32 $0xFFFFC000  }
0x172: {  	_ =	swait.ge [sflag:s26], $0x4000  }
0x173: {  	[sflag:s26] =	ssyncset.done $0x0  }
0x174: {  	[sflag:s26] =	ssyncadd.s32 $0xFFFFC000  }
0x175: {  	[tilespmem:s28], [sflag:$0x2] =	stream.indirect.gather [hbm4b:s4+s24], $0x80, s8, s24, $0xb8;
	[tilespmem:$0x1C800] =	vst v63  }
0x176: {  	_ = 	snop  }
0x177: {  	[spmem:s2] =	stream.indirect.scatter.add.f32 [tilespmem:s25], [sflag:$0x3], $0x80, s9, s24, $0xb8;
	[tilespmem:$0x1C800] =	vst v63  }
0x178: {  	_ =	swait.ge [sflag:s22], $0x4000  }
0x179: {  	[sflag:s22] =	ssyncset.done $0x0  }
0x17a: {  	[sflag:s22] =	ssyncadd.s32 $0xFFFFC000  }
0x17b: {  	_ =	swait.ge [sflag:s29], $0x4000  }
0x17c: {  	[sflag:s29] =	ssyncset.done $0x0  }
0x17d: {  	[sflag:s29] =	ssyncadd.s32 $0xFFFFC000  }
0x17e: {  	[tilespmem:s25], [sflag:$0x1] =	stream.indirect.gather [hbm4b:s4+s24], $0x80, s10, s24, $0xb8;
	[tilespmem:$0x1C800] =	vst v63  }
0x17f: {  	_ = 	snop  }
0x180: {  	[spmem:s2] =	stream.indirect.scatter.add.f32 [tilespmem:s28], [sflag:$0x3], $0x80, s11, s24, $0xb8;
	[tilespmem:$0x1C800] =	vst v63  }
0x181: {  	_ =	swait.ge [sflag:s22], $0x4000  }
0x182: {  	[sflag:s22] =	ssyncset.done $0x0  }
0x183: {  	[sflag:s22] =	ssyncadd.s32 $0xFFFFC000  }
0x184: {  	_ =	swait.ge [sflag:s26], $0x4000  }
0x185: {  	[sflag:s26] =	ssyncset.done $0x0  }
0x186: {  	[sflag:s26] =	ssyncadd.s32 $0xFFFFC000  }
0x187: {  	[tilespmem:s28], [sflag:$0x2] =	stream.indirect.gather [hbm4b:s4+s24], $0x80, s12, s24, $0xb8;
	[tilespmem:$0x1C800] =	vst v63  }
0x188: {  	_ = 	snop  }
0x189: {  	[spmem:s2] =	stream.indirect.scatter.add.f32 [tilespmem:s25], [sflag:$0x3], $0x80, s13, s24, $0xb8;
	[tilespmem:$0x1C800] =	vst v63  }
0x18a: {  	_ =	swait.ge [sflag:s22], $0x4000  }
0x18b: {  	[sflag:s22] =	ssyncset.done $0x0  }
0x18c: {  	[sflag:s22] =	ssyncadd.s32 $0xFFFFC000  }
0x18d: {  	_ =	swait.ge [sflag:s29], $0x4000  }
0x18e: {  	[sflag:s29] =	ssyncset.done $0x0  }
0x18f: {  	[sflag:s29] =	ssyncadd.s32 $0xFFFFC000  }
0x190: {  	[spmem:s2] =	stream.indirect.scatter.add.f32 [tilespmem:s28], [sflag:$0x3], $0x80, s14, s24, $0xb8;
	[tilespmem:$0x1C800] =	vst v63  }
0x191: {  	_ =	swait.ge [sflag:s22], $0x4000  }
0x192: {  	s16 =	simm.s32 $0x80;
	s17 =	simm.s32 $0x100;
	[sflag:s22] =	ssyncset.done $0x0  }
.LBB2_3:
0x193: {  	s15 =	sadd.s32 s16, s18  }
0x194: {  	[sflag:s22] =	ssyncadd.s32 $0xFFFFC000;
	s18 =	smov.u32 s17;
	s6 =	sadd.s32 $0x80, s17  }
0x195: {  	[tilespmem:s3], [sflag:$0x3] =	stream.linear.gather [hbm4b:s15+s3], $0x400, $0x38;
	[tilespmem:$0x1C800] =	vst v63  }
0x196: {  	p1 =	seq.s32 s17, $0x700;
	_ =	swait.ge [sflag:s22], $0x400  }
0x197: {  	s15 =	sadd.s32 s16, s19;
	[sflag:s22] =	ssyncset.done $0x0  }
0x198: {  	s16 =	smov.u32 s18;
	s18 =	smov.u32 s20;
	[sflag:s22] =	ssyncadd.s32 $0xFFFFFC00  }
0x199: {  	[tilespmem:s23], [sflag:$0x3] =	stream.linear.gather [hbm4b:s15+s3], $0x400, $0x38;
	[tilespmem:$0x1C800] =	vst v63  }
0x19a: {  	_ =	swait.ge [sflag:s22], $0x400  }
0x19b: {  	[sflag:s22] =	ssyncset.done $0x0  }
0x19c: {  	[sflag:s22] =	ssyncadd.s32 $0xFFFFFC00  }
0x19d: {  	[tilespmem:s25], [sflag:$0x1] =	stream.indirect.gather [hbm4b:s4+s24], $0x80, s3, s24, $0xb8;
	[tilespmem:$0x1C800] =	vst v63  }
0x19e: {  	_ =	swait.ge [sflag:s26], $0x4000  }
0x19f: {  	[sflag:s26] =	ssyncset.done $0x0  }
0x1a0: {  	[sflag:s26] =	ssyncadd.s32 $0xFFFFC000  }
0x1a1: {  	[tilespmem:s28], [sflag:$0x2] =	stream.indirect.gather [hbm4b:s4+s24], $0x80, s24, s24, $0xb8;
	[tilespmem:$0x1C800] =	vst v63  }
0x1a2: {  	_ = 	snop  }
0x1a3: {  	[spmem:s2] =	stream.indirect.scatter.add.f32 [tilespmem:s25], [sflag:$0x3], $0x80, s23, s24, $0xb8;
	[tilespmem:$0x1C800] =	vst v63  }
0x1a4: {  	_ =	swait.ge [sflag:s22], $0x4000  }
0x1a5: {  	[sflag:s22] =	ssyncset.done $0x0  }
0x1a6: {  	[sflag:s22] =	ssyncadd.s32 $0xFFFFC000  }
0x1a7: {  	_ =	swait.ge [sflag:s29], $0x4000  }
0x1a8: {  	[sflag:s29] =	ssyncset.done $0x0  }
0x1a9: {  	[sflag:s29] =	ssyncadd.s32 $0xFFFFC000  }
0x1aa: {  	[tilespmem:s25], [sflag:$0x1] =	stream.indirect.gather [hbm4b:s4+s24], $0x80, s30, s24, $0xb8;
	[tilespmem:$0x1C800] =	vst v63  }
0x1ab: {  	_ = 	snop  }
0x1ac: {  	[spmem:s2] =	stream.indirect.scatter.add.f32 [tilespmem:s28], [sflag:$0x3], $0x80, s31, s24, $0xb8;
	[tilespmem:$0x1C800] =	vst v63  }
0x1ad: {  	_ =	swait.ge [sflag:s22], $0x4000  }
0x1ae: {  	[sflag:s22] =	ssyncset.done $0x0  }
0x1af: {  	[sflag:s22] =	ssyncadd.s32 $0xFFFFC000  }
0x1b0: {  	_ =	swait.ge [sflag:s26], $0x4000  }
0x1b1: {  	[sflag:s26] =	ssyncset.done $0x0  }
0x1b2: {  	[sflag:s26] =	ssyncadd.s32 $0xFFFFC000  }
0x1b3: {  	[tilespmem:s28], [sflag:$0x2] =	stream.indirect.gather [hbm4b:s4+s24], $0x80, s0, s24, $0xb8;
	[tilespmem:$0x1C800] =	vst v63  }
0x1b4: {  	_ = 	snop  }
0x1b5: {  	[spmem:s2] =	stream.indirect.scatter.add.f32 [tilespmem:s25], [sflag:$0x3], $0x80, s1, s24, $0xb8;
	[tilespmem:$0x1C800] =	vst v63  }
0x1b6: {  	_ =	swait.ge [sflag:s22], $0x4000  }
0x1b7: {  	[sflag:s22] =	ssyncset.done $0x0  }
0x1b8: {  	[sflag:s22] =	ssyncadd.s32 $0xFFFFC000  }
0x1b9: {  	_ =	swait.ge [sflag:s29], $0x4000  }
0x1ba: {  	[sflag:s29] =	ssyncset.done $0x0  }
0x1bb: {  	[sflag:s29] =	ssyncadd.s32 $0xFFFFC000  }
0x1bc: {  	[tilespmem:s25], [sflag:$0x1] =	stream.indirect.gather [hbm4b:s4+s24], $0x80, s5, s24, $0xb8;
	[tilespmem:$0x1C800] =	vst v63  }
0x1bd: {  	_ = 	snop  }
0x1be: {  	[spmem:s2] =	stream.indirect.scatter.add.f32 [tilespmem:s28], [sflag:$0x3], $0x80, s7, s24, $0xb8;
	[tilespmem:$0x1C800] =	vst v63  }
0x1bf: {  	_ =	swait.ge [sflag:s22], $0x4000  }
0x1c0: {  	[sflag:s22] =	ssyncset.done $0x0  }
0x1c1: {  	[sflag:s22] =	ssyncadd.s32 $0xFFFFC000  }
0x1c2: {  	_ =	swait.ge [sflag:s26], $0x4000  }
0x1c3: {  	[sflag:s26] =	ssyncset.done $0x0  }
0x1c4: {  	[sflag:s26] =	ssyncadd.s32 $0xFFFFC000  }
0x1c5: {  	[tilespmem:s28], [sflag:$0x2] =	stream.indirect.gather [hbm4b:s4+s24], $0x80, s8, s24, $0xb8;
	[tilespmem:$0x1C800] =	vst v63  }
0x1c6: {  	_ = 	snop  }
0x1c7: {  	[spmem:s2] =	stream.indirect.scatter.add.f32 [tilespmem:s25], [sflag:$0x3], $0x80, s9, s24, $0xb8;
	[tilespmem:$0x1C800] =	vst v63  }
0x1c8: {  	_ =	swait.ge [sflag:s22], $0x4000  }
0x1c9: {  	[sflag:s22] =	ssyncset.done $0x0  }
0x1ca: {  	[sflag:s22] =	ssyncadd.s32 $0xFFFFC000  }
0x1cb: {  	_ =	swait.ge [sflag:s29], $0x4000  }
0x1cc: {  	[sflag:s29] =	ssyncset.done $0x0  }
0x1cd: {  	[sflag:s29] =	ssyncadd.s32 $0xFFFFC000  }
0x1ce: {  	[tilespmem:s25], [sflag:$0x1] =	stream.indirect.gather [hbm4b:s4+s24], $0x80, s10, s24, $0xb8;
	[tilespmem:$0x1C800] =	vst v63  }
0x1cf: {  	_ = 	snop  }
0x1d0: {  	[spmem:s2] =	stream.indirect.scatter.add.f32 [tilespmem:s28], [sflag:$0x3], $0x80, s11, s24, $0xb8;
	[tilespmem:$0x1C800] =	vst v63  }
0x1d1: {  	_ =	swait.ge [sflag:s22], $0x4000  }
0x1d2: {  	[sflag:s22] =	ssyncset.done $0x0  }
0x1d3: {  	[sflag:s22] =	ssyncadd.s32 $0xFFFFC000  }
0x1d4: {  	_ =	swait.ge [sflag:s26], $0x4000  }
0x1d5: {  	[sflag:s26] =	ssyncset.done $0x0  }
0x1d6: {  	[sflag:s26] =	ssyncadd.s32 $0xFFFFC000  }
0x1d7: {  	[tilespmem:s28], [sflag:$0x2] =	stream.indirect.gather [hbm4b:s4+s24], $0x80, s12, s24, $0xb8;
	[tilespmem:$0x1C800] =	vst v63  }
0x1d8: {  	_ = 	snop  }
0x1d9: {  	[spmem:s2] =	stream.indirect.scatter.add.f32 [tilespmem:s25], [sflag:$0x3], $0x80, s13, s24, $0xb8;
	[tilespmem:$0x1C800] =	vst v63  }
0x1da: {  	_ =	swait.ge [sflag:s22], $0x4000  }
0x1db: {  	[sflag:s22] =	ssyncset.done $0x0  }
0x1dc: {  	[sflag:s22] =	ssyncadd.s32 $0xFFFFC000  }
0x1dd: {  	_ =	swait.ge [sflag:s29], $0x4000  }
.Ltmp5:
0x1de: {  	[sflag:s29] =	ssyncset.done $0x0;
	(pc) =	sbr.rel @!p1 .LBB2_3-.Ltmp5, $4  }
0x1df: {  	[sflag:s29] =	ssyncadd.s32 $0xFFFFC000  }
0x1e0: {  	[spmem:s2] =	stream.indirect.scatter.add.f32 [tilespmem:s28], [sflag:$0x3], $0x80, s14, s24, $0xb8;
	[tilespmem:$0x1C800] =	vst v63  }
0x1e1: {  	_ =	swait.ge [sflag:s22], $0x4000  }
0x1e2: {  	s17 =	smov.u32 s6;
	[sflag:s22] =	ssyncset.done $0x0  }
0x1e3: {  	s6 =	sadd.s32 s16, s18;
	[sflag:s22] =	ssyncadd.s32 $0xFFFFC000  }
0x1e4: {  	[tilespmem:s3], [sflag:$0x3] =	stream.linear.gather [hbm4b:s6+s3], $0x400, $0x38;
	[tilespmem:$0x1C800] =	vst v63  }
0x1e5: {  	_ =	swait.ge [sflag:s22], $0x400  }
0x1e6: {  	[sflag:s22] =	ssyncset.done $0x0  }
0x1e7: {  	s17 =	sadd.s32 s16, s19;
	[sflag:s22] =	ssyncadd.s32 $0xFFFFFC00  }
0x1e8: {  	[tilespmem:s23], [sflag:$0x3] =	stream.linear.gather [hbm4b:s17+s3], $0x400, $0x38;
	[tilespmem:$0x1C800] =	vst v63  }
0x1e9: {  	_ =	swait.ge [sflag:s22], $0x400  }
0x1ea: {  	[sflag:s22] =	ssyncset.done $0x0  }
0x1eb: {  	[sflag:s22] =	ssyncadd.s32 $0xFFFFFC00  }
0x1ec: {  	[tilespmem:s25], [sflag:$0x1] =	stream.indirect.gather [hbm4b:s4+s24], $0x80, s3, s24, $0xb8;
	[tilespmem:$0x1C800] =	vst v63  }
0x1ed: {  	_ =	swait.ge [sflag:s26], $0x4000  }
0x1ee: {  	[sflag:s26] =	ssyncset.done $0x0  }
0x1ef: {  	[sflag:s26] =	ssyncadd.s32 $0xFFFFC000  }
0x1f0: {  	[tilespmem:s28], [sflag:$0x2] =	stream.indirect.gather [hbm4b:s4+s24], $0x80, s24, s24, $0xb8;
	[tilespmem:$0x1C800] =	vst v63  }
0x1f1: {  	_ = 	snop  }
0x1f2: {  	[spmem:s2] =	stream.indirect.scatter.add.f32 [tilespmem:s25], [sflag:$0x3], $0x80, s23, s24, $0xb8;
	[tilespmem:$0x1C800] =	vst v63  }
0x1f3: {  	_ =	swait.ge [sflag:s22], $0x4000  }
0x1f4: {  	[sflag:s22] =	ssyncset.done $0x0  }
0x1f5: {  	[sflag:s22] =	ssyncadd.s32 $0xFFFFC000  }
0x1f6: {  	_ =	swait.ge [sflag:s29], $0x4000  }
0x1f7: {  	[sflag:s29] =	ssyncset.done $0x0  }
0x1f8: {  	[sflag:s29] =	ssyncadd.s32 $0xFFFFC000  }
0x1f9: {  	[tilespmem:s25], [sflag:$0x1] =	stream.indirect.gather [hbm4b:s4+s24], $0x80, s30, s24, $0xb8;
	[tilespmem:$0x1C800] =	vst v63  }
0x1fa: {  	_ = 	snop  }
0x1fb: {  	[spmem:s2] =	stream.indirect.scatter.add.f32 [tilespmem:s28], [sflag:$0x3], $0x80, s31, s24, $0xb8;
	[tilespmem:$0x1C800] =	vst v63  }
0x1fc: {  	_ =	swait.ge [sflag:s22], $0x4000  }
0x1fd: {  	[sflag:s22] =	ssyncset.done $0x0  }
0x1fe: {  	[sflag:s22] =	ssyncadd.s32 $0xFFFFC000  }
0x1ff: {  	_ =	swait.ge [sflag:s26], $0x4000  }
0x200: {  	[sflag:s26] =	ssyncset.done $0x0  }
0x201: {  	[sflag:s26] =	ssyncadd.s32 $0xFFFFC000  }
0x202: {  	[tilespmem:s28], [sflag:$0x2] =	stream.indirect.gather [hbm4b:s4+s24], $0x80, s0, s24, $0xb8;
	[tilespmem:$0x1C800] =	vst v63  }
0x203: {  	_ = 	snop  }
0x204: {  	[spmem:s2] =	stream.indirect.scatter.add.f32 [tilespmem:s25], [sflag:$0x3], $0x80, s1, s24, $0xb8;
	[tilespmem:$0x1C800] =	vst v63  }
0x205: {  	_ =	swait.ge [sflag:s22], $0x4000  }
0x206: {  	[sflag:s22] =	ssyncset.done $0x0  }
0x207: {  	[sflag:s22] =	ssyncadd.s32 $0xFFFFC000  }
0x208: {  	_ =	swait.ge [sflag:s29], $0x4000  }
0x209: {  	[sflag:s29] =	ssyncset.done $0x0  }
0x20a: {  	[sflag:s29] =	ssyncadd.s32 $0xFFFFC000  }
0x20b: {  	[tilespmem:s25], [sflag:$0x1] =	stream.indirect.gather [hbm4b:s4+s24], $0x80, s5, s24, $0xb8;
	[tilespmem:$0x1C800] =	vst v63  }
0x20c: {  	_ = 	snop  }
0x20d: {  	[spmem:s2] =	stream.indirect.scatter.add.f32 [tilespmem:s28], [sflag:$0x3], $0x80, s7, s24, $0xb8;
	[tilespmem:$0x1C800] =	vst v63  }
0x20e: {  	_ =	swait.ge [sflag:s22], $0x4000  }
0x20f: {  	[sflag:s22] =	ssyncset.done $0x0  }
0x210: {  	[sflag:s22] =	ssyncadd.s32 $0xFFFFC000  }
0x211: {  	_ =	swait.ge [sflag:s26], $0x4000  }
0x212: {  	[sflag:s26] =	ssyncset.done $0x0  }
0x213: {  	[sflag:s26] =	ssyncadd.s32 $0xFFFFC000  }
0x214: {  	[tilespmem:s28], [sflag:$0x2] =	stream.indirect.gather [hbm4b:s4+s24], $0x80, s8, s24, $0xb8;
	[tilespmem:$0x1C800] =	vst v63  }
0x215: {  	_ = 	snop  }
0x216: {  	[spmem:s2] =	stream.indirect.scatter.add.f32 [tilespmem:s25], [sflag:$0x3], $0x80, s9, s24, $0xb8;
	[tilespmem:$0x1C800] =	vst v63  }
0x217: {  	_ =	swait.ge [sflag:s22], $0x4000  }
0x218: {  	[sflag:s22] =	ssyncset.done $0x0  }
0x219: {  	[sflag:s22] =	ssyncadd.s32 $0xFFFFC000  }
0x21a: {  	_ =	swait.ge [sflag:s29], $0x4000  }
0x21b: {  	[sflag:s29] =	ssyncset.done $0x0  }
0x21c: {  	[sflag:s29] =	ssyncadd.s32 $0xFFFFC000  }
0x21d: {  	[tilespmem:s25], [sflag:$0x1] =	stream.indirect.gather [hbm4b:s4+s24], $0x80, s10, s24, $0xb8;
	[tilespmem:$0x1C800] =	vst v63  }
0x21e: {  	_ = 	snop  }
0x21f: {  	[spmem:s2] =	stream.indirect.scatter.add.f32 [tilespmem:s28], [sflag:$0x3], $0x80, s11, s24, $0xb8;
	[tilespmem:$0x1C800] =	vst v63  }
0x220: {  	_ =	swait.ge [sflag:s22], $0x4000  }
0x221: {  	[sflag:s22] =	ssyncset.done $0x0  }
0x222: {  	[sflag:s22] =	ssyncadd.s32 $0xFFFFC000  }
0x223: {  	_ =	swait.ge [sflag:s26], $0x4000  }
0x224: {  	[sflag:s26] =	ssyncset.done $0x0  }
0x225: {  	[sflag:s26] =	ssyncadd.s32 $0xFFFFC000  }
0x226: {  	[tilespmem:s28], [sflag:$0x2] =	stream.indirect.gather [hbm4b:s4+s24], $0x80, s12, s24, $0xb8;
	[tilespmem:$0x1C800] =	vst v63  }
0x227: {  	_ = 	snop  }
0x228: {  	[spmem:s2] =	stream.indirect.scatter.add.f32 [tilespmem:s25], [sflag:$0x3], $0x80, s13, s24, $0xb8;
	[tilespmem:$0x1C800] =	vst v63  }
0x229: {  	_ =	swait.ge [sflag:s22], $0x4000  }
0x22a: {  	[sflag:s22] =	ssyncset.done $0x0  }
0x22b: {  	[sflag:s22] =	ssyncadd.s32 $0xFFFFC000  }
0x22c: {  	_ =	swait.ge [sflag:s29], $0x4000  }
0x22d: {  	[sflag:s29] =	ssyncset.done $0x0  }
.Ltmp6:
0x22e: {  	[sflag:s29] =	ssyncadd.s32 $0xFFFFC000;
	(pc) =	sbr.rel .LBB2_8-.Ltmp6, $4  }
0x22f: {  	[spmem:s2] =	stream.indirect.scatter.add.f32 [tilespmem:s28], [sflag:$0x3], $0x80, s14, s24, $0xb8;
	[tilespmem:$0x1C800] =	vst v63  }
0x230: {  	_ =	swait.ge [sflag:s22], $0x4000  }
0x231: {  	[sflag:s22] =	ssyncset.done $0x0  }
0x232: {  	s16 =	rddreg [dreg:$0x12];
	[sflag:s22] =	ssyncadd.s32 $0xFFFFC000  }
.LBB2_9:
0x233: {  	_ =	sfence.sel $0x180000  }
0x234: {  	[bflag:$0x0] =	sbarrier.arrive $0xFFFF  }
0x235: {  	_ =	strace $0x9000004A  }
0x236: {  	s0 =	stileid.u32;
	[bflag:$0x2] =	sbarrier.arrive $0xFFFF  }
0x237: {  	p0 =	sne.s32 s0, $0x0;
	s0 =	rddreg [dreg:$0x2]  }
0x238: {  	s0 =	sadd.s32 @!p0 $0x100000, s0  }
0x239: {  	[sflag:s0] =	ssyncadd.tile.s32 @!p0 $0x1;
	_ =	shalt  }
.Lfunc_end2:
_tile_overlayer_lowered:
.L_overlay_start_2:
0x23a: {  	(tag) =	ssettag $0x2  }
0x23b: {  	s0 =	rddreg [dreg:$0x0];
	s2 =	stileid.u32  }
0x23c: {  	s1 =	rddreg [dreg:$0x1];
	p0 =	sne.s32 s2, $0x0  }
0x23d: {  	s3 =	rddreg [dreg:$0x2];
	[bflag:$0x3] =	sbarrier.arrive $0xFFFF;
	s2 =	simm.s32 @!p0 $0x1C03  }
0x23e: {  	[timem:s3], [sflag:s2] =	dma.local @!p0 [hbm:s0], s1  }
0x23f: {  	s0 =	simm.s32 @!p0 $0x3  }
0x240: {  	_ =	swait.ge @!p0 [sflag:s0], s1  }
0x241: {  	s1 =	ssub.s32 @!p0 $0x0, s1;
	[sflag:s0] =	ssyncset.done @!p0 $0x0  }
0x242: {  	[sflag:s0] =	ssyncadd.s32 @!p0 s1  }
0x243: {  	[bflag:$0x3] =	sbarrier.arrive $0xFFFF  }
0x244: {  	_ =	shalt  }

// kernel: kernel.14.cloned.1.call-start
scs
__scs_entry_jumppad:
0x0: {  	(pc) =	sbr.rel $0x88, $3  }
0x1: {  	(tag) =	ssettag $0x0;
	lr =	simm.s32 $0x1  }
0x2: {  	[smem:$0x3F88] =	sst lr;
	_ =	strace $0xD0000000  }
0x3: {  	_ = 	snop  }
0x4: {  	_ = 	snop  }
0x5: {  	_ = 	snop  }
0x6: {  	_ = 	snop  }
0x7: {  	_ = 	snop  }
__scs_overlays_trampoline_lowered:
0x8: {  	[smem:$0x3F97] =	sst s0  }
0x9: {  	[smem:$0x3F98] =	sst s1  }
0xa: {  	[smem:$0x3F99] =	sst s2  }
0xb: {  	[smem:$0x3F9A] =	sst s3  }
0xc: {  	[smem:$0x3F9B] =	sst s4  }
0xd: {  	[smem:$0x3F9C] =	sst s5  }
0xe: {  	[smem:$0x3F9D] =	sst s6  }
0xf: {  	[smem:$0x3F9E] =	sst s7  }
0x10: {  	[smem:$0x3F9F] =	sst s8  }
0x11: {  	[smem:$0x3FA0] =	sst s9;
	s0 =	simm.s32 @!p0 $0x0  }
0x12: {  	s1 =	sld [smem:$0x3F86];
	s0 =	simm.s32 @p0 $0x1  }
0x13: {  	[smem:$0x3FA1] =	sst s0;
	s0 =	simm.s32 @!p1 $0x0  }
0x14: {  	s2 =	sld [smem:$0x3F85];
	s0 =	simm.s32 @p1 $0x1  }
0x15: {  	[smem:$0x3FA2] =	sst s0;
	s0 =	simm.s32 @!p2 $0x0  }
0x16: {  	s3 =	sld [smem:$0x3FDB];
	s0 =	simm.s32 @p2 $0x1  }
0x17: {  	s4 =	simm.s32 $0x1BF5;
	[smem:$0x3FA4] =	sst s0  }
0x18: {  	s0 =	sld [smem:$0x3F87];
	_ =	swait.ge [sflag:s4], $0x0  }
0x19: {  	s7 =	sld [smem:$0x3F88]  }
0x1a: {  	s8 =	sadd.s32 $0xFFFFE003, lr  }
0x1b: {  	s9 =	sadd.s32 $0xFFFFFEF7, lr;
	s5 =	simm.s32 $0xFFFFFFFF;
	p2 =	slt.u32 s8, $0xFFFFF086  }
0x1c: {  	p1 =	slt.u32 s9, $0xF7A;
	s5 =	simm.s32 @!p2 $0x0  }
0x1d: {  	s5 =	simm.s32 @p1 $0x1;
	p0 =	seq.s32 s7, s2  }
0x1e: {  	s7 =	smul.u32 @!p0 $0xF7A, s2;
	p2 =	seq.s32 @!p0 s5, $0x0  }
0x1f: {  	s9 =	smul.u32 $0xF7A, s1;
	s8 =	simm.s32 @!p0 $0x1BF5;
	p2 =	por !p2, p0  }
0x20: {  	[sflag:s8] =	ssyncset.s32 @!p0 $0xFFFFF086;
	s6 =	sadd.s32 @!p0 s3, s7;
	s7 =	simm.s32 @!p0 $0x108  }
0x21: {  	s3 =	sadd.s32 s3, s9;
	s6 =	sadd.s32 @!p0 $0x88, s6;
	s7 =	simm.s32 @p2 $0x1082  }
0x22: {  	[simem:s7], [sflag:s8] =	dma.local @!p0 [hbm:s6], $0xF7A  }
0x23: {  	s9 =	sor.u32 $0xD0000000, s2;
	s6 =	simm.s32 $0x108;
	_ =	swait.ge @!p0 [sflag:s8], $0x0  }
0x24: {  	s3 =	sadd.s32 $0x88, s3;
	s6 =	simm.s32 @!p1 $0x1082;
	[sflag:s4] =	ssyncset.s32 $0xFFFFF086  }
0x25: {  	[simem:s6], [sflag:s4] =	dma.local [hbm:s3], $0xF7A  }
0x26: {  	[smem:$0x3F88] =	sst s1;
	(tag) =	ssettag s2;
	_ =	strace s9  }
0x27: {  	s1 =	sld [smem:$0x3F98]  }
0x28: {  	s2 =	sld [smem:$0x3F99]  }
0x29: {  	s4 =	sld [smem:$0x3F9B]  }
0x2a: {  	p0 =	seq.s32 s5, $0x0;
	s5 =	sld [smem:$0x3F9C]  }
0x2b: {  	s6 =	sld [smem:$0x3F9D]  }
0x2c: {  	s7 =	sld [smem:$0x3F9E]  }
0x2d: {  	s3 =	simm.s32 $0x108;
	s8 =	sld [smem:$0x3F9F]  }
0x2e: {  	s3 =	simm.s32 @!p0 $0x1082;
	s9 =	sld [smem:$0x3FA0]  }
0x2f: {  	lr =	sadd.s32 s0, s3;
	s0 =	sld [smem:$0x3F97]  }
0x30: {  	s3 =	sld [smem:$0x3F9A]  }
0x31: {  	[smem:$0x3FA3] =	sst s10  }
0x32: {  	s10 =	sld [smem:$0x3FA1];
	_ =	sdelay $0x3  }
0x33: {  	p0 =	seq.s32 s10, $0x1;
	s10 =	sld [smem:$0x3FA3];
	_ =	sdelay $0x3  }
0x34: {  	[smem:$0x3FA3] =	sst s10  }
0x35: {  	s10 =	sld [smem:$0x3FA2];
	_ =	sdelay $0x3  }
0x36: {  	p1 =	seq.s32 s10, $0x1;
	s10 =	sld [smem:$0x3FA3];
	_ =	sdelay $0x3  }
0x37: {  	[smem:$0x3FA3] =	sst s10  }
0x38: {  	s10 =	sld [smem:$0x3FA4]  }
0x39: {  	_ = 	snop;
	(pc) =	sbr.ind lr, $3  }
0x3a: {  	_ = 	snop  }
0x3b: {  	_ = 	snop  }
0x3c: {  	p2 =	seq.s32 s10, $0x1;
	s10 =	sld [smem:$0x3FA3]  }
0x3d: {  	_ =	shalt  }
0x3e: {  	_ =	shalt  }
0x3f: {  	_ =	shalt  }
0x40: {  	_ =	shalt  }
0x41: {  	_ =	shalt  }
0x42: {  	_ =	shalt  }
0x43: {  	_ =	shalt  }
0x44: {  	_ =	shalt  }
0x45: {  	_ =	shalt  }
0x46: {  	_ =	shalt  }
0x47: {  	_ =	shalt  }
0x48: {  	_ =	shalt  }
0x49: {  	_ =	shalt  }
0x4a: {  	_ =	shalt  }
0x4b: {  	_ =	shalt  }
0x4c: {  	_ =	shalt  }
0x4d: {  	_ =	shalt  }
0x4e: {  	_ =	shalt  }
0x4f: {  	_ =	shalt  }
0x50: {  	_ =	shalt  }
0x51: {  	_ =	shalt  }
0x52: {  	_ =	shalt  }
0x53: {  	_ =	shalt  }
0x54: {  	_ =	shalt  }
0x55: {  	_ =	shalt  }
0x56: {  	_ =	shalt  }
0x57: {  	_ =	shalt  }
0x58: {  	_ =	shalt  }
0x59: {  	_ =	shalt  }
0x5a: {  	_ =	shalt  }
0x5b: {  	_ =	shalt  }
0x5c: {  	_ =	shalt  }
0x5d: {  	_ =	shalt  }
0x5e: {  	_ =	shalt  }
0x5f: {  	_ =	shalt  }
0x60: {  	_ =	shalt  }
0x61: {  	_ =	shalt  }
0x62: {  	_ =	shalt  }
0x63: {  	_ =	shalt  }
0x64: {  	_ =	shalt  }
0x65: {  	_ =	shalt  }
0x66: {  	_ =	shalt  }
0x67: {  	_ =	shalt  }
0x68: {  	_ =	shalt  }
0x69: {  	_ =	shalt  }
0x6a: {  	_ =	shalt  }
0x6b: {  	_ =	shalt  }
0x6c: {  	_ =	shalt  }
0x6d: {  	_ =	shalt  }
0x6e: {  	_ =	shalt  }
0x6f: {  	_ =	shalt  }
0x70: {  	_ =	shalt  }
0x71: {  	_ =	shalt  }
0x72: {  	_ =	shalt  }
0x73: {  	_ =	shalt  }
0x74: {  	_ =	shalt  }
0x75: {  	_ =	shalt  }
0x76: {  	_ =	shalt  }
0x77: {  	_ =	shalt  }
0x78: {  	_ =	shalt  }
0x79: {  	_ =	shalt  }
0x7a: {  	_ =	shalt  }
0x7b: {  	_ =	shalt  }
0x7c: {  	_ =	shalt  }
0x7d: {  	_ =	shalt  }
0x7e: {  	_ =	shalt  }
0x7f: {  	_ =	shalt  }
0x80: {  	_ =	shalt  }
0x81: {  	_ =	shalt  }
0x82: {  	_ =	shalt  }
0x83: {  	_ =	shalt  }
0x84: {  	_ =	shalt  }
0x85: {  	_ =	shalt  }
0x86: {  	_ =	shalt  }
0x87: {  	_ =	shalt  }
.Lfunc_end0:
.L_simem_size_0:
called_computation.2_lowered:
.L_overlay_start_0:
0x88: {  	s2 =	sld [smem:$0x3FD9]  }
0x89: {  	s3 =	sld [smem:$0x3FFE];
	_ =	sdelay $0x1  }
0x8a: {  	s1 =	srdreg.scid  }
0x8b: {  	s0 =	sand.u32 $0x1, s1  }
0x8c: {  	s16 =	sshll.u32 s0, $0xA;
	s2 =	sadd.s32 s3, s2  }
0x8d: {  	s2 =	sadd.s32 s2, s16  }
0x8e: {  	[smem:$0x3FAF] =	sst s2  }
0x8f: {  	_ = 	snop  }
0x90: {  	(tm) =	ssettm $0x1  }
0x91: {  	s17 =	sld [smem:$0x3FFB];
	_ =	sdelay $0x3  }
0x92: {  	_ =	strace s17  }
0x93: {  	s2 =	sld [smem:$0x3FFC];
	_ =	sdelay $0x3  }
0x94: {  	_ =	strace s2  }
0x95: {  	s2 =	sld [smem:$0x3FFD];
	_ =	sdelay $0x3  }
0x96: {  	_ =	strace s2  }
0x97: {  	_ =	strace $0x8FFFFFFF  }
0x98: {  	s18 =	sld [smem:$0x3FDB];
	_ =	sdelay $0x1  }
0x99: {  	s19 =	simm.s32 $_scs_section_size  }
0x9a: {  	s4 =	simm.s32 $_size__tile_overlayer_lowered;
	s5 =	simm.s32 $_tile_overlayer_lowered  }
0x9b: {  	s22 =	simm.s32 $0x1BFF;
	s21 =	sshll.u32 s5, $0x1;
	s2 =	sadd.s32 s19, s18  }
0x9c: {  	s6 =	simm.s32 $0x0;
	s20 =	sshll.u32 s4, $0x1;
	s4 =	sadd.s32 s21, s2  }
0x9d: {  	[timem:s6], [sflag:s22] =	dma.local [hbm:s4], s20  }
0x9e: {  	_ =	swait.ge [sflag:s22], s20  }
0x9f: {  	s3 =	ssub.s32 $0x0, s20;
	[sflag:s22] =	ssyncset.done $0x0  }
0xa0: {  	[sflag:s22] =	ssyncadd.s32 s3;
	_ =	sdelay $0x1  }
0xa1: {  	s23 =	simm.s32 $0x1B8B  }
0xa2: {  	_ =	swait.ge [sflag:s23], $0x1  }
0xa3: {  	[sflag:s23] =	ssyncset.done $0x0  }
0xa4: {  	s25 =	simm.s32 $0x1B8E;
	s24 =	sld [smem:$0x3FFE];
	[sflag:s23] =	ssyncadd.s32 $0xFFFFFFFF  }
0xa5: {  	s26 =	simm.s32 $execute0_lowered;
	[smem:$0x3FD2] =	sst s25  }
0xa6: {  	s4 =	sshll.u32 s26, $0x1;
	_ =	strace $0x8000004C;
	[dreg:$0x1] =	wrdreg $0xFFFFFFFF  }
0xa7: {  	s28 =	simm.s32 $_size_execute0_lowered;
	s2 =	sadd.s32 s2, s4;
	[dreg:$0x0] =	wrdreg $0x0  }
0xa8: {  	s4 =	sshll.u32 s28, $0x1;
	[dreg:$0x2] =	wrdreg s2  }
0xa9: {  	[dreg:$0x3] =	wrdreg s4  }
0xaa: {  	[dreg:$0x4] =	wrdreg $0xC0  }
0xab: {  	_ =	task [dreg:s6], $0x5FFFF  }
0xac: {  	[dreg:$0x1] =	wrdreg $0xFFFFFFFF  }
0xad: {  	[dreg:$0x0] =	wrdreg $0x60  }
0xae: {  	[dreg:$0x2] =	wrdreg s24  }
0xaf: {  	[dreg:$0x3] =	wrdreg $0x88000  }
0xb0: {  	[dreg:$0x4] =	wrdreg $0x9  }
0xb1: {  	_ =	task.clear_ibuf [dreg:s6], $0x5FFFF;
	_ =	strace $0x9000004C  }
0xb2: {  	s29 =	simm.s32 $0x9;
	_ =	strace $0x8000004E  }
0xb3: {  	_ =	swait.ge [sflag:s29], $0x1  }
0xb4: {  	[sflag:s29] =	ssyncadd.s32 $0xFFFFFFFF  }
0xb5: {  	_ =	strace $0x9000004E  }
0xb6: {  	_ =	sfence  }
0xb7: {  	s30 =	sld [smem:$0x0];
	_ =	sdelay $0x2  }
0xb8: {  	s31 =	sshll.u32 s1, $0xD;
	s1 =	sshrl.u32 s1, $0x2  }
0xb9: {  	s3 =	sand.u32 $0x4000, s31;
	s1 =	sadd.s32 s1, s30  }
0xba: {  	s0 =	sor.u32 s3, s0;
	s1 =	sshll.u32 s1, $0x11  }
0xbb: {  	s0 =	sor.u32 s1, s0  }
0xbc: {  	s0 =	sadd.s32 $0x8F2B, s0  }
0xbd: {  	[sflag:s0] =	ssyncadd.remote.s32 $0x1  }
0xbe: {  	_ =	sfence.sel $0xFFFF  }
0xbf: {  	[dreg:$0x0] =	wrdreg $0xFFFFFFFF;
	(pc) =	sbr.abs _section_cstart, $3  }
0xc0: {  	[dreg:$0x1] =	wrdreg $0xFFFFFFFF  }
0xc1: {  	_ =	task.clear_ibuf [dreg:s6], $0x2FFFF;
	_ =	strace $0x9FFFFFFF  }
0xc2: {  	(tm) =	ssettm $0x7FFFFFFF  }
0xc3: {  	_ =	shalt  }
tec
execute0_lowered:
.L_overlay_start_1:
0x0: {  	(tag) =	ssettag $0x1  }
0x1: {  	s0 =	rddreg [dreg:$0x0]  }
0x2: {  	s2 =	rddreg [dreg:$0x1];
	s1 =	srdreg.scid  }
0x3: {  	s12 =	stileid.u32;
	s3 =	simm.s32 $0x0;
	s28 =	simm.s32 $0x4800  }
0x4: {  	s29 =	simm.s32 $0x2;
	s30 =	simm.s32 $0x100;
	s31 =	simm.s32 $0x480  }
0x5: {  	s1 =	sand.u32 $0x1, s1;
	s5 =	smul.u32 $0x280, s12;
	[smem:$0x7FF] =	sst s3  }
0x6: {  	s4 =	sadd.s32 $0x4A00, s0;
	s7 =	sadd.s32 $0x36A00, s0;
	s9 =	smul.u32 $0x50000, s12  }
0x7: {  	s8 =	sadd.s32 $0x2CA00, s0;
	s10 =	sadd.s32 $0x40A00, s0;
	s23 =	smul.u32 $0x780, s12  }
0x8: {  	s11 =	sshll.u32 s12, $0x6;
	s12 =	simm.s32 $0x380;
	s6 =	smul.u32 $0x2800, s1  }
0x9: {  	_ =	strace $0x8000004D;
	[dreg:$0x3] =	wrdreg s10;
	s10 =	ssub.s32 $0x2, s1  }
0xa: {  	s14 =	sor.u32 $0x1C03, s11;
	p0 =	seq.s32 s1, $0x1;
	s1 =	simm.s32 $0x500  }
0xb: {  	s11 =	simm.s32 $0x680;
	s13 =	sshrl.u32 s10, $0x1;
	s9 =	sshrl.u32 s9, $0x2  }
0xc: {  	[dreg:$0x5] =	wrdreg s14;
	s26 =	sadd.s32 s5, s8;
	s14 =	simm.s32 $0x780  }
0xd: {  	s6 =	sadd.s32 s5, s6;
	s15 =	sadd.s32 s9, s2;
	s5 =	sadd.s32 s5, s7  }
0xe: {  	s9 =	simm.s32 $0x600;
	s17 =	sadd.s32 $0x4000, s15;
	[dreg:$0x4] =	wrdreg s15  }
0xf: {  	s6 =	sshll.u32 s6, $0x4;
	s19 =	sadd.s32 $0x8000, s15;
	[dreg:$0x7] =	wrdreg s17  }
0x10: {  	s21 =	sadd.s32 $0xC000, s15;
	s24 =	sadd.s32 $0x10000, s15;
	[dreg:$0x9] =	wrdreg s19  }
0x11: {  	s0 =	sadd.s32 s6, s0;
	s6 =	ssub.s32 s10, s13;
	[dreg:$0xb] =	wrdreg s21  }
0x12: {  	[dreg:$0xd] =	wrdreg s24;
	s19 =	sadd.s32 s23, s8;
	s21 =	sadd.s32 $0x7800, s5  }
0x13: {  	s24 =	simm.s32 $0x80;
	s16 =	sadd.s32 $0x43200, s0;
	[dreg:$0x10] =	wrdreg s19  }
0x14: {  	s5 =	simm.s32 $0x200;
	s18 =	sadd.s32 $0x43A00, s0;
	[dreg:$0x6] =	wrdreg s16  }
0x15: {  	s8 =	simm.s32 $0x280;
	s20 =	sadd.s32 $0x44200, s0;
	[dreg:$0x8] =	wrdreg s18  }
0x16: {  	s10 =	simm.s32 $0x300;
	s22 =	sadd.s32 $0x44A00, s0;
	[dreg:$0xa] =	wrdreg s20  }
0x17: {  	s13 =	simm.s32 $0x700;
	s0 =	sadd.s32 $0x45200, s0;
	[dreg:$0xc] =	wrdreg s22  }
.Ltmp0:
0x18: {  	s25 =	smax.u32 s6, $0x1;
	[dreg:$0xe] =	wrdreg s0;
	(pc) =	sbr.rel .LBB2_1-.Ltmp0, $4  }
0x19: {  	[dreg:$0xf] =	wrdreg s25;
	s18 =	sadd.s32 s23, s7;
	s0 =	sadd.s32 $0x7800, s26  }
0x1a: {  	s22 =	simm.s32 $0x3;
	s23 =	simm.s32 $0x400;
	s25 =	simm.s32 $0x800  }
0x1b: {  	s26 =	simm.s32 $0x1;
	s7 =	simm.s32 $0x580;
	s16 =	simm.s32 $0x0  }
0x1c: {  	[dreg:$0x11] =	wrdreg s0;
	s0 =	simm.s32 $0x180;
	s20 =	smov.u32 s18  }
.LBB2_7:
0x1d: {  	s6 =	sadd.s32 s16, s21;
	[sflag:s22] =	ssyncadd.s32 $0xFFFFC000  }
0x1e: {  	[tilespmem:s3], [sflag:$0x3] =	stream.linear.gather [hbm4b:s6+s3], $0x400, $0x38;
	[tilespmem:$0x1C800] =	vst v63  }
0x1f: {  	_ =	swait.ge [sflag:s22], $0x400  }
0x20: {  	[sflag:s22] =	ssyncset.done $0x0  }
0x21: {  	s19 =	sadd.s32 s16, s19;
	[sflag:s22] =	ssyncadd.s32 $0xFFFFFC00  }
0x22: {  	[tilespmem:s23], [sflag:$0x3] =	stream.linear.gather [hbm4b:s19+s3], $0x400, $0x38;
	[tilespmem:$0x1C800] =	vst v63  }
0x23: {  	_ =	swait.ge [sflag:s22], $0x400  }
0x24: {  	[sflag:s22] =	ssyncset.done $0x0  }
0x25: {  	[sflag:s22] =	ssyncadd.s32 $0xFFFFFC00  }
0x26: {  	[tilespmem:s25], [sflag:$0x1] =	stream.indirect.gather [hbm4b:s4+s24], $0x80, s3, s24, $0xb8;
	[tilespmem:$0x1C800] =	vst v63  }
0x27: {  	_ =	swait.ge [sflag:s26], $0x4000  }
0x28: {  	[sflag:s26] =	ssyncset.done $0x0  }
0x29: {  	[sflag:s26] =	ssyncadd.s32 $0xFFFFC000  }
0x2a: {  	[tilespmem:s28], [sflag:$0x2] =	stream.indirect.gather [hbm4b:s4+s24], $0x80, s24, s24, $0xb8;
	[tilespmem:$0x1C800] =	vst v63  }
0x2b: {  	_ = 	snop  }
0x2c: {  	[spmem:s2] =	stream.indirect.scatter.add.f32 [tilespmem:s25], [sflag:$0x3], $0x80, s23, s24, $0xb8;
	[tilespmem:$0x1C800] =	vst v63  }
0x2d: {  	_ =	swait.ge [sflag:s22], $0x4000  }
0x2e: {  	[sflag:s22] =	ssyncset.done $0x0  }
0x2f: {  	[sflag:s22] =	ssyncadd.s32 $0xFFFFC000  }
0x30: {  	_ =	swait.ge [sflag:s29], $0x4000  }
0x31: {  	[sflag:s29] =	ssyncset.done $0x0  }
0x32: {  	[sflag:s29] =	ssyncadd.s32 $0xFFFFC000  }
0x33: {  	[tilespmem:s25], [sflag:$0x1] =	stream.indirect.gather [hbm4b:s4+s24], $0x80, s30, s24, $0xb8;
	[tilespmem:$0x1C800] =	vst v63  }
0x34: {  	_ = 	snop  }
0x35: {  	[spmem:s2] =	stream.indirect.scatter.add.f32 [tilespmem:s28], [sflag:$0x3], $0x80, s31, s24, $0xb8;
	[tilespmem:$0x1C800] =	vst v63  }
0x36: {  	_ =	swait.ge [sflag:s22], $0x4000  }
0x37: {  	[sflag:s22] =	ssyncset.done $0x0  }
0x38: {  	[sflag:s22] =	ssyncadd.s32 $0xFFFFC000  }
0x39: {  	_ =	swait.ge [sflag:s26], $0x4000  }
0x3a: {  	[sflag:s26] =	ssyncset.done $0x0  }
0x3b: {  	[sflag:s26] =	ssyncadd.s32 $0xFFFFC000  }
0x3c: {  	[tilespmem:s28], [sflag:$0x2] =	stream.indirect.gather [hbm4b:s4+s24], $0x80, s0, s24, $0xb8;
	[tilespmem:$0x1C800] =	vst v63  }
0x3d: {  	_ = 	snop  }
0x3e: {  	[spmem:s2] =	stream.indirect.scatter.add.f32 [tilespmem:s25], [sflag:$0x3], $0x80, s1, s24, $0xb8;
	[tilespmem:$0x1C800] =	vst v63  }
0x3f: {  	_ =	swait.ge [sflag:s22], $0x4000  }
0x40: {  	[sflag:s22] =	ssyncset.done $0x0  }
0x41: {  	[sflag:s22] =	ssyncadd.s32 $0xFFFFC000  }
0x42: {  	_ =	swait.ge [sflag:s29], $0x4000  }
0x43: {  	[sflag:s29] =	ssyncset.done $0x0  }
0x44: {  	[sflag:s29] =	ssyncadd.s32 $0xFFFFC000  }
0x45: {  	[tilespmem:s25], [sflag:$0x1] =	stream.indirect.gather [hbm4b:s4+s24], $0x80, s5, s24, $0xb8;
	[tilespmem:$0x1C800] =	vst v63  }
0x46: {  	_ = 	snop  }
0x47: {  	[spmem:s2] =	stream.indirect.scatter.add.f32 [tilespmem:s28], [sflag:$0x3], $0x80, s7, s24, $0xb8;
	[tilespmem:$0x1C800] =	vst v63  }
0x48: {  	_ =	swait.ge [sflag:s22], $0x4000  }
0x49: {  	[sflag:s22] =	ssyncset.done $0x0  }
0x4a: {  	[sflag:s22] =	ssyncadd.s32 $0xFFFFC000  }
0x4b: {  	_ =	swait.ge [sflag:s26], $0x4000  }
0x4c: {  	[sflag:s26] =	ssyncset.done $0x0  }
0x4d: {  	[sflag:s26] =	ssyncadd.s32 $0xFFFFC000  }
0x4e: {  	[tilespmem:s28], [sflag:$0x2] =	stream.indirect.gather [hbm4b:s4+s24], $0x80, s8, s24, $0xb8;
	[tilespmem:$0x1C800] =	vst v63  }
0x4f: {  	_ = 	snop  }
0x50: {  	[spmem:s2] =	stream.indirect.scatter.add.f32 [tilespmem:s25], [sflag:$0x3], $0x80, s9, s24, $0xb8;
	[tilespmem:$0x1C800] =	vst v63  }
0x51: {  	_ =	swait.ge [sflag:s22], $0x4000  }
0x52: {  	[sflag:s22] =	ssyncset.done $0x0  }
0x53: {  	[sflag:s22] =	ssyncadd.s32 $0xFFFFC000  }
0x54: {  	_ =	swait.ge [sflag:s29], $0x4000  }
0x55: {  	[sflag:s29] =	ssyncset.done $0x0  }
0x56: {  	[sflag:s29] =	ssyncadd.s32 $0xFFFFC000  }
0x57: {  	[tilespmem:s25], [sflag:$0x1] =	stream.indirect.gather [hbm4b:s4+s24], $0x80, s10, s24, $0xb8;
	[tilespmem:$0x1C800] =	vst v63  }
0x58: {  	_ = 	snop  }
0x59: {  	[spmem:s2] =	stream.indirect.scatter.add.f32 [tilespmem:s28], [sflag:$0x3], $0x80, s11, s24, $0xb8;
	[tilespmem:$0x1C800] =	vst v63  }
0x5a: {  	_ =	swait.ge [sflag:s22], $0x4000  }
0x5b: {  	[sflag:s22] =	ssyncset.done $0x0  }
0x5c: {  	[sflag:s22] =	ssyncadd.s32 $0xFFFFC000  }
0x5d: {  	_ =	swait.ge [sflag:s26], $0x4000  }
0x5e: {  	[sflag:s26] =	ssyncset.done $0x0  }
0x5f: {  	[sflag:s26] =	ssyncadd.s32 $0xFFFFC000  }
0x60: {  	[tilespmem:s28], [sflag:$0x2] =	stream.indirect.gather [hbm4b:s4+s24], $0x80, s12, s24, $0xb8;
	[tilespmem:$0x1C800] =	vst v63  }
0x61: {  	_ = 	snop  }
0x62: {  	[spmem:s2] =	stream.indirect.scatter.add.f32 [tilespmem:s25], [sflag:$0x3], $0x80, s13, s24, $0xb8;
	[tilespmem:$0x1C800] =	vst v63  }
0x63: {  	_ =	swait.ge [sflag:s22], $0x4000  }
0x64: {  	[sflag:s22] =	ssyncset.done $0x0  }
0x65: {  	[sflag:s22] =	ssyncadd.s32 $0xFFFFC000  }
0x66: {  	_ =	swait.ge [sflag:s29], $0x4000  }
0x67: {  	[sflag:s29] =	ssyncset.done $0x0  }
0x68: {  	[sflag:s29] =	ssyncadd.s32 $0xFFFFC000  }
0x69: {  	[spmem:s2] =	stream.indirect.scatter.add.f32 [tilespmem:s28], [sflag:$0x3], $0x80, s14, s24, $0xb8;
	[tilespmem:$0x1C800] =	vst v63  }
0x6a: {  	_ =	swait.ge [sflag:s22], $0x4000  }
0x6b: {  	[sflag:s22] =	ssyncset.done $0x0;
	s19 =	rddreg [dreg:$0x10]  }
0x6c: {  	s18 =	smov.u32 s20;
	s16 =	rddreg [dreg:$0x12];
	[sflag:s22] =	ssyncadd.s32 $0xFFFFC000  }
.LBB2_8:
0x6d: {  	[bflag:$0x0] =	sbarrier.arrive $0xFFFF  }
0x6e: {  	s15 =	rddreg [dreg:$0x4]  }
0x6f: {  	[tilespmem:s25], [sflag:$0x3] =	stream.linear.gather [spmem:s15], $0x4000, $0x38;
	[tilespmem:$0x1C800] =	vst v63  }
0x70: {  	_ =	swait.ge [sflag:s22], $0x4000  }
0x71: {  	[sflag:s22] =	ssyncset.done $0x0  }
0x72: {  	s6 =	rddreg [dreg:$0x6];
	[sflag:s22] =	ssyncadd.s32 $0xFFFFC000  }
0x73: {  	[hbm4b:s6+s3] =	stream.linear.scatter [tilespmem:s25], [sflag:$0x3], $0x4000, $0x38;
	[tilespmem:$0x1C800] =	vst v63  }
0x74: {  	_ =	swait.ge [sflag:s22], $0x4000  }
0x75: {  	[sflag:s22] =	ssyncset.done $0x0  }
0x76: {  	s17 =	rddreg [dreg:$0x7];
	[sflag:s22] =	ssyncadd.s32 $0xFFFFC000  }
0x77: {  	[tilespmem:s25], [sflag:$0x3] =	stream.linear.gather [spmem:s17], $0x4000, $0x38;
	[tilespmem:$0x1C800] =	vst v63  }
0x78: {  	_ =	swait.ge [sflag:s22], $0x4000  }
0x79: {  	[sflag:s22] =	ssyncset.done $0x0  }
0x7a: {  	s17 =	rddreg [dreg:$0x8];
	[sflag:s22] =	ssyncadd.s32 $0xFFFFC000  }
0x7b: {  	[hbm4b:s17+s3] =	stream.linear.scatter [tilespmem:s25], [sflag:$0x3], $0x4000, $0x38;
	[tilespmem:$0x1C800] =	vst v63  }
0x7c: {  	_ =	swait.ge [sflag:s22], $0x4000  }
0x7d: {  	[sflag:s22] =	ssyncset.done $0x0  }
0x7e: {  	s17 =	rddreg [dreg:$0x9];
	[sflag:s22] =	ssyncadd.s32 $0xFFFFC000  }
0x7f: {  	[tilespmem:s25], [sflag:$0x3] =	stream.linear.gather [spmem:s17], $0x4000, $0x38;
	[tilespmem:$0x1C800] =	vst v63  }
0x80: {  	_ =	swait.ge [sflag:s22], $0x4000  }
0x81: {  	[sflag:s22] =	ssyncset.done $0x0  }
0x82: {  	s17 =	rddreg [dreg:$0xa];
	[sflag:s22] =	ssyncadd.s32 $0xFFFFC000  }
0x83: {  	[hbm4b:s17+s3] =	stream.linear.scatter [tilespmem:s25], [sflag:$0x3], $0x4000, $0x38;
	[tilespmem:$0x1C800] =	vst v63  }
0x84: {  	_ =	swait.ge [sflag:s22], $0x4000  }
0x85: {  	[sflag:s22] =	ssyncset.done $0x0  }
0x86: {  	s17 =	rddreg [dreg:$0xb];
	[sflag:s22] =	ssyncadd.s32 $0xFFFFC000  }
0x87: {  	[tilespmem:s25], [sflag:$0x3] =	stream.linear.gather [spmem:s17], $0x4000, $0x38;
	[tilespmem:$0x1C800] =	vst v63  }
0x88: {  	_ =	swait.ge [sflag:s22], $0x4000  }
0x89: {  	[sflag:s22] =	ssyncset.done $0x0  }
0x8a: {  	s17 =	rddreg [dreg:$0xc];
	[sflag:s22] =	ssyncadd.s32 $0xFFFFC000  }
0x8b: {  	[hbm4b:s17+s3] =	stream.linear.scatter [tilespmem:s25], [sflag:$0x3], $0x4000, $0x38;
	[tilespmem:$0x1C800] =	vst v63  }
0x8c: {  	_ =	swait.ge [sflag:s22], $0x4000  }
0x8d: {  	[sflag:s22] =	ssyncset.done $0x0  }
0x8e: {  	s17 =	rddreg [dreg:$0xd];
	[sflag:s22] =	ssyncadd.s32 $0xFFFFC000  }
0x8f: {  	[tilespmem:s25], [sflag:$0x3] =	stream.linear.gather [spmem:s17], $0x4000, $0x38;
	[tilespmem:$0x1C800] =	vst v63  }
0x90: {  	_ =	swait.ge [sflag:s22], $0x4000  }
0x91: {  	[sflag:s22] =	ssyncset.done $0x0  }
0x92: {  	s17 =	rddreg [dreg:$0xe];
	[sflag:s22] =	ssyncadd.s32 $0xFFFFC000  }
0x93: {  	[hbm4b:s17+s3] =	stream.linear.scatter [tilespmem:s25], [sflag:$0x3], $0x4000, $0x38;
	[tilespmem:$0x1C800] =	vst v63  }
0x94: {  	_ =	swait.ge [sflag:s22], $0x4000  }
0x95: {  	s16 =	sadd.s32 $0x1, s16;
	s17 =	rddreg [dreg:$0xf]  }
0x96: {  	p1 =	sne.s32 s16, s17  }
.Ltmp1:
0x97: {  	_ = 	snop;
	(pc) =	sbr.rel @!p1 .LBB2_9-.Ltmp1, $3  }
0x98: {  	_ =	sdelay $0x1  }
0x99: {  	[sflag:s22] =	ssyncset.done $0x0  }
0x9a: {  	[sflag:s22] =	ssyncadd.s32 $0xFFFFC000  }
.LBB2_1:
0x9b: {  	[dreg:$0x12] =	wrdreg s16  }
0x9c: {  	s16 =	rddreg [dreg:$0x3]  }
0x9d: {  	s6 =	sshrl.u32 s15, $0x3;
	s17 =	rddreg [dreg:$0x5]  }
0x9e: {  	[spmem:s6], [sflag:s17] =	dma.local [hbm:s16], $0x2800  }
.Ltmp2:
0x9f: {  	_ =	swait.ge [sflag:s22], $0x2800;
	(pc) =	sbr.rel @!p0 .LBB2_2-.Ltmp2, $3  }
0xa0: {  	[sflag:s22] =	ssyncset.done $0x0  }
0xa1: {  	[sflag:s22] =	ssyncadd.s32 $0xFFFFD800  }
0xa2: {  	[bflag:$0x0] =	sbarrier.arrive $0xFFFF;
	_ =	sdelay $0x1  }
0xa3: {  	s6 =	sadd.s32 $0x0, s21  }
0xa4: {  	[tilespmem:s3], [sflag:$0x3] =	stream.linear.gather [hbm4b:s6+s3], $0x400, $0x38;
	[tilespmem:$0x1C800] =	vst v63  }
0xa5: {  	_ =	swait.ge [sflag:s22], $0x400  }
0xa6: {  	[sflag:s22] =	ssyncset.done $0x0;
	s19 =	rddreg [dreg:$0x11]  }
0xa7: {  	[sflag:s22] =	ssyncadd.s32 $0xFFFFFC00;
	s18 =	sadd.s32 $0x0, s19  }
0xa8: {  	[tilespmem:s23], [sflag:$0x3] =	stream.linear.gather [hbm4b:s18+s3], $0x400, $0x38;
	[tilespmem:$0x1C800] =	vst v63  }
0xa9: {  	_ =	swait.ge [sflag:s22], $0x400  }
0xaa: {  	[sflag:s22] =	ssyncset.done $0x0  }
0xab: {  	[sflag:s22] =	ssyncadd.s32 $0xFFFFFC00  }
0xac: {  	[tilespmem:s25], [sflag:$0x1] =	stream.indirect.gather [hbm4b:s4+s24], $0x80, s3, s24, $0xb8;
	[tilespmem:$0x1C800] =	vst v63  }
0xad: {  	_ =	swait.ge [sflag:s26], $0x4000  }
0xae: {  	[sflag:s26] =	ssyncset.done $0x0  }
0xaf: {  	[sflag:s26] =	ssyncadd.s32 $0xFFFFC000  }
0xb0: {  	[tilespmem:s28], [sflag:$0x2] =	stream.indirect.gather [hbm4b:s4+s24], $0x80, s24, s24, $0xb8;
	[tilespmem:$0x1C800] =	vst v63  }
0xb1: {  	_ = 	snop  }
0xb2: {  	[spmem:s2] =	stream.indirect.scatter.add.f32 [tilespmem:s25], [sflag:$0x3], $0x80, s23, s24, $0xb8;
	[tilespmem:$0x1C800] =	vst v63  }
0xb3: {  	_ =	swait.ge [sflag:s22], $0x4000  }
0xb4: {  	[sflag:s22] =	ssyncset.done $0x0  }
0xb5: {  	[sflag:s22] =	ssyncadd.s32 $0xFFFFC000  }
0xb6: {  	_ =	swait.ge [sflag:s29], $0x4000  }
0xb7: {  	[sflag:s29] =	ssyncset.done $0x0  }
0xb8: {  	[sflag:s29] =	ssyncadd.s32 $0xFFFFC000  }
0xb9: {  	[tilespmem:s25], [sflag:$0x1] =	stream.indirect.gather [hbm4b:s4+s24], $0x80, s30, s24, $0xb8;
	[tilespmem:$0x1C800] =	vst v63  }
0xba: {  	_ = 	snop  }
0xbb: {  	[spmem:s2] =	stream.indirect.scatter.add.f32 [tilespmem:s28], [sflag:$0x3], $0x80, s31, s24, $0xb8;
	[tilespmem:$0x1C800] =	vst v63  }
0xbc: {  	_ =	swait.ge [sflag:s22], $0x4000  }
0xbd: {  	[sflag:s22] =	ssyncset.done $0x0  }
0xbe: {  	[sflag:s22] =	ssyncadd.s32 $0xFFFFC000  }
0xbf: {  	_ =	swait.ge [sflag:s26], $0x4000  }
0xc0: {  	[sflag:s26] =	ssyncset.done $0x0  }
0xc1: {  	[sflag:s26] =	ssyncadd.s32 $0xFFFFC000  }
0xc2: {  	[tilespmem:s28], [sflag:$0x2] =	stream.indirect.gather [hbm4b:s4+s24], $0x80, s0, s24, $0xb8;
	[tilespmem:$0x1C800] =	vst v63  }
0xc3: {  	_ = 	snop  }
0xc4: {  	[spmem:s2] =	stream.indirect.scatter.add.f32 [tilespmem:s25], [sflag:$0x3], $0x80, s1, s24, $0xb8;
	[tilespmem:$0x1C800] =	vst v63  }
0xc5: {  	_ =	swait.ge [sflag:s22], $0x4000  }
0xc6: {  	[sflag:s22] =	ssyncset.done $0x0  }
0xc7: {  	[sflag:s22] =	ssyncadd.s32 $0xFFFFC000  }
0xc8: {  	_ =	swait.ge [sflag:s29], $0x4000  }
0xc9: {  	[sflag:s29] =	ssyncset.done $0x0  }
0xca: {  	[sflag:s29] =	ssyncadd.s32 $0xFFFFC000  }
0xcb: {  	[tilespmem:s25], [sflag:$0x1] =	stream.indirect.gather [hbm4b:s4+s24], $0x80, s5, s24, $0xb8;
	[tilespmem:$0x1C800] =	vst v63  }
0xcc: {  	_ = 	snop  }
0xcd: {  	[spmem:s2] =	stream.indirect.scatter.add.f32 [tilespmem:s28], [sflag:$0x3], $0x80, s7, s24, $0xb8;
	[tilespmem:$0x1C800] =	vst v63  }
0xce: {  	_ =	swait.ge [sflag:s22], $0x4000  }
0xcf: {  	[sflag:s22] =	ssyncset.done $0x0  }
0xd0: {  	[sflag:s22] =	ssyncadd.s32 $0xFFFFC000  }
0xd1: {  	_ =	swait.ge [sflag:s26], $0x4000  }
0xd2: {  	[sflag:s26] =	ssyncset.done $0x0  }
0xd3: {  	[sflag:s26] =	ssyncadd.s32 $0xFFFFC000  }
0xd4: {  	[tilespmem:s28], [sflag:$0x2] =	stream.indirect.gather [hbm4b:s4+s24], $0x80, s8, s24, $0xb8;
	[tilespmem:$0x1C800] =	vst v63  }
0xd5: {  	_ = 	snop  }
0xd6: {  	[spmem:s2] =	stream.indirect.scatter.add.f32 [tilespmem:s25], [sflag:$0x3], $0x80, s9, s24, $0xb8;
	[tilespmem:$0x1C800] =	vst v63  }
0xd7: {  	_ =	swait.ge [sflag:s22], $0x4000  }
0xd8: {  	[sflag:s22] =	ssyncset.done $0x0  }
0xd9: {  	[sflag:s22] =	ssyncadd.s32 $0xFFFFC000  }
0xda: {  	_ =	swait.ge [sflag:s29], $0x4000  }
0xdb: {  	[sflag:s29] =	ssyncset.done $0x0  }
0xdc: {  	[sflag:s29] =	ssyncadd.s32 $0xFFFFC000  }
0xdd: {  	[tilespmem:s25], [sflag:$0x1] =	stream.indirect.gather [hbm4b:s4+s24], $0x80, s10, s24, $0xb8;
	[tilespmem:$0x1C800] =	vst v63  }
0xde: {  	_ = 	snop  }
0xdf: {  	[spmem:s2] =	stream.indirect.scatter.add.f32 [tilespmem:s28], [sflag:$0x3], $0x80, s11, s24, $0xb8;
	[tilespmem:$0x1C800] =	vst v63  }
0xe0: {  	_ =	swait.ge [sflag:s22], $0x4000  }
0xe1: {  	[sflag:s22] =	ssyncset.done $0x0  }
0xe2: {  	[sflag:s22] =	ssyncadd.s32 $0xFFFFC000  }
0xe3: {  	_ =	swait.ge [sflag:s26], $0x4000  }
0xe4: {  	[sflag:s26] =	ssyncset.done $0x0  }
0xe5: {  	[sflag:s26] =	ssyncadd.s32 $0xFFFFC000  }
0xe6: {  	[tilespmem:s28], [sflag:$0x2] =	stream.indirect.gather [hbm4b:s4+s24], $0x80, s12, s24, $0xb8;
	[tilespmem:$0x1C800] =	vst v63  }
0xe7: {  	_ = 	snop  }
0xe8: {  	[spmem:s2] =	stream.indirect.scatter.add.f32 [tilespmem:s25], [sflag:$0x3], $0x80, s13, s24, $0xb8;
	[tilespmem:$0x1C800] =	vst v63  }
0xe9: {  	_ =	swait.ge [sflag:s22], $0x4000  }
0xea: {  	[sflag:s22] =	ssyncset.done $0x0  }
0xeb: {  	[sflag:s22] =	ssyncadd.s32 $0xFFFFC000  }
0xec: {  	_ =	swait.ge [sflag:s29], $0x4000  }
0xed: {  	[sflag:s29] =	ssyncset.done $0x0  }
0xee: {  	[sflag:s29] =	ssyncadd.s32 $0xFFFFC000  }
0xef: {  	[spmem:s2] =	stream.indirect.scatter.add.f32 [tilespmem:s28], [sflag:$0x3], $0x80, s14, s24, $0xb8;
	[tilespmem:$0x1C800] =	vst v63  }
0xf0: {  	_ =	swait.ge [sflag:s22], $0x4000  }
0xf1: {  	s16 =	simm.s32 $0x80;
	s6 =	simm.s32 $0x100;
	[sflag:s22] =	ssyncset.done $0x0  }
.LBB2_6:
0xf2: {  	s15 =	sadd.s32 s16, s21  }
0xf3: {  	[sflag:s22] =	ssyncadd.s32 $0xFFFFC000;
	s18 =	smov.u32 s6;
	s17 =	sadd.s32 $0x80, s6  }
0xf4: {  	[tilespmem:s3], [sflag:$0x3] =	stream.linear.gather [hbm4b:s15+s3], $0x400, $0x38;
	[tilespmem:$0x1C800] =	vst v63  }
0xf5: {  	p1 =	sne.s32 s6, $0x200;
	_ =	swait.ge [sflag:s22], $0x400  }
0xf6: {  	[sflag:s22] =	ssyncset.done $0x0  }
0xf7: {  	s6 =	sadd.s32 s16, s19;
	s16 =	smov.u32 s18;
	[sflag:s22] =	ssyncadd.s32 $0xFFFFFC00  }
0xf8: {  	[tilespmem:s23], [sflag:$0x3] =	stream.linear.gather [hbm4b:s6+s3], $0x400, $0x38;
	[tilespmem:$0x1C800] =	vst v63  }
0xf9: {  	_ =	swait.ge [sflag:s22], $0x400  }
0xfa: {  	[sflag:s22] =	ssyncset.done $0x0  }
0xfb: {  	[sflag:s22] =	ssyncadd.s32 $0xFFFFFC00  }
0xfc: {  	[tilespmem:s25], [sflag:$0x1] =	stream.indirect.gather [hbm4b:s4+s24], $0x80, s3, s24, $0xb8;
	[tilespmem:$0x1C800] =	vst v63  }
0xfd: {  	_ =	swait.ge [sflag:s26], $0x4000  }
0xfe: {  	[sflag:s26] =	ssyncset.done $0x0  }
0xff: {  	[sflag:s26] =	ssyncadd.s32 $0xFFFFC000  }
0x100: {  	[tilespmem:s28], [sflag:$0x2] =	stream.indirect.gather [hbm4b:s4+s24], $0x80, s24, s24, $0xb8;
	[tilespmem:$0x1C800] =	vst v63  }
0x101: {  	_ = 	snop  }
0x102: {  	[spmem:s2] =	stream.indirect.scatter.add.f32 [tilespmem:s25], [sflag:$0x3], $0x80, s23, s24, $0xb8;
	[tilespmem:$0x1C800] =	vst v63  }
0x103: {  	_ =	swait.ge [sflag:s22], $0x4000  }
0x104: {  	[sflag:s22] =	ssyncset.done $0x0  }
0x105: {  	[sflag:s22] =	ssyncadd.s32 $0xFFFFC000  }
0x106: {  	_ =	swait.ge [sflag:s29], $0x4000  }
0x107: {  	[sflag:s29] =	ssyncset.done $0x0  }
0x108: {  	[sflag:s29] =	ssyncadd.s32 $0xFFFFC000  }
0x109: {  	[tilespmem:s25], [sflag:$0x1] =	stream.indirect.gather [hbm4b:s4+s24], $0x80, s30, s24, $0xb8;
	[tilespmem:$0x1C800] =	vst v63  }
0x10a: {  	_ = 	snop  }
0x10b: {  	[spmem:s2] =	stream.indirect.scatter.add.f32 [tilespmem:s28], [sflag:$0x3], $0x80, s31, s24, $0xb8;
	[tilespmem:$0x1C800] =	vst v63  }
0x10c: {  	_ =	swait.ge [sflag:s22], $0x4000  }
0x10d: {  	[sflag:s22] =	ssyncset.done $0x0  }
0x10e: {  	[sflag:s22] =	ssyncadd.s32 $0xFFFFC000  }
0x10f: {  	_ =	swait.ge [sflag:s26], $0x4000  }
0x110: {  	[sflag:s26] =	ssyncset.done $0x0  }
0x111: {  	[sflag:s26] =	ssyncadd.s32 $0xFFFFC000  }
0x112: {  	[tilespmem:s28], [sflag:$0x2] =	stream.indirect.gather [hbm4b:s4+s24], $0x80, s0, s24, $0xb8;
	[tilespmem:$0x1C800] =	vst v63  }
0x113: {  	_ = 	snop  }
0x114: {  	[spmem:s2] =	stream.indirect.scatter.add.f32 [tilespmem:s25], [sflag:$0x3], $0x80, s1, s24, $0xb8;
	[tilespmem:$0x1C800] =	vst v63  }
0x115: {  	_ =	swait.ge [sflag:s22], $0x4000  }
0x116: {  	[sflag:s22] =	ssyncset.done $0x0  }
0x117: {  	[sflag:s22] =	ssyncadd.s32 $0xFFFFC000  }
0x118: {  	_ =	swait.ge [sflag:s29], $0x4000  }
0x119: {  	[sflag:s29] =	ssyncset.done $0x0  }
0x11a: {  	[sflag:s29] =	ssyncadd.s32 $0xFFFFC000  }
0x11b: {  	[tilespmem:s25], [sflag:$0x1] =	stream.indirect.gather [hbm4b:s4+s24], $0x80, s5, s24, $0xb8;
	[tilespmem:$0x1C800] =	vst v63  }
0x11c: {  	_ = 	snop  }
0x11d: {  	[spmem:s2] =	stream.indirect.scatter.add.f32 [tilespmem:s28], [sflag:$0x3], $0x80, s7, s24, $0xb8;
	[tilespmem:$0x1C800] =	vst v63  }
0x11e: {  	_ =	swait.ge [sflag:s22], $0x4000  }
0x11f: {  	[sflag:s22] =	ssyncset.done $0x0  }
0x120: {  	[sflag:s22] =	ssyncadd.s32 $0xFFFFC000  }
0x121: {  	_ =	swait.ge [sflag:s26], $0x4000  }
0x122: {  	[sflag:s26] =	ssyncset.done $0x0  }
0x123: {  	[sflag:s26] =	ssyncadd.s32 $0xFFFFC000  }
0x124: {  	[tilespmem:s28], [sflag:$0x2] =	stream.indirect.gather [hbm4b:s4+s24], $0x80, s8, s24, $0xb8;
	[tilespmem:$0x1C800] =	vst v63  }
0x125: {  	_ = 	snop  }
0x126: {  	[spmem:s2] =	stream.indirect.scatter.add.f32 [tilespmem:s25], [sflag:$0x3], $0x80, s9, s24, $0xb8;
	[tilespmem:$0x1C800] =	vst v63  }
0x127: {  	_ =	swait.ge [sflag:s22], $0x4000  }
0x128: {  	[sflag:s22] =	ssyncset.done $0x0  }
0x129: {  	[sflag:s22] =	ssyncadd.s32 $0xFFFFC000  }
0x12a: {  	_ =	swait.ge [sflag:s29], $0x4000  }
0x12b: {  	[sflag:s29] =	ssyncset.done $0x0  }
0x12c: {  	[sflag:s29] =	ssyncadd.s32 $0xFFFFC000  }
0x12d: {  	[tilespmem:s25], [sflag:$0x1] =	stream.indirect.gather [hbm4b:s4+s24], $0x80, s10, s24, $0xb8;
	[tilespmem:$0x1C800] =	vst v63  }
0x12e: {  	_ = 	snop  }
0x12f: {  	[spmem:s2] =	stream.indirect.scatter.add.f32 [tilespmem:s28], [sflag:$0x3], $0x80, s11, s24, $0xb8;
	[tilespmem:$0x1C800] =	vst v63  }
0x130: {  	_ =	swait.ge [sflag:s22], $0x4000  }
0x131: {  	[sflag:s22] =	ssyncset.done $0x0  }
0x132: {  	[sflag:s22] =	ssyncadd.s32 $0xFFFFC000  }
0x133: {  	_ =	swait.ge [sflag:s26], $0x4000  }
0x134: {  	[sflag:s26] =	ssyncset.done $0x0  }
0x135: {  	[sflag:s26] =	ssyncadd.s32 $0xFFFFC000  }
0x136: {  	[tilespmem:s28], [sflag:$0x2] =	stream.indirect.gather [hbm4b:s4+s24], $0x80, s12, s24, $0xb8;
	[tilespmem:$0x1C800] =	vst v63  }
0x137: {  	_ = 	snop  }
0x138: {  	[spmem:s2] =	stream.indirect.scatter.add.f32 [tilespmem:s25], [sflag:$0x3], $0x80, s13, s24, $0xb8;
	[tilespmem:$0x1C800] =	vst v63  }
0x139: {  	_ =	swait.ge [sflag:s22], $0x4000  }
0x13a: {  	[sflag:s22] =	ssyncset.done $0x0  }
0x13b: {  	[sflag:s22] =	ssyncadd.s32 $0xFFFFC000  }
0x13c: {  	_ =	swait.ge [sflag:s29], $0x4000  }
.Ltmp3:
0x13d: {  	[sflag:s29] =	ssyncset.done $0x0;
	(pc) =	sbr.rel @p1 .LBB2_6-.Ltmp3, $4  }
0x13e: {  	[sflag:s29] =	ssyncadd.s32 $0xFFFFC000  }
0x13f: {  	[spmem:s2] =	stream.indirect.scatter.add.f32 [tilespmem:s28], [sflag:$0x3], $0x80, s14, s24, $0xb8;
	[tilespmem:$0x1C800] =	vst v63  }
0x140: {  	_ =	swait.ge [sflag:s22], $0x4000  }
0x141: {  	s6 =	smov.u32 s17;
	[sflag:s22] =	ssyncset.done $0x0  }
.Ltmp4:
0x142: {  	_ = 	snop;
	(pc) =	sbr.rel .LBB2_7-.Ltmp4, $1  }
0x143: {  	_ =	sdelay $0x3  }
.LBB2_2:
0x144: {  	s6 =	sadd.s32 $0x0, s18  }
0x145: {  	[tilespmem:s3], [sflag:$0x3] =	stream.linear.gather [hbm4b:s6+s3], $0x400, $0x38;
	[tilespmem:$0x1C800] =	vst v63  }
0x146: {  	_ =	swait.ge [sflag:s22], $0x400  }
0x147: {  	[sflag:s22] =	ssyncset.done $0x0  }
0x148: {  	s17 =	sadd.s32 $0x0, s19;
	[sflag:s22] =	ssyncadd.s32 $0xFFFFFC00  }
0x149: {  	[tilespmem:s23], [sflag:$0x3] =	stream.linear.gather [hbm4b:s17+s3], $0x400, $0x38;
	[tilespmem:$0x1C800] =	vst v63  }
0x14a: {  	_ =	swait.ge [sflag:s22], $0x400  }
0x14b: {  	[sflag:s22] =	ssyncset.done $0x0  }
0x14c: {  	[sflag:s22] =	ssyncadd.s32 $0xFFFFFC00  }
0x14d: {  	[tilespmem:s25], [sflag:$0x1] =	stream.indirect.gather [hbm4b:s4+s24], $0x80, s3, s24, $0xb8;
	[tilespmem:$0x1C800] =	vst v63  }
0x14e: {  	_ =	swait.ge [sflag:s26], $0x4000  }
0x14f: {  	[sflag:s26] =	ssyncset.done $0x0  }
0x150: {  	[sflag:s26] =	ssyncadd.s32 $0xFFFFC000  }
0x151: {  	[tilespmem:s28], [sflag:$0x2] =	stream.indirect.gather [hbm4b:s4+s24], $0x80, s24, s24, $0xb8;
	[tilespmem:$0x1C800] =	vst v63  }
0x152: {  	_ = 	snop  }
0x153: {  	[spmem:s2] =	stream.indirect.scatter.add.f32 [tilespmem:s25], [sflag:$0x3], $0x80, s23, s24, $0xb8;
	[tilespmem:$0x1C800] =	vst v63  }
0x154: {  	_ =	swait.ge [sflag:s22], $0x4000  }
0x155: {  	[sflag:s22] =	ssyncset.done $0x0  }
0x156: {  	[sflag:s22] =	ssyncadd.s32 $0xFFFFC000  }
0x157: {  	_ =	swait.ge [sflag:s29], $0x4000  }
0x158: {  	[sflag:s29] =	ssyncset.done $0x0  }
0x159: {  	[sflag:s29] =	ssyncadd.s32 $0xFFFFC000  }
0x15a: {  	[tilespmem:s25], [sflag:$0x1] =	stream.indirect.gather [hbm4b:s4+s24], $0x80, s30, s24, $0xb8;
	[tilespmem:$0x1C800] =	vst v63  }
0x15b: {  	_ = 	snop  }
0x15c: {  	[spmem:s2] =	stream.indirect.scatter.add.f32 [tilespmem:s28], [sflag:$0x3], $0x80, s31, s24, $0xb8;
	[tilespmem:$0x1C800] =	vst v63  }
0x15d: {  	_ =	swait.ge [sflag:s22], $0x4000  }
0x15e: {  	[sflag:s22] =	ssyncset.done $0x0  }
0x15f: {  	[sflag:s22] =	ssyncadd.s32 $0xFFFFC000  }
0x160: {  	_ =	swait.ge [sflag:s26], $0x4000  }
0x161: {  	[sflag:s26] =	ssyncset.done $0x0  }
0x162: {  	[sflag:s26] =	ssyncadd.s32 $0xFFFFC000  }
0x163: {  	[tilespmem:s28], [sflag:$0x2] =	stream.indirect.gather [hbm4b:s4+s24], $0x80, s0, s24, $0xb8;
	[tilespmem:$0x1C800] =	vst v63  }
0x164: {  	_ = 	snop  }
0x165: {  	[spmem:s2] =	stream.indirect.scatter.add.f32 [tilespmem:s25], [sflag:$0x3], $0x80, s1, s24, $0xb8;
	[tilespmem:$0x1C800] =	vst v63  }
0x166: {  	_ =	swait.ge [sflag:s22], $0x4000  }
0x167: {  	[sflag:s22] =	ssyncset.done $0x0  }
0x168: {  	[sflag:s22] =	ssyncadd.s32 $0xFFFFC000  }
0x169: {  	_ =	swait.ge [sflag:s29], $0x4000  }
0x16a: {  	[sflag:s29] =	ssyncset.done $0x0  }
0x16b: {  	[sflag:s29] =	ssyncadd.s32 $0xFFFFC000  }
0x16c: {  	[tilespmem:s25], [sflag:$0x1] =	stream.indirect.gather [hbm4b:s4+s24], $0x80, s5, s24, $0xb8;
	[tilespmem:$0x1C800] =	vst v63  }
0x16d: {  	_ = 	snop  }
0x16e: {  	[spmem:s2] =	stream.indirect.scatter.add.f32 [tilespmem:s28], [sflag:$0x3], $0x80, s7, s24, $0xb8;
	[tilespmem:$0x1C800] =	vst v63  }
0x16f: {  	_ =	swait.ge [sflag:s22], $0x4000  }
0x170: {  	[sflag:s22] =	ssyncset.done $0x0  }
0x171: {  	[sflag:s22] =	ssyncadd.s32 $0xFFFFC000  }
0x172: {  	_ =	swait.ge [sflag:s26], $0x4000  }
0x173: {  	[sflag:s26] =	ssyncset.done $0x0  }
0x174: {  	[sflag:s26] =	ssyncadd.s32 $0xFFFFC000  }
0x175: {  	[tilespmem:s28], [sflag:$0x2] =	stream.indirect.gather [hbm4b:s4+s24], $0x80, s8, s24, $0xb8;
	[tilespmem:$0x1C800] =	vst v63  }
0x176: {  	_ = 	snop  }
0x177: {  	[spmem:s2] =	stream.indirect.scatter.add.f32 [tilespmem:s25], [sflag:$0x3], $0x80, s9, s24, $0xb8;
	[tilespmem:$0x1C800] =	vst v63  }
0x178: {  	_ =	swait.ge [sflag:s22], $0x4000  }
0x179: {  	[sflag:s22] =	ssyncset.done $0x0  }
0x17a: {  	[sflag:s22] =	ssyncadd.s32 $0xFFFFC000  }
0x17b: {  	_ =	swait.ge [sflag:s29], $0x4000  }
0x17c: {  	[sflag:s29] =	ssyncset.done $0x0  }
0x17d: {  	[sflag:s29] =	ssyncadd.s32 $0xFFFFC000  }
0x17e: {  	[tilespmem:s25], [sflag:$0x1] =	stream.indirect.gather [hbm4b:s4+s24], $0x80, s10, s24, $0xb8;
	[tilespmem:$0x1C800] =	vst v63  }
0x17f: {  	_ = 	snop  }
0x180: {  	[spmem:s2] =	stream.indirect.scatter.add.f32 [tilespmem:s28], [sflag:$0x3], $0x80, s11, s24, $0xb8;
	[tilespmem:$0x1C800] =	vst v63  }
0x181: {  	_ =	swait.ge [sflag:s22], $0x4000  }
0x182: {  	[sflag:s22] =	ssyncset.done $0x0  }
0x183: {  	[sflag:s22] =	ssyncadd.s32 $0xFFFFC000  }
0x184: {  	_ =	swait.ge [sflag:s26], $0x4000  }
0x185: {  	[sflag:s26] =	ssyncset.done $0x0  }
0x186: {  	[sflag:s26] =	ssyncadd.s32 $0xFFFFC000  }
0x187: {  	[tilespmem:s28], [sflag:$0x2] =	stream.indirect.gather [hbm4b:s4+s24], $0x80, s12, s24, $0xb8;
	[tilespmem:$0x1C800] =	vst v63  }
0x188: {  	_ = 	snop  }
0x189: {  	[spmem:s2] =	stream.indirect.scatter.add.f32 [tilespmem:s25], [sflag:$0x3], $0x80, s13, s24, $0xb8;
	[tilespmem:$0x1C800] =	vst v63  }
0x18a: {  	_ =	swait.ge [sflag:s22], $0x4000  }
0x18b: {  	[sflag:s22] =	ssyncset.done $0x0  }
0x18c: {  	[sflag:s22] =	ssyncadd.s32 $0xFFFFC000  }
0x18d: {  	_ =	swait.ge [sflag:s29], $0x4000  }
0x18e: {  	[sflag:s29] =	ssyncset.done $0x0  }
0x18f: {  	[sflag:s29] =	ssyncadd.s32 $0xFFFFC000  }
0x190: {  	[spmem:s2] =	stream.indirect.scatter.add.f32 [tilespmem:s28], [sflag:$0x3], $0x80, s14, s24, $0xb8;
	[tilespmem:$0x1C800] =	vst v63  }
0x191: {  	_ =	swait.ge [sflag:s22], $0x4000  }
0x192: {  	s16 =	simm.s32 $0x80;
	s17 =	simm.s32 $0x100;
	[sflag:s22] =	ssyncset.done $0x0  }
.LBB2_3:
0x193: {  	s15 =	sadd.s32 s16, s18  }
0x194: {  	[sflag:s22] =	ssyncadd.s32 $0xFFFFC000;
	s18 =	smov.u32 s17;
	s6 =	sadd.s32 $0x80, s17  }
0x195: {  	[tilespmem:s3], [sflag:$0x3] =	stream.linear.gather [hbm4b:s15+s3], $0x400, $0x38;
	[tilespmem:$0x1C800] =	vst v63  }
0x196: {  	p1 =	seq.s32 s17, $0x700;
	_ =	swait.ge [sflag:s22], $0x400  }
0x197: {  	s15 =	sadd.s32 s16, s19;
	[sflag:s22] =	ssyncset.done $0x0  }
0x198: {  	s16 =	smov.u32 s18;
	s18 =	smov.u32 s20;
	[sflag:s22] =	ssyncadd.s32 $0xFFFFFC00  }
0x199: {  	[tilespmem:s23], [sflag:$0x3] =	stream.linear.gather [hbm4b:s15+s3], $0x400, $0x38;
	[tilespmem:$0x1C800] =	vst v63  }
0x19a: {  	_ =	swait.ge [sflag:s22], $0x400  }
0x19b: {  	[sflag:s22] =	ssyncset.done $0x0  }
0x19c: {  	[sflag:s22] =	ssyncadd.s32 $0xFFFFFC00  }
0x19d: {  	[tilespmem:s25], [sflag:$0x1] =	stream.indirect.gather [hbm4b:s4+s24], $0x80, s3, s24, $0xb8;
	[tilespmem:$0x1C800] =	vst v63  }
0x19e: {  	_ =	swait.ge [sflag:s26], $0x4000  }
0x19f: {  	[sflag:s26] =	ssyncset.done $0x0  }
0x1a0: {  	[sflag:s26] =	ssyncadd.s32 $0xFFFFC000  }
0x1a1: {  	[tilespmem:s28], [sflag:$0x2] =	stream.indirect.gather [hbm4b:s4+s24], $0x80, s24, s24, $0xb8;
	[tilespmem:$0x1C800] =	vst v63  }
0x1a2: {  	_ = 	snop  }
0x1a3: {  	[spmem:s2] =	stream.indirect.scatter.add.f32 [tilespmem:s25], [sflag:$0x3], $0x80, s23, s24, $0xb8;
	[tilespmem:$0x1C800] =	vst v63  }
0x1a4: {  	_ =	swait.ge [sflag:s22], $0x4000  }
0x1a5: {  	[sflag:s22] =	ssyncset.done $0x0  }
0x1a6: {  	[sflag:s22] =	ssyncadd.s32 $0xFFFFC000  }
0x1a7: {  	_ =	swait.ge [sflag:s29], $0x4000  }
0x1a8: {  	[sflag:s29] =	ssyncset.done $0x0  }
0x1a9: {  	[sflag:s29] =	ssyncadd.s32 $0xFFFFC000  }
0x1aa: {  	[tilespmem:s25], [sflag:$0x1] =	stream.indirect.gather [hbm4b:s4+s24], $0x80, s30, s24, $0xb8;
	[tilespmem:$0x1C800] =	vst v63  }
0x1ab: {  	_ = 	snop  }
0x1ac: {  	[spmem:s2] =	stream.indirect.scatter.add.f32 [tilespmem:s28], [sflag:$0x3], $0x80, s31, s24, $0xb8;
	[tilespmem:$0x1C800] =	vst v63  }
0x1ad: {  	_ =	swait.ge [sflag:s22], $0x4000  }
0x1ae: {  	[sflag:s22] =	ssyncset.done $0x0  }
0x1af: {  	[sflag:s22] =	ssyncadd.s32 $0xFFFFC000  }
0x1b0: {  	_ =	swait.ge [sflag:s26], $0x4000  }
0x1b1: {  	[sflag:s26] =	ssyncset.done $0x0  }
0x1b2: {  	[sflag:s26] =	ssyncadd.s32 $0xFFFFC000  }
0x1b3: {  	[tilespmem:s28], [sflag:$0x2] =	stream.indirect.gather [hbm4b:s4+s24], $0x80, s0, s24, $0xb8;
	[tilespmem:$0x1C800] =	vst v63  }
0x1b4: {  	_ = 	snop  }
0x1b5: {  	[spmem:s2] =	stream.indirect.scatter.add.f32 [tilespmem:s25], [sflag:$0x3], $0x80, s1, s24, $0xb8;
	[tilespmem:$0x1C800] =	vst v63  }
0x1b6: {  	_ =	swait.ge [sflag:s22], $0x4000  }
0x1b7: {  	[sflag:s22] =	ssyncset.done $0x0  }
0x1b8: {  	[sflag:s22] =	ssyncadd.s32 $0xFFFFC000  }
0x1b9: {  	_ =	swait.ge [sflag:s29], $0x4000  }
0x1ba: {  	[sflag:s29] =	ssyncset.done $0x0  }
0x1bb: {  	[sflag:s29] =	ssyncadd.s32 $0xFFFFC000  }
0x1bc: {  	[tilespmem:s25], [sflag:$0x1] =	stream.indirect.gather [hbm4b:s4+s24], $0x80, s5, s24, $0xb8;
	[tilespmem:$0x1C800] =	vst v63  }
0x1bd: {  	_ = 	snop  }
0x1be: {  	[spmem:s2] =	stream.indirect.scatter.add.f32 [tilespmem:s28], [sflag:$0x3], $0x80, s7, s24, $0xb8;
	[tilespmem:$0x1C800] =	vst v63  }
0x1bf: {  	_ =	swait.ge [sflag:s22], $0x4000  }
0x1c0: {  	[sflag:s22] =	ssyncset.done $0x0  }
0x1c1: {  	[sflag:s22] =	ssyncadd.s32 $0xFFFFC000  }
0x1c2: {  	_ =	swait.ge [sflag:s26], $0x4000  }
0x1c3: {  	[sflag:s26] =	ssyncset.done $0x0  }
0x1c4: {  	[sflag:s26] =	ssyncadd.s32 $0xFFFFC000  }
0x1c5: {  	[tilespmem:s28], [sflag:$0x2] =	stream.indirect.gather [hbm4b:s4+s24], $0x80, s8, s24, $0xb8;
	[tilespmem:$0x1C800] =	vst v63  }
0x1c6: {  	_ = 	snop  }
0x1c7: {  	[spmem:s2] =	stream.indirect.scatter.add.f32 [tilespmem:s25], [sflag:$0x3], $0x80, s9, s24, $0xb8;
	[tilespmem:$0x1C800] =	vst v63  }
0x1c8: {  	_ =	swait.ge [sflag:s22], $0x4000  }
0x1c9: {  	[sflag:s22] =	ssyncset.done $0x0  }
0x1ca: {  	[sflag:s22] =	ssyncadd.s32 $0xFFFFC000  }
0x1cb: {  	_ =	swait.ge [sflag:s29], $0x4000  }
0x1cc: {  	[sflag:s29] =	ssyncset.done $0x0  }
0x1cd: {  	[sflag:s29] =	ssyncadd.s32 $0xFFFFC000  }
0x1ce: {  	[tilespmem:s25], [sflag:$0x1] =	stream.indirect.gather [hbm4b:s4+s24], $0x80, s10, s24, $0xb8;
	[tilespmem:$0x1C800] =	vst v63  }
0x1cf: {  	_ = 	snop  }
0x1d0: {  	[spmem:s2] =	stream.indirect.scatter.add.f32 [tilespmem:s28], [sflag:$0x3], $0x80, s11, s24, $0xb8;
	[tilespmem:$0x1C800] =	vst v63  }
0x1d1: {  	_ =	swait.ge [sflag:s22], $0x4000  }
0x1d2: {  	[sflag:s22] =	ssyncset.done $0x0  }
0x1d3: {  	[sflag:s22] =	ssyncadd.s32 $0xFFFFC000  }
0x1d4: {  	_ =	swait.ge [sflag:s26], $0x4000  }
0x1d5: {  	[sflag:s26] =	ssyncset.done $0x0  }
0x1d6: {  	[sflag:s26] =	ssyncadd.s32 $0xFFFFC000  }
0x1d7: {  	[tilespmem:s28], [sflag:$0x2] =	stream.indirect.gather [hbm4b:s4+s24], $0x80, s12, s24, $0xb8;
	[tilespmem:$0x1C800] =	vst v63  }
0x1d8: {  	_ = 	snop  }
0x1d9: {  	[spmem:s2] =	stream.indirect.scatter.add.f32 [tilespmem:s25], [sflag:$0x3], $0x80, s13, s24, $0xb8;
	[tilespmem:$0x1C800] =	vst v63  }
0x1da: {  	_ =	swait.ge [sflag:s22], $0x4000  }
0x1db: {  	[sflag:s22] =	ssyncset.done $0x0  }
0x1dc: {  	[sflag:s22] =	ssyncadd.s32 $0xFFFFC000  }
0x1dd: {  	_ =	swait.ge [sflag:s29], $0x4000  }
.Ltmp5:
0x1de: {  	[sflag:s29] =	ssyncset.done $0x0;
	(pc) =	sbr.rel @!p1 .LBB2_3-.Ltmp5, $4  }
0x1df: {  	[sflag:s29] =	ssyncadd.s32 $0xFFFFC000  }
0x1e0: {  	[spmem:s2] =	stream.indirect.scatter.add.f32 [tilespmem:s28], [sflag:$0x3], $0x80, s14, s24, $0xb8;
	[tilespmem:$0x1C800] =	vst v63  }
0x1e1: {  	_ =	swait.ge [sflag:s22], $0x4000  }
0x1e2: {  	s17 =	smov.u32 s6;
	[sflag:s22] =	ssyncset.done $0x0  }
0x1e3: {  	s6 =	sadd.s32 s16, s18;
	[sflag:s22] =	ssyncadd.s32 $0xFFFFC000  }
0x1e4: {  	[tilespmem:s3], [sflag:$0x3] =	stream.linear.gather [hbm4b:s6+s3], $0x400, $0x38;
	[tilespmem:$0x1C800] =	vst v63  }
0x1e5: {  	_ =	swait.ge [sflag:s22], $0x400  }
0x1e6: {  	[sflag:s22] =	ssyncset.done $0x0  }
0x1e7: {  	s17 =	sadd.s32 s16, s19;
	[sflag:s22] =	ssyncadd.s32 $0xFFFFFC00  }
0x1e8: {  	[tilespmem:s23], [sflag:$0x3] =	stream.linear.gather [hbm4b:s17+s3], $0x400, $0x38;
	[tilespmem:$0x1C800] =	vst v63  }
0x1e9: {  	_ =	swait.ge [sflag:s22], $0x400  }
0x1ea: {  	[sflag:s22] =	ssyncset.done $0x0  }
0x1eb: {  	[sflag:s22] =	ssyncadd.s32 $0xFFFFFC00  }
0x1ec: {  	[tilespmem:s25], [sflag:$0x1] =	stream.indirect.gather [hbm4b:s4+s24], $0x80, s3, s24, $0xb8;
	[tilespmem:$0x1C800] =	vst v63  }
0x1ed: {  	_ =	swait.ge [sflag:s26], $0x4000  }
0x1ee: {  	[sflag:s26] =	ssyncset.done $0x0  }
0x1ef: {  	[sflag:s26] =	ssyncadd.s32 $0xFFFFC000  }
0x1f0: {  	[tilespmem:s28], [sflag:$0x2] =	stream.indirect.gather [hbm4b:s4+s24], $0x80, s24, s24, $0xb8;
	[tilespmem:$0x1C800] =	vst v63  }
0x1f1: {  	_ = 	snop  }
0x1f2: {  	[spmem:s2] =	stream.indirect.scatter.add.f32 [tilespmem:s25], [sflag:$0x3], $0x80, s23, s24, $0xb8;
	[tilespmem:$0x1C800] =	vst v63  }
0x1f3: {  	_ =	swait.ge [sflag:s22], $0x4000  }
0x1f4: {  	[sflag:s22] =	ssyncset.done $0x0  }
0x1f5: {  	[sflag:s22] =	ssyncadd.s32 $0xFFFFC000  }
0x1f6: {  	_ =	swait.ge [sflag:s29], $0x4000  }
0x1f7: {  	[sflag:s29] =	ssyncset.done $0x0  }
0x1f8: {  	[sflag:s29] =	ssyncadd.s32 $0xFFFFC000  }
0x1f9: {  	[tilespmem:s25], [sflag:$0x1] =	stream.indirect.gather [hbm4b:s4+s24], $0x80, s30, s24, $0xb8;
	[tilespmem:$0x1C800] =	vst v63  }
0x1fa: {  	_ = 	snop  }
0x1fb: {  	[spmem:s2] =	stream.indirect.scatter.add.f32 [tilespmem:s28], [sflag:$0x3], $0x80, s31, s24, $0xb8;
	[tilespmem:$0x1C800] =	vst v63  }
0x1fc: {  	_ =	swait.ge [sflag:s22], $0x4000  }
0x1fd: {  	[sflag:s22] =	ssyncset.done $0x0  }
0x1fe: {  	[sflag:s22] =	ssyncadd.s32 $0xFFFFC000  }
0x1ff: {  	_ =	swait.ge [sflag:s26], $0x4000  }
0x200: {  	[sflag:s26] =	ssyncset.done $0x0  }
0x201: {  	[sflag:s26] =	ssyncadd.s32 $0xFFFFC000  }
0x202: {  	[tilespmem:s28], [sflag:$0x2] =	stream.indirect.gather [hbm4b:s4+s24], $0x80, s0, s24, $0xb8;
	[tilespmem:$0x1C800] =	vst v63  }
0x203: {  	_ = 	snop  }
0x204: {  	[spmem:s2] =	stream.indirect.scatter.add.f32 [tilespmem:s25], [sflag:$0x3], $0x80, s1, s24, $0xb8;
	[tilespmem:$0x1C800] =	vst v63  }
0x205: {  	_ =	swait.ge [sflag:s22], $0x4000  }
0x206: {  	[sflag:s22] =	ssyncset.done $0x0  }
0x207: {  	[sflag:s22] =	ssyncadd.s32 $0xFFFFC000  }
0x208: {  	_ =	swait.ge [sflag:s29], $0x4000  }
0x209: {  	[sflag:s29] =	ssyncset.done $0x0  }
0x20a: {  	[sflag:s29] =	ssyncadd.s32 $0xFFFFC000  }
0x20b: {  	[tilespmem:s25], [sflag:$0x1] =	stream.indirect.gather [hbm4b:s4+s24], $0x80, s5, s24, $0xb8;
	[tilespmem:$0x1C800] =	vst v63  }
0x20c: {  	_ = 	snop  }
0x20d: {  	[spmem:s2] =	stream.indirect.scatter.add.f32 [tilespmem:s28], [sflag:$0x3], $0x80, s7, s24, $0xb8;
	[tilespmem:$0x1C800] =	vst v63  }
0x20e: {  	_ =	swait.ge [sflag:s22], $0x4000  }
0x20f: {  	[sflag:s22] =	ssyncset.done $0x0  }
0x210: {  	[sflag:s22] =	ssyncadd.s32 $0xFFFFC000  }
0x211: {  	_ =	swait.ge [sflag:s26], $0x4000  }
0x212: {  	[sflag:s26] =	ssyncset.done $0x0  }
0x213: {  	[sflag:s26] =	ssyncadd.s32 $0xFFFFC000  }
0x214: {  	[tilespmem:s28], [sflag:$0x2] =	stream.indirect.gather [hbm4b:s4+s24], $0x80, s8, s24, $0xb8;
	[tilespmem:$0x1C800] =	vst v63  }
0x215: {  	_ = 	snop  }
0x216: {  	[spmem:s2] =	stream.indirect.scatter.add.f32 [tilespmem:s25], [sflag:$0x3], $0x80, s9, s24, $0xb8;
	[tilespmem:$0x1C800] =	vst v63  }
0x217: {  	_ =	swait.ge [sflag:s22], $0x4000  }
0x218: {  	[sflag:s22] =	ssyncset.done $0x0  }
0x219: {  	[sflag:s22] =	ssyncadd.s32 $0xFFFFC000  }
0x21a: {  	_ =	swait.ge [sflag:s29], $0x4000  }
0x21b: {  	[sflag:s29] =	ssyncset.done $0x0  }
0x21c: {  	[sflag:s29] =	ssyncadd.s32 $0xFFFFC000  }
0x21d: {  	[tilespmem:s25], [sflag:$0x1] =	stream.indirect.gather [hbm4b:s4+s24], $0x80, s10, s24, $0xb8;
	[tilespmem:$0x1C800] =	vst v63  }
0x21e: {  	_ = 	snop  }
0x21f: {  	[spmem:s2] =	stream.indirect.scatter.add.f32 [tilespmem:s28], [sflag:$0x3], $0x80, s11, s24, $0xb8;
	[tilespmem:$0x1C800] =	vst v63  }
0x220: {  	_ =	swait.ge [sflag:s22], $0x4000  }
0x221: {  	[sflag:s22] =	ssyncset.done $0x0  }
0x222: {  	[sflag:s22] =	ssyncadd.s32 $0xFFFFC000  }
0x223: {  	_ =	swait.ge [sflag:s26], $0x4000  }
0x224: {  	[sflag:s26] =	ssyncset.done $0x0  }
0x225: {  	[sflag:s26] =	ssyncadd.s32 $0xFFFFC000  }
0x226: {  	[tilespmem:s28], [sflag:$0x2] =	stream.indirect.gather [hbm4b:s4+s24], $0x80, s12, s24, $0xb8;
	[tilespmem:$0x1C800] =	vst v63  }
0x227: {  	_ = 	snop  }
0x228: {  	[spmem:s2] =	stream.indirect.scatter.add.f32 [tilespmem:s25], [sflag:$0x3], $0x80, s13, s24, $0xb8;
	[tilespmem:$0x1C800] =	vst v63  }
0x229: {  	_ =	swait.ge [sflag:s22], $0x4000  }
0x22a: {  	[sflag:s22] =	ssyncset.done $0x0  }
0x22b: {  	[sflag:s22] =	ssyncadd.s32 $0xFFFFC000  }
0x22c: {  	_ =	swait.ge [sflag:s29], $0x4000  }
0x22d: {  	[sflag:s29] =	ssyncset.done $0x0  }
.Ltmp6:
0x22e: {  	[sflag:s29] =	ssyncadd.s32 $0xFFFFC000;
	(pc) =	sbr.rel .LBB2_8-.Ltmp6, $4  }
0x22f: {  	[spmem:s2] =	stream.indirect.scatter.add.f32 [tilespmem:s28], [sflag:$0x3], $0x80, s14, s24, $0xb8;
	[tilespmem:$0x1C800] =	vst v63  }
0x230: {  	_ =	swait.ge [sflag:s22], $0x4000  }
0x231: {  	[sflag:s22] =	ssyncset.done $0x0  }
0x232: {  	s16 =	rddreg [dreg:$0x12];
	[sflag:s22] =	ssyncadd.s32 $0xFFFFC000  }
.LBB2_9:
0x233: {  	_ =	sfence.sel $0x180000  }
0x234: {  	[bflag:$0x0] =	sbarrier.arrive $0xFFFF  }
0x235: {  	_ =	strace $0x9000004D  }
0x236: {  	s0 =	stileid.u32;
	[bflag:$0x2] =	sbarrier.arrive $0xFFFF  }
0x237: {  	p0 =	sne.s32 s0, $0x0;
	s0 =	rddreg [dreg:$0x2]  }
0x238: {  	s0 =	sadd.s32 @!p0 $0x100000, s0  }
0x239: {  	[sflag:s0] =	ssyncadd.tile.s32 @!p0 $0x1;
	_ =	shalt  }
.Lfunc_end2:
_tile_overlayer_lowered:
.L_overlay_start_2:
0x23a: {  	(tag) =	ssettag $0x2  }
0x23b: {  	s0 =	rddreg [dreg:$0x0];
	s2 =	stileid.u32  }
0x23c: {  	s1 =	rddreg [dreg:$0x1];
	p0 =	sne.s32 s2, $0x0  }
0x23d: {  	s3 =	rddreg [dreg:$0x2];
	[bflag:$0x3] =	sbarrier.arrive $0xFFFF;
	s2 =	simm.s32 @!p0 $0x1C03  }
0x23e: {  	[timem:s3], [sflag:s2] =	dma.local @!p0 [hbm:s0], s1  }
0x23f: {  	s0 =	simm.s32 @!p0 $0x3  }
0x240: {  	_ =	swait.ge @!p0 [sflag:s0], s1  }
0x241: {  	s1 =	ssub.s32 @!p0 $0x0, s1;
	[sflag:s0] =	ssyncset.done @!p0 $0x0  }
0x242: {  	[sflag:s0] =	ssyncadd.s32 @!p0 s1  }
0x243: {  	[bflag:$0x3] =	sbarrier.arrive $0xFFFF  }
0x244: {  	_ =	shalt  }

// kernel: kernel.8.cloned.1.call-start
scs
__scs_entry_jumppad:
0x0: {  	(pc) =	sbr.rel $0x88, $3  }
0x1: {  	(tag) =	ssettag $0x0;
	lr =	simm.s32 $0x1  }
0x2: {  	[smem:$0x3F88] =	sst lr;
	_ =	strace $0xD0000000  }
0x3: {  	_ = 	snop  }
0x4: {  	_ = 	snop  }
0x5: {  	_ = 	snop  }
0x6: {  	_ = 	snop  }
0x7: {  	_ = 	snop  }
__scs_overlays_trampoline_lowered:
0x8: {  	[smem:$0x3F97] =	sst s0  }
0x9: {  	[smem:$0x3F98] =	sst s1  }
0xa: {  	[smem:$0x3F99] =	sst s2  }
0xb: {  	[smem:$0x3F9A] =	sst s3  }
0xc: {  	[smem:$0x3F9B] =	sst s4  }
0xd: {  	[smem:$0x3F9C] =	sst s5  }
0xe: {  	[smem:$0x3F9D] =	sst s6  }
0xf: {  	[smem:$0x3F9E] =	sst s7  }
0x10: {  	[smem:$0x3F9F] =	sst s8  }
0x11: {  	[smem:$0x3FA0] =	sst s9;
	s0 =	simm.s32 @!p0 $0x0  }
0x12: {  	s1 =	sld [smem:$0x3F86];
	s0 =	simm.s32 @p0 $0x1  }
0x13: {  	[smem:$0x3FA1] =	sst s0;
	s0 =	simm.s32 @!p1 $0x0  }
0x14: {  	s2 =	sld [smem:$0x3F85];
	s0 =	simm.s32 @p1 $0x1  }
0x15: {  	[smem:$0x3FA2] =	sst s0;
	s0 =	simm.s32 @!p2 $0x0  }
0x16: {  	s3 =	sld [smem:$0x3FDB];
	s0 =	simm.s32 @p2 $0x1  }
0x17: {  	s4 =	simm.s32 $0x1BF5;
	[smem:$0x3FA4] =	sst s0  }
0x18: {  	s0 =	sld [smem:$0x3F87];
	_ =	swait.ge [sflag:s4], $0x0  }
0x19: {  	s7 =	sld [smem:$0x3F88]  }
0x1a: {  	s8 =	sadd.s32 $0xFFFFE003, lr  }
0x1b: {  	s9 =	sadd.s32 $0xFFFFFEF7, lr;
	s5 =	simm.s32 $0xFFFFFFFF;
	p2 =	slt.u32 s8, $0xFFFFF086  }
0x1c: {  	p1 =	slt.u32 s9, $0xF7A;
	s5 =	simm.s32 @!p2 $0x0  }
0x1d: {  	s5 =	simm.s32 @p1 $0x1;
	p0 =	seq.s32 s7, s2  }
0x1e: {  	s7 =	smul.u32 @!p0 $0xF7A, s2;
	p2 =	seq.s32 @!p0 s5, $0x0  }
0x1f: {  	s9 =	smul.u32 $0xF7A, s1;
	s8 =	simm.s32 @!p0 $0x1BF5;
	p2 =	por !p2, p0  }
0x20: {  	[sflag:s8] =	ssyncset.s32 @!p0 $0xFFFFF086;
	s6 =	sadd.s32 @!p0 s3, s7;
	s7 =	simm.s32 @!p0 $0x108  }
0x21: {  	s3 =	sadd.s32 s3, s9;
	s6 =	sadd.s32 @!p0 $0x88, s6;
	s7 =	simm.s32 @p2 $0x1082  }
0x22: {  	[simem:s7], [sflag:s8] =	dma.local @!p0 [hbm:s6], $0xF7A  }
0x23: {  	s9 =	sor.u32 $0xD0000000, s2;
	s6 =	simm.s32 $0x108;
	_ =	swait.ge @!p0 [sflag:s8], $0x0  }
0x24: {  	s3 =	sadd.s32 $0x88, s3;
	s6 =	simm.s32 @!p1 $0x1082;
	[sflag:s4] =	ssyncset.s32 $0xFFFFF086  }
0x25: {  	[simem:s6], [sflag:s4] =	dma.local [hbm:s3], $0xF7A  }
0x26: {  	[smem:$0x3F88] =	sst s1;
	(tag) =	ssettag s2;
	_ =	strace s9  }
0x27: {  	s1 =	sld [smem:$0x3F98]  }
0x28: {  	s2 =	sld [smem:$0x3F99]  }
0x29: {  	s4 =	sld [smem:$0x3F9B]  }
0x2a: {  	p0 =	seq.s32 s5, $0x0;
	s5 =	sld [smem:$0x3F9C]  }
0x2b: {  	s6 =	sld [smem:$0x3F9D]  }
0x2c: {  	s7 =	sld [smem:$0x3F9E]  }
0x2d: {  	s3 =	simm.s32 $0x108;
	s8 =	sld [smem:$0x3F9F]  }
0x2e: {  	s3 =	simm.s32 @!p0 $0x1082;
	s9 =	sld [smem:$0x3FA0]  }
0x2f: {  	lr =	sadd.s32 s0, s3;
	s0 =	sld [smem:$0x3F97]  }
0x30: {  	s3 =	sld [smem:$0x3F9A]  }
0x31: {  	[smem:$0x3FA3] =	sst s10  }
0x32: {  	s10 =	sld [smem:$0x3FA1];
	_ =	sdelay $0x3  }
0x33: {  	p0 =	seq.s32 s10, $0x1;
	s10 =	sld [smem:$0x3FA3];
	_ =	sdelay $0x3  }
0x34: {  	[smem:$0x3FA3] =	sst s10  }
0x35: {  	s10 =	sld [smem:$0x3FA2];
	_ =	sdelay $0x3  }
0x36: {  	p1 =	seq.s32 s10, $0x1;
	s10 =	sld [smem:$0x3FA3];
	_ =	sdelay $0x3  }
0x37: {  	[smem:$0x3FA3] =	sst s10  }
0x38: {  	s10 =	sld [smem:$0x3FA4]  }
0x39: {  	_ = 	snop;
	(pc) =	sbr.ind lr, $3  }
0x3a: {  	_ = 	snop  }
0x3b: {  	_ = 	snop  }
0x3c: {  	p2 =	seq.s32 s10, $0x1;
	s10 =	sld [smem:$0x3FA3]  }
0x3d: {  	_ =	shalt  }
0x3e: {  	_ =	shalt  }
0x3f: {  	_ =	shalt  }
0x40: {  	_ =	shalt  }
0x41: {  	_ =	shalt  }
0x42: {  	_ =	shalt  }
0x43: {  	_ =	shalt  }
0x44: {  	_ =	shalt  }
0x45: {  	_ =	shalt  }
0x46: {  	_ =	shalt  }
0x47: {  	_ =	shalt  }
0x48: {  	_ =	shalt  }
0x49: {  	_ =	shalt  }
0x4a: {  	_ =	shalt  }
0x4b: {  	_ =	shalt  }
0x4c: {  	_ =	shalt  }
0x4d: {  	_ =	shalt  }
0x4e: {  	_ =	shalt  }
0x4f: {  	_ =	shalt  }
0x50: {  	_ =	shalt  }
0x51: {  	_ =	shalt  }
0x52: {  	_ =	shalt  }
0x53: {  	_ =	shalt  }
0x54: {  	_ =	shalt  }
0x55: {  	_ =	shalt  }
0x56: {  	_ =	shalt  }
0x57: {  	_ =	shalt  }
0x58: {  	_ =	shalt  }
0x59: {  	_ =	shalt  }
0x5a: {  	_ =	shalt  }
0x5b: {  	_ =	shalt  }
0x5c: {  	_ =	shalt  }
0x5d: {  	_ =	shalt  }
0x5e: {  	_ =	shalt  }
0x5f: {  	_ =	shalt  }
0x60: {  	_ =	shalt  }
0x61: {  	_ =	shalt  }
0x62: {  	_ =	shalt  }
0x63: {  	_ =	shalt  }
0x64: {  	_ =	shalt  }
0x65: {  	_ =	shalt  }
0x66: {  	_ =	shalt  }
0x67: {  	_ =	shalt  }
0x68: {  	_ =	shalt  }
0x69: {  	_ =	shalt  }
0x6a: {  	_ =	shalt  }
0x6b: {  	_ =	shalt  }
0x6c: {  	_ =	shalt  }
0x6d: {  	_ =	shalt  }
0x6e: {  	_ =	shalt  }
0x6f: {  	_ =	shalt  }
0x70: {  	_ =	shalt  }
0x71: {  	_ =	shalt  }
0x72: {  	_ =	shalt  }
0x73: {  	_ =	shalt  }
0x74: {  	_ =	shalt  }
0x75: {  	_ =	shalt  }
0x76: {  	_ =	shalt  }
0x77: {  	_ =	shalt  }
0x78: {  	_ =	shalt  }
0x79: {  	_ =	shalt  }
0x7a: {  	_ =	shalt  }
0x7b: {  	_ =	shalt  }
0x7c: {  	_ =	shalt  }
0x7d: {  	_ =	shalt  }
0x7e: {  	_ =	shalt  }
0x7f: {  	_ =	shalt  }
0x80: {  	_ =	shalt  }
0x81: {  	_ =	shalt  }
0x82: {  	_ =	shalt  }
0x83: {  	_ =	shalt  }
0x84: {  	_ =	shalt  }
0x85: {  	_ =	shalt  }
0x86: {  	_ =	shalt  }
0x87: {  	_ =	shalt  }
.Lfunc_end0:
.L_simem_size_0:
called_computation_lowered:
.L_overlay_start_0:
0x88: {  	s2 =	sld [smem:$0x3FD9]  }
0x89: {  	s3 =	sld [smem:$0x3FFE];
	_ =	sdelay $0x1  }
0x8a: {  	s1 =	srdreg.scid  }
0x8b: {  	s0 =	sand.u32 $0x1, s1  }
0x8c: {  	s16 =	sshll.u32 s0, $0xA;
	s2 =	sadd.s32 s3, s2  }
0x8d: {  	s2 =	sadd.s32 s2, s16  }
0x8e: {  	[smem:$0x3FAF] =	sst s2  }
0x8f: {  	_ = 	snop  }
0x90: {  	(tm) =	ssettm $0x1  }
0x91: {  	s17 =	sld [smem:$0x3FFB];
	_ =	sdelay $0x3  }
0x92: {  	_ =	strace s17  }
0x93: {  	s2 =	sld [smem:$0x3FFC];
	_ =	sdelay $0x3  }
0x94: {  	_ =	strace s2  }
0x95: {  	s2 =	sld [smem:$0x3FFD];
	_ =	sdelay $0x3  }
0x96: {  	_ =	strace s2  }
0x97: {  	_ =	strace $0x8FFFFFFF  }
0x98: {  	s18 =	sld [smem:$0x3FDB];
	_ =	sdelay $0x1  }
0x99: {  	s19 =	simm.s32 $_scs_section_size  }
0x9a: {  	s4 =	simm.s32 $_size__tile_overlayer_lowered;
	s5 =	simm.s32 $_tile_overlayer_lowered  }
0x9b: {  	s22 =	simm.s32 $0x1BFF;
	s21 =	sshll.u32 s5, $0x1;
	s2 =	sadd.s32 s19, s18  }
0x9c: {  	s6 =	simm.s32 $0x0;
	s20 =	sshll.u32 s4, $0x1;
	s4 =	sadd.s32 s21, s2  }
0x9d: {  	[timem:s6], [sflag:s22] =	dma.local [hbm:s4], s20  }
0x9e: {  	_ =	swait.ge [sflag:s22], s20  }
0x9f: {  	s3 =	ssub.s32 $0x0, s20;
	[sflag:s22] =	ssyncset.done $0x0  }
0xa0: {  	[sflag:s22] =	ssyncadd.s32 s3;
	_ =	sdelay $0x1  }
0xa1: {  	s23 =	simm.s32 $0x1B8B  }
0xa2: {  	_ =	swait.ge [sflag:s23], $0x1  }
0xa3: {  	[sflag:s23] =	ssyncset.done $0x0  }
0xa4: {  	s25 =	simm.s32 $0x1B8E;
	s24 =	sld [smem:$0x3FFE];
	[sflag:s23] =	ssyncadd.s32 $0xFFFFFFFF  }
0xa5: {  	s26 =	simm.s32 $execute0_lowered;
	[smem:$0x3FD2] =	sst s25  }
0xa6: {  	s4 =	sshll.u32 s26, $0x1;
	_ =	strace $0x80000046;
	[dreg:$0x1] =	wrdreg $0xFFFFFFFF  }
0xa7: {  	s28 =	simm.s32 $_size_execute0_lowered;
	s2 =	sadd.s32 s2, s4;
	[dreg:$0x0] =	wrdreg $0x0  }
0xa8: {  	s4 =	sshll.u32 s28, $0x1;
	[dreg:$0x2] =	wrdreg s2  }
0xa9: {  	[dreg:$0x3] =	wrdreg s4  }
0xaa: {  	[dreg:$0x4] =	wrdreg $0xC0  }
0xab: {  	_ =	task [dreg:s6], $0x5FFFF  }
0xac: {  	[dreg:$0x1] =	wrdreg $0xFFFFFFFF  }
0xad: {  	[dreg:$0x0] =	wrdreg $0x60  }
0xae: {  	[dreg:$0x2] =	wrdreg s24  }
0xaf: {  	[dreg:$0x3] =	wrdreg $0x88000  }
0xb0: {  	[dreg:$0x4] =	wrdreg $0x9  }
0xb1: {  	_ =	task.clear_ibuf [dreg:s6], $0x5FFFF;
	_ =	strace $0x90000046  }
0xb2: {  	s29 =	simm.s32 $0x9;
	_ =	strace $0x80000048  }
0xb3: {  	_ =	swait.ge [sflag:s29], $0x1  }
0xb4: {  	[sflag:s29] =	ssyncadd.s32 $0xFFFFFFFF  }
0xb5: {  	_ =	strace $0x90000048  }
0xb6: {  	_ =	sfence  }
0xb7: {  	s30 =	sld [smem:$0x0];
	_ =	sdelay $0x2  }
0xb8: {  	s31 =	sshll.u32 s1, $0xD;
	s1 =	sshrl.u32 s1, $0x2  }
0xb9: {  	s3 =	sand.u32 $0x4000, s31;
	s1 =	sadd.s32 s1, s30  }
0xba: {  	s0 =	sor.u32 s3, s0;
	s1 =	sshll.u32 s1, $0x11  }
0xbb: {  	s0 =	sor.u32 s1, s0  }
0xbc: {  	s0 =	sadd.s32 $0x8F2B, s0  }
0xbd: {  	[sflag:s0] =	ssyncadd.remote.s32 $0x1  }
0xbe: {  	_ =	sfence.sel $0xFFFF  }
0xbf: {  	[dreg:$0x0] =	wrdreg $0xFFFFFFFF;
	(pc) =	sbr.abs _section_cstart, $3  }
0xc0: {  	[dreg:$0x1] =	wrdreg $0xFFFFFFFF  }
0xc1: {  	_ =	task.clear_ibuf [dreg:s6], $0x2FFFF;
	_ =	strace $0x9FFFFFFF  }
0xc2: {  	(tm) =	ssettm $0x7FFFFFFF  }
0xc3: {  	_ =	shalt  }
tec
execute0_lowered:
.L_overlay_start_1:
0x0: {  	(tag) =	ssettag $0x1  }
0x1: {  	s0 =	rddreg [dreg:$0x0]  }
0x2: {  	s2 =	rddreg [dreg:$0x1];
	s1 =	srdreg.scid  }
0x3: {  	s12 =	stileid.u32;
	s3 =	simm.s32 $0x0;
	s28 =	simm.s32 $0x4800  }
0x4: {  	s29 =	simm.s32 $0x2;
	s30 =	simm.s32 $0x100;
	s31 =	simm.s32 $0x480  }
0x5: {  	s1 =	sand.u32 $0x1, s1;
	s5 =	smul.u32 $0x280, s12;
	[smem:$0x7FF] =	sst s3  }
0x6: {  	s4 =	sadd.s32 $0x4A00, s0;
	s7 =	sadd.s32 $0x36A00, s0;
	s9 =	smul.u32 $0x50000, s12  }
0x7: {  	s8 =	sadd.s32 $0x2CA00, s0;
	s10 =	sadd.s32 $0x40A00, s0;
	s23 =	smul.u32 $0x780, s12  }
0x8: {  	s11 =	sshll.u32 s12, $0x6;
	s12 =	simm.s32 $0x380;
	s6 =	smul.u32 $0x2800, s1  }
0x9: {  	_ =	strace $0x80000047;
	[dreg:$0x3] =	wrdreg s10;
	s10 =	ssub.s32 $0x2, s1  }
0xa: {  	s14 =	sor.u32 $0x1C03, s11;
	p0 =	seq.s32 s1, $0x1;
	s1 =	simm.s32 $0x500  }
0xb: {  	s11 =	simm.s32 $0x680;
	s13 =	sshrl.u32 s10, $0x1;
	s9 =	sshrl.u32 s9, $0x2  }
0xc: {  	[dreg:$0x5] =	wrdreg s14;
	s26 =	sadd.s32 s5, s8;
	s14 =	simm.s32 $0x780  }
0xd: {  	s6 =	sadd.s32 s5, s6;
	s15 =	sadd.s32 s9, s2;
	s5 =	sadd.s32 s5, s7  }
0xe: {  	s9 =	simm.s32 $0x600;
	s17 =	sadd.s32 $0x4000, s15;
	[dreg:$0x4] =	wrdreg s15  }
0xf: {  	s6 =	sshll.u32 s6, $0x4;
	s19 =	sadd.s32 $0x8000, s15;
	[dreg:$0x7] =	wrdreg s17  }
0x10: {  	s21 =	sadd.s32 $0xC000, s15;
	s24 =	sadd.s32 $0x10000, s15;
	[dreg:$0x9] =	wrdreg s19  }
0x11: {  	s0 =	sadd.s32 s6, s0;
	s6 =	ssub.s32 s10, s13;
	[dreg:$0xb] =	wrdreg s21  }
0x12: {  	[dreg:$0xd] =	wrdreg s24;
	s19 =	sadd.s32 s23, s8;
	s21 =	sadd.s32 $0x7800, s5  }
0x13: {  	s24 =	simm.s32 $0x80;
	s16 =	sadd.s32 $0x43200, s0;
	[dreg:$0x10] =	wrdreg s19  }
0x14: {  	s5 =	simm.s32 $0x200;
	s18 =	sadd.s32 $0x43A00, s0;
	[dreg:$0x6] =	wrdreg s16  }
0x15: {  	s8 =	simm.s32 $0x280;
	s20 =	sadd.s32 $0x44200, s0;
	[dreg:$0x8] =	wrdreg s18  }
0x16: {  	s10 =	simm.s32 $0x300;
	s22 =	sadd.s32 $0x44A00, s0;
	[dreg:$0xa] =	wrdreg s20  }
0x17: {  	s13 =	simm.s32 $0x700;
	s0 =	sadd.s32 $0x45200, s0;
	[dreg:$0xc] =	wrdreg s22  }
.Ltmp0:
0x18: {  	s25 =	smax.u32 s6, $0x1;
	[dreg:$0xe] =	wrdreg s0;
	(pc) =	sbr.rel .LBB2_1-.Ltmp0, $4  }
0x19: {  	[dreg:$0xf] =	wrdreg s25;
	s18 =	sadd.s32 s23, s7;
	s0 =	sadd.s32 $0x7800, s26  }
0x1a: {  	s22 =	simm.s32 $0x3;
	s23 =	simm.s32 $0x400;
	s25 =	simm.s32 $0x800  }
0x1b: {  	s26 =	simm.s32 $0x1;
	s7 =	simm.s32 $0x580;
	s16 =	simm.s32 $0x0  }
0x1c: {  	[dreg:$0x11] =	wrdreg s0;
	s0 =	simm.s32 $0x180;
	s20 =	smov.u32 s18  }
.LBB2_7:
0x1d: {  	s6 =	sadd.s32 s16, s21;
	[sflag:s22] =	ssyncadd.s32 $0xFFFFC000  }
0x1e: {  	[tilespmem:s3], [sflag:$0x3] =	stream.linear.gather [hbm4b:s6+s3], $0x400, $0x38;
	[tilespmem:$0x1C800] =	vst v63  }
0x1f: {  	_ =	swait.ge [sflag:s22], $0x400  }
0x20: {  	[sflag:s22] =	ssyncset.done $0x0  }
0x21: {  	s19 =	sadd.s32 s16, s19;
	[sflag:s22] =	ssyncadd.s32 $0xFFFFFC00  }
0x22: {  	[tilespmem:s23], [sflag:$0x3] =	stream.linear.gather [hbm4b:s19+s3], $0x400, $0x38;
	[tilespmem:$0x1C800] =	vst v63  }
0x23: {  	_ =	swait.ge [sflag:s22], $0x400  }
0x24: {  	[sflag:s22] =	ssyncset.done $0x0  }
0x25: {  	[sflag:s22] =	ssyncadd.s32 $0xFFFFFC00  }
0x26: {  	[tilespmem:s25], [sflag:$0x1] =	stream.indirect.gather [hbm4b:s4+s24], $0x80, s3, s24, $0xb8;
	[tilespmem:$0x1C800] =	vst v63  }
0x27: {  	_ =	swait.ge [sflag:s26], $0x4000  }
0x28: {  	[sflag:s26] =	ssyncset.done $0x0  }
0x29: {  	[sflag:s26] =	ssyncadd.s32 $0xFFFFC000  }
0x2a: {  	[tilespmem:s28], [sflag:$0x2] =	stream.indirect.gather [hbm4b:s4+s24], $0x80, s24, s24, $0xb8;
	[tilespmem:$0x1C800] =	vst v63  }
0x2b: {  	_ = 	snop  }
0x2c: {  	[spmem:s2] =	stream.indirect.scatter.add.f32 [tilespmem:s25], [sflag:$0x3], $0x80, s23, s24, $0xb8;
	[tilespmem:$0x1C800] =	vst v63  }
0x2d: {  	_ =	swait.ge [sflag:s22], $0x4000  }
0x2e: {  	[sflag:s22] =	ssyncset.done $0x0  }
0x2f: {  	[sflag:s22] =	ssyncadd.s32 $0xFFFFC000  }
0x30: {  	_ =	swait.ge [sflag:s29], $0x4000  }
0x31: {  	[sflag:s29] =	ssyncset.done $0x0  }
0x32: {  	[sflag:s29] =	ssyncadd.s32 $0xFFFFC000  }
0x33: {  	[tilespmem:s25], [sflag:$0x1] =	stream.indirect.gather [hbm4b:s4+s24], $0x80, s30, s24, $0xb8;
	[tilespmem:$0x1C800] =	vst v63  }
0x34: {  	_ = 	snop  }
0x35: {  	[spmem:s2] =	stream.indirect.scatter.add.f32 [tilespmem:s28], [sflag:$0x3], $0x80, s31, s24, $0xb8;
	[tilespmem:$0x1C800] =	vst v63  }
0x36: {  	_ =	swait.ge [sflag:s22], $0x4000  }
0x37: {  	[sflag:s22] =	ssyncset.done $0x0  }
0x38: {  	[sflag:s22] =	ssyncadd.s32 $0xFFFFC000  }
0x39: {  	_ =	swait.ge [sflag:s26], $0x4000  }
0x3a: {  	[sflag:s26] =	ssyncset.done $0x0  }
0x3b: {  	[sflag:s26] =	ssyncadd.s32 $0xFFFFC000  }
0x3c: {  	[tilespmem:s28], [sflag:$0x2] =	stream.indirect.gather [hbm4b:s4+s24], $0x80, s0, s24, $0xb8;
	[tilespmem:$0x1C800] =	vst v63  }
0x3d: {  	_ = 	snop  }
0x3e: {  	[spmem:s2] =	stream.indirect.scatter.add.f32 [tilespmem:s25], [sflag:$0x3], $0x80, s1, s24, $0xb8;
	[tilespmem:$0x1C800] =	vst v63  }
0x3f: {  	_ =	swait.ge [sflag:s22], $0x4000  }
0x40: {  	[sflag:s22] =	ssyncset.done $0x0  }
0x41: {  	[sflag:s22] =	ssyncadd.s32 $0xFFFFC000  }
0x42: {  	_ =	swait.ge [sflag:s29], $0x4000  }
0x43: {  	[sflag:s29] =	ssyncset.done $0x0  }
0x44: {  	[sflag:s29] =	ssyncadd.s32 $0xFFFFC000  }
0x45: {  	[tilespmem:s25], [sflag:$0x1] =	stream.indirect.gather [hbm4b:s4+s24], $0x80, s5, s24, $0xb8;
	[tilespmem:$0x1C800] =	vst v63  }
0x46: {  	_ = 	snop  }
0x47: {  	[spmem:s2] =	stream.indirect.scatter.add.f32 [tilespmem:s28], [sflag:$0x3], $0x80, s7, s24, $0xb8;
	[tilespmem:$0x1C800] =	vst v63  }
0x48: {  	_ =	swait.ge [sflag:s22], $0x4000  }
0x49: {  	[sflag:s22] =	ssyncset.done $0x0  }
0x4a: {  	[sflag:s22] =	ssyncadd.s32 $0xFFFFC000  }
0x4b: {  	_ =	swait.ge [sflag:s26], $0x4000  }
0x4c: {  	[sflag:s26] =	ssyncset.done $0x0  }
0x4d: {  	[sflag:s26] =	ssyncadd.s32 $0xFFFFC000  }
0x4e: {  	[tilespmem:s28], [sflag:$0x2] =	stream.indirect.gather [hbm4b:s4+s24], $0x80, s8, s24, $0xb8;
	[tilespmem:$0x1C800] =	vst v63  }
0x4f: {  	_ = 	snop  }
0x50: {  	[spmem:s2] =	stream.indirect.scatter.add.f32 [tilespmem:s25], [sflag:$0x3], $0x80, s9, s24, $0xb8;
	[tilespmem:$0x1C800] =	vst v63  }
0x51: {  	_ =	swait.ge [sflag:s22], $0x4000  }
0x52: {  	[sflag:s22] =	ssyncset.done $0x0  }
0x53: {  	[sflag:s22] =	ssyncadd.s32 $0xFFFFC000  }
0x54: {  	_ =	swait.ge [sflag:s29], $0x4000  }
0x55: {  	[sflag:s29] =	ssyncset.done $0x0  }
0x56: {  	[sflag:s29] =	ssyncadd.s32 $0xFFFFC000  }
0x57: {  	[tilespmem:s25], [sflag:$0x1] =	stream.indirect.gather [hbm4b:s4+s24], $0x80, s10, s24, $0xb8;
	[tilespmem:$0x1C800] =	vst v63  }
0x58: {  	_ = 	snop  }
0x59: {  	[spmem:s2] =	stream.indirect.scatter.add.f32 [tilespmem:s28], [sflag:$0x3], $0x80, s11, s24, $0xb8;
	[tilespmem:$0x1C800] =	vst v63  }
0x5a: {  	_ =	swait.ge [sflag:s22], $0x4000  }
0x5b: {  	[sflag:s22] =	ssyncset.done $0x0  }
0x5c: {  	[sflag:s22] =	ssyncadd.s32 $0xFFFFC000  }
0x5d: {  	_ =	swait.ge [sflag:s26], $0x4000  }
0x5e: {  	[sflag:s26] =	ssyncset.done $0x0  }
0x5f: {  	[sflag:s26] =	ssyncadd.s32 $0xFFFFC000  }
0x60: {  	[tilespmem:s28], [sflag:$0x2] =	stream.indirect.gather [hbm4b:s4+s24], $0x80, s12, s24, $0xb8;
	[tilespmem:$0x1C800] =	vst v63  }
0x61: {  	_ = 	snop  }
0x62: {  	[spmem:s2] =	stream.indirect.scatter.add.f32 [tilespmem:s25], [sflag:$0x3], $0x80, s13, s24, $0xb8;
	[tilespmem:$0x1C800] =	vst v63  }
0x63: {  	_ =	swait.ge [sflag:s22], $0x4000  }
0x64: {  	[sflag:s22] =	ssyncset.done $0x0  }
0x65: {  	[sflag:s22] =	ssyncadd.s32 $0xFFFFC000  }
0x66: {  	_ =	swait.ge [sflag:s29], $0x4000  }
0x67: {  	[sflag:s29] =	ssyncset.done $0x0  }
0x68: {  	[sflag:s29] =	ssyncadd.s32 $0xFFFFC000  }
0x69: {  	[spmem:s2] =	stream.indirect.scatter.add.f32 [tilespmem:s28], [sflag:$0x3], $0x80, s14, s24, $0xb8;
	[tilespmem:$0x1C800] =	vst v63  }
0x6a: {  	_ =	swait.ge [sflag:s22], $0x4000  }
0x6b: {  	[sflag:s22] =	ssyncset.done $0x0;
	s19 =	rddreg [dreg:$0x10]  }
0x6c: {  	s18 =	smov.u32 s20;
	s16 =	rddreg [dreg:$0x12];
	[sflag:s22] =	ssyncadd.s32 $0xFFFFC000  }
.LBB2_8:
0x6d: {  	[bflag:$0x0] =	sbarrier.arrive $0xFFFF  }
0x6e: {  	s15 =	rddreg [dreg:$0x4]  }
0x6f: {  	[tilespmem:s25], [sflag:$0x3] =	stream.linear.gather [spmem:s15], $0x4000, $0x38;
	[tilespmem:$0x1C800] =	vst v63  }
0x70: {  	_ =	swait.ge [sflag:s22], $0x4000  }
0x71: {  	[sflag:s22] =	ssyncset.done $0x0  }
0x72: {  	s6 =	rddreg [dreg:$0x6];
	[sflag:s22] =	ssyncadd.s32 $0xFFFFC000  }
0x73: {  	[hbm4b:s6+s3] =	stream.linear.scatter [tilespmem:s25], [sflag:$0x3], $0x4000, $0x38;
	[tilespmem:$0x1C800] =	vst v63  }
0x74: {  	_ =	swait.ge [sflag:s22], $0x4000  }
0x75: {  	[sflag:s22] =	ssyncset.done $0x0  }
0x76: {  	s17 =	rddreg [dreg:$0x7];
	[sflag:s22] =	ssyncadd.s32 $0xFFFFC000  }
0x77: {  	[tilespmem:s25], [sflag:$0x3] =	stream.linear.gather [spmem:s17], $0x4000, $0x38;
	[tilespmem:$0x1C800] =	vst v63  }
0x78: {  	_ =	swait.ge [sflag:s22], $0x4000  }
0x79: {  	[sflag:s22] =	ssyncset.done $0x0  }
0x7a: {  	s17 =	rddreg [dreg:$0x8];
	[sflag:s22] =	ssyncadd.s32 $0xFFFFC000  }
0x7b: {  	[hbm4b:s17+s3] =	stream.linear.scatter [tilespmem:s25], [sflag:$0x3], $0x4000, $0x38;
	[tilespmem:$0x1C800] =	vst v63  }
0x7c: {  	_ =	swait.ge [sflag:s22], $0x4000  }
0x7d: {  	[sflag:s22] =	ssyncset.done $0x0  }
0x7e: {  	s17 =	rddreg [dreg:$0x9];
	[sflag:s22] =	ssyncadd.s32 $0xFFFFC000  }
0x7f: {  	[tilespmem:s25], [sflag:$0x3] =	stream.linear.gather [spmem:s17], $0x4000, $0x38;
	[tilespmem:$0x1C800] =	vst v63  }
0x80: {  	_ =	swait.ge [sflag:s22], $0x4000  }
0x81: {  	[sflag:s22] =	ssyncset.done $0x0  }
0x82: {  	s17 =	rddreg [dreg:$0xa];
	[sflag:s22] =	ssyncadd.s32 $0xFFFFC000  }
0x83: {  	[hbm4b:s17+s3] =	stream.linear.scatter [tilespmem:s25], [sflag:$0x3], $0x4000, $0x38;
	[tilespmem:$0x1C800] =	vst v63  }
0x84: {  	_ =	swait.ge [sflag:s22], $0x4000  }
0x85: {  	[sflag:s22] =	ssyncset.done $0x0  }
0x86: {  	s17 =	rddreg [dreg:$0xb];
	[sflag:s22] =	ssyncadd.s32 $0xFFFFC000  }
0x87: {  	[tilespmem:s25], [sflag:$0x3] =	stream.linear.gather [spmem:s17], $0x4000, $0x38;
	[tilespmem:$0x1C800] =	vst v63  }
0x88: {  	_ =	swait.ge [sflag:s22], $0x4000  }
0x89: {  	[sflag:s22] =	ssyncset.done $0x0  }
0x8a: {  	s17 =	rddreg [dreg:$0xc];
	[sflag:s22] =	ssyncadd.s32 $0xFFFFC000  }
0x8b: {  	[hbm4b:s17+s3] =	stream.linear.scatter [tilespmem:s25], [sflag:$0x3], $0x4000, $0x38;
	[tilespmem:$0x1C800] =	vst v63  }
0x8c: {  	_ =	swait.ge [sflag:s22], $0x4000  }
0x8d: {  	[sflag:s22] =	ssyncset.done $0x0  }
0x8e: {  	s17 =	rddreg [dreg:$0xd];
	[sflag:s22] =	ssyncadd.s32 $0xFFFFC000  }
0x8f: {  	[tilespmem:s25], [sflag:$0x3] =	stream.linear.gather [spmem:s17], $0x4000, $0x38;
	[tilespmem:$0x1C800] =	vst v63  }
0x90: {  	_ =	swait.ge [sflag:s22], $0x4000  }
0x91: {  	[sflag:s22] =	ssyncset.done $0x0  }
0x92: {  	s17 =	rddreg [dreg:$0xe];
	[sflag:s22] =	ssyncadd.s32 $0xFFFFC000  }
0x93: {  	[hbm4b:s17+s3] =	stream.linear.scatter [tilespmem:s25], [sflag:$0x3], $0x4000, $0x38;
	[tilespmem:$0x1C800] =	vst v63  }
0x94: {  	_ =	swait.ge [sflag:s22], $0x4000  }
0x95: {  	s16 =	sadd.s32 $0x1, s16;
	s17 =	rddreg [dreg:$0xf]  }
0x96: {  	p1 =	sne.s32 s16, s17  }
.Ltmp1:
0x97: {  	_ = 	snop;
	(pc) =	sbr.rel @!p1 .LBB2_9-.Ltmp1, $3  }
0x98: {  	_ =	sdelay $0x1  }
0x99: {  	[sflag:s22] =	ssyncset.done $0x0  }
0x9a: {  	[sflag:s22] =	ssyncadd.s32 $0xFFFFC000  }
.LBB2_1:
0x9b: {  	[dreg:$0x12] =	wrdreg s16  }
0x9c: {  	s16 =	rddreg [dreg:$0x3]  }
0x9d: {  	s6 =	sshrl.u32 s15, $0x3;
	s17 =	rddreg [dreg:$0x5]  }
0x9e: {  	[spmem:s6], [sflag:s17] =	dma.local [hbm:s16], $0x2800  }
.Ltmp2:
0x9f: {  	_ =	swait.ge [sflag:s22], $0x2800;
	(pc) =	sbr.rel @!p0 .LBB2_2-.Ltmp2, $3  }
0xa0: {  	[sflag:s22] =	ssyncset.done $0x0  }
0xa1: {  	[sflag:s22] =	ssyncadd.s32 $0xFFFFD800  }
0xa2: {  	[bflag:$0x0] =	sbarrier.arrive $0xFFFF;
	_ =	sdelay $0x1  }
0xa3: {  	s6 =	sadd.s32 $0x0, s21  }
0xa4: {  	[tilespmem:s3], [sflag:$0x3] =	stream.linear.gather [hbm4b:s6+s3], $0x400, $0x38;
	[tilespmem:$0x1C800] =	vst v63  }
0xa5: {  	_ =	swait.ge [sflag:s22], $0x400  }
0xa6: {  	[sflag:s22] =	ssyncset.done $0x0;
	s19 =	rddreg [dreg:$0x11]  }
0xa7: {  	[sflag:s22] =	ssyncadd.s32 $0xFFFFFC00;
	s18 =	sadd.s32 $0x0, s19  }
0xa8: {  	[tilespmem:s23], [sflag:$0x3] =	stream.linear.gather [hbm4b:s18+s3], $0x400, $0x38;
	[tilespmem:$0x1C800] =	vst v63  }
0xa9: {  	_ =	swait.ge [sflag:s22], $0x400  }
0xaa: {  	[sflag:s22] =	ssyncset.done $0x0  }
0xab: {  	[sflag:s22] =	ssyncadd.s32 $0xFFFFFC00  }
0xac: {  	[tilespmem:s25], [sflag:$0x1] =	stream.indirect.gather [hbm4b:s4+s24], $0x80, s3, s24, $0xb8;
	[tilespmem:$0x1C800] =	vst v63  }
0xad: {  	_ =	swait.ge [sflag:s26], $0x4000  }
0xae: {  	[sflag:s26] =	ssyncset.done $0x0  }
0xaf: {  	[sflag:s26] =	ssyncadd.s32 $0xFFFFC000  }
0xb0: {  	[tilespmem:s28], [sflag:$0x2] =	stream.indirect.gather [hbm4b:s4+s24], $0x80, s24, s24, $0xb8;
	[tilespmem:$0x1C800] =	vst v63  }
0xb1: {  	_ = 	snop  }
0xb2: {  	[spmem:s2] =	stream.indirect.scatter.add.f32 [tilespmem:s25], [sflag:$0x3], $0x80, s23, s24, $0xb8;
	[tilespmem:$0x1C800] =	vst v63  }
0xb3: {  	_ =	swait.ge [sflag:s22], $0x4000  }
0xb4: {  	[sflag:s22] =	ssyncset.done $0x0  }
0xb5: {  	[sflag:s22] =	ssyncadd.s32 $0xFFFFC000  }
0xb6: {  	_ =	swait.ge [sflag:s29], $0x4000  }
0xb7: {  	[sflag:s29] =	ssyncset.done $0x0  }
0xb8: {  	[sflag:s29] =	ssyncadd.s32 $0xFFFFC000  }
0xb9: {  	[tilespmem:s25], [sflag:$0x1] =	stream.indirect.gather [hbm4b:s4+s24], $0x80, s30, s24, $0xb8;
	[tilespmem:$0x1C800] =	vst v63  }
0xba: {  	_ = 	snop  }
0xbb: {  	[spmem:s2] =	stream.indirect.scatter.add.f32 [tilespmem:s28], [sflag:$0x3], $0x80, s31, s24, $0xb8;
	[tilespmem:$0x1C800] =	vst v63  }
0xbc: {  	_ =	swait.ge [sflag:s22], $0x4000  }
0xbd: {  	[sflag:s22] =	ssyncset.done $0x0  }
0xbe: {  	[sflag:s22] =	ssyncadd.s32 $0xFFFFC000  }
0xbf: {  	_ =	swait.ge [sflag:s26], $0x4000  }
0xc0: {  	[sflag:s26] =	ssyncset.done $0x0  }
0xc1: {  	[sflag:s26] =	ssyncadd.s32 $0xFFFFC000  }
0xc2: {  	[tilespmem:s28], [sflag:$0x2] =	stream.indirect.gather [hbm4b:s4+s24], $0x80, s0, s24, $0xb8;
	[tilespmem:$0x1C800] =	vst v63  }
0xc3: {  	_ = 	snop  }
0xc4: {  	[spmem:s2] =	stream.indirect.scatter.add.f32 [tilespmem:s25], [sflag:$0x3], $0x80, s1, s24, $0xb8;
	[tilespmem:$0x1C800] =	vst v63  }
0xc5: {  	_ =	swait.ge [sflag:s22], $0x4000  }
0xc6: {  	[sflag:s22] =	ssyncset.done $0x0  }
0xc7: {  	[sflag:s22] =	ssyncadd.s32 $0xFFFFC000  }
0xc8: {  	_ =	swait.ge [sflag:s29], $0x4000  }
0xc9: {  	[sflag:s29] =	ssyncset.done $0x0  }
0xca: {  	[sflag:s29] =	ssyncadd.s32 $0xFFFFC000  }
0xcb: {  	[tilespmem:s25], [sflag:$0x1] =	stream.indirect.gather [hbm4b:s4+s24], $0x80, s5, s24, $0xb8;
	[tilespmem:$0x1C800] =	vst v63  }
0xcc: {  	_ = 	snop  }
0xcd: {  	[spmem:s2] =	stream.indirect.scatter.add.f32 [tilespmem:s28], [sflag:$0x3], $0x80, s7, s24, $0xb8;
	[tilespmem:$0x1C800] =	vst v63  }
0xce: {  	_ =	swait.ge [sflag:s22], $0x4000  }
0xcf: {  	[sflag:s22] =	ssyncset.done $0x0  }
0xd0: {  	[sflag:s22] =	ssyncadd.s32 $0xFFFFC000  }
0xd1: {  	_ =	swait.ge [sflag:s26], $0x4000  }
0xd2: {  	[sflag:s26] =	ssyncset.done $0x0  }
0xd3: {  	[sflag:s26] =	ssyncadd.s32 $0xFFFFC000  }
0xd4: {  	[tilespmem:s28], [sflag:$0x2] =	stream.indirect.gather [hbm4b:s4+s24], $0x80, s8, s24, $0xb8;
	[tilespmem:$0x1C800] =	vst v63  }
0xd5: {  	_ = 	snop  }
0xd6: {  	[spmem:s2] =	stream.indirect.scatter.add.f32 [tilespmem:s25], [sflag:$0x3], $0x80, s9, s24, $0xb8;
	[tilespmem:$0x1C800] =	vst v63  }
0xd7: {  	_ =	swait.ge [sflag:s22], $0x4000  }
0xd8: {  	[sflag:s22] =	ssyncset.done $0x0  }
0xd9: {  	[sflag:s22] =	ssyncadd.s32 $0xFFFFC000  }
0xda: {  	_ =	swait.ge [sflag:s29], $0x4000  }
0xdb: {  	[sflag:s29] =	ssyncset.done $0x0  }
0xdc: {  	[sflag:s29] =	ssyncadd.s32 $0xFFFFC000  }
0xdd: {  	[tilespmem:s25], [sflag:$0x1] =	stream.indirect.gather [hbm4b:s4+s24], $0x80, s10, s24, $0xb8;
	[tilespmem:$0x1C800] =	vst v63  }
0xde: {  	_ = 	snop  }
0xdf: {  	[spmem:s2] =	stream.indirect.scatter.add.f32 [tilespmem:s28], [sflag:$0x3], $0x80, s11, s24, $0xb8;
	[tilespmem:$0x1C800] =	vst v63  }
0xe0: {  	_ =	swait.ge [sflag:s22], $0x4000  }
0xe1: {  	[sflag:s22] =	ssyncset.done $0x0  }
0xe2: {  	[sflag:s22] =	ssyncadd.s32 $0xFFFFC000  }
0xe3: {  	_ =	swait.ge [sflag:s26], $0x4000  }
0xe4: {  	[sflag:s26] =	ssyncset.done $0x0  }
0xe5: {  	[sflag:s26] =	ssyncadd.s32 $0xFFFFC000  }
0xe6: {  	[tilespmem:s28], [sflag:$0x2] =	stream.indirect.gather [hbm4b:s4+s24], $0x80, s12, s24, $0xb8;
	[tilespmem:$0x1C800] =	vst v63  }
0xe7: {  	_ = 	snop  }
0xe8: {  	[spmem:s2] =	stream.indirect.scatter.add.f32 [tilespmem:s25], [sflag:$0x3], $0x80, s13, s24, $0xb8;
	[tilespmem:$0x1C800] =	vst v63  }
0xe9: {  	_ =	swait.ge [sflag:s22], $0x4000  }
0xea: {  	[sflag:s22] =	ssyncset.done $0x0  }
0xeb: {  	[sflag:s22] =	ssyncadd.s32 $0xFFFFC000  }
0xec: {  	_ =	swait.ge [sflag:s29], $0x4000  }
0xed: {  	[sflag:s29] =	ssyncset.done $0x0  }
0xee: {  	[sflag:s29] =	ssyncadd.s32 $0xFFFFC000  }
0xef: {  	[spmem:s2] =	stream.indirect.scatter.add.f32 [tilespmem:s28], [sflag:$0x3], $0x80, s14, s24, $0xb8;
	[tilespmem:$0x1C800] =	vst v63  }
0xf0: {  	_ =	swait.ge [sflag:s22], $0x4000  }
0xf1: {  	s16 =	simm.s32 $0x80;
	s6 =	simm.s32 $0x100;
	[sflag:s22] =	ssyncset.done $0x0  }
.LBB2_6:
0xf2: {  	s15 =	sadd.s32 s16, s21  }
0xf3: {  	[sflag:s22] =	ssyncadd.s32 $0xFFFFC000;
	s18 =	smov.u32 s6;
	s17 =	sadd.s32 $0x80, s6  }
0xf4: {  	[tilespmem:s3], [sflag:$0x3] =	stream.linear.gather [hbm4b:s15+s3], $0x400, $0x38;
	[tilespmem:$0x1C800] =	vst v63  }
0xf5: {  	p1 =	sne.s32 s6, $0x200;
	_ =	swait.ge [sflag:s22], $0x400  }
0xf6: {  	[sflag:s22] =	ssyncset.done $0x0  }
0xf7: {  	s6 =	sadd.s32 s16, s19;
	s16 =	smov.u32 s18;
	[sflag:s22] =	ssyncadd.s32 $0xFFFFFC00  }
0xf8: {  	[tilespmem:s23], [sflag:$0x3] =	stream.linear.gather [hbm4b:s6+s3], $0x400, $0x38;
	[tilespmem:$0x1C800] =	vst v63  }
0xf9: {  	_ =	swait.ge [sflag:s22], $0x400  }
0xfa: {  	[sflag:s22] =	ssyncset.done $0x0  }
0xfb: {  	[sflag:s22] =	ssyncadd.s32 $0xFFFFFC00  }
0xfc: {  	[tilespmem:s25], [sflag:$0x1] =	stream.indirect.gather [hbm4b:s4+s24], $0x80, s3, s24, $0xb8;
	[tilespmem:$0x1C800] =	vst v63  }
0xfd: {  	_ =	swait.ge [sflag:s26], $0x4000  }
0xfe: {  	[sflag:s26] =	ssyncset.done $0x0  }
0xff: {  	[sflag:s26] =	ssyncadd.s32 $0xFFFFC000  }
0x100: {  	[tilespmem:s28], [sflag:$0x2] =	stream.indirect.gather [hbm4b:s4+s24], $0x80, s24, s24, $0xb8;
	[tilespmem:$0x1C800] =	vst v63  }
0x101: {  	_ = 	snop  }
0x102: {  	[spmem:s2] =	stream.indirect.scatter.add.f32 [tilespmem:s25], [sflag:$0x3], $0x80, s23, s24, $0xb8;
	[tilespmem:$0x1C800] =	vst v63  }
0x103: {  	_ =	swait.ge [sflag:s22], $0x4000  }
0x104: {  	[sflag:s22] =	ssyncset.done $0x0  }
0x105: {  	[sflag:s22] =	ssyncadd.s32 $0xFFFFC000  }
0x106: {  	_ =	swait.ge [sflag:s29], $0x4000  }
0x107: {  	[sflag:s29] =	ssyncset.done $0x0  }
0x108: {  	[sflag:s29] =	ssyncadd.s32 $0xFFFFC000  }
0x109: {  	[tilespmem:s25], [sflag:$0x1] =	stream.indirect.gather [hbm4b:s4+s24], $0x80, s30, s24, $0xb8;
	[tilespmem:$0x1C800] =	vst v63  }
0x10a: {  	_ = 	snop  }
0x10b: {  	[spmem:s2] =	stream.indirect.scatter.add.f32 [tilespmem:s28], [sflag:$0x3], $0x80, s31, s24, $0xb8;
	[tilespmem:$0x1C800] =	vst v63  }
0x10c: {  	_ =	swait.ge [sflag:s22], $0x4000  }
0x10d: {  	[sflag:s22] =	ssyncset.done $0x0  }
0x10e: {  	[sflag:s22] =	ssyncadd.s32 $0xFFFFC000  }
0x10f: {  	_ =	swait.ge [sflag:s26], $0x4000  }
0x110: {  	[sflag:s26] =	ssyncset.done $0x0  }
0x111: {  	[sflag:s26] =	ssyncadd.s32 $0xFFFFC000  }
0x112: {  	[tilespmem:s28], [sflag:$0x2] =	stream.indirect.gather [hbm4b:s4+s24], $0x80, s0, s24, $0xb8;
	[tilespmem:$0x1C800] =	vst v63  }
0x113: {  	_ = 	snop  }
0x114: {  	[spmem:s2] =	stream.indirect.scatter.add.f32 [tilespmem:s25], [sflag:$0x3], $0x80, s1, s24, $0xb8;
	[tilespmem:$0x1C800] =	vst v63  }
0x115: {  	_ =	swait.ge [sflag:s22], $0x4000  }
0x116: {  	[sflag:s22] =	ssyncset.done $0x0  }
0x117: {  	[sflag:s22] =	ssyncadd.s32 $0xFFFFC000  }
0x118: {  	_ =	swait.ge [sflag:s29], $0x4000  }
0x119: {  	[sflag:s29] =	ssyncset.done $0x0  }
0x11a: {  	[sflag:s29] =	ssyncadd.s32 $0xFFFFC000  }
0x11b: {  	[tilespmem:s25], [sflag:$0x1] =	stream.indirect.gather [hbm4b:s4+s24], $0x80, s5, s24, $0xb8;
	[tilespmem:$0x1C800] =	vst v63  }
0x11c: {  	_ = 	snop  }
0x11d: {  	[spmem:s2] =	stream.indirect.scatter.add.f32 [tilespmem:s28], [sflag:$0x3], $0x80, s7, s24, $0xb8;
	[tilespmem:$0x1C800] =	vst v63  }
0x11e: {  	_ =	swait.ge [sflag:s22], $0x4000  }
0x11f: {  	[sflag:s22] =	ssyncset.done $0x0  }
0x120: {  	[sflag:s22] =	ssyncadd.s32 $0xFFFFC000  }
0x121: {  	_ =	swait.ge [sflag:s26], $0x4000  }
0x122: {  	[sflag:s26] =	ssyncset.done $0x0  }
0x123: {  	[sflag:s26] =	ssyncadd.s32 $0xFFFFC000  }
0x124: {  	[tilespmem:s28], [sflag:$0x2] =	stream.indirect.gather [hbm4b:s4+s24], $0x80, s8, s24, $0xb8;
	[tilespmem:$0x1C800] =	vst v63  }
0x125: {  	_ = 	snop  }
0x126: {  	[spmem:s2] =	stream.indirect.scatter.add.f32 [tilespmem:s25], [sflag:$0x3], $0x80, s9, s24, $0xb8;
	[tilespmem:$0x1C800] =	vst v63  }
0x127: {  	_ =	swait.ge [sflag:s22], $0x4000  }
0x128: {  	[sflag:s22] =	ssyncset.done $0x0  }
0x129: {  	[sflag:s22] =	ssyncadd.s32 $0xFFFFC000  }
0x12a: {  	_ =	swait.ge [sflag:s29], $0x4000  }
0x12b: {  	[sflag:s29] =	ssyncset.done $0x0  }
0x12c: {  	[sflag:s29] =	ssyncadd.s32 $0xFFFFC000  }
0x12d: {  	[tilespmem:s25], [sflag:$0x1] =	stream.indirect.gather [hbm4b:s4+s24], $0x80, s10, s24, $0xb8;
	[tilespmem:$0x1C800] =	vst v63  }
0x12e: {  	_ = 	snop  }
0x12f: {  	[spmem:s2] =	stream.indirect.scatter.add.f32 [tilespmem:s28], [sflag:$0x3], $0x80, s11, s24, $0xb8;
	[tilespmem:$0x1C800] =	vst v63  }
0x130: {  	_ =	swait.ge [sflag:s22], $0x4000  }
0x131: {  	[sflag:s22] =	ssyncset.done $0x0  }
0x132: {  	[sflag:s22] =	ssyncadd.s32 $0xFFFFC000  }
0x133: {  	_ =	swait.ge [sflag:s26], $0x4000  }
0x134: {  	[sflag:s26] =	ssyncset.done $0x0  }
0x135: {  	[sflag:s26] =	ssyncadd.s32 $0xFFFFC000  }
0x136: {  	[tilespmem:s28], [sflag:$0x2] =	stream.indirect.gather [hbm4b:s4+s24], $0x80, s12, s24, $0xb8;
	[tilespmem:$0x1C800] =	vst v63  }
0x137: {  	_ = 	snop  }
0x138: {  	[spmem:s2] =	stream.indirect.scatter.add.f32 [tilespmem:s25], [sflag:$0x3], $0x80, s13, s24, $0xb8;
	[tilespmem:$0x1C800] =	vst v63  }
0x139: {  	_ =	swait.ge [sflag:s22], $0x4000  }
0x13a: {  	[sflag:s22] =	ssyncset.done $0x0  }
0x13b: {  	[sflag:s22] =	ssyncadd.s32 $0xFFFFC000  }
0x13c: {  	_ =	swait.ge [sflag:s29], $0x4000  }
.Ltmp3:
0x13d: {  	[sflag:s29] =	ssyncset.done $0x0;
	(pc) =	sbr.rel @p1 .LBB2_6-.Ltmp3, $4  }
0x13e: {  	[sflag:s29] =	ssyncadd.s32 $0xFFFFC000  }
0x13f: {  	[spmem:s2] =	stream.indirect.scatter.add.f32 [tilespmem:s28], [sflag:$0x3], $0x80, s14, s24, $0xb8;
	[tilespmem:$0x1C800] =	vst v63  }
0x140: {  	_ =	swait.ge [sflag:s22], $0x4000  }
0x141: {  	s6 =	smov.u32 s17;
	[sflag:s22] =	ssyncset.done $0x0  }
.Ltmp4:
0x142: {  	_ = 	snop;
	(pc) =	sbr.rel .LBB2_7-.Ltmp4, $1  }
0x143: {  	_ =	sdelay $0x3  }
.LBB2_2:
0x144: {  	s6 =	sadd.s32 $0x0, s18  }
0x145: {  	[tilespmem:s3], [sflag:$0x3] =	stream.linear.gather [hbm4b:s6+s3], $0x400, $0x38;
	[tilespmem:$0x1C800] =	vst v63  }
0x146: {  	_ =	swait.ge [sflag:s22], $0x400  }
0x147: {  	[sflag:s22] =	ssyncset.done $0x0  }
0x148: {  	s17 =	sadd.s32 $0x0, s19;
	[sflag:s22] =	ssyncadd.s32 $0xFFFFFC00  }
0x149: {  	[tilespmem:s23], [sflag:$0x3] =	stream.linear.gather [hbm4b:s17+s3], $0x400, $0x38;
	[tilespmem:$0x1C800] =	vst v63  }
0x14a: {  	_ =	swait.ge [sflag:s22], $0x400  }
0x14b: {  	[sflag:s22] =	ssyncset.done $0x0  }
0x14c: {  	[sflag:s22] =	ssyncadd.s32 $0xFFFFFC00  }
0x14d: {  	[tilespmem:s25], [sflag:$0x1] =	stream.indirect.gather [hbm4b:s4+s24], $0x80, s3, s24, $0xb8;
	[tilespmem:$0x1C800] =	vst v63  }
0x14e: {  	_ =	swait.ge [sflag:s26], $0x4000  }
0x14f: {  	[sflag:s26] =	ssyncset.done $0x0  }
0x150: {  	[sflag:s26] =	ssyncadd.s32 $0xFFFFC000  }
0x151: {  	[tilespmem:s28], [sflag:$0x2] =	stream.indirect.gather [hbm4b:s4+s24], $0x80, s24, s24, $0xb8;
	[tilespmem:$0x1C800] =	vst v63  }
0x152: {  	_ = 	snop  }
0x153: {  	[spmem:s2] =	stream.indirect.scatter.add.f32 [tilespmem:s25], [sflag:$0x3], $0x80, s23, s24, $0xb8;
	[tilespmem:$0x1C800] =	vst v63  }
0x154: {  	_ =	swait.ge [sflag:s22], $0x4000  }
0x155: {  	[sflag:s22] =	ssyncset.done $0x0  }
0x156: {  	[sflag:s22] =	ssyncadd.s32 $0xFFFFC000  }
0x157: {  	_ =	swait.ge [sflag:s29], $0x4000  }
0x158: {  	[sflag:s29] =	ssyncset.done $0x0  }
0x159: {  	[sflag:s29] =	ssyncadd.s32 $0xFFFFC000  }
0x15a: {  	[tilespmem:s25], [sflag:$0x1] =	stream.indirect.gather [hbm4b:s4+s24], $0x80, s30, s24, $0xb8;
	[tilespmem:$0x1C800] =	vst v63  }
0x15b: {  	_ = 	snop  }
0x15c: {  	[spmem:s2] =	stream.indirect.scatter.add.f32 [tilespmem:s28], [sflag:$0x3], $0x80, s31, s24, $0xb8;
	[tilespmem:$0x1C800] =	vst v63  }
0x15d: {  	_ =	swait.ge [sflag:s22], $0x4000  }
0x15e: {  	[sflag:s22] =	ssyncset.done $0x0  }
0x15f: {  	[sflag:s22] =	ssyncadd.s32 $0xFFFFC000  }
0x160: {  	_ =	swait.ge [sflag:s26], $0x4000  }
0x161: {  	[sflag:s26] =	ssyncset.done $0x0  }
0x162: {  	[sflag:s26] =	ssyncadd.s32 $0xFFFFC000  }
0x163: {  	[tilespmem:s28], [sflag:$0x2] =	stream.indirect.gather [hbm4b:s4+s24], $0x80, s0, s24, $0xb8;
	[tilespmem:$0x1C800] =	vst v63  }
0x164: {  	_ = 	snop  }
0x165: {  	[spmem:s2] =	stream.indirect.scatter.add.f32 [tilespmem:s25], [sflag:$0x3], $0x80, s1, s24, $0xb8;
	[tilespmem:$0x1C800] =	vst v63  }
0x166: {  	_ =	swait.ge [sflag:s22], $0x4000  }
0x167: {  	[sflag:s22] =	ssyncset.done $0x0  }
0x168: {  	[sflag:s22] =	ssyncadd.s32 $0xFFFFC000  }
0x169: {  	_ =	swait.ge [sflag:s29], $0x4000  }
0x16a: {  	[sflag:s29] =	ssyncset.done $0x0  }
0x16b: {  	[sflag:s29] =	ssyncadd.s32 $0xFFFFC000  }
0x16c: {  	[tilespmem:s25], [sflag:$0x1] =	stream.indirect.gather [hbm4b:s4+s24], $0x80, s5, s24, $0xb8;
	[tilespmem:$0x1C800] =	vst v63  }
0x16d: {  	_ = 	snop  }
0x16e: {  	[spmem:s2] =	stream.indirect.scatter.add.f32 [tilespmem:s28], [sflag:$0x3], $0x80, s7, s24, $0xb8;
	[tilespmem:$0x1C800] =	vst v63  }
0x16f: {  	_ =	swait.ge [sflag:s22], $0x4000  }
0x170: {  	[sflag:s22] =	ssyncset.done $0x0  }
0x171: {  	[sflag:s22] =	ssyncadd.s32 $0xFFFFC000  }
0x172: {  	_ =	swait.ge [sflag:s26], $0x4000  }
0x173: {  	[sflag:s26] =	ssyncset.done $0x0  }
0x174: {  	[sflag:s26] =	ssyncadd.s32 $0xFFFFC000  }
0x175: {  	[tilespmem:s28], [sflag:$0x2] =	stream.indirect.gather [hbm4b:s4+s24], $0x80, s8, s24, $0xb8;
	[tilespmem:$0x1C800] =	vst v63  }
0x176: {  	_ = 	snop  }
0x177: {  	[spmem:s2] =	stream.indirect.scatter.add.f32 [tilespmem:s25], [sflag:$0x3], $0x80, s9, s24, $0xb8;
	[tilespmem:$0x1C800] =	vst v63  }
0x178: {  	_ =	swait.ge [sflag:s22], $0x4000  }
0x179: {  	[sflag:s22] =	ssyncset.done $0x0  }
0x17a: {  	[sflag:s22] =	ssyncadd.s32 $0xFFFFC000  }
0x17b: {  	_ =	swait.ge [sflag:s29], $0x4000  }
0x17c: {  	[sflag:s29] =	ssyncset.done $0x0  }
0x17d: {  	[sflag:s29] =	ssyncadd.s32 $0xFFFFC000  }
0x17e: {  	[tilespmem:s25], [sflag:$0x1] =	stream.indirect.gather [hbm4b:s4+s24], $0x80, s10, s24, $0xb8;
	[tilespmem:$0x1C800] =	vst v63  }
0x17f: {  	_ = 	snop  }
0x180: {  	[spmem:s2] =	stream.indirect.scatter.add.f32 [tilespmem:s28], [sflag:$0x3], $0x80, s11, s24, $0xb8;
	[tilespmem:$0x1C800] =	vst v63  }
0x181: {  	_ =	swait.ge [sflag:s22], $0x4000  }
0x182: {  	[sflag:s22] =	ssyncset.done $0x0  }
0x183: {  	[sflag:s22] =	ssyncadd.s32 $0xFFFFC000  }
0x184: {  	_ =	swait.ge [sflag:s26], $0x4000  }
0x185: {  	[sflag:s26] =	ssyncset.done $0x0  }
0x186: {  	[sflag:s26] =	ssyncadd.s32 $0xFFFFC000  }
0x187: {  	[tilespmem:s28], [sflag:$0x2] =	stream.indirect.gather [hbm4b:s4+s24], $0x80, s12, s24, $0xb8;
	[tilespmem:$0x1C800] =	vst v63  }
0x188: {  	_ = 	snop  }
0x189: {  	[spmem:s2] =	stream.indirect.scatter.add.f32 [tilespmem:s25], [sflag:$0x3], $0x80, s13, s24, $0xb8;
	[tilespmem:$0x1C800] =	vst v63  }
0x18a: {  	_ =	swait.ge [sflag:s22], $0x4000  }
0x18b: {  	[sflag:s22] =	ssyncset.done $0x0  }
0x18c: {  	[sflag:s22] =	ssyncadd.s32 $0xFFFFC000  }
0x18d: {  	_ =	swait.ge [sflag:s29], $0x4000  }
0x18e: {  	[sflag:s29] =	ssyncset.done $0x0  }
0x18f: {  	[sflag:s29] =	ssyncadd.s32 $0xFFFFC000  }
0x190: {  	[spmem:s2] =	stream.indirect.scatter.add.f32 [tilespmem:s28], [sflag:$0x3], $0x80, s14, s24, $0xb8;
	[tilespmem:$0x1C800] =	vst v63  }
0x191: {  	_ =	swait.ge [sflag:s22], $0x4000  }
0x192: {  	s16 =	simm.s32 $0x80;
	s17 =	simm.s32 $0x100;
	[sflag:s22] =	ssyncset.done $0x0  }
.LBB2_3:
0x193: {  	s15 =	sadd.s32 s16, s18  }
0x194: {  	[sflag:s22] =	ssyncadd.s32 $0xFFFFC000;
	s18 =	smov.u32 s17;
	s6 =	sadd.s32 $0x80, s17  }
0x195: {  	[tilespmem:s3], [sflag:$0x3] =	stream.linear.gather [hbm4b:s15+s3], $0x400, $0x38;
	[tilespmem:$0x1C800] =	vst v63  }
0x196: {  	p1 =	seq.s32 s17, $0x700;
	_ =	swait.ge [sflag:s22], $0x400  }
0x197: {  	s15 =	sadd.s32 s16, s19;
	[sflag:s22] =	ssyncset.done $0x0  }
0x198: {  	s16 =	smov.u32 s18;
	s18 =	smov.u32 s20;
	[sflag:s22] =	ssyncadd.s32 $0xFFFFFC00  }
0x199: {  	[tilespmem:s23], [sflag:$0x3] =	stream.linear.gather [hbm4b:s15+s3], $0x400, $0x38;
	[tilespmem:$0x1C800] =	vst v63  }
0x19a: {  	_ =	swait.ge [sflag:s22], $0x400  }
0x19b: {  	[sflag:s22] =	ssyncset.done $0x0  }
0x19c: {  	[sflag:s22] =	ssyncadd.s32 $0xFFFFFC00  }
0x19d: {  	[tilespmem:s25], [sflag:$0x1] =	stream.indirect.gather [hbm4b:s4+s24], $0x80, s3, s24, $0xb8;
	[tilespmem:$0x1C800] =	vst v63  }
0x19e: {  	_ =	swait.ge [sflag:s26], $0x4000  }
0x19f: {  	[sflag:s26] =	ssyncset.done $0x0  }
0x1a0: {  	[sflag:s26] =	ssyncadd.s32 $0xFFFFC000  }
0x1a1: {  	[tilespmem:s28], [sflag:$0x2] =	stream.indirect.gather [hbm4b:s4+s24], $0x80, s24, s24, $0xb8;
	[tilespmem:$0x1C800] =	vst v63  }
0x1a2: {  	_ = 	snop  }
0x1a3: {  	[spmem:s2] =	stream.indirect.scatter.add.f32 [tilespmem:s25], [sflag:$0x3], $0x80, s23, s24, $0xb8;
	[tilespmem:$0x1C800] =	vst v63  }
0x1a4: {  	_ =	swait.ge [sflag:s22], $0x4000  }
0x1a5: {  	[sflag:s22] =	ssyncset.done $0x0  }
0x1a6: {  	[sflag:s22] =	ssyncadd.s32 $0xFFFFC000  }
0x1a7: {  	_ =	swait.ge [sflag:s29], $0x4000  }
0x1a8: {  	[sflag:s29] =	ssyncset.done $0x0  }
0x1a9: {  	[sflag:s29] =	ssyncadd.s32 $0xFFFFC000  }
0x1aa: {  	[tilespmem:s25], [sflag:$0x1] =	stream.indirect.gather [hbm4b:s4+s24], $0x80, s30, s24, $0xb8;
	[tilespmem:$0x1C800] =	vst v63  }
0x1ab: {  	_ = 	snop  }
0x1ac: {  	[spmem:s2] =	stream.indirect.scatter.add.f32 [tilespmem:s28], [sflag:$0x3], $0x80, s31, s24, $0xb8;
	[tilespmem:$0x1C800] =	vst v63  }
0x1ad: {  	_ =	swait.ge [sflag:s22], $0x4000  }
0x1ae: {  	[sflag:s22] =	ssyncset.done $0x0  }
0x1af: {  	[sflag:s22] =	ssyncadd.s32 $0xFFFFC000  }
0x1b0: {  	_ =	swait.ge [sflag:s26], $0x4000  }
0x1b1: {  	[sflag:s26] =	ssyncset.done $0x0  }
0x1b2: {  	[sflag:s26] =	ssyncadd.s32 $0xFFFFC000  }
0x1b3: {  	[tilespmem:s28], [sflag:$0x2] =	stream.indirect.gather [hbm4b:s4+s24], $0x80, s0, s24, $0xb8;
	[tilespmem:$0x1C800] =	vst v63  }
0x1b4: {  	_ = 	snop  }
0x1b5: {  	[spmem:s2] =	stream.indirect.scatter.add.f32 [tilespmem:s25], [sflag:$0x3], $0x80, s1, s24, $0xb8;
	[tilespmem:$0x1C800] =	vst v63  }
0x1b6: {  	_ =	swait.ge [sflag:s22], $0x4000  }
0x1b7: {  	[sflag:s22] =	ssyncset.done $0x0  }
0x1b8: {  	[sflag:s22] =	ssyncadd.s32 $0xFFFFC000  }
0x1b9: {  	_ =	swait.ge [sflag:s29], $0x4000  }
0x1ba: {  	[sflag:s29] =	ssyncset.done $0x0  }
0x1bb: {  	[sflag:s29] =	ssyncadd.s32 $0xFFFFC000  }
0x1bc: {  	[tilespmem:s25], [sflag:$0x1] =	stream.indirect.gather [hbm4b:s4+s24], $0x80, s5, s24, $0xb8;
	[tilespmem:$0x1C800] =	vst v63  }
0x1bd: {  	_ = 	snop  }
0x1be: {  	[spmem:s2] =	stream.indirect.scatter.add.f32 [tilespmem:s28], [sflag:$0x3], $0x80, s7, s24, $0xb8;
	[tilespmem:$0x1C800] =	vst v63  }
0x1bf: {  	_ =	swait.ge [sflag:s22], $0x4000  }
0x1c0: {  	[sflag:s22] =	ssyncset.done $0x0  }
0x1c1: {  	[sflag:s22] =	ssyncadd.s32 $0xFFFFC000  }
0x1c2: {  	_ =	swait.ge [sflag:s26], $0x4000  }
0x1c3: {  	[sflag:s26] =	ssyncset.done $0x0  }
0x1c4: {  	[sflag:s26] =	ssyncadd.s32 $0xFFFFC000  }
0x1c5: {  	[tilespmem:s28], [sflag:$0x2] =	stream.indirect.gather [hbm4b:s4+s24], $0x80, s8, s24, $0xb8;
	[tilespmem:$0x1C800] =	vst v63  }
0x1c6: {  	_ = 	snop  }
0x1c7: {  	[spmem:s2] =	stream.indirect.scatter.add.f32 [tilespmem:s25], [sflag:$0x3], $0x80, s9, s24, $0xb8;
	[tilespmem:$0x1C800] =	vst v63  }
0x1c8: {  	_ =	swait.ge [sflag:s22], $0x4000  }
0x1c9: {  	[sflag:s22] =	ssyncset.done $0x0  }
0x1ca: {  	[sflag:s22] =	ssyncadd.s32 $0xFFFFC000  }
0x1cb: {  	_ =	swait.ge [sflag:s29], $0x4000  }
0x1cc: {  	[sflag:s29] =	ssyncset.done $0x0  }
0x1cd: {  	[sflag:s29] =	ssyncadd.s32 $0xFFFFC000  }
0x1ce: {  	[tilespmem:s25], [sflag:$0x1] =	stream.indirect.gather [hbm4b:s4+s24], $0x80, s10, s24, $0xb8;
	[tilespmem:$0x1C800] =	vst v63  }
0x1cf: {  	_ = 	snop  }
0x1d0: {  	[spmem:s2] =	stream.indirect.scatter.add.f32 [tilespmem:s28], [sflag:$0x3], $0x80, s11, s24, $0xb8;
	[tilespmem:$0x1C800] =	vst v63  }
0x1d1: {  	_ =	swait.ge [sflag:s22], $0x4000  }
0x1d2: {  	[sflag:s22] =	ssyncset.done $0x0  }
0x1d3: {  	[sflag:s22] =	ssyncadd.s32 $0xFFFFC000  }
0x1d4: {  	_ =	swait.ge [sflag:s26], $0x4000  }
0x1d5: {  	[sflag:s26] =	ssyncset.done $0x0  }
0x1d6: {  	[sflag:s26] =	ssyncadd.s32 $0xFFFFC000  }
0x1d7: {  	[tilespmem:s28], [sflag:$0x2] =	stream.indirect.gather [hbm4b:s4+s24], $0x80, s12, s24, $0xb8;
	[tilespmem:$0x1C800] =	vst v63  }
0x1d8: {  	_ = 	snop  }
0x1d9: {  	[spmem:s2] =	stream.indirect.scatter.add.f32 [tilespmem:s25], [sflag:$0x3], $0x80, s13, s24, $0xb8;
	[tilespmem:$0x1C800] =	vst v63  }
0x1da: {  	_ =	swait.ge [sflag:s22], $0x4000  }
0x1db: {  	[sflag:s22] =	ssyncset.done $0x0  }
0x1dc: {  	[sflag:s22] =	ssyncadd.s32 $0xFFFFC000  }
0x1dd: {  	_ =	swait.ge [sflag:s29], $0x4000  }
.Ltmp5:
0x1de: {  	[sflag:s29] =	ssyncset.done $0x0;
	(pc) =	sbr.rel @!p1 .LBB2_3-.Ltmp5, $4  }
0x1df: {  	[sflag:s29] =	ssyncadd.s32 $0xFFFFC000  }
0x1e0: {  	[spmem:s2] =	stream.indirect.scatter.add.f32 [tilespmem:s28], [sflag:$0x3], $0x80, s14, s24, $0xb8;
	[tilespmem:$0x1C800] =	vst v63  }
0x1e1: {  	_ =	swait.ge [sflag:s22], $0x4000  }
0x1e2: {  	s17 =	smov.u32 s6;
	[sflag:s22] =	ssyncset.done $0x0  }
0x1e3: {  	s6 =	sadd.s32 s16, s18;
	[sflag:s22] =	ssyncadd.s32 $0xFFFFC000  }
0x1e4: {  	[tilespmem:s3], [sflag:$0x3] =	stream.linear.gather [hbm4b:s6+s3], $0x400, $0x38;
	[tilespmem:$0x1C800] =	vst v63  }
0x1e5: {  	_ =	swait.ge [sflag:s22], $0x400  }
0x1e6: {  	[sflag:s22] =	ssyncset.done $0x0  }
0x1e7: {  	s17 =	sadd.s32 s16, s19;
	[sflag:s22] =	ssyncadd.s32 $0xFFFFFC00  }
0x1e8: {  	[tilespmem:s23], [sflag:$0x3] =	stream.linear.gather [hbm4b:s17+s3], $0x400, $0x38;
	[tilespmem:$0x1C800] =	vst v63  }
0x1e9: {  	_ =	swait.ge [sflag:s22], $0x400  }
0x1ea: {  	[sflag:s22] =	ssyncset.done $0x0  }
0x1eb: {  	[sflag:s22] =	ssyncadd.s32 $0xFFFFFC00  }
0x1ec: {  	[tilespmem:s25], [sflag:$0x1] =	stream.indirect.gather [hbm4b:s4+s24], $0x80, s3, s24, $0xb8;
	[tilespmem:$0x1C800] =	vst v63  }
0x1ed: {  	_ =	swait.ge [sflag:s26], $0x4000  }
0x1ee: {  	[sflag:s26] =	ssyncset.done $0x0  }
0x1ef: {  	[sflag:s26] =	ssyncadd.s32 $0xFFFFC000  }
0x1f0: {  	[tilespmem:s28], [sflag:$0x2] =	stream.indirect.gather [hbm4b:s4+s24], $0x80, s24, s24, $0xb8;
	[tilespmem:$0x1C800] =	vst v63  }
0x1f1: {  	_ = 	snop  }
0x1f2: {  	[spmem:s2] =	stream.indirect.scatter.add.f32 [tilespmem:s25], [sflag:$0x3], $0x80, s23, s24, $0xb8;
	[tilespmem:$0x1C800] =	vst v63  }
0x1f3: {  	_ =	swait.ge [sflag:s22], $0x4000  }
0x1f4: {  	[sflag:s22] =	ssyncset.done $0x0  }
0x1f5: {  	[sflag:s22] =	ssyncadd.s32 $0xFFFFC000  }
0x1f6: {  	_ =	swait.ge [sflag:s29], $0x4000  }
0x1f7: {  	[sflag:s29] =	ssyncset.done $0x0  }
0x1f8: {  	[sflag:s29] =	ssyncadd.s32 $0xFFFFC000  }
0x1f9: {  	[tilespmem:s25], [sflag:$0x1] =	stream.indirect.gather [hbm4b:s4+s24], $0x80, s30, s24, $0xb8;
	[tilespmem:$0x1C800] =	vst v63  }
0x1fa: {  	_ = 	snop  }
0x1fb: {  	[spmem:s2] =	stream.indirect.scatter.add.f32 [tilespmem:s28], [sflag:$0x3], $0x80, s31, s24, $0xb8;
	[tilespmem:$0x1C800] =	vst v63  }
0x1fc: {  	_ =	swait.ge [sflag:s22], $0x4000  }
0x1fd: {  	[sflag:s22] =	ssyncset.done $0x0  }
0x1fe: {  	[sflag:s22] =	ssyncadd.s32 $0xFFFFC000  }
0x1ff: {  	_ =	swait.ge [sflag:s26], $0x4000  }
0x200: {  	[sflag:s26] =	ssyncset.done $0x0  }
0x201: {  	[sflag:s26] =	ssyncadd.s32 $0xFFFFC000  }
0x202: {  	[tilespmem:s28], [sflag:$0x2] =	stream.indirect.gather [hbm4b:s4+s24], $0x80, s0, s24, $0xb8;
	[tilespmem:$0x1C800] =	vst v63  }
0x203: {  	_ = 	snop  }
0x204: {  	[spmem:s2] =	stream.indirect.scatter.add.f32 [tilespmem:s25], [sflag:$0x3], $0x80, s1, s24, $0xb8;
	[tilespmem:$0x1C800] =	vst v63  }
0x205: {  	_ =	swait.ge [sflag:s22], $0x4000  }
0x206: {  	[sflag:s22] =	ssyncset.done $0x0  }
0x207: {  	[sflag:s22] =	ssyncadd.s32 $0xFFFFC000  }
0x208: {  	_ =	swait.ge [sflag:s29], $0x4000  }
0x209: {  	[sflag:s29] =	ssyncset.done $0x0  }
0x20a: {  	[sflag:s29] =	ssyncadd.s32 $0xFFFFC000  }
0x20b: {  	[tilespmem:s25], [sflag:$0x1] =	stream.indirect.gather [hbm4b:s4+s24], $0x80, s5, s24, $0xb8;
	[tilespmem:$0x1C800] =	vst v63  }
0x20c: {  	_ = 	snop  }
0x20d: {  	[spmem:s2] =	stream.indirect.scatter.add.f32 [tilespmem:s28], [sflag:$0x3], $0x80, s7, s24, $0xb8;
	[tilespmem:$0x1C800] =	vst v63  }
0x20e: {  	_ =	swait.ge [sflag:s22], $0x4000  }
0x20f: {  	[sflag:s22] =	ssyncset.done $0x0  }
0x210: {  	[sflag:s22] =	ssyncadd.s32 $0xFFFFC000  }
0x211: {  	_ =	swait.ge [sflag:s26], $0x4000  }
0x212: {  	[sflag:s26] =	ssyncset.done $0x0  }
0x213: {  	[sflag:s26] =	ssyncadd.s32 $0xFFFFC000  }
0x214: {  	[tilespmem:s28], [sflag:$0x2] =	stream.indirect.gather [hbm4b:s4+s24], $0x80, s8, s24, $0xb8;
	[tilespmem:$0x1C800] =	vst v63  }
0x215: {  	_ = 	snop  }
0x216: {  	[spmem:s2] =	stream.indirect.scatter.add.f32 [tilespmem:s25], [sflag:$0x3], $0x80, s9, s24, $0xb8;
	[tilespmem:$0x1C800] =	vst v63  }
0x217: {  	_ =	swait.ge [sflag:s22], $0x4000  }
0x218: {  	[sflag:s22] =	ssyncset.done $0x0  }
0x219: {  	[sflag:s22] =	ssyncadd.s32 $0xFFFFC000  }
0x21a: {  	_ =	swait.ge [sflag:s29], $0x4000  }
0x21b: {  	[sflag:s29] =	ssyncset.done $0x0  }
0x21c: {  	[sflag:s29] =	ssyncadd.s32 $0xFFFFC000  }
0x21d: {  	[tilespmem:s25], [sflag:$0x1] =	stream.indirect.gather [hbm4b:s4+s24], $0x80, s10, s24, $0xb8;
	[tilespmem:$0x1C800] =	vst v63  }
0x21e: {  	_ = 	snop  }
0x21f: {  	[spmem:s2] =	stream.indirect.scatter.add.f32 [tilespmem:s28], [sflag:$0x3], $0x80, s11, s24, $0xb8;
	[tilespmem:$0x1C800] =	vst v63  }
0x220: {  	_ =	swait.ge [sflag:s22], $0x4000  }
0x221: {  	[sflag:s22] =	ssyncset.done $0x0  }
0x222: {  	[sflag:s22] =	ssyncadd.s32 $0xFFFFC000  }
0x223: {  	_ =	swait.ge [sflag:s26], $0x4000  }
0x224: {  	[sflag:s26] =	ssyncset.done $0x0  }
0x225: {  	[sflag:s26] =	ssyncadd.s32 $0xFFFFC000  }
0x226: {  	[tilespmem:s28], [sflag:$0x2] =	stream.indirect.gather [hbm4b:s4+s24], $0x80, s12, s24, $0xb8;
	[tilespmem:$0x1C800] =	vst v63  }
0x227: {  	_ = 	snop  }
0x228: {  	[spmem:s2] =	stream.indirect.scatter.add.f32 [tilespmem:s25], [sflag:$0x3], $0x80, s13, s24, $0xb8;
	[tilespmem:$0x1C800] =	vst v63  }
0x229: {  	_ =	swait.ge [sflag:s22], $0x4000  }
0x22a: {  	[sflag:s22] =	ssyncset.done $0x0  }
0x22b: {  	[sflag:s22] =	ssyncadd.s32 $0xFFFFC000  }
0x22c: {  	_ =	swait.ge [sflag:s29], $0x4000  }
0x22d: {  	[sflag:s29] =	ssyncset.done $0x0  }
.Ltmp6:
0x22e: {  	[sflag:s29] =	ssyncadd.s32 $0xFFFFC000;
	(pc) =	sbr.rel .LBB2_8-.Ltmp6, $4  }
0x22f: {  	[spmem:s2] =	stream.indirect.scatter.add.f32 [tilespmem:s28], [sflag:$0x3], $0x80, s14, s24, $0xb8;
	[tilespmem:$0x1C800] =	vst v63  }
0x230: {  	_ =	swait.ge [sflag:s22], $0x4000  }
0x231: {  	[sflag:s22] =	ssyncset.done $0x0  }
0x232: {  	s16 =	rddreg [dreg:$0x12];
	[sflag:s22] =	ssyncadd.s32 $0xFFFFC000  }
.LBB2_9:
0x233: {  	_ =	sfence.sel $0x180000  }
0x234: {  	[bflag:$0x0] =	sbarrier.arrive $0xFFFF  }
0x235: {  	_ =	strace $0x90000047  }
0x236: {  	s0 =	stileid.u32;
	[bflag:$0x2] =	sbarrier.arrive $0xFFFF  }
0x237: {  	p0 =	sne.s32 s0, $0x0;
	s0 =	rddreg [dreg:$0x2]  }
0x238: {  	s0 =	sadd.s32 @!p0 $0x100000, s0  }
0x239: {  	[sflag:s0] =	ssyncadd.tile.s32 @!p0 $0x1;
	_ =	shalt  }
.Lfunc_end2:
_tile_overlayer_lowered:
.L_overlay_start_2:
0x23a: {  	(tag) =	ssettag $0x2  }
0x23b: {  	s0 =	rddreg [dreg:$0x0];
	s2 =	stileid.u32  }
0x23c: {  	s1 =	rddreg [dreg:$0x1];
	p0 =	sne.s32 s2, $0x0  }
0x23d: {  	s3 =	rddreg [dreg:$0x2];
	[bflag:$0x3] =	sbarrier.arrive $0xFFFF;
	s2 =	simm.s32 @!p0 $0x1C03  }
0x23e: {  	[timem:s3], [sflag:s2] =	dma.local @!p0 [hbm:s0], s1  }
0x23f: {  	s0 =	simm.s32 @!p0 $0x3  }
0x240: {  	_ =	swait.ge @!p0 [sflag:s0], s1  }
0x241: {  	s1 =	ssub.s32 @!p0 $0x0, s1;
	[sflag:s0] =	ssyncset.done @!p0 $0x0  }
0x242: {  	[sflag:s0] =	ssyncadd.s32 @!p0 s1  }
0x243: {  	[bflag:$0x3] =	sbarrier.arrive $0xFFFF  }
0x244: {  	_ =	shalt  }

</sc_bundles>
